<compile_context>
chip_gen: v7x
topology: tpu7x:2x2x1
jax: 0.10.2.dev20260603
libtpu: 0.0.44.dev20260713+nightly
codegen_flags: <defaults>
</compile_context>

<pallas_src>
import functools

import jax
import jax.numpy as jnp
from jax import lax
from jax.experimental import pallas as pl
from jax.experimental.pallas import tpu as pltpu
from jax.experimental.pallas import tpu_sc as plsc

_B, _C, _H, _W, _K = 16, 80, 128, 128, 128
_HW = _H * _W
_ROWS = _B * _C * _H
_GRID = 16
_BLK = _ROWS // _GRID

_LOGIT_CLIP = 9.21024036697585

_NG = _B * _K * 2
_NW = 32
_PER_W = _NG // _NW


_CH = 16
_UNROLL = 128


def _focal_body(x_ref, g_ref, o_ref, acc_ref):
    i = pl.program_id(0)

    @pl.when(i == 0)
    def _():
        acc_ref[0] = 0.0
        acc_ref[1] = 0.0

    def step(j, carry):
        s_acc, n_acc = carry
        x = x_ref[pl.ds(j * _CH, _CH), :]
        g = g_ref[pl.ds(j * _CH, _CH), :]
        xc = jnp.minimum(jnp.maximum(x, -_LOGIT_CLIP), _LOGIT_CLIP)
        t = jnp.exp(-xc)
        u = t + 1.0
        lg = jnp.log(u)
        v = 1.0 / (u * u)
        pos = g == 1.0
        w = 1.0 - g
        w2 = w * w
        m1 = jnp.where(pos, lg * (t * t), (lg + xc) * (w2 * w2))
        s_acc = s_acc + m1 * v
        n_acc = n_acc + jnp.where(pos, 1.0, 0.0)
        return s_acc, n_acc

    z = jnp.zeros((_CH, _W), jnp.float32)
    s_acc, n_acc = lax.fori_loop(0, _BLK // _CH, step, (z, z),
                                 unroll=_UNROLL)
    acc_ref[0] += jnp.sum(s_acc)
    acc_ref[1] += jnp.sum(n_acc)

    @pl.when(i == pl.num_programs(0) - 1)
    def _():
        o_ref[0] = acc_ref[0]
        o_ref[1] = acc_ref[1]


def _focal_sums(hm_pred, hm_gt):
    x = hm_pred.reshape(_ROWS, _W)
    g = hm_gt.reshape(_ROWS, _W)
    return pl.pallas_call(
        _focal_body,
        grid=(_GRID,),
        in_specs=[
            pl.BlockSpec((_BLK, _W), lambda i: (i, 0)),
            pl.BlockSpec((_BLK, _W), lambda i: (i, 0)),
        ],
        out_specs=pl.BlockSpec(memory_space=pltpu.SMEM),
        out_shape=jax.ShapeDtypeStruct((2,), jnp.float32),
        scratch_shapes=[pltpu.SMEM((2,), jnp.float32)],
    )(x, g)


def _sc_gather2(wh_t, rg_t, idx):
    mesh = plsc.VectorSubcoreMesh(core_axis_name="c", subcore_axis_name="s")

    @functools.partial(
        pl.kernel,
        mesh=mesh,
        out_type=(jax.ShapeDtypeStruct((_NG, _W), jnp.float32),
                  jax.ShapeDtypeStruct((_NG, _W), jnp.float32)),
        scratch_types=[
            pltpu.VMEM((_PER_W,), jnp.int32),
            pltpu.VMEM((_PER_W, _W), jnp.float32),
            pltpu.VMEM((_PER_W, _W), jnp.float32),
            pltpu.SemaphoreType.DMA,
            pltpu.SemaphoreType.DMA,
        ],
    )
    def k(wh_hbm, rg_hbm, idx_hbm, ow_hbm, or_hbm,
          idx_v, rw_v, rr_v, sem1, sem2):
        wid = lax.axis_index("s") * 2 + lax.axis_index("c")
        base = wid * _PER_W
        pltpu.sync_copy(idx_hbm.at[pl.ds(base, _PER_W)], idx_v)
        c1 = pltpu.async_copy(wh_hbm.at[idx_v], rw_v, sem1)
        c2 = pltpu.async_copy(rg_hbm.at[idx_v], rr_v, sem2)
        c1.wait()
        pltpu.sync_copy(rw_v, ow_hbm.at[pl.ds(base, _PER_W)])
        c2.wait()
        pltpu.sync_copy(rr_v, or_hbm.at[pl.ds(base, _PER_W)])

    return k(wh_t, rg_t, idx)


def _combine_body(gw_ref, gr_ref, x_ref, tw_ref, tr_ref, m_ref, hm_ref, o_ref):
    onehot = (lax.broadcasted_iota(jnp.int32, (_NG, _W), 1) == x_ref[...]
              ).astype(jnp.float32)
    vw = jnp.sum(gw_ref[...] * onehot, axis=1, keepdims=True)
    vr = jnp.sum(gr_ref[...] * onehot, axis=1, keepdims=True)
    m = m_ref[...]
    contrib = (jnp.abs(vw - tw_ref[...]) * 0.1
               + jnp.abs(vr - tr_ref[...]) * 1.0) * m
    denom = jnp.sum(m) + 1e-4
    hm_loss = hm_ref[0] / jnp.maximum(hm_ref[1], 1.0)
    o_ref[0] = hm_loss + jnp.sum(contrib) / denom


def _combine(gw, gr, xsel, tgt_w, tgt_r, mask2, hm_sums):
    return pl.pallas_call(
        _combine_body,
        in_specs=[
            pl.BlockSpec(memory_space=pltpu.VMEM),
            pl.BlockSpec(memory_space=pltpu.VMEM),
            pl.BlockSpec(memory_space=pltpu.VMEM),
            pl.BlockSpec(memory_space=pltpu.VMEM),
            pl.BlockSpec(memory_space=pltpu.VMEM),
            pl.BlockSpec(memory_space=pltpu.VMEM),
            pl.BlockSpec(memory_space=pltpu.SMEM),
        ],
        out_specs=pl.BlockSpec(memory_space=pltpu.SMEM),
        out_shape=jax.ShapeDtypeStruct((1,), jnp.float32),
    )(gw, gr, xsel, tgt_w, tgt_r, mask2, hm_sums)


def kernel(hm_pred, wh_pred, reg_pred, hm_gt, reg_mask, ind, wh_gt, reg_gt):
    wh_t = wh_pred.reshape(_B * 2 * _H, _W)
    rg_t = reg_pred.reshape(_B * 2 * _H, _W)
    y = ind // _W
    x = ind - y * _W
    b_off = (jnp.arange(_B, dtype=jnp.int32) * (2 * _H))[:, None]
    rowidx = ((b_off + y)[:, :, None]
              + jnp.array([0, _H], jnp.int32)[None, None, :])
    rowidx = rowidx.reshape(_NG)
    xsel = jnp.broadcast_to(x[:, :, None], (_B, _K, 2)).reshape(_NG, 1)
    tgt_w = wh_gt.reshape(_NG, 1)
    tgt_r = reg_gt.reshape(_NG, 1)
    mask2 = jnp.broadcast_to(
        reg_mask.astype(jnp.float32)[:, :, None], (_B, _K, 2)).reshape(_NG, 1)

    gw, gr = _sc_gather2(wh_t, rg_t, rowidx)
    hm_sums = _focal_sums(hm_pred, hm_gt)
    out = _combine(gw, gr, xsel, tgt_w, tgt_r, mask2, hm_sums)
    return out[0]

# --- scband reference (transcript-rebuilt; emitter-appended) ---
"""Pipeline reference for scband-center-net-loss-23167053595106 (READ-ONLY COPY).

The authoritative reference and input builder live on the scoring server;
editing this copy changes nothing except your own understanding.
"""

import jax, jax.numpy as jnp
import numpy as np

HM_WEIGHT = 1.0
WH_WEIGHT = 0.1
OFF_WEIGHT = 1.0
B, C, H, W, K = 16, 80, 128, 128, 128


def _sigmoid(x):
    # CenterNet's _sigmoid: clamped sigmoid
    return jnp.clip(jax.nn.sigmoid(x), 1e-4, 1.0 - 1e-4)


def _neg_loss(pred, gt):
    # CornerNet/CenterNet modified focal loss
    pos_inds = (gt == 1.0).astype(jnp.float32)
    neg_inds = (gt < 1.0).astype(jnp.float32)
    neg_weights = jnp.power(1.0 - gt, 4)
    pos_loss = jnp.log(pred) * jnp.power(1.0 - pred, 2) * pos_inds
    neg_loss = jnp.log(1.0 - pred) * jnp.power(pred, 2) * neg_weights * neg_inds
    num_pos = pos_inds.sum()
    pos_loss = pos_loss.sum()
    neg_loss = neg_loss.sum()
    return jnp.where(num_pos == 0, -neg_loss, -(pos_loss + neg_loss) / jnp.maximum(num_pos, 1.0))


def _transpose_and_gather_feat(feat, ind):
    b, c, h, w = feat.shape
    feat = jnp.transpose(feat, (0, 2, 3, 1)).reshape(b, h * w, c)
    idx = jnp.broadcast_to(ind[:, :, None], (b, ind.shape[1], c))
    return jnp.take_along_axis(feat, idx, axis=1)


def _reg_l1_loss(output, mask, ind, target):
    pred = _transpose_and_gather_feat(output, ind)
    m = jnp.broadcast_to(mask[:, :, None].astype(jnp.float32), pred.shape)
    loss = jnp.abs(pred * m - target * m).sum()  # F.l1_loss(..., reduction='sum')
    return loss / (m.sum() + 1e-4)


def setup_inputs(seed: int = 0):
    key = jax.random.key(seed)
    ks = jax.random.split(key, 9)
    hm_pred = jax.random.normal(ks[0], (B, C, H, W), dtype=jnp.float32)
    wh_pred = jax.random.normal(ks[1], (B, 2, H, W), dtype=jnp.float32)
    reg_pred = jax.random.normal(ks[2], (B, 2, H, W), dtype=jnp.float32)
    # gt heatmap: mostly small values with a few exact-1.0 peaks per class
    hm_gt = jax.random.uniform(ks[3], (B, C, H, W), dtype=jnp.float32) ** 8
    peaks = jax.random.randint(ks[4], (B, C, 4), 0, H * W)
    flat = hm_gt.reshape(B, C, H * W)
    bi = jnp.arange(B)[:, None, None]
    ci = jnp.arange(C)[None, :, None]
    flat = flat.at[bi, ci, peaks].set(1.0)
    hm_gt = flat.reshape(B, C, H, W)
    reg_mask = jax.random.randint(ks[5], (B, K), 0, 2, dtype=jnp.int32)
    ind = jax.random.randint(ks[6], (B, K), 0, H * W, dtype=jnp.int32)
    wh_gt = jax.random.uniform(ks[7], (B, K, 2), dtype=jnp.float32) * 50.0
    reg_gt = jax.random.uniform(ks[8], (B, K, 2), dtype=jnp.float32)
    return {"hm_pred": hm_pred, "wh_pred": wh_pred, "reg_pred": reg_pred,
            "hm_gt": hm_gt, "reg_mask": reg_mask, "ind": ind,
            "wh_gt": wh_gt, "reg_gt": reg_gt}


def reference(hm_pred, wh_pred, reg_pred, hm_gt, reg_mask, ind, wh_gt, reg_gt):
    hm = _sigmoid(hm_pred)
    hm_loss = _neg_loss(hm, hm_gt)
    wh_loss = _reg_l1_loss(wh_pred, reg_mask, ind, wh_gt)
    off_loss = _reg_l1_loss(reg_pred, reg_mask, ind, reg_gt)
    loss = HM_WEIGHT * hm_loss + WH_WEIGHT * wh_loss + OFF_WEIGHT * off_loss
    return loss

if __name__ == "__main__":
    import jax
    _d = setup_inputs()
    print(jax.jit(kernel)(*tuple(_d.values())))

</pallas_src>

<mosaic_0001>
#map = affine_map<(d0, d1) -> (0, 0)>
#map1 = affine_map<(d0, d1) -> (0)>
module attributes {stable_mosaic.version = 14 : i64} {
  func.func @k(%arg0: i32, %arg1: i32, %arg2: memref<4096x128xf32, #tpu.memory_space<hbm>>, %arg3: memref<4096x128xf32, #tpu.memory_space<hbm>>, %arg4: memref<4096xi32, #tpu.memory_space<hbm>>, %arg5: memref<4096x128xf32, #tpu.memory_space<hbm>>, %arg6: memref<4096x128xf32, #tpu.memory_space<hbm>>, %arg7: memref<128xi32, #tpu.memory_space<vmem>>, %arg8: memref<128x128xf32, #tpu.memory_space<vmem>>, %arg9: memref<128x128xf32, #tpu.memory_space<vmem>>, %arg10: memref<!tpu.dma_semaphore, #tpu.memory_space<semaphore_mem>>, %arg11: memref<!tpu.dma_semaphore, #tpu.memory_space<semaphore_mem>>) attributes {dimension_semantics = [#tpu.dimension_semantics<core_parallel>, #tpu.dimension_semantics<subcore_parallel>], iteration_bounds = array<i64: 2, 16>, scalar_prefetch = 0 : i64, scratch_operands = 5 : i64, tpu.core_type = #tpu.core_type<sc_vector_subcore>, window_params = [{transform_indices = #map}, {transform_indices = #map}, {transform_indices = #map1}, {transform_indices = #map}, {transform_indices = #map}]} {
    %mul3A = arith.constant 2 : i32
    %mul3A_0 = arith.muli %arg1, %mul3A : i32
    %add3A = arith.addi %mul3A_0, %arg0 : i32
    %mul3A_1 = arith.constant 128 : i32
    %mul3A_2 = arith.muli %add3A, %mul3A_1 : i32
    "tpu.region"() ({
      %run_scoped3A = tpu.sem_alloc : memref<!tpu.dma_semaphore, #tpu.memory_space<semaphore_mem>>
      %dma_start3A_13 = tpu.memref_slice %arg4[%mul3A_2] : memref<4096xi32, #tpu.memory_space<hbm>> -> memref<128xi32, #tpu.memory_space<hbm>>
      %dma_start3A_14 = tpu.memref_slice %arg4[%mul3A_2] : memref<4096xi32, #tpu.memory_space<hbm>> -> memref<128xi32, #tpu.memory_space<hbm>>
      tpu.enqueue_dma source(%dma_start3A_14 : memref<128xi32, #tpu.memory_space<hbm>>) target(%arg7 : memref<128xi32, #tpu.memory_space<vmem>>) target_semaphore(%run_scoped3A : memref<!tpu.dma_semaphore, #tpu.memory_space<semaphore_mem>>)
      %dma_wait3A_15 = tpu.memref_slice %arg4[%mul3A_2] : memref<4096xi32, #tpu.memory_space<hbm>> -> memref<128xi32, #tpu.memory_space<hbm>>
      %dma_wait3A_16 = tpu.memref_slice %arg4[%mul3A_2] : memref<4096xi32, #tpu.memory_space<hbm>> -> memref<128xi32, #tpu.memory_space<hbm>>
      tpu.wait_dma2 semaphore(%run_scoped3A : memref<!tpu.dma_semaphore, #tpu.memory_space<semaphore_mem>>) src(%dma_wait3A_16 : memref<128xi32, #tpu.memory_space<hbm>>) dst(%arg7 : memref<128xi32, #tpu.memory_space<vmem>>)
      tpu.yield
    }) : () -> ()
    %dma_start3A = arith.constant 0 : i32
    %dma_start3A_3 = arith.constant 0 : i32
    %dma_start3A_4 = tpu.memref_slice %arg2[%dma_start3A, %dma_start3A_3] : memref<4096x128xf32, #tpu.memory_space<hbm>> -> memref<4096x128xf32, #tpu.memory_space<hbm>>
    tpu.enqueue_indirect_dma source(%dma_start3A_4 : memref<4096x128xf32, #tpu.memory_space<hbm>>) target(%arg8 : memref<128x128xf32, #tpu.memory_space<vmem>>) offsets(%arg7 : memref<128xi32, #tpu.memory_space<vmem>>) semaphore(%arg10 : memref<!tpu.dma_semaphore, #tpu.memory_space<semaphore_mem>>)
    %dma_start3A_5 = arith.constant 0 : i32
    %dma_start3A_6 = arith.constant 0 : i32
    %dma_start3A_7 = tpu.memref_slice %arg3[%dma_start3A_5, %dma_start3A_6] : memref<4096x128xf32, #tpu.memory_space<hbm>> -> memref<4096x128xf32, #tpu.memory_space<hbm>>
    tpu.enqueue_indirect_dma source(%dma_start3A_7 : memref<4096x128xf32, #tpu.memory_space<hbm>>) target(%arg9 : memref<128x128xf32, #tpu.memory_space<vmem>>) offsets(%arg7 : memref<128xi32, #tpu.memory_space<vmem>>) semaphore(%arg11 : memref<!tpu.dma_semaphore, #tpu.memory_space<semaphore_mem>>)
    %dma_wait3A = arith.constant 0 : i32
    %dma_wait3A_8 = arith.constant 0 : i32
    %dma_wait3A_9 = tpu.memref_slice %arg2[%dma_wait3A, %dma_wait3A_8] : memref<4096x128xf32, #tpu.memory_space<hbm>> -> memref<4096x128xf32, #tpu.memory_space<hbm>>
    tpu.wait_indirect_dma semaphore(%arg10 : memref<!tpu.dma_semaphore, #tpu.memory_space<semaphore_mem>>) src(%dma_wait3A_9 : memref<4096x128xf32, #tpu.memory_space<hbm>>) dst(%arg8 : memref<128x128xf32, #tpu.memory_space<vmem>>)
    "tpu.region"() ({
      %run_scoped3A = tpu.sem_alloc : memref<!tpu.dma_semaphore, #tpu.memory_space<semaphore_mem>>
      %dma_start3A_13 = arith.constant 0 : i32
      %dma_start3A_14 = tpu.memref_slice %arg5[%mul3A_2, %dma_start3A_13] : memref<4096x128xf32, #tpu.memory_space<hbm>> -> memref<128x128xf32, #tpu.memory_space<hbm>>
      %dma_start3A_15 = arith.constant 0 : i32
      %dma_start3A_16 = tpu.memref_slice %arg5[%mul3A_2, %dma_start3A_15] : memref<4096x128xf32, #tpu.memory_space<hbm>> -> memref<128x128xf32, #tpu.memory_space<hbm>>
      tpu.enqueue_dma source(%arg8 : memref<128x128xf32, #tpu.memory_space<vmem>>) target(%dma_start3A_16 : memref<128x128xf32, #tpu.memory_space<hbm>>) target_semaphore(%run_scoped3A : memref<!tpu.dma_semaphore, #tpu.memory_space<semaphore_mem>>)
      %dma_wait3A_17 = arith.constant 0 : i32
      %dma_wait3A_18 = tpu.memref_slice %arg5[%mul3A_2, %dma_wait3A_17] : memref<4096x128xf32, #tpu.memory_space<hbm>> -> memref<128x128xf32, #tpu.memory_space<hbm>>
      %dma_wait3A_19 = arith.constant 0 : i32
      %dma_wait3A_20 = tpu.memref_slice %arg5[%mul3A_2, %dma_wait3A_19] : memref<4096x128xf32, #tpu.memory_space<hbm>> -> memref<128x128xf32, #tpu.memory_space<hbm>>
      tpu.wait_dma2 semaphore(%run_scoped3A : memref<!tpu.dma_semaphore, #tpu.memory_space<semaphore_mem>>) src(%arg8 : memref<128x128xf32, #tpu.memory_space<vmem>>) dst(%dma_wait3A_20 : memref<128x128xf32, #tpu.memory_space<hbm>>)
      tpu.yield
    }) : () -> ()
    %dma_wait3A_10 = arith.constant 0 : i32
    %dma_wait3A_11 = arith.constant 0 : i32
    %dma_wait3A_12 = tpu.memref_slice %arg3[%dma_wait3A_10, %dma_wait3A_11] : memref<4096x128xf32, #tpu.memory_space<hbm>> -> memref<4096x128xf32, #tpu.memory_space<hbm>>
    tpu.wait_indirect_dma semaphore(%arg11 : memref<!tpu.dma_semaphore, #tpu.memory_space<semaphore_mem>>) src(%dma_wait3A_12 : memref<4096x128xf32, #tpu.memory_space<hbm>>) dst(%arg9 : memref<128x128xf32, #tpu.memory_space<vmem>>)
    "tpu.region"() ({
      %run_scoped3A = tpu.sem_alloc : memref<!tpu.dma_semaphore, #tpu.memory_space<semaphore_mem>>
      %dma_start3A_13 = arith.constant 0 : i32
      %dma_start3A_14 = tpu.memref_slice %arg6[%mul3A_2, %dma_start3A_13] : memref<4096x128xf32, #tpu.memory_space<hbm>> -> memref<128x128xf32, #tpu.memory_space<hbm>>
      %dma_start3A_15 = arith.constant 0 : i32
      %dma_start3A_16 = tpu.memref_slice %arg6[%mul3A_2, %dma_start3A_15] : memref<4096x128xf32, #tpu.memory_space<hbm>> -> memref<128x128xf32, #tpu.memory_space<hbm>>
      tpu.enqueue_dma source(%arg9 : memref<128x128xf32, #tpu.memory_space<vmem>>) target(%dma_start3A_16 : memref<128x128xf32, #tpu.memory_space<hbm>>) target_semaphore(%run_scoped3A : memref<!tpu.dma_semaphore, #tpu.memory_space<semaphore_mem>>)
      %dma_wait3A_17 = arith.constant 0 : i32
      %dma_wait3A_18 = tpu.memref_slice %arg6[%mul3A_2, %dma_wait3A_17] : memref<4096x128xf32, #tpu.memory_space<hbm>> -> memref<128x128xf32, #tpu.memory_space<hbm>>
      %dma_wait3A_19 = arith.constant 0 : i32
      %dma_wait3A_20 = tpu.memref_slice %arg6[%mul3A_2, %dma_wait3A_19] : memref<4096x128xf32, #tpu.memory_space<hbm>> -> memref<128x128xf32, #tpu.memory_space<hbm>>
      tpu.wait_dma2 semaphore(%run_scoped3A : memref<!tpu.dma_semaphore, #tpu.memory_space<semaphore_mem>>) src(%arg9 : memref<128x128xf32, #tpu.memory_space<vmem>>) dst(%dma_wait3A_20 : memref<128x128xf32, #tpu.memory_space<hbm>>)
      tpu.yield
    }) : () -> ()
    return
  }
}

module attributes {stable_mosaic.version = 14 : i64} {
  func.func @_combine_body(%arg0: memref<4096x128xf32, #tpu.memory_space<vmem>>, %arg1: memref<4096x128xf32, #tpu.memory_space<vmem>>, %arg2: memref<4096x1xi32, #tpu.memory_space<vmem>>, %arg3: memref<4096x1xf32, #tpu.memory_space<vmem>>, %arg4: memref<4096x1xf32, #tpu.memory_space<vmem>>, %arg5: memref<4096x1xf32, #tpu.memory_space<vmem>>, %arg6: memref<2xf32, #tpu.memory_space<smem>>, %arg7: memref<1xf32, #tpu.memory_space<smem>>) attributes {dimension_semantics = [], scalar_prefetch = 0 : i64, scratch_operands = 0 : i64, tpu.core_type = #tpu.core_type<tc>} {
    %iota3A = tpu.iota {dimensions = array<i32: 1>} : vector<4096x128xi32>
    %get3A = arith.constant 0 : index
    %get3A_0 = arith.constant 0 : index
    %get3A_1 = vector.load %arg2[%get3A, %get3A_0] : memref<4096x1xi32, #tpu.memory_space<vmem>>, vector<4096x1xi32>
    %eq3A = vector.broadcast %get3A_1 : vector<4096x1xi32> to vector<4096x128xi32>
    %eq3A_2 = arith.cmpi eq, %iota3A, %eq3A : vector<4096x128xi32>
    %convert_element_type3A = arith.extui %eq3A_2 : vector<4096x128xi1> to vector<4096x128xi32>
    %convert_element_type3A_3 = arith.sitofp %convert_element_type3A : vector<4096x128xi32> to vector<4096x128xf32>
    %get3A_4 = arith.constant 0 : index
    %get3A_5 = arith.constant 0 : index
    %get3A_6 = vector.load %arg0[%get3A_4, %get3A_5] : memref<4096x128xf32, #tpu.memory_space<vmem>>, vector<4096x128xf32>
    %mul3A = arith.mulf %get3A_6, %convert_element_type3A_3 : vector<4096x128xf32>
    %reduce_sum3A = arith.constant dense<0.000000e+00> : vector<4096xf32>
    %reduce_sum3A_7 = vector.multi_reduction <add>, %mul3A, %reduce_sum3A [1] : vector<4096x128xf32> to vector<4096xf32>
    %broadcast_in_dim3A = vector.shape_cast %reduce_sum3A_7 : vector<4096xf32> to vector<4096x1xf32>
    %get3A_8 = arith.constant 0 : index
    %get3A_9 = arith.constant 0 : index
    %get3A_10 = vector.load %arg1[%get3A_8, %get3A_9] : memref<4096x128xf32, #tpu.memory_space<vmem>>, vector<4096x128xf32>
    %mul3A_11 = arith.mulf %get3A_10, %convert_element_type3A_3 : vector<4096x128xf32>
    %reduce_sum3A_12 = arith.constant dense<0.000000e+00> : vector<4096xf32>
    %reduce_sum3A_13 = vector.multi_reduction <add>, %mul3A_11, %reduce_sum3A_12 [1] : vector<4096x128xf32> to vector<4096xf32>
    %broadcast_in_dim3A_14 = vector.shape_cast %reduce_sum3A_13 : vector<4096xf32> to vector<4096x1xf32>
    %get3A_15 = arith.constant 0 : index
    %get3A_16 = arith.constant 0 : index
    %get3A_17 = vector.load %arg5[%get3A_15, %get3A_16] : memref<4096x1xf32, #tpu.memory_space<vmem>>, vector<4096x1xf32>
    %get3A_18 = arith.constant 0 : index
    %get3A_19 = arith.constant 0 : index
    %get3A_20 = vector.load %arg3[%get3A_18, %get3A_19] : memref<4096x1xf32, #tpu.memory_space<vmem>>, vector<4096x1xf32>
    %sub3A = arith.subf %broadcast_in_dim3A, %get3A_20 : vector<4096x1xf32>
    %abs3A = math.absf %sub3A : vector<4096x1xf32>
    %mul3A_21 = arith.constant 1.000000e-01 : f32
    %mul3A_22 = vector.broadcast %mul3A_21 : f32 to vector<4096x1xf32>
    %mul3A_23 = arith.mulf %abs3A, %mul3A_22 : vector<4096x1xf32>
    %get3A_24 = arith.constant 0 : index
    %get3A_25 = arith.constant 0 : index
    %get3A_26 = vector.load %arg4[%get3A_24, %get3A_25] : memref<4096x1xf32, #tpu.memory_space<vmem>>, vector<4096x1xf32>
    %sub3A_27 = arith.subf %broadcast_in_dim3A_14, %get3A_26 : vector<4096x1xf32>
    %abs3A_28 = math.absf %sub3A_27 : vector<4096x1xf32>
    %mul3A_29 = arith.constant 1.000000e+00 : f32
    %mul3A_30 = vector.broadcast %mul3A_29 : f32 to vector<4096x1xf32>
    %mul3A_31 = arith.mulf %abs3A_28, %mul3A_30 : vector<4096x1xf32>
    %add3A = arith.addf %mul3A_23, %mul3A_31 : vector<4096x1xf32>
    %mul3A_32 = arith.mulf %add3A, %get3A_17 : vector<4096x1xf32>
    %reduce_sum3A_33 = vector.shape_cast %get3A_17 : vector<4096x1xf32> to vector<1x4096x1xf32>
    %reduce_sum3A_34 = arith.constant dense<0.000000e+00> : vector<1xf32>
    %reduce_sum3A_35 = vector.multi_reduction <add>, %reduce_sum3A_33, %reduce_sum3A_34 [1, 2] : vector<1x4096x1xf32> to vector<1xf32>
    %reduce_sum3A_36 = vector.shape_cast %reduce_sum3A_35 : vector<1xf32> to vector<1x1x1xf32>
    %reduce_sum3A_37 = vector.extract %reduce_sum3A_36[0, 0, 0] : f32 from vector<1x1x1xf32>
    %add3A_38 = arith.constant 9.99999974E-5 : f32
    %add3A_39 = arith.addf %reduce_sum3A_37, %add3A_38 : f32
    %get3A_40 = arith.constant 0 : index
    %get3A_41 = memref.load %arg6[%get3A_40] : memref<2xf32, #tpu.memory_space<smem>>
    %get3A_42 = arith.constant 1 : index
    %get3A_43 = memref.load %arg6[%get3A_42] : memref<2xf32, #tpu.memory_space<smem>>
    %max3A = arith.constant 1.000000e+00 : f32
    %max3A_44 = arith.maximumf %get3A_43, %max3A : f32
    %div3A = arith.divf %get3A_41, %max3A_44 : f32
    %reduce_sum3A_45 = vector.shape_cast %mul3A_32 : vector<4096x1xf32> to vector<1x4096x1xf32>
    %reduce_sum3A_46 = arith.constant dense<0.000000e+00> : vector<1xf32>
    %reduce_sum3A_47 = vector.multi_reduction <add>, %reduce_sum3A_45, %reduce_sum3A_46 [1, 2] : vector<1x4096x1xf32> to vector<1xf32>
    %reduce_sum3A_48 = vector.shape_cast %reduce_sum3A_47 : vector<1xf32> to vector<1x1x1xf32>
    %reduce_sum3A_49 = vector.extract %reduce_sum3A_48[0, 0, 0] : f32 from vector<1x1x1xf32>
    %div3A_50 = arith.divf %reduce_sum3A_49, %add3A_39 : f32
    %add3A_51 = arith.addf %div3A, %div3A_50 : f32
    %swap3A = arith.constant 0 : index
    %swap3A_52 = memref.load %arg7[%swap3A] : memref<1xf32, #tpu.memory_space<smem>>
    memref.store %add3A_51, %arg7[%swap3A] : memref<1xf32, #tpu.memory_space<smem>>
    return
  }
}

module attributes {stable_mosaic.version = 14 : i64} {
  func.func @_focal_body(%arg0: i32, %arg1: memref<10240x128xf32, #tpu.memory_space<vmem>>, %arg2: memref<10240x128xf32, #tpu.memory_space<vmem>>, %arg3: memref<2xf32, #tpu.memory_space<smem>>, %arg4: memref<2xf32, #tpu.memory_space<smem>>) attributes {dimension_semantics = [#tpu.dimension_semantics<arbitrary>], iteration_bounds = array<i64: 16>, scalar_prefetch = 0 : i64, scratch_operands = 1 : i64, tpu.core_type = #tpu.core_type<tc>, window_params = [{transform_indices = @transform_0, window_bounds = array<i64: 10240, 128>}, {transform_indices = @transform_1, window_bounds = array<i64: 10240, 128>}, {transform_indices = @transform_2, window_bounds = array<i64: 2>}]} {
    %eq3A = arith.constant 0 : i32
    %eq3A_0 = arith.cmpi eq, %arg0, %eq3A : i32
    %convert_element_type3A = arith.extui %eq3A_0 : i1 to i32
    %cond3A = arith.constant 0 : i32
    %cond3A_1 = arith.cmpi ne, %convert_element_type3A, %cond3A : i32
    scf.if %cond3A_1 {
      %swap3A_29 = arith.constant 0.000000e+00 : f32
      %swap3A_30 = arith.constant 0 : index
      %swap3A_31 = memref.load %arg4[%swap3A_30] : memref<2xf32, #tpu.memory_space<smem>>
      memref.store %swap3A_29, %arg4[%swap3A_30] : memref<2xf32, #tpu.memory_space<smem>>
      %swap3A_32 = arith.constant 0.000000e+00 : f32
      %swap3A_33 = arith.constant 1 : index
      %swap3A_34 = memref.load %arg4[%swap3A_33] : memref<2xf32, #tpu.memory_space<smem>>
      memref.store %swap3A_32, %arg4[%swap3A_33] : memref<2xf32, #tpu.memory_space<smem>>
    } else {
    }
    %broadcast_in_dim3A = arith.constant 0.000000e+00 : f32
    %broadcast_in_dim3A_2 = vector.broadcast %broadcast_in_dim3A : f32 to vector<16x128xf32>
    %scan3A = arith.constant 0 : i32
    %scan3A_3 = arith.constant 640 : i32
    %scan3A_4 = arith.addi %scan3A, %scan3A_3 : i32
    %scan3A_5 = arith.constant 128 : i32
    %scan3A_6:2 = scf.for %scan3A_29 = %scan3A to %scan3A_4 step %scan3A_5 iter_args(%scan3A_30 = %broadcast_in_dim3A_2, %scan3A_31 = %broadcast_in_dim3A_2) -> (vector<16x128xf32>, vector<16x128xf32>)  : i32 {
      %mul3A = arith.constant 16 : i32
      %mul3A_32 = arith.muli %scan3A_29, %mul3A : i32
      %get3A_33 = arith.index_cast %mul3A_32 : i32 to index
      %get3A_34 = arith.constant 0 : index
      %get3A_35 = vector.load %arg1[%get3A_33, %get3A_34] : memref<10240x128xf32, #tpu.memory_space<vmem>>, vector<16x128xf32>
      %mul3A_36 = arith.constant 16 : i32
      %mul3A_37 = arith.muli %scan3A_29, %mul3A_36 : i32
      %get3A_38 = arith.index_cast %mul3A_37 : i32 to index
      %get3A_39 = arith.constant 0 : index
      %get3A_40 = vector.load %arg2[%get3A_38, %get3A_39] : memref<10240x128xf32, #tpu.memory_space<vmem>>, vector<16x128xf32>
      %max3A = arith.constant -9.210240e+00 : f32
      %max3A_41 = vector.broadcast %max3A : f32 to vector<16x128xf32>
      %max3A_42 = arith.maximumf %get3A_35, %max3A_41 : vector<16x128xf32>
      %min3A = arith.constant 9.210240e+00 : f32
      %min3A_43 = vector.broadcast %min3A : f32 to vector<16x128xf32>
      %min3A_44 = arith.minimumf %max3A_42, %min3A_43 : vector<16x128xf32>
      %neg3A = arith.constant 0.000000e+00 : f32
      %neg3A_45 = vector.broadcast %neg3A : f32 to vector<16x128xf32>
      %neg3A_46 = arith.subf %neg3A_45, %min3A_44 : vector<16x128xf32>
      %exp3A = math.exp %neg3A_46 : vector<16x128xf32>
      %add3A_47 = arith.constant 1.000000e+00 : f32
      %add3A_48 = vector.broadcast %add3A_47 : f32 to vector<16x128xf32>
      %add3A_49 = arith.addf %exp3A, %add3A_48 : vector<16x128xf32>
      %log3A = math.log %add3A_49 : vector<16x128xf32>
      %mul3A_50 = arith.mulf %add3A_49, %add3A_49 : vector<16x128xf32>
      %div3A = arith.constant 1.000000e+00 : f32
      %div3A_51 = vector.broadcast %div3A : f32 to vector<16x128xf32>
      %div3A_52 = arith.divf %div3A_51, %mul3A_50 : vector<16x128xf32>
      %eq3A_53 = arith.constant 1.000000e+00 : f32
      %eq3A_54 = vector.broadcast %eq3A_53 : f32 to vector<16x128xf32>
      %eq3A_55 = arith.cmpf oeq, %get3A_40, %eq3A_54 : vector<16x128xf32>
      %sub3A = arith.constant 1.000000e+00 : f32
      %sub3A_56 = vector.broadcast %sub3A : f32 to vector<16x128xf32>
      %sub3A_57 = arith.subf %sub3A_56, %get3A_40 : vector<16x128xf32>
      %mul3A_58 = arith.mulf %sub3A_57, %sub3A_57 : vector<16x128xf32>
      %mul3A_59 = arith.mulf %exp3A, %exp3A : vector<16x128xf32>
      %mul3A_60 = arith.mulf %log3A, %mul3A_59 : vector<16x128xf32>
      %add3A_61 = arith.addf %log3A, %min3A_44 : vector<16x128xf32>
      %mul3A_62 = arith.mulf %mul3A_58, %mul3A_58 : vector<16x128xf32>
      %mul3A_63 = arith.mulf %add3A_61, %mul3A_62 : vector<16x128xf32>
      %select_n3A = arith.select %eq3A_55, %mul3A_60, %mul3A_63 : vector<16x128xi1>, vector<16x128xf32>
      %mul3A_64 = arith.mulf %select_n3A, %div3A_52 : vector<16x128xf32>
      %add3A_65 = arith.addf %scan3A_30, %mul3A_64 : vector<16x128xf32>
      %jit3A = arith.constant 1.000000e+00 : f32
      %jit3A_66 = arith.constant 0.000000e+00 : f32
      %broadcast_in_dim3A_67 = vector.broadcast %jit3A : f32 to vector<16x128xf32>
      %broadcast_in_dim3A_68 = vector.broadcast %jit3A_66 : f32 to vector<16x128xf32>
      %select_n3A_69 = arith.select %eq3A_55, %broadcast_in_dim3A_67, %broadcast_in_dim3A_68 : vector<16x128xi1>, vector<16x128xf32>
      %add3A_70 = arith.addf %scan3A_31, %select_n3A_69 : vector<16x128xf32>
      %scan3A_71 = arith.constant 1 : i32
      %scan3A_72 = arith.addi %scan3A_29, %scan3A_71 : i32
      %mul3A_73 = arith.constant 16 : i32
      %mul3A_74 = arith.muli %scan3A_72, %mul3A_73 : i32
      %get3A_75 = arith.index_cast %mul3A_74 : i32 to index
      %get3A_76 = arith.constant 0 : index
      %get3A_77 = vector.load %arg1[%get3A_75, %get3A_76] : memref<10240x128xf32, #tpu.memory_space<vmem>>, vector<16x128xf32>
      %mul3A_78 = arith.constant 16 : i32
      %mul3A_79 = arith.muli %scan3A_72, %mul3A_78 : i32
      %get3A_80 = arith.index_cast %mul3A_79 : i32 to index
      %get3A_81 = arith.constant 0 : index
      %get3A_82 = vector.load %arg2[%get3A_80, %get3A_81] : memref<10240x128xf32, #tpu.memory_space<vmem>>, vector<16x128xf32>
      %max3A_83 = arith.constant -9.210240e+00 : f32
      %max3A_84 = vector.broadcast %max3A_83 : f32 to vector<16x128xf32>
      %max3A_85 = arith.maximumf %get3A_77, %max3A_84 : vector<16x128xf32>
      %min3A_86 = arith.constant 9.210240e+00 : f32
      %min3A_87 = vector.broadcast %min3A_86 : f32 to vector<16x128xf32>
      %min3A_88 = arith.minimumf %max3A_85, %min3A_87 : vector<16x128xf32>
      %neg3A_89 = arith.constant 0.000000e+00 : f32
      %neg3A_90 = vector.broadcast %neg3A_89 : f32 to vector<16x128xf32>
      %neg3A_91 = arith.subf %neg3A_90, %min3A_88 : vector<16x128xf32>
      %exp3A_92 = math.exp %neg3A_91 : vector<16x128xf32>
      %add3A_93 = arith.constant 1.000000e+00 : f32
      %add3A_94 = vector.broadcast %add3A_93 : f32 to vector<16x128xf32>
      %add3A_95 = arith.addf %exp3A_92, %add3A_94 : vector<16x128xf32>
      %log3A_96 = math.log %add3A_95 : vector<16x128xf32>
      %mul3A_97 = arith.mulf %add3A_95, %add3A_95 : vector<16x128xf32>
      %div3A_98 = arith.constant 1.000000e+00 : f32
      %div3A_99 = vector.broadcast %div3A_98 : f32 to vector<16x128xf32>
      %div3A_100 = arith.divf %div3A_99, %mul3A_97 : vector<16x128xf32>
      %eq3A_101 = arith.constant 1.000000e+00 : f32
      %eq3A_102 = vector.broadcast %eq3A_101 : f32 to vector<16x128xf32>
      %eq3A_103 = arith.cmpf oeq, %get3A_82, %eq3A_102 : vector<16x128xf32>
      %sub3A_104 = arith.constant 1.000000e+00 : f32
      %sub3A_105 = vector.broadcast %sub3A_104 : f32 to vector<16x128xf32>
      %sub3A_106 = arith.subf %sub3A_105, %get3A_82 : vector<16x128xf32>
      %mul3A_107 = arith.mulf %sub3A_106, %sub3A_106 : vector<16x128xf32>
      %mul3A_108 = arith.mulf %exp3A_92, %exp3A_92 : vector<16x128xf32>
      %mul3A_109 = arith.mulf %log3A_96, %mul3A_108 : vector<16x128xf32>
      %add3A_110 = arith.addf %log3A_96, %min3A_88 : vector<16x128xf32>
      %mul3A_111 = arith.mulf %mul3A_107, %mul3A_107 : vector<16x128xf32>
      %mul3A_112 = arith.mulf %add3A_110, %mul3A_111 : vector<16x128xf32>
      %select_n3A_113 = arith.select %eq3A_103, %mul3A_109, %mul3A_112 : vector<16x128xi1>, vector<16x128xf32>
      %mul3A_114 = arith.mulf %select_n3A_113, %div3A_100 : vector<16x128xf32>
      %add3A_115 = arith.addf %add3A_65, %mul3A_114 : vector<16x128xf32>
      %jit3A_116 = arith.constant 1.000000e+00 : f32
      %jit3A_117 = arith.constant 0.000000e+00 : f32
      %broadcast_in_dim3A_118 = vector.broadcast %jit3A_116 : f32 to vector<16x128xf32>
      %broadcast_in_dim3A_119 = vector.broadcast %jit3A_117 : f32 to vector<16x128xf32>
      %select_n3A_120 = arith.select %eq3A_103, %broadcast_in_dim3A_118, %broadcast_in_dim3A_119 : vector<16x128xi1>, vector<16x128xf32>
      %add3A_121 = arith.addf %add3A_70, %select_n3A_120 : vector<16x128xf32>
      %scan3A_122 = arith.constant 2 : i32
      %scan3A_123 = arith.addi %scan3A_29, %scan3A_122 : i32
      %mul3A_124 = arith.constant 16 : i32
      %mul3A_125 = arith.muli %scan3A_123, %mul3A_124 : i32
      %get3A_126 = arith.index_cast %mul3A_125 : i32 to index
      %get3A_127 = arith.constant 0 : index
      %get3A_128 = vector.load %arg1[%get3A_126, %get3A_127] : memref<10240x128xf32, #tpu.memory_space<vmem>>, vector<16x128xf32>
      %mul3A_129 = arith.constant 16 : i32
      %mul3A_130 = arith.muli %scan3A_123, %mul3A_129 : i32
      %get3A_131 = arith.index_cast %mul3A_130 : i32 to index
      %get3A_132 = arith.constant 0 : index
      %get3A_133 = vector.load %arg2[%get3A_131, %get3A_132] : memref<10240x128xf32, #tpu.memory_space<vmem>>, vector<16x128xf32>
      %max3A_134 = arith.constant -9.210240e+00 : f32
      %max3A_135 = vector.broadcast %max3A_134 : f32 to vector<16x128xf32>
      %max3A_136 = arith.maximumf %get3A_128, %max3A_135 : vector<16x128xf32>
      %min3A_137 = arith.constant 9.210240e+00 : f32
      %min3A_138 = vector.broadcast %min3A_137 : f32 to vector<16x128xf32>
      %min3A_139 = arith.minimumf %max3A_136, %min3A_138 : vector<16x128xf32>
      %neg3A_140 = arith.constant 0.000000e+00 : f32
      %neg3A_141 = vector.broadcast %neg3A_140 : f32 to vector<16x128xf32>
      %neg3A_142 = arith.subf %neg3A_141, %min3A_139 : vector<16x128xf32>
      %exp3A_143 = math.exp %neg3A_142 : vector<16x128xf32>
      %add3A_144 = arith.constant 1.000000e+00 : f32
      %add3A_145 = vector.broadcast %add3A_144 : f32 to vector<16x128xf32>
      %add3A_146 = arith.addf %exp3A_143, %add3A_145 : vector<16x128xf32>
      %log3A_147 = math.log %add3A_146 : vector<16x128xf32>
      %mul3A_148 = arith.mulf %add3A_146, %add3A_146 : vector<16x128xf32>
      %div3A_149 = arith.constant 1.000000e+00 : f32
      %div3A_150 = vector.broadcast %div3A_149 : f32 to vector<16x128xf32>
      %div3A_151 = arith.divf %div3A_150, %mul3A_148 : vector<16x128xf32>
      %eq3A_152 = arith.constant 1.000000e+00 : f32
      %eq3A_153 = vector.broadcast %eq3A_152 : f32 to vector<16x128xf32>
      %eq3A_154 = arith.cmpf oeq, %get3A_133, %eq3A_153 : vector<16x128xf32>
      %sub3A_155 = arith.constant 1.000000e+00 : f32
      %sub3A_156 = vector.broadcast %sub3A_155 : f32 to vector<16x128xf32>
      %sub3A_157 = arith.subf %sub3A_156, %get3A_133 : vector<16x128xf32>
      %mul3A_158 = arith.mulf %sub3A_157, %sub3A_157 : vector<16x128xf32>
      %mul3A_159 = arith.mulf %exp3A_143, %exp3A_143 : vector<16x128xf32>
      %mul3A_160 = arith.mulf %log3A_147, %mul3A_159 : vector<16x128xf32>
      %add3A_161 = arith.addf %log3A_147, %min3A_139 : vector<16x128xf32>
      %mul3A_162 = arith.mulf %mul3A_158, %mul3A_158 : vector<16x128xf32>
      %mul3A_163 = arith.mulf %add3A_161, %mul3A_162 : vector<16x128xf32>
      %select_n3A_164 = arith.select %eq3A_154, %mul3A_160, %mul3A_163 : vector<16x128xi1>, vector<16x128xf32>
      %mul3A_165 = arith.mulf %select_n3A_164, %div3A_151 : vector<16x128xf32>
      %add3A_166 = arith.addf %add3A_115, %mul3A_165 : vector<16x128xf32>
      %jit3A_167 = arith.constant 1.000000e+00 : f32
      %jit3A_168 = arith.constant 0.000000e+00 : f32
      %broadcast_in_dim3A_169 = vector.broadcast %jit3A_167 : f32 to vector<16x128xf32>
      %broadcast_in_dim3A_170 = vector.broadcast %jit3A_168 : f32 to vector<16x128xf32>
      %select_n3A_171 = arith.select %eq3A_154, %broadcast_in_dim3A_169, %broadcast_in_dim3A_170 : vector<16x128xi1>, vector<16x128xf32>
      %add3A_172 = arith.addf %add3A_121, %select_n3A_171 : vector<16x128xf32>
      %scan3A_173 = arith.constant 3 : i32
      %scan3A_174 = arith.addi %scan3A_29, %scan3A_173 : i32
      %mul3A_175 = arith.constant 16 : i32
      %mul3A_176 = arith.muli %scan3A_174, %mul3A_175 : i32
      %get3A_177 = arith.index_cast %mul3A_176 : i32 to index
      %get3A_178 = arith.constant 0 : index
      %get3A_179 = vector.load %arg1[%get3A_177, %get3A_178] : memref<10240x128xf32, #tpu.memory_space<vmem>>, vector<16x128xf32>
      %mul3A_180 = arith.constant 16 : i32
      %mul3A_181 = arith.muli %scan3A_174, %mul3A_180 : i32
      %get3A_182 = arith.index_cast %mul3A_181 : i32 to index
      %get3A_183 = arith.constant 0 : index
      %get3A_184 = vector.load %arg2[%get3A_182, %get3A_183] : memref<10240x128xf32, #tpu.memory_space<vmem>>, vector<16x128xf32>
      %max3A_185 = arith.constant -9.210240e+00 : f32
      %max3A_186 = vector.broadcast %max3A_185 : f32 to vector<16x128xf32>
      %max3A_187 = arith.maximumf %get3A_179, %max3A_186 : vector<16x128xf32>
      %min3A_188 = arith.constant 9.210240e+00 : f32
      %min3A_189 = vector.broadcast %min3A_188 : f32 to vector<16x128xf32>
      %min3A_190 = arith.minimumf %max3A_187, %min3A_189 : vector<16x128xf32>
      %neg3A_191 = arith.constant 0.000000e+00 : f32
      %neg3A_192 = vector.broadcast %neg3A_191 : f32 to vector<16x128xf32>
      %neg3A_193 = arith.subf %neg3A_192, %min3A_190 : vector<16x128xf32>
      %exp3A_194 = math.exp %neg3A_193 : vector<16x128xf32>
      %add3A_195 = arith.constant 1.000000e+00 : f32
      %add3A_196 = vector.broadcast %add3A_195 : f32 to vector<16x128xf32>
      %add3A_197 = arith.addf %exp3A_194, %add3A_196 : vector<16x128xf32>
      %log3A_198 = math.log %add3A_197 : vector<16x128xf32>
      %mul3A_199 = arith.mulf %add3A_197, %add3A_197 : vector<16x128xf32>
      %div3A_200 = arith.constant 1.000000e+00 : f32
      %div3A_201 = vector.broadcast %div3A_200 : f32 to vector<16x128xf32>
      %div3A_202 = arith.divf %div3A_201, %mul3A_199 : vector<16x128xf32>
      %eq3A_203 = arith.constant 1.000000e+00 : f32
      %eq3A_204 = vector.broadcast %eq3A_203 : f32 to vector<16x128xf32>
      %eq3A_205 = arith.cmpf oeq, %get3A_184, %eq3A_204 : vector<16x128xf32>
      %sub3A_206 = arith.constant 1.000000e+00 : f32
      %sub3A_207 = vector.broadcast %sub3A_206 : f32 to vector<16x128xf32>
      %sub3A_208 = arith.subf %sub3A_207, %get3A_184 : vector<16x128xf32>
      %mul3A_209 = arith.mulf %sub3A_208, %sub3A_208 : vector<16x128xf32>
      %mul3A_210 = arith.mulf %exp3A_194, %exp3A_194 : vector<16x128xf32>
      %mul3A_211 = arith.mulf %log3A_198, %mul3A_210 : vector<16x128xf32>
      %add3A_212 = arith.addf %log3A_198, %min3A_190 : vector<16x128xf32>
      %mul3A_213 = arith.mulf %mul3A_209, %mul3A_209 : vector<16x128xf32>
      %mul3A_214 = arith.mulf %add3A_212, %mul3A_213 : vector<16x128xf32>
      %select_n3A_215 = arith.select %eq3A_205, %mul3A_211, %mul3A_214 : vector<16x128xi1>, vector<16x128xf32>
      %mul3A_216 = arith.mulf %select_n3A_215, %div3A_202 : vector<16x128xf32>
      %add3A_217 = arith.addf %add3A_166, %mul3A_216 : vector<16x128xf32>
      %jit3A_218 = arith.constant 1.000000e+00 : f32
      %jit3A_219 = arith.constant 0.000000e+00 : f32
      %broadcast_in_dim3A_220 = vector.broadcast %jit3A_218 : f32 to vector<16x128xf32>
      %broadcast_in_dim3A_221 = vector.broadcast %jit3A_219 : f32 to vector<16x128xf32>
      %select_n3A_222 = arith.select %eq3A_205, %broadcast_in_dim3A_220, %broadcast_in_dim3A_221 : vector<16x128xi1>, vector<16x128xf32>
      %add3A_223 = arith.addf %add3A_172, %select_n3A_222 : vector<16x128xf32>
      %scan3A_224 = arith.constant 4 : i32
      %scan3A_225 = arith.addi %scan3A_29, %scan3A_224 : i32
      %mul3A_226 = arith.constant 16 : i32
      %mul3A_227 = arith.muli %scan3A_225, %mul3A_226 : i32
      %get3A_228 = arith.index_cast %mul3A_227 : i32 to index
      %get3A_229 = arith.constant 0 : index
      %get3A_230 = vector.load %arg1[%get3A_228, %get3A_229] : memref<10240x128xf32, #tpu.memory_space<vmem>>, vector<16x128xf32>
      %mul3A_231 = arith.constant 16 : i32
      %mul3A_232 = arith.muli %scan3A_225, %mul3A_231 : i32
      %get3A_233 = arith.index_cast %mul3A_232 : i32 to index
      %get3A_234 = arith.constant 0 : index
      %get3A_235 = vector.load %arg2[%get3A_233, %get3A_234] : memref<10240x128xf32, #tpu.memory_space<vmem>>, vector<16x128xf32>
      %max3A_236 = arith.constant -9.210240e+00 : f32
      %max3A_237 = vector.broadcast %max3A_236 : f32 to vector<16x128xf32>
      %max3A_238 = arith.maximumf %get3A_230, %max3A_237 : vector<16x128xf32>
      %min3A_239 = arith.constant 9.210240e+00 : f32
      %min3A_240 = vector.broadcast %min3A_239 : f32 to vector<16x128xf32>
      %min3A_241 = arith.minimumf %max3A_238, %min3A_240 : vector<16x128xf32>
      %neg3A_242 = arith.constant 0.000000e+00 : f32
      %neg3A_243 = vector.broadcast %neg3A_242 : f32 to vector<16x128xf32>
      %neg3A_244 = arith.subf %neg3A_243, %min3A_241 : vector<16x128xf32>
      %exp3A_245 = math.exp %neg3A_244 : vector<16x128xf32>
      %add3A_246 = arith.constant 1.000000e+00 : f32
      %add3A_247 = vector.broadcast %add3A_246 : f32 to vector<16x128xf32>
      %add3A_248 = arith.addf %exp3A_245, %add3A_247 : vector<16x128xf32>
      %log3A_249 = math.log %add3A_248 : vector<16x128xf32>
      %mul3A_250 = arith.mulf %add3A_248, %add3A_248 : vector<16x128xf32>
      %div3A_251 = arith.constant 1.000000e+00 : f32
      %div3A_252 = vector.broadcast %div3A_251 : f32 to vector<16x128xf32>
      %div3A_253 = arith.divf %div3A_252, %mul3A_250 : vector<16x128xf32>
      %eq3A_254 = arith.constant 1.000000e+00 : f32
      %eq3A_255 = vector.broadcast %eq3A_254 : f32 to vector<16x128xf32>
      %eq3A_256 = arith.cmpf oeq, %get3A_235, %eq3A_255 : vector<16x128xf32>
      %sub3A_257 = arith.constant 1.000000e+00 : f32
      %sub3A_258 = vector.broadcast %sub3A_257 : f32 to vector<16x128xf32>
      %sub3A_259 = arith.subf %sub3A_258, %get3A_235 : vector<16x128xf32>
      %mul3A_260 = arith.mulf %sub3A_259, %sub3A_259 : vector<16x128xf32>
      %mul3A_261 = arith.mulf %exp3A_245, %exp3A_245 : vector<16x128xf32>
      %mul3A_262 = arith.mulf %log3A_249, %mul3A_261 : vector<16x128xf32>
      %add3A_263 = arith.addf %log3A_249, %min3A_241 : vector<16x128xf32>
      %mul3A_264 = arith.mulf %mul3A_260, %mul3A_260 : vector<16x128xf32>
      %mul3A_265 = arith.mulf %add3A_263, %mul3A_264 : vector<16x128xf32>
      %select_n3A_266 = arith.select %eq3A_256, %mul3A_262, %mul3A_265 : vector<16x128xi1>, vector<16x128xf32>
      %mul3A_267 = arith.mulf %select_n3A_266, %div3A_253 : vector<16x128xf32>
      %add3A_268 = arith.addf %add3A_217, %mul3A_267 : vector<16x128xf32>
      %jit3A_269 = arith.constant 1.000000e+00 : f32
      %jit3A_270 = arith.constant 0.000000e+00 : f32
      %broadcast_in_dim3A_271 = vector.broadcast %jit3A_269 : f32 to vector<16x128xf32>
      %broadcast_in_dim3A_272 = vector.broadcast %jit3A_270 : f32 to vector<16x128xf32>
      %select_n3A_273 = arith.select %eq3A_256, %broadcast_in_dim3A_271, %broadcast_in_dim3A_272 : vector<16x128xi1>, vector<16x128xf32>
      %add3A_274 = arith.addf %add3A_223, %select_n3A_273 : vector<16x128xf32>
      %scan3A_275 = arith.constant 5 : i32
      %scan3A_276 = arith.addi %scan3A_29, %scan3A_275 : i32
      %mul3A_277 = arith.constant 16 : i32
      %mul3A_278 = arith.muli %scan3A_276, %mul3A_277 : i32
      %get3A_279 = arith.index_cast %mul3A_278 : i32 to index
      %get3A_280 = arith.constant 0 : index
      %get3A_281 = vector.load %arg1[%get3A_279, %get3A_280] : memref<10240x128xf32, #tpu.memory_space<vmem>>, vector<16x128xf32>
      %mul3A_282 = arith.constant 16 : i32
      %mul3A_283 = arith.muli %scan3A_276, %mul3A_282 : i32
      %get3A_284 = arith.index_cast %mul3A_283 : i32 to index
      %get3A_285 = arith.constant 0 : index
      %get3A_286 = vector.load %arg2[%get3A_284, %get3A_285] : memref<10240x128xf32, #tpu.memory_space<vmem>>, vector<16x128xf32>
      %max3A_287 = arith.constant -9.210240e+00 : f32
      %max3A_288 = vector.broadcast %max3A_287 : f32 to vector<16x128xf32>
      %max3A_289 = arith.maximumf %get3A_281, %max3A_288 : vector<16x128xf32>
      %min3A_290 = arith.constant 9.210240e+00 : f32
      %min3A_291 = vector.broadcast %min3A_290 : f32 to vector<16x128xf32>
      %min3A_292 = arith.minimumf %max3A_289, %min3A_291 : vector<16x128xf32>
      %neg3A_293 = arith.constant 0.000000e+00 : f32
      %neg3A_294 = vector.broadcast %neg3A_293 : f32 to vector<16x128xf32>
      %neg3A_295 = arith.subf %neg3A_294, %min3A_292 : vector<16x128xf32>
      %exp3A_296 = math.exp %neg3A_295 : vector<16x128xf32>
      %add3A_297 = arith.constant 1.000000e+00 : f32
      %add3A_298 = vector.broadcast %add3A_297 : f32 to vector<16x128xf32>
      %add3A_299 = arith.addf %exp3A_296, %add3A_298 : vector<16x128xf32>
      %log3A_300 = math.log %add3A_299 : vector<16x128xf32>
      %mul3A_301 = arith.mulf %add3A_299, %add3A_299 : vector<16x128xf32>
      %div3A_302 = arith.constant 1.000000e+00 : f32
      %div3A_303 = vector.broadcast %div3A_302 : f32 to vector<16x128xf32>
      %div3A_304 = arith.divf %div3A_303, %mul3A_301 : vector<16x128xf32>
      %eq3A_305 = arith.constant 1.000000e+00 : f32
      %eq3A_306 = vector.broadcast %eq3A_305 : f32 to vector<16x128xf32>
      %eq3A_307 = arith.cmpf oeq, %get3A_286, %eq3A_306 : vector<16x128xf32>
      %sub3A_308 = arith.constant 1.000000e+00 : f32
      %sub3A_309 = vector.broadcast %sub3A_308 : f32 to vector<16x128xf32>
      %sub3A_310 = arith.subf %sub3A_309, %get3A_286 : vector<16x128xf32>
      %mul3A_311 = arith.mulf %sub3A_310, %sub3A_310 : vector<16x128xf32>
      %mul3A_312 = arith.mulf %exp3A_296, %exp3A_296 : vector<16x128xf32>
      %mul3A_313 = arith.mulf %log3A_300, %mul3A_312 : vector<16x128xf32>
      %add3A_314 = arith.addf %log3A_300, %min3A_292 : vector<16x128xf32>
      %mul3A_315 = arith.mulf %mul3A_311, %mul3A_311 : vector<16x128xf32>
      %mul3A_316 = arith.mulf %add3A_314, %mul3A_315 : vector<16x128xf32>
      %select_n3A_317 = arith.select %eq3A_307, %mul3A_313, %mul3A_316 : vector<16x128xi1>, vector<16x128xf32>
      %mul3A_318 = arith.mulf %select_n3A_317, %div3A_304 : vector<16x128xf32>
      %add3A_319 = arith.addf %add3A_268, %mul3A_318 : vector<16x128xf32>
      %jit3A_320 = arith.constant 1.000000e+00 : f32
      %jit3A_321 = arith.constant 0.000000e+00 : f32
      %broadcast_in_dim3A_322 = vector.broadcast %jit3A_320 : f32 to vector<16x128xf32>
      %broadcast_in_dim3A_323 = vector.broadcast %jit3A_321 : f32 to vector<16x128xf32>
      %select_n3A_324 = arith.select %eq3A_307, %broadcast_in_dim3A_322, %broadcast_in_dim3A_323 : vector<16x128xi1>, vector<16x128xf32>
      %add3A_325 = arith.addf %add3A_274, %select_n3A_324 : vector<16x128xf32>
      %scan3A_326 = arith.constant 6 : i32
      %scan3A_327 = arith.addi %scan3A_29, %scan3A_326 : i32
      %mul3A_328 = arith.constant 16 : i32
      %mul3A_329 = arith.muli %scan3A_327, %mul3A_328 : i32
      %get3A_330 = arith.index_cast %mul3A_329 : i32 to index
      %get3A_331 = arith.constant 0 : index
      %get3A_332 = vector.load %arg1[%get3A_330, %get3A_331] : memref<10240x128xf32, #tpu.memory_space<vmem>>, vector<16x128xf32>
      %mul3A_333 = arith.constant 16 : i32
      %mul3A_334 = arith.muli %scan3A_327, %mul3A_333 : i32
      %get3A_335 = arith.index_cast %mul3A_334 : i32 to index
      %get3A_336 = arith.constant 0 : index
      %get3A_337 = vector.load %arg2[%get3A_335, %get3A_336] : memref<10240x128xf32, #tpu.memory_space<vmem>>, vector<16x128xf32>
      %max3A_338 = arith.constant -9.210240e+00 : f32
      %max3A_339 = vector.broadcast %max3A_338 : f32 to vector<16x128xf32>
      %max3A_340 = arith.maximumf %get3A_332, %max3A_339 : vector<16x128xf32>
      %min3A_341 = arith.constant 9.210240e+00 : f32
      %min3A_342 = vector.broadcast %min3A_341 : f32 to vector<16x128xf32>
      %min3A_343 = arith.minimumf %max3A_340, %min3A_342 : vector<16x128xf32>
      %neg3A_344 = arith.constant 0.000000e+00 : f32
      %neg3A_345 = vector.broadcast %neg3A_344 : f32 to vector<16x128xf32>
      %neg3A_346 = arith.subf %neg3A_345, %min3A_343 : vector<16x128xf32>
      %exp3A_347 = math.exp %neg3A_346 : vector<16x128xf32>
      %add3A_348 = arith.constant 1.000000e+00 : f32
      %add3A_349 = vector.broadcast %add3A_348 : f32 to vector<16x128xf32>
      %add3A_350 = arith.addf %exp3A_347, %add3A_349 : vector<16x128xf32>
      %log3A_351 = math.log %add3A_350 : vector<16x128xf32>
      %mul3A_352 = arith.mulf %add3A_350, %add3A_350 : vector<16x128xf32>
      %div3A_353 = arith.constant 1.000000e+00 : f32
      %div3A_354 = vector.broadcast %div3A_353 : f32 to vector<16x128xf32>
      %div3A_355 = arith.divf %div3A_354, %mul3A_352 : vector<16x128xf32>
      %eq3A_356 = arith.constant 1.000000e+00 : f32
      %eq3A_357 = vector.broadcast %eq3A_356 : f32 to vector<16x128xf32>
      %eq3A_358 = arith.cmpf oeq, %get3A_337, %eq3A_357 : vector<16x128xf32>
      %sub3A_359 = arith.constant 1.000000e+00 : f32
      %sub3A_360 = vector.broadcast %sub3A_359 : f32 to vector<16x128xf32>
      %sub3A_361 = arith.subf %sub3A_360, %get3A_337 : vector<16x128xf32>
      %mul3A_362 = arith.mulf %sub3A_361, %sub3A_361 : vector<16x128xf32>
      %mul3A_363 = arith.mulf %exp3A_347, %exp3A_347 : vector<16x128xf32>
      %mul3A_364 = arith.mulf %log3A_351, %mul3A_363 : vector<16x128xf32>
      %add3A_365 = arith.addf %log3A_351, %min3A_343 : vector<16x128xf32>
      %mul3A_366 = arith.mulf %mul3A_362, %mul3A_362 : vector<16x128xf32>
      %mul3A_367 = arith.mulf %add3A_365, %mul3A_366 : vector<16x128xf32>
      %select_n3A_368 = arith.select %eq3A_358, %mul3A_364, %mul3A_367 : vector<16x128xi1>, vector<16x128xf32>
      %mul3A_369 = arith.mulf %select_n3A_368, %div3A_355 : vector<16x128xf32>
      %add3A_370 = arith.addf %add3A_319, %mul3A_369 : vector<16x128xf32>
      %jit3A_371 = arith.constant 1.000000e+00 : f32
      %jit3A_372 = arith.constant 0.000000e+00 : f32
      %broadcast_in_dim3A_373 = vector.broadcast %jit3A_371 : f32 to vector<16x128xf32>
      %broadcast_in_dim3A_374 = vector.broadcast %jit3A_372 : f32 to vector<16x128xf32>
      %select_n3A_375 = arith.select %eq3A_358, %broadcast_in_dim3A_373, %broadcast_in_dim3A_374 : vector<16x128xi1>, vector<16x128xf32>
      %add3A_376 = arith.addf %add3A_325, %select_n3A_375 : vector<16x128xf32>
      %scan3A_377 = arith.constant 7 : i32
      %scan3A_378 = arith.addi %scan3A_29, %scan3A_377 : i32
      %mul3A_379 = arith.constant 16 : i32
      %mul3A_380 = arith.muli %scan3A_378, %mul3A_379 : i32
      %get3A_381 = arith.index_cast %mul3A_380 : i32 to index
      %get3A_382 = arith.constant 0 : index
      %get3A_383 = vector.load %arg1[%get3A_381, %get3A_382] : memref<10240x128xf32, #tpu.memory_space<vmem>>, vector<16x128xf32>
      %mul3A_384 = arith.constant 16 : i32
      %mul3A_385 = arith.muli %scan3A_378, %mul3A_384 : i32
      %get3A_386 = arith.index_cast %mul3A_385 : i32 to index
      %get3A_387 = arith.constant 0 : index
      %get3A_388 = vector.load %arg2[%get3A_386, %get3A_387] : memref<10240x128xf32, #tpu.memory_space<vmem>>, vector<16x128xf32>
      %max3A_389 = arith.constant -9.210240e+00 : f32
      %max3A_390 = vector.broadcast %max3A_389 : f32 to vector<16x128xf32>
      %max3A_391 = arith.maximumf %get3A_383, %max3A_390 : vector<16x128xf32>
      %min3A_392 = arith.constant 9.210240e+00 : f32
      %min3A_393 = vector.broadcast %min3A_392 : f32 to vector<16x128xf32>
      %min3A_394 = arith.minimumf %max3A_391, %min3A_393 : vector<16x128xf32>
      %neg3A_395 = arith.constant 0.000000e+00 : f32
      %neg3A_396 = vector.broadcast %neg3A_395 : f32 to vector<16x128xf32>
      %neg3A_397 = arith.subf %neg3A_396, %min3A_394 : vector<16x128xf32>
      %exp3A_398 = math.exp %neg3A_397 : vector<16x128xf32>
      %add3A_399 = arith.constant 1.000000e+00 : f32
      %add3A_400 = vector.broadcast %add3A_399 : f32 to vector<16x128xf32>
      %add3A_401 = arith.addf %exp3A_398, %add3A_400 : vector<16x128xf32>
      %log3A_402 = math.log %add3A_401 : vector<16x128xf32>
      %mul3A_403 = arith.mulf %add3A_401, %add3A_401 : vector<16x128xf32>
      %div3A_404 = arith.constant 1.000000e+00 : f32
      %div3A_405 = vector.broadcast %div3A_404 : f32 to vector<16x128xf32>
      %div3A_406 = arith.divf %div3A_405, %mul3A_403 : vector<16x128xf32>
      %eq3A_407 = arith.constant 1.000000e+00 : f32
      %eq3A_408 = vector.broadcast %eq3A_407 : f32 to vector<16x128xf32>
      %eq3A_409 = arith.cmpf oeq, %get3A_388, %eq3A_408 : vector<16x128xf32>
      %sub3A_410 = arith.constant 1.000000e+00 : f32
      %sub3A_411 = vector.broadcast %sub3A_410 : f32 to vector<16x128xf32>
      %sub3A_412 = arith.subf %sub3A_411, %get3A_388 : vector<16x128xf32>
      %mul3A_413 = arith.mulf %sub3A_412, %sub3A_412 : vector<16x128xf32>
      %mul3A_414 = arith.mulf %exp3A_398, %exp3A_398 : vector<16x128xf32>
      %mul3A_415 = arith.mulf %log3A_402, %mul3A_414 : vector<16x128xf32>
      %add3A_416 = arith.addf %log3A_402, %min3A_394 : vector<16x128xf32>
      %mul3A_417 = arith.mulf %mul3A_413, %mul3A_413 : vector<16x128xf32>
      %mul3A_418 = arith.mulf %add3A_416, %mul3A_417 : vector<16x128xf32>
      %select_n3A_419 = arith.select %eq3A_409, %mul3A_415, %mul3A_418 : vector<16x128xi1>, vector<16x128xf32>
      %mul3A_420 = arith.mulf %select_n3A_419, %div3A_406 : vector<16x128xf32>
      %add3A_421 = arith.addf %add3A_370, %mul3A_420 : vector<16x128xf32>
      %jit3A_422 = arith.constant 1.000000e+00 : f32
      %jit3A_423 = arith.constant 0.000000e+00 : f32
      %broadcast_in_dim3A_424 = vector.broadcast %jit3A_422 : f32 to vector<16x128xf32>
      %broadcast_in_dim3A_425 = vector.broadcast %jit3A_423 : f32 to vector<16x128xf32>
      %select_n3A_426 = arith.select %eq3A_409, %broadcast_in_dim3A_424, %broadcast_in_dim3A_425 : vector<16x128xi1>, vector<16x128xf32>
      %add3A_427 = arith.addf %add3A_376, %select_n3A_426 : vector<16x128xf32>
      %scan3A_428 = arith.constant 8 : i32
      %scan3A_429 = arith.addi %scan3A_29, %scan3A_428 : i32
      %mul3A_430 = arith.constant 16 : i32
      %mul3A_431 = arith.muli %scan3A_429, %mul3A_430 : i32
      %get3A_432 = arith.index_cast %mul3A_431 : i32 to index
      %get3A_433 = arith.constant 0 : index
      %get3A_434 = vector.load %arg1[%get3A_432, %get3A_433] : memref<10240x128xf32, #tpu.memory_space<vmem>>, vector<16x128xf32>
      %mul3A_435 = arith.constant 16 : i32
      %mul3A_436 = arith.muli %scan3A_429, %mul3A_435 : i32
      %get3A_437 = arith.index_cast %mul3A_436 : i32 to index
      %get3A_438 = arith.constant 0 : index
      %get3A_439 = vector.load %arg2[%get3A_437, %get3A_438] : memref<10240x128xf32, #tpu.memory_space<vmem>>, vector<16x128xf32>
      %max3A_440 = arith.constant -9.210240e+00 : f32
      %max3A_441 = vector.broadcast %max3A_440 : f32 to vector<16x128xf32>
      %max3A_442 = arith.maximumf %get3A_434, %max3A_441 : vector<16x128xf32>
      %min3A_443 = arith.constant 9.210240e+00 : f32
      %min3A_444 = vector.broadcast %min3A_443 : f32 to vector<16x128xf32>
      %min3A_445 = arith.minimumf %max3A_442, %min3A_444 : vector<16x128xf32>
      %neg3A_446 = arith.constant 0.000000e+00 : f32
      %neg3A_447 = vector.broadcast %neg3A_446 : f32 to vector<16x128xf32>
      %neg3A_448 = arith.subf %neg3A_447, %min3A_445 : vector<16x128xf32>
      %exp3A_449 = math.exp %neg3A_448 : vector<16x128xf32>
      %add3A_450 = arith.constant 1.000000e+00 : f32
      %add3A_451 = vector.broadcast %add3A_450 : f32 to vector<16x128xf32>
      %add3A_452 = arith.addf %exp3A_449, %add3A_451 : vector<16x128xf32>
      %log3A_453 = math.log %add3A_452 : vector<16x128xf32>
      %mul3A_454 = arith.mulf %add3A_452, %add3A_452 : vector<16x128xf32>
      %div3A_455 = arith.constant 1.000000e+00 : f32
      %div3A_456 = vector.broadcast %div3A_455 : f32 to vector<16x128xf32>
      %div3A_457 = arith.divf %div3A_456, %mul3A_454 : vector<16x128xf32>
      %eq3A_458 = arith.constant 1.000000e+00 : f32
      %eq3A_459 = vector.broadcast %eq3A_458 : f32 to vector<16x128xf32>
      %eq3A_460 = arith.cmpf oeq, %get3A_439, %eq3A_459 : vector<16x128xf32>
      %sub3A_461 = arith.constant 1.000000e+00 : f32
      %sub3A_462 = vector.broadcast %sub3A_461 : f32 to vector<16x128xf32>
      %sub3A_463 = arith.subf %sub3A_462, %get3A_439 : vector<16x128xf32>
      %mul3A_464 = arith.mulf %sub3A_463, %sub3A_463 : vector<16x128xf32>
      %mul3A_465 = arith.mulf %exp3A_449, %exp3A_449 : vector<16x128xf32>
      %mul3A_466 = arith.mulf %log3A_453, %mul3A_465 : vector<16x128xf32>
      %add3A_467 = arith.addf %log3A_453, %min3A_445 : vector<16x128xf32>
      %mul3A_468 = arith.mulf %mul3A_464, %mul3A_464 : vector<16x128xf32>
      %mul3A_469 = arith.mulf %add3A_467, %mul3A_468 : vector<16x128xf32>
      %select_n3A_470 = arith.select %eq3A_460, %mul3A_466, %mul3A_469 : vector<16x128xi1>, vector<16x128xf32>
      %mul3A_471 = arith.mulf %select_n3A_470, %div3A_457 : vector<16x128xf32>
      %add3A_472 = arith.addf %add3A_421, %mul3A_471 : vector<16x128xf32>
      %jit3A_473 = arith.constant 1.000000e+00 : f32
      %jit3A_474 = arith.constant 0.000000e+00 : f32
      %broadcast_in_dim3A_475 = vector.broadcast %jit3A_473 : f32 to vector<16x128xf32>
      %broadcast_in_dim3A_476 = vector.broadcast %jit3A_474 : f32 to vector<16x128xf32>
      %select_n3A_477 = arith.select %eq3A_460, %broadcast_in_dim3A_475, %broadcast_in_dim3A_476 : vector<16x128xi1>, vector<16x128xf32>
      %add3A_478 = arith.addf %add3A_427, %select_n3A_477 : vector<16x128xf32>
      %scan3A_479 = arith.constant 9 : i32
      %scan3A_480 = arith.addi %scan3A_29, %scan3A_479 : i32
      %mul3A_481 = arith.constant 16 : i32
      %mul3A_482 = arith.muli %scan3A_480, %mul3A_481 : i32
      %get3A_483 = arith.index_cast %mul3A_482 : i32 to index
      %get3A_484 = arith.constant 0 : index
      %get3A_485 = vector.load %arg1[%get3A_483, %get3A_484] : memref<10240x128xf32, #tpu.memory_space<vmem>>, vector<16x128xf32>
      %mul3A_486 = arith.constant 16 : i32
      %mul3A_487 = arith.muli %scan3A_480, %mul3A_486 : i32
      %get3A_488 = arith.index_cast %mul3A_487 : i32 to index
      %get3A_489 = arith.constant 0 : index
      %get3A_490 = vector.load %arg2[%get3A_488, %get3A_489] : memref<10240x128xf32, #tpu.memory_space<vmem>>, vector<16x128xf32>
      %max3A_491 = arith.constant -9.210240e+00 : f32
      %max3A_492 = vector.broadcast %max3A_491 : f32 to vector<16x128xf32>
      %max3A_493 = arith.maximumf %get3A_485, %max3A_492 : vector<16x128xf32>
      %min3A_494 = arith.constant 9.210240e+00 : f32
      %min3A_495 = vector.broadcast %min3A_494 : f32 to vector<16x128xf32>
      %min3A_496 = arith.minimumf %max3A_493, %min3A_495 : vector<16x128xf32>
      %neg3A_497 = arith.constant 0.000000e+00 : f32
      %neg3A_498 = vector.broadcast %neg3A_497 : f32 to vector<16x128xf32>
      %neg3A_499 = arith.subf %neg3A_498, %min3A_496 : vector<16x128xf32>
      %exp3A_500 = math.exp %neg3A_499 : vector<16x128xf32>
      %add3A_501 = arith.constant 1.000000e+00 : f32
      %add3A_502 = vector.broadcast %add3A_501 : f32 to vector<16x128xf32>
      %add3A_503 = arith.addf %exp3A_500, %add3A_502 : vector<16x128xf32>
      %log3A_504 = math.log %add3A_503 : vector<16x128xf32>
      %mul3A_505 = arith.mulf %add3A_503, %add3A_503 : vector<16x128xf32>
      %div3A_506 = arith.constant 1.000000e+00 : f32
      %div3A_507 = vector.broadcast %div3A_506 : f32 to vector<16x128xf32>
      %div3A_508 = arith.divf %div3A_507, %mul3A_505 : vector<16x128xf32>
      %eq3A_509 = arith.constant 1.000000e+00 : f32
      %eq3A_510 = vector.broadcast %eq3A_509 : f32 to vector<16x128xf32>
      %eq3A_511 = arith.cmpf oeq, %get3A_490, %eq3A_510 : vector<16x128xf32>
      %sub3A_512 = arith.constant 1.000000e+00 : f32
      %sub3A_513 = vector.broadcast %sub3A_512 : f32 to vector<16x128xf32>
      %sub3A_514 = arith.subf %sub3A_513, %get3A_490 : vector<16x128xf32>
      %mul3A_515 = arith.mulf %sub3A_514, %sub3A_514 : vector<16x128xf32>
      %mul3A_516 = arith.mulf %exp3A_500, %exp3A_500 : vector<16x128xf32>
      %mul3A_517 = arith.mulf %log3A_504, %mul3A_516 : vector<16x128xf32>
      %add3A_518 = arith.addf %log3A_504, %min3A_496 : vector<16x128xf32>
      %mul3A_519 = arith.mulf %mul3A_515, %mul3A_515 : vector<16x128xf32>
      %mul3A_520 = arith.mulf %add3A_518, %mul3A_519 : vector<16x128xf32>
      %select_n3A_521 = arith.select %eq3A_511, %mul3A_517, %mul3A_520 : vector<16x128xi1>, vector<16x128xf32>
      %mul3A_522 = arith.mulf %select_n3A_521, %div3A_508 : vector<16x128xf32>
      %add3A_523 = arith.addf %add3A_472, %mul3A_522 : vector<16x128xf32>
      %jit3A_524 = arith.constant 1.000000e+00 : f32
      %jit3A_525 = arith.constant 0.000000e+00 : f32
      %broadcast_in_dim3A_526 = vector.broadcast %jit3A_524 : f32 to vector<16x128xf32>
      %broadcast_in_dim3A_527 = vector.broadcast %jit3A_525 : f32 to vector<16x128xf32>
      %select_n3A_528 = arith.select %eq3A_511, %broadcast_in_dim3A_526, %broadcast_in_dim3A_527 : vector<16x128xi1>, vector<16x128xf32>
      %add3A_529 = arith.addf %add3A_478, %select_n3A_528 : vector<16x128xf32>
      %scan3A_530 = arith.constant 10 : i32
      %scan3A_531 = arith.addi %scan3A_29, %scan3A_530 : i32
      %mul3A_532 = arith.constant 16 : i32
      %mul3A_533 = arith.muli %scan3A_531, %mul3A_532 : i32
      %get3A_534 = arith.index_cast %mul3A_533 : i32 to index
      %get3A_535 = arith.constant 0 : index
      %get3A_536 = vector.load %arg1[%get3A_534, %get3A_535] : memref<10240x128xf32, #tpu.memory_space<vmem>>, vector<16x128xf32>
      %mul3A_537 = arith.constant 16 : i32
      %mul3A_538 = arith.muli %scan3A_531, %mul3A_537 : i32
      %get3A_539 = arith.index_cast %mul3A_538 : i32 to index
      %get3A_540 = arith.constant 0 : index
      %get3A_541 = vector.load %arg2[%get3A_539, %get3A_540] : memref<10240x128xf32, #tpu.memory_space<vmem>>, vector<16x128xf32>
      %max3A_542 = arith.constant -9.210240e+00 : f32
      %max3A_543 = vector.broadcast %max3A_542 : f32 to vector<16x128xf32>
      %max3A_544 = arith.maximumf %get3A_536, %max3A_543 : vector<16x128xf32>
      %min3A_545 = arith.constant 9.210240e+00 : f32
      %min3A_546 = vector.broadcast %min3A_545 : f32 to vector<16x128xf32>
      %min3A_547 = arith.minimumf %max3A_544, %min3A_546 : vector<16x128xf32>
      %neg3A_548 = arith.constant 0.000000e+00 : f32
      %neg3A_549 = vector.broadcast %neg3A_548 : f32 to vector<16x128xf32>
      %neg3A_550 = arith.subf %neg3A_549, %min3A_547 : vector<16x128xf32>
      %exp3A_551 = math.exp %neg3A_550 : vector<16x128xf32>
      %add3A_552 = arith.constant 1.000000e+00 : f32
      %add3A_553 = vector.broadcast %add3A_552 : f32 to vector<16x128xf32>
      %add3A_554 = arith.addf %exp3A_551, %add3A_553 : vector<16x128xf32>
      %log3A_555 = math.log %add3A_554 : vector<16x128xf32>
      %mul3A_556 = arith.mulf %add3A_554, %add3A_554 : vector<16x128xf32>
      %div3A_557 = arith.constant 1.000000e+00 : f32
      %div3A_558 = vector.broadcast %div3A_557 : f32 to vector<16x128xf32>
      %div3A_559 = arith.divf %div3A_558, %mul3A_556 : vector<16x128xf32>
      %eq3A_560 = arith.constant 1.000000e+00 : f32
      %eq3A_561 = vector.broadcast %eq3A_560 : f32 to vector<16x128xf32>
      %eq3A_562 = arith.cmpf oeq, %get3A_541, %eq3A_561 : vector<16x128xf32>
      %sub3A_563 = arith.constant 1.000000e+00 : f32
      %sub3A_564 = vector.broadcast %sub3A_563 : f32 to vector<16x128xf32>
      %sub3A_565 = arith.subf %sub3A_564, %get3A_541 : vector<16x128xf32>
      %mul3A_566 = arith.mulf %sub3A_565, %sub3A_565 : vector<16x128xf32>
      %mul3A_567 = arith.mulf %exp3A_551, %exp3A_551 : vector<16x128xf32>
      %mul3A_568 = arith.mulf %log3A_555, %mul3A_567 : vector<16x128xf32>
      %add3A_569 = arith.addf %log3A_555, %min3A_547 : vector<16x128xf32>
      %mul3A_570 = arith.mulf %mul3A_566, %mul3A_566 : vector<16x128xf32>
      %mul3A_571 = arith.mulf %add3A_569, %mul3A_570 : vector<16x128xf32>
      %select_n3A_572 = arith.select %eq3A_562, %mul3A_568, %mul3A_571 : vector<16x128xi1>, vector<16x128xf32>
      %mul3A_573 = arith.mulf %select_n3A_572, %div3A_559 : vector<16x128xf32>
      %add3A_574 = arith.addf %add3A_523, %mul3A_573 : vector<16x128xf32>
      %jit3A_575 = arith.constant 1.000000e+00 : f32
      %jit3A_576 = arith.constant 0.000000e+00 : f32
      %broadcast_in_dim3A_577 = vector.broadcast %jit3A_575 : f32 to vector<16x128xf32>
      %broadcast_in_dim3A_578 = vector.broadcast %jit3A_576 : f32 to vector<16x128xf32>
      %select_n3A_579 = arith.select %eq3A_562, %broadcast_in_dim3A_577, %broadcast_in_dim3A_578 : vector<16x128xi1>, vector<16x128xf32>
      %add3A_580 = arith.addf %add3A_529, %select_n3A_579 : vector<16x128xf32>
      %scan3A_581 = arith.constant 11 : i32
      %scan3A_582 = arith.addi %scan3A_29, %scan3A_581 : i32
      %mul3A_583 = arith.constant 16 : i32
      %mul3A_584 = arith.muli %scan3A_582, %mul3A_583 : i32
      %get3A_585 = arith.index_cast %mul3A_584 : i32 to index
      %get3A_586 = arith.constant 0 : index
      %get3A_587 = vector.load %arg1[%get3A_585, %get3A_586] : memref<10240x128xf32, #tpu.memory_space<vmem>>, vector<16x128xf32>
      %mul3A_588 = arith.constant 16 : i32
      %mul3A_589 = arith.muli %scan3A_582, %mul3A_588 : i32
      %get3A_590 = arith.index_cast %mul3A_589 : i32 to index
      %get3A_591 = arith.constant 0 : index
      %get3A_592 = vector.load %arg2[%get3A_590, %get3A_591] : memref<10240x128xf32, #tpu.memory_space<vmem>>, vector<16x128xf32>
      %max3A_593 = arith.constant -9.210240e+00 : f32
      %max3A_594 = vector.broadcast %max3A_593 : f32 to vector<16x128xf32>
      %max3A_595 = arith.maximumf %get3A_587, %max3A_594 : vector<16x128xf32>
      %min3A_596 = arith.constant 9.210240e+00 : f32
      %min3A_597 = vector.broadcast %min3A_596 : f32 to vector<16x128xf32>
      %min3A_598 = arith.minimumf %max3A_595, %min3A_597 : vector<16x128xf32>
      %neg3A_599 = arith.constant 0.000000e+00 : f32
      %neg3A_600 = vector.broadcast %neg3A_599 : f32 to vector<16x128xf32>
      %neg3A_601 = arith.subf %neg3A_600, %min3A_598 : vector<16x128xf32>
      %exp3A_602 = math.exp %neg3A_601 : vector<16x128xf32>
      %add3A_603 = arith.constant 1.000000e+00 : f32
      %add3A_604 = vector.broadcast %add3A_603 : f32 to vector<16x128xf32>
      %add3A_605 = arith.addf %exp3A_602, %add3A_604 : vector<16x128xf32>
      %log3A_606 = math.log %add3A_605 : vector<16x128xf32>
      %mul3A_607 = arith.mulf %add3A_605, %add3A_605 : vector<16x128xf32>
      %div3A_608 = arith.constant 1.000000e+00 : f32
      %div3A_609 = vector.broadcast %div3A_608 : f32 to vector<16x128xf32>
      %div3A_610 = arith.divf %div3A_609, %mul3A_607 : vector<16x128xf32>
      %eq3A_611 = arith.constant 1.000000e+00 : f32
      %eq3A_612 = vector.broadcast %eq3A_611 : f32 to vector<16x128xf32>
      %eq3A_613 = arith.cmpf oeq, %get3A_592, %eq3A_612 : vector<16x128xf32>
      %sub3A_614 = arith.constant 1.000000e+00 : f32
      %sub3A_615 = vector.broadcast %sub3A_614 : f32 to vector<16x128xf32>
      %sub3A_616 = arith.subf %sub3A_615, %get3A_592 : vector<16x128xf32>
      %mul3A_617 = arith.mulf %sub3A_616, %sub3A_616 : vector<16x128xf32>
      %mul3A_618 = arith.mulf %exp3A_602, %exp3A_602 : vector<16x128xf32>
      %mul3A_619 = arith.mulf %log3A_606, %mul3A_618 : vector<16x128xf32>
      %add3A_620 = arith.addf %log3A_606, %min3A_598 : vector<16x128xf32>
      %mul3A_621 = arith.mulf %mul3A_617, %mul3A_617 : vector<16x128xf32>
      %mul3A_622 = arith.mulf %add3A_620, %mul3A_621 : vector<16x128xf32>
      %select_n3A_623 = arith.select %eq3A_613, %mul3A_619, %mul3A_622 : vector<16x128xi1>, vector<16x128xf32>
      %mul3A_624 = arith.mulf %select_n3A_623, %div3A_610 : vector<16x128xf32>
      %add3A_625 = arith.addf %add3A_574, %mul3A_624 : vector<16x128xf32>
      %jit3A_626 = arith.constant 1.000000e+00 : f32
      %jit3A_627 = arith.constant 0.000000e+00 : f32
      %broadcast_in_dim3A_628 = vector.broadcast %jit3A_626 : f32 to vector<16x128xf32>
      %broadcast_in_dim3A_629 = vector.broadcast %jit3A_627 : f32 to vector<16x128xf32>
      %select_n3A_630 = arith.select %eq3A_613, %broadcast_in_dim3A_628, %broadcast_in_dim3A_629 : vector<16x128xi1>, vector<16x128xf32>
      %add3A_631 = arith.addf %add3A_580, %select_n3A_630 : vector<16x128xf32>
      %scan3A_632 = arith.constant 12 : i32
      %scan3A_633 = arith.addi %scan3A_29, %scan3A_632 : i32
      %mul3A_634 = arith.constant 16 : i32
      %mul3A_635 = arith.muli %scan3A_633, %mul3A_634 : i32
      %get3A_636 = arith.index_cast %mul3A_635 : i32 to index
      %get3A_637 = arith.constant 0 : index
      %get3A_638 = vector.load %arg1[%get3A_636, %get3A_637] : memref<10240x128xf32, #tpu.memory_space<vmem>>, vector<16x128xf32>
      %mul3A_639 = arith.constant 16 : i32
      %mul3A_640 = arith.muli %scan3A_633, %mul3A_639 : i32
      %get3A_641 = arith.index_cast %mul3A_640 : i32 to index
      %get3A_642 = arith.constant 0 : index
      %get3A_643 = vector.load %arg2[%get3A_641, %get3A_642] : memref<10240x128xf32, #tpu.memory_space<vmem>>, vector<16x128xf32>
      %max3A_644 = arith.constant -9.210240e+00 : f32
      %max3A_645 = vector.broadcast %max3A_644 : f32 to vector<16x128xf32>
      %max3A_646 = arith.maximumf %get3A_638, %max3A_645 : vector<16x128xf32>
      %min3A_647 = arith.constant 9.210240e+00 : f32
      %min3A_648 = vector.broadcast %min3A_647 : f32 to vector<16x128xf32>
      %min3A_649 = arith.minimumf %max3A_646, %min3A_648 : vector<16x128xf32>
      %neg3A_650 = arith.constant 0.000000e+00 : f32
      %neg3A_651 = vector.broadcast %neg3A_650 : f32 to vector<16x128xf32>
      %neg3A_652 = arith.subf %neg3A_651, %min3A_649 : vector<16x128xf32>
      %exp3A_653 = math.exp %neg3A_652 : vector<16x128xf32>
      %add3A_654 = arith.constant 1.000000e+00 : f32
      %add3A_655 = vector.broadcast %add3A_654 : f32 to vector<16x128xf32>
      %add3A_656 = arith.addf %exp3A_653, %add3A_655 : vector<16x128xf32>
      %log3A_657 = math.log %add3A_656 : vector<16x128xf32>
      %mul3A_658 = arith.mulf %add3A_656, %add3A_656 : vector<16x128xf32>
      %div3A_659 = arith.constant 1.000000e+00 : f32
      %div3A_660 = vector.broadcast %div3A_659 : f32 to vector<16x128xf32>
      %div3A_661 = arith.divf %div3A_660, %mul3A_658 : vector<16x128xf32>
      %eq3A_662 = arith.constant 1.000000e+00 : f32
      %eq3A_663 = vector.broadcast %eq3A_662 : f32 to vector<16x128xf32>
      %eq3A_664 = arith.cmpf oeq, %get3A_643, %eq3A_663 : vector<16x128xf32>
      %sub3A_665 = arith.constant 1.000000e+00 : f32
      %sub3A_666 = vector.broadcast %sub3A_665 : f32 to vector<16x128xf32>
      %sub3A_667 = arith.subf %sub3A_666, %get3A_643 : vector<16x128xf32>
      %mul3A_668 = arith.mulf %sub3A_667, %sub3A_667 : vector<16x128xf32>
      %mul3A_669 = arith.mulf %exp3A_653, %exp3A_653 : vector<16x128xf32>
      %mul3A_670 = arith.mulf %log3A_657, %mul3A_669 : vector<16x128xf32>
      %add3A_671 = arith.addf %log3A_657, %min3A_649 : vector<16x128xf32>
      %mul3A_672 = arith.mulf %mul3A_668, %mul3A_668 : vector<16x128xf32>
      %mul3A_673 = arith.mulf %add3A_671, %mul3A_672 : vector<16x128xf32>
      %select_n3A_674 = arith.select %eq3A_664, %mul3A_670, %mul3A_673 : vector<16x128xi1>, vector<16x128xf32>
      %mul3A_675 = arith.mulf %select_n3A_674, %div3A_661 : vector<16x128xf32>
      %add3A_676 = arith.addf %add3A_625, %mul3A_675 : vector<16x128xf32>
      %jit3A_677 = arith.constant 1.000000e+00 : f32
      %jit3A_678 = arith.constant 0.000000e+00 : f32
      %broadcast_in_dim3A_679 = vector.broadcast %jit3A_677 : f32 to vector<16x128xf32>
      %broadcast_in_dim3A_680 = vector.broadcast %jit3A_678 : f32 to vector<16x128xf32>
      %select_n3A_681 = arith.select %eq3A_664, %broadcast_in_dim3A_679, %broadcast_in_dim3A_680 : vector<16x128xi1>, vector<16x128xf32>
      %add3A_682 = arith.addf %add3A_631, %select_n3A_681 : vector<16x128xf32>
      %scan3A_683 = arith.constant 13 : i32
      %scan3A_684 = arith.addi %scan3A_29, %scan3A_683 : i32
      %mul3A_685 = arith.constant 16 : i32
      %mul3A_686 = arith.muli %scan3A_684, %mul3A_685 : i32
      %get3A_687 = arith.index_cast %mul3A_686 : i32 to index
      %get3A_688 = arith.constant 0 : index
      %get3A_689 = vector.load %arg1[%get3A_687, %get3A_688] : memref<10240x128xf32, #tpu.memory_space<vmem>>, vector<16x128xf32>
      %mul3A_690 = arith.constant 16 : i32
      %mul3A_691 = arith.muli %scan3A_684, %mul3A_690 : i32
      %get3A_692 = arith.index_cast %mul3A_691 : i32 to index
      %get3A_693 = arith.constant 0 : index
      %get3A_694 = vector.load %arg2[%get3A_692, %get3A_693] : memref<10240x128xf32, #tpu.memory_space<vmem>>, vector<16x128xf32>
      %max3A_695 = arith.constant -9.210240e+00 : f32
      %max3A_696 = vector.broadcast %max3A_695 : f32 to vector<16x128xf32>
      %max3A_697 = arith.maximumf %get3A_689, %max3A_696 : vector<16x128xf32>
      %min3A_698 = arith.constant 9.210240e+00 : f32
      %min3A_699 = vector.broadcast %min3A_698 : f32 to vector<16x128xf32>
      %min3A_700 = arith.minimumf %max3A_697, %min3A_699 : vector<16x128xf32>
      %neg3A_701 = arith.constant 0.000000e+00 : f32
      %neg3A_702 = vector.broadcast %neg3A_701 : f32 to vector<16x128xf32>
      %neg3A_703 = arith.subf %neg3A_702, %min3A_700 : vector<16x128xf32>
      %exp3A_704 = math.exp %neg3A_703 : vector<16x128xf32>
      %add3A_705 = arith.constant 1.000000e+00 : f32
      %add3A_706 = vector.broadcast %add3A_705 : f32 to vector<16x128xf32>
      %add3A_707 = arith.addf %exp3A_704, %add3A_706 : vector<16x128xf32>
      %log3A_708 = math.log %add3A_707 : vector<16x128xf32>
      %mul3A_709 = arith.mulf %add3A_707, %add3A_707 : vector<16x128xf32>
      %div3A_710 = arith.constant 1.000000e+00 : f32
      %div3A_711 = vector.broadcast %div3A_710 : f32 to vector<16x128xf32>
      %div3A_712 = arith.divf %div3A_711, %mul3A_709 : vector<16x128xf32>
      %eq3A_713 = arith.constant 1.000000e+00 : f32
      %eq3A_714 = vector.broadcast %eq3A_713 : f32 to vector<16x128xf32>
      %eq3A_715 = arith.cmpf oeq, %get3A_694, %eq3A_714 : vector<16x128xf32>
      %sub3A_716 = arith.constant 1.000000e+00 : f32
      %sub3A_717 = vector.broadcast %sub3A_716 : f32 to vector<16x128xf32>
      %sub3A_718 = arith.subf %sub3A_717, %get3A_694 : vector<16x128xf32>
      %mul3A_719 = arith.mulf %sub3A_718, %sub3A_718 : vector<16x128xf32>
      %mul3A_720 = arith.mulf %exp3A_704, %exp3A_704 : vector<16x128xf32>
      %mul3A_721 = arith.mulf %log3A_708, %mul3A_720 : vector<16x128xf32>
      %add3A_722 = arith.addf %log3A_708, %min3A_700 : vector<16x128xf32>
      %mul3A_723 = arith.mulf %mul3A_719, %mul3A_719 : vector<16x128xf32>
      %mul3A_724 = arith.mulf %add3A_722, %mul3A_723 : vector<16x128xf32>
      %select_n3A_725 = arith.select %eq3A_715, %mul3A_721, %mul3A_724 : vector<16x128xi1>, vector<16x128xf32>
      %mul3A_726 = arith.mulf %select_n3A_725, %div3A_712 : vector<16x128xf32>
      %add3A_727 = arith.addf %add3A_676, %mul3A_726 : vector<16x128xf32>
      %jit3A_728 = arith.constant 1.000000e+00 : f32
      %jit3A_729 = arith.constant 0.000000e+00 : f32
      %broadcast_in_dim3A_730 = vector.broadcast %jit3A_728 : f32 to vector<16x128xf32>
      %broadcast_in_dim3A_731 = vector.broadcast %jit3A_729 : f32 to vector<16x128xf32>
      %select_n3A_732 = arith.select %eq3A_715, %broadcast_in_dim3A_730, %broadcast_in_dim3A_731 : vector<16x128xi1>, vector<16x128xf32>
      %add3A_733 = arith.addf %add3A_682, %select_n3A_732 : vector<16x128xf32>
      %scan3A_734 = arith.constant 14 : i32
      %scan3A_735 = arith.addi %scan3A_29, %scan3A_734 : i32
      %mul3A_736 = arith.constant 16 : i32
      %mul3A_737 = arith.muli %scan3A_735, %mul3A_736 : i32
      %get3A_738 = arith.index_cast %mul3A_737 : i32 to index
      %get3A_739 = arith.constant 0 : index
      %get3A_740 = vector.load %arg1[%get3A_738, %get3A_739] : memref<10240x128xf32, #tpu.memory_space<vmem>>, vector<16x128xf32>
      %mul3A_741 = arith.constant 16 : i32
      %mul3A_742 = arith.muli %scan3A_735, %mul3A_741 : i32
      %get3A_743 = arith.index_cast %mul3A_742 : i32 to index
      %get3A_744 = arith.constant 0 : index
      %get3A_745 = vector.load %arg2[%get3A_743, %get3A_744] : memref<10240x128xf32, #tpu.memory_space<vmem>>, vector<16x128xf32>
      %max3A_746 = arith.constant -9.210240e+00 : f32
      %max3A_747 = vector.broadcast %max3A_746 : f32 to vector<16x128xf32>
      %max3A_748 = arith.maximumf %get3A_740, %max3A_747 : vector<16x128xf32>
      %min3A_749 = arith.constant 9.210240e+00 : f32
      %min3A_750 = vector.broadcast %min3A_749 : f32 to vector<16x128xf32>
      %min3A_751 = arith.minimumf %max3A_748, %min3A_750 : vector<16x128xf32>
      %neg3A_752 = arith.constant 0.000000e+00 : f32
      %neg3A_753 = vector.broadcast %neg3A_752 : f32 to vector<16x128xf32>
      %neg3A_754 = arith.subf %neg3A_753, %min3A_751 : vector<16x128xf32>
      %exp3A_755 = math.exp %neg3A_754 : vector<16x128xf32>
      %add3A_756 = arith.constant 1.000000e+00 : f32
      %add3A_757 = vector.broadcast %add3A_756 : f32 to vector<16x128xf32>
      %add3A_758 = arith.addf %exp3A_755, %add3A_757 : vector<16x128xf32>
      %log3A_759 = math.log %add3A_758 : vector<16x128xf32>
      %mul3A_760 = arith.mulf %add3A_758, %add3A_758 : vector<16x128xf32>
      %div3A_761 = arith.constant 1.000000e+00 : f32
      %div3A_762 = vector.broadcast %div3A_761 : f32 to vector<16x128xf32>
      %div3A_763 = arith.divf %div3A_762, %mul3A_760 : vector<16x128xf32>
      %eq3A_764 = arith.constant 1.000000e+00 : f32
      %eq3A_765 = vector.broadcast %eq3A_764 : f32 to vector<16x128xf32>
      %eq3A_766 = arith.cmpf oeq, %get3A_745, %eq3A_765 : vector<16x128xf32>
      %sub3A_767 = arith.constant 1.000000e+00 : f32
      %sub3A_768 = vector.broadcast %sub3A_767 : f32 to vector<16x128xf32>
      %sub3A_769 = arith.subf %sub3A_768, %get3A_745 : vector<16x128xf32>
      %mul3A_770 = arith.mulf %sub3A_769, %sub3A_769 : vector<16x128xf32>
      %mul3A_771 = arith.mulf %exp3A_755, %exp3A_755 : vector<16x128xf32>
      %mul3A_772 = arith.mulf %log3A_759, %mul3A_771 : vector<16x128xf32>
      %add3A_773 = arith.addf %log3A_759, %min3A_751 : vector<16x128xf32>
      %mul3A_774 = arith.mulf %mul3A_770, %mul3A_770 : vector<16x128xf32>
      %mul3A_775 = arith.mulf %add3A_773, %mul3A_774 : vector<16x128xf32>
      %select_n3A_776 = arith.select %eq3A_766, %mul3A_772, %mul3A_775 : vector<16x128xi1>, vector<16x128xf32>
      %mul3A_777 = arith.mulf %select_n3A_776, %div3A_763 : vector<16x128xf32>
      %add3A_778 = arith.addf %add3A_727, %mul3A_777 : vector<16x128xf32>
      %jit3A_779 = arith.constant 1.000000e+00 : f32
      %jit3A_780 = arith.constant 0.000000e+00 : f32
      %broadcast_in_dim3A_781 = vector.broadcast %jit3A_779 : f32 to vector<16x128xf32>
      %broadcast_in_dim3A_782 = vector.broadcast %jit3A_780 : f32 to vector<16x128xf32>
      %select_n3A_783 = arith.select %eq3A_766, %broadcast_in_dim3A_781, %broadcast_in_dim3A_782 : vector<16x128xi1>, vector<16x128xf32>
      %add3A_784 = arith.addf %add3A_733, %select_n3A_783 : vector<16x128xf32>
      %scan3A_785 = arith.constant 15 : i32
      %scan3A_786 = arith.addi %scan3A_29, %scan3A_785 : i32
      %mul3A_787 = arith.constant 16 : i32
      %mul3A_788 = arith.muli %scan3A_786, %mul3A_787 : i32
      %get3A_789 = arith.index_cast %mul3A_788 : i32 to index
      %get3A_790 = arith.constant 0 : index
      %get3A_791 = vector.load %arg1[%get3A_789, %get3A_790] : memref<10240x128xf32, #tpu.memory_space<vmem>>, vector<16x128xf32>
      %mul3A_792 = arith.constant 16 : i32
      %mul3A_793 = arith.muli %scan3A_786, %mul3A_792 : i32
      %get3A_794 = arith.index_cast %mul3A_793 : i32 to index
      %get3A_795 = arith.constant 0 : index
      %get3A_796 = vector.load %arg2[%get3A_794, %get3A_795] : memref<10240x128xf32, #tpu.memory_space<vmem>>, vector<16x128xf32>
      %max3A_797 = arith.constant -9.210240e+00 : f32
      %max3A_798 = vector.broadcast %max3A_797 : f32 to vector<16x128xf32>
      %max3A_799 = arith.maximumf %get3A_791, %max3A_798 : vector<16x128xf32>
      %min3A_800 = arith.constant 9.210240e+00 : f32
      %min3A_801 = vector.broadcast %min3A_800 : f32 to vector<16x128xf32>
      %min3A_802 = arith.minimumf %max3A_799, %min3A_801 : vector<16x128xf32>
      %neg3A_803 = arith.constant 0.000000e+00 : f32
      %neg3A_804 = vector.broadcast %neg3A_803 : f32 to vector<16x128xf32>
      %neg3A_805 = arith.subf %neg3A_804, %min3A_802 : vector<16x128xf32>
      %exp3A_806 = math.exp %neg3A_805 : vector<16x128xf32>
      %add3A_807 = arith.constant 1.000000e+00 : f32
      %add3A_808 = vector.broadcast %add3A_807 : f32 to vector<16x128xf32>
      %add3A_809 = arith.addf %exp3A_806, %add3A_808 : vector<16x128xf32>
      %log3A_810 = math.log %add3A_809 : vector<16x128xf32>
      %mul3A_811 = arith.mulf %add3A_809, %add3A_809 : vector<16x128xf32>
      %div3A_812 = arith.constant 1.000000e+00 : f32
      %div3A_813 = vector.broadcast %div3A_812 : f32 to vector<16x128xf32>
      %div3A_814 = arith.divf %div3A_813, %mul3A_811 : vector<16x128xf32>
      %eq3A_815 = arith.constant 1.000000e+00 : f32
      %eq3A_816 = vector.broadcast %eq3A_815 : f32 to vector<16x128xf32>
      %eq3A_817 = arith.cmpf oeq, %get3A_796, %eq3A_816 : vector<16x128xf32>
      %sub3A_818 = arith.constant 1.000000e+00 : f32
      %sub3A_819 = vector.broadcast %sub3A_818 : f32 to vector<16x128xf32>
      %sub3A_820 = arith.subf %sub3A_819, %get3A_796 : vector<16x128xf32>
      %mul3A_821 = arith.mulf %sub3A_820, %sub3A_820 : vector<16x128xf32>
      %mul3A_822 = arith.mulf %exp3A_806, %exp3A_806 : vector<16x128xf32>
      %mul3A_823 = arith.mulf %log3A_810, %mul3A_822 : vector<16x128xf32>
      %add3A_824 = arith.addf %log3A_810, %min3A_802 : vector<16x128xf32>
      %mul3A_825 = arith.mulf %mul3A_821, %mul3A_821 : vector<16x128xf32>
      %mul3A_826 = arith.mulf %add3A_824, %mul3A_825 : vector<16x128xf32>
      %select_n3A_827 = arith.select %eq3A_817, %mul3A_823, %mul3A_826 : vector<16x128xi1>, vector<16x128xf32>
      %mul3A_828 = arith.mulf %select_n3A_827, %div3A_814 : vector<16x128xf32>
      %add3A_829 = arith.addf %add3A_778, %mul3A_828 : vector<16x128xf32>
      %jit3A_830 = arith.constant 1.000000e+00 : f32
      %jit3A_831 = arith.constant 0.000000e+00 : f32
      %broadcast_in_dim3A_832 = vector.broadcast %jit3A_830 : f32 to vector<16x128xf32>
      %broadcast_in_dim3A_833 = vector.broadcast %jit3A_831 : f32 to vector<16x128xf32>
      %select_n3A_834 = arith.select %eq3A_817, %broadcast_in_dim3A_832, %broadcast_in_dim3A_833 : vector<16x128xi1>, vector<16x128xf32>
      %add3A_835 = arith.addf %add3A_784, %select_n3A_834 : vector<16x128xf32>
      %scan3A_836 = arith.constant 16 : i32
      %scan3A_837 = arith.addi %scan3A_29, %scan3A_836 : i32
      %mul3A_838 = arith.constant 16 : i32
      %mul3A_839 = arith.muli %scan3A_837, %mul3A_838 : i32
      %get3A_840 = arith.index_cast %mul3A_839 : i32 to index
      %get3A_841 = arith.constant 0 : index
      %get3A_842 = vector.load %arg1[%get3A_840, %get3A_841] : memref<10240x128xf32, #tpu.memory_space<vmem>>, vector<16x128xf32>
      %mul3A_843 = arith.constant 16 : i32
      %mul3A_844 = arith.muli %scan3A_837, %mul3A_843 : i32
      %get3A_845 = arith.index_cast %mul3A_844 : i32 to index
      %get3A_846 = arith.constant 0 : index
      %get3A_847 = vector.load %arg2[%get3A_845, %get3A_846] : memref<10240x128xf32, #tpu.memory_space<vmem>>, vector<16x128xf32>
      %max3A_848 = arith.constant -9.210240e+00 : f32
      %max3A_849 = vector.broadcast %max3A_848 : f32 to vector<16x128xf32>
      %max3A_850 = arith.maximumf %get3A_842, %max3A_849 : vector<16x128xf32>
      %min3A_851 = arith.constant 9.210240e+00 : f32
      %min3A_852 = vector.broadcast %min3A_851 : f32 to vector<16x128xf32>
      %min3A_853 = arith.minimumf %max3A_850, %min3A_852 : vector<16x128xf32>
      %neg3A_854 = arith.constant 0.000000e+00 : f32
      %neg3A_855 = vector.broadcast %neg3A_854 : f32 to vector<16x128xf32>
      %neg3A_856 = arith.subf %neg3A_855, %min3A_853 : vector<16x128xf32>
      %exp3A_857 = math.exp %neg3A_856 : vector<16x128xf32>
      %add3A_858 = arith.constant 1.000000e+00 : f32
      %add3A_859 = vector.broadcast %add3A_858 : f32 to vector<16x128xf32>
      %add3A_860 = arith.addf %exp3A_857, %add3A_859 : vector<16x128xf32>
      %log3A_861 = math.log %add3A_860 : vector<16x128xf32>
      %mul3A_862 = arith.mulf %add3A_860, %add3A_860 : vector<16x128xf32>
      %div3A_863 = arith.constant 1.000000e+00 : f32
      %div3A_864 = vector.broadcast %div3A_863 : f32 to vector<16x128xf32>
      %div3A_865 = arith.divf %div3A_864, %mul3A_862 : vector<16x128xf32>
      %eq3A_866 = arith.constant 1.000000e+00 : f32
      %eq3A_867 = vector.broadcast %eq3A_866 : f32 to vector<16x128xf32>
      %eq3A_868 = arith.cmpf oeq, %get3A_847, %eq3A_867 : vector<16x128xf32>
      %sub3A_869 = arith.constant 1.000000e+00 : f32
      %sub3A_870 = vector.broadcast %sub3A_869 : f32 to vector<16x128xf32>
      %sub3A_871 = arith.subf %sub3A_870, %get3A_847 : vector<16x128xf32>
      %mul3A_872 = arith.mulf %sub3A_871, %sub3A_871 : vector<16x128xf32>
      %mul3A_873 = arith.mulf %exp3A_857, %exp3A_857 : vector<16x128xf32>
      %mul3A_874 = arith.mulf %log3A_861, %mul3A_873 : vector<16x128xf32>
      %add3A_875 = arith.addf %log3A_861, %min3A_853 : vector<16x128xf32>
      %mul3A_876 = arith.mulf %mul3A_872, %mul3A_872 : vector<16x128xf32>
      %mul3A_877 = arith.mulf %add3A_875, %mul3A_876 : vector<16x128xf32>
      %select_n3A_878 = arith.select %eq3A_868, %mul3A_874, %mul3A_877 : vector<16x128xi1>, vector<16x128xf32>
      %mul3A_879 = arith.mulf %select_n3A_878, %div3A_865 : vector<16x128xf32>
      %add3A_880 = arith.addf %add3A_829, %mul3A_879 : vector<16x128xf32>
      %jit3A_881 = arith.constant 1.000000e+00 : f32
      %jit3A_882 = arith.constant 0.000000e+00 : f32
      %broadcast_in_dim3A_883 = vector.broadcast %jit3A_881 : f32 to vector<16x128xf32>
      %broadcast_in_dim3A_884 = vector.broadcast %jit3A_882 : f32 to vector<16x128xf32>
      %select_n3A_885 = arith.select %eq3A_868, %broadcast_in_dim3A_883, %broadcast_in_dim3A_884 : vector<16x128xi1>, vector<16x128xf32>
      %add3A_886 = arith.addf %add3A_835, %select_n3A_885 : vector<16x128xf32>
      %scan3A_887 = arith.constant 17 : i32
      %scan3A_888 = arith.addi %scan3A_29, %scan3A_887 : i32
      %mul3A_889 = arith.constant 16 : i32
      %mul3A_890 = arith.muli %scan3A_888, %mul3A_889 : i32
      %get3A_891 = arith.index_cast %mul3A_890 : i32 to index
      %get3A_892 = arith.constant 0 : index
      %get3A_893 = vector.load %arg1[%get3A_891, %get3A_892] : memref<10240x128xf32, #tpu.memory_space<vmem>>, vector<16x128xf32>
      %mul3A_894 = arith.constant 16 : i32
      %mul3A_895 = arith.muli %scan3A_888, %mul3A_894 : i32
      %get3A_896 = arith.index_cast %mul3A_895 : i32 to index
      %get3A_897 = arith.constant 0 : index
      %get3A_898 = vector.load %arg2[%get3A_896, %get3A_897] : memref<10240x128xf32, #tpu.memory_space<vmem>>, vector<16x128xf32>
      %max3A_899 = arith.constant -9.210240e+00 : f32
      %max3A_900 = vector.broadcast %max3A_899 : f32 to vector<16x128xf32>
      %max3A_901 = arith.maximumf %get3A_893, %max3A_900 : vector<16x128xf32>
      %min3A_902 = arith.constant 9.210240e+00 : f32
      %min3A_903 = vector.broadcast %min3A_902 : f32 to vector<16x128xf32>
      %min3A_904 = arith.minimumf %max3A_901, %min3A_903 : vector<16x128xf32>
      %neg3A_905 = arith.constant 0.000000e+00 : f32
      %neg3A_906 = vector.broadcast %neg3A_905 : f32 to vector<16x128xf32>
      %neg3A_907 = arith.subf %neg3A_906, %min3A_904 : vector<16x128xf32>
      %exp3A_908 = math.exp %neg3A_907 : vector<16x128xf32>
      %add3A_909 = arith.constant 1.000000e+00 : f32
      %add3A_910 = vector.broadcast %add3A_909 : f32 to vector<16x128xf32>
      %add3A_911 = arith.addf %exp3A_908, %add3A_910 : vector<16x128xf32>
      %log3A_912 = math.log %add3A_911 : vector<16x128xf32>
      %mul3A_913 = arith.mulf %add3A_911, %add3A_911 : vector<16x128xf32>
      %div3A_914 = arith.constant 1.000000e+00 : f32
      %div3A_915 = vector.broadcast %div3A_914 : f32 to vector<16x128xf32>
      %div3A_916 = arith.divf %div3A_915, %mul3A_913 : vector<16x128xf32>
      %eq3A_917 = arith.constant 1.000000e+00 : f32
      %eq3A_918 = vector.broadcast %eq3A_917 : f32 to vector<16x128xf32>
      %eq3A_919 = arith.cmpf oeq, %get3A_898, %eq3A_918 : vector<16x128xf32>
      %sub3A_920 = arith.constant 1.000000e+00 : f32
      %sub3A_921 = vector.broadcast %sub3A_920 : f32 to vector<16x128xf32>
      %sub3A_922 = arith.subf %sub3A_921, %get3A_898 : vector<16x128xf32>
      %mul3A_923 = arith.mulf %sub3A_922, %sub3A_922 : vector<16x128xf32>
      %mul3A_924 = arith.mulf %exp3A_908, %exp3A_908 : vector<16x128xf32>
      %mul3A_925 = arith.mulf %log3A_912, %mul3A_924 : vector<16x128xf32>
      %add3A_926 = arith.addf %log3A_912, %min3A_904 : vector<16x128xf32>
      %mul3A_927 = arith.mulf %mul3A_923, %mul3A_923 : vector<16x128xf32>
      %mul3A_928 = arith.mulf %add3A_926, %mul3A_927 : vector<16x128xf32>
      %select_n3A_929 = arith.select %eq3A_919, %mul3A_925, %mul3A_928 : vector<16x128xi1>, vector<16x128xf32>
      %mul3A_930 = arith.mulf %select_n3A_929, %div3A_916 : vector<16x128xf32>
      %add3A_931 = arith.addf %add3A_880, %mul3A_930 : vector<16x128xf32>
      %jit3A_932 = arith.constant 1.000000e+00 : f32
      %jit3A_933 = arith.constant 0.000000e+00 : f32
      %broadcast_in_dim3A_934 = vector.broadcast %jit3A_932 : f32 to vector<16x128xf32>
      %broadcast_in_dim3A_935 = vector.broadcast %jit3A_933 : f32 to vector<16x128xf32>
      %select_n3A_936 = arith.select %eq3A_919, %broadcast_in_dim3A_934, %broadcast_in_dim3A_935 : vector<16x128xi1>, vector<16x128xf32>
      %add3A_937 = arith.addf %add3A_886, %select_n3A_936 : vector<16x128xf32>
      %scan3A_938 = arith.constant 18 : i32
      %scan3A_939 = arith.addi %scan3A_29, %scan3A_938 : i32
      %mul3A_940 = arith.constant 16 : i32
      %mul3A_941 = arith.muli %scan3A_939, %mul3A_940 : i32
      %get3A_942 = arith.index_cast %mul3A_941 : i32 to index
      %get3A_943 = arith.constant 0 : index
      %get3A_944 = vector.load %arg1[%get3A_942, %get3A_943] : memref<10240x128xf32, #tpu.memory_space<vmem>>, vector<16x128xf32>
      %mul3A_945 = arith.constant 16 : i32
      %mul3A_946 = arith.muli %scan3A_939, %mul3A_945 : i32
      %get3A_947 = arith.index_cast %mul3A_946 : i32 to index
      %get3A_948 = arith.constant 0 : index
      %get3A_949 = vector.load %arg2[%get3A_947, %get3A_948] : memref<10240x128xf32, #tpu.memory_space<vmem>>, vector<16x128xf32>
      %max3A_950 = arith.constant -9.210240e+00 : f32
      %max3A_951 = vector.broadcast %max3A_950 : f32 to vector<16x128xf32>
      %max3A_952 = arith.maximumf %get3A_944, %max3A_951 : vector<16x128xf32>
      %min3A_953 = arith.constant 9.210240e+00 : f32
      %min3A_954 = vector.broadcast %min3A_953 : f32 to vector<16x128xf32>
      %min3A_955 = arith.minimumf %max3A_952, %min3A_954 : vector<16x128xf32>
      %neg3A_956 = arith.constant 0.000000e+00 : f32
      %neg3A_957 = vector.broadcast %neg3A_956 : f32 to vector<16x128xf32>
      %neg3A_958 = arith.subf %neg3A_957, %min3A_955 : vector<16x128xf32>
      %exp3A_959 = math.exp %neg3A_958 : vector<16x128xf32>
      %add3A_960 = arith.constant 1.000000e+00 : f32
      %add3A_961 = vector.broadcast %add3A_960 : f32 to vector<16x128xf32>
      %add3A_962 = arith.addf %exp3A_959, %add3A_961 : vector<16x128xf32>
      %log3A_963 = math.log %add3A_962 : vector<16x128xf32>
      %mul3A_964 = arith.mulf %add3A_962, %add3A_962 : vector<16x128xf32>
      %div3A_965 = arith.constant 1.000000e+00 : f32
      %div3A_966 = vector.broadcast %div3A_965 : f32 to vector<16x128xf32>
      %div3A_967 = arith.divf %div3A_966, %mul3A_964 : vector<16x128xf32>
      %eq3A_968 = arith.constant 1.000000e+00 : f32
      %eq3A_969 = vector.broadcast %eq3A_968 : f32 to vector<16x128xf32>
      %eq3A_970 = arith.cmpf oeq, %get3A_949, %eq3A_969 : vector<16x128xf32>
      %sub3A_971 = arith.constant 1.000000e+00 : f32
      %sub3A_972 = vector.broadcast %sub3A_971 : f32 to vector<16x128xf32>
      %sub3A_973 = arith.subf %sub3A_972, %get3A_949 : vector<16x128xf32>
      %mul3A_974 = arith.mulf %sub3A_973, %sub3A_973 : vector<16x128xf32>
      %mul3A_975 = arith.mulf %exp3A_959, %exp3A_959 : vector<16x128xf32>
      %mul3A_976 = arith.mulf %log3A_963, %mul3A_975 : vector<16x128xf32>
      %add3A_977 = arith.addf %log3A_963, %min3A_955 : vector<16x128xf32>
      %mul3A_978 = arith.mulf %mul3A_974, %mul3A_974 : vector<16x128xf32>
      %mul3A_979 = arith.mulf %add3A_977, %mul3A_978 : vector<16x128xf32>
      %select_n3A_980 = arith.select %eq3A_970, %mul3A_976, %mul3A_979 : vector<16x128xi1>, vector<16x128xf32>
      %mul3A_981 = arith.mulf %select_n3A_980, %div3A_967 : vector<16x128xf32>
      %add3A_982 = arith.addf %add3A_931, %mul3A_981 : vector<16x128xf32>
      %jit3A_983 = arith.constant 1.000000e+00 : f32
      %jit3A_984 = arith.constant 0.000000e+00 : f32
      %broadcast_in_dim3A_985 = vector.broadcast %jit3A_983 : f32 to vector<16x128xf32>
      %broadcast_in_dim3A_986 = vector.broadcast %jit3A_984 : f32 to vector<16x128xf32>
      %select_n3A_987 = arith.select %eq3A_970, %broadcast_in_dim3A_985, %broadcast_in_dim3A_986 : vector<16x128xi1>, vector<16x128xf32>
      %add3A_988 = arith.addf %add3A_937, %select_n3A_987 : vector<16x128xf32>
      %scan3A_989 = arith.constant 19 : i32
      %scan3A_990 = arith.addi %scan3A_29, %scan3A_989 : i32
      %mul3A_991 = arith.constant 16 : i32
      %mul3A_992 = arith.muli %scan3A_990, %mul3A_991 : i32
      %get3A_993 = arith.index_cast %mul3A_992 : i32 to index
      %get3A_994 = arith.constant 0 : index
      %get3A_995 = vector.load %arg1[%get3A_993, %get3A_994] : memref<10240x128xf32, #tpu.memory_space<vmem>>, vector<16x128xf32>
      %mul3A_996 = arith.constant 16 : i32
      %mul3A_997 = arith.muli %scan3A_990, %mul3A_996 : i32
      %get3A_998 = arith.index_cast %mul3A_997 : i32 to index
      %get3A_999 = arith.constant 0 : index
      %get3A_1000 = vector.load %arg2[%get3A_998, %get3A_999] : memref<10240x128xf32, #tpu.memory_space<vmem>>, vector<16x128xf32>
      %max3A_1001 = arith.constant -9.210240e+00 : f32
      %max3A_1002 = vector.broadcast %max3A_1001 : f32 to vector<16x128xf32>
      %max3A_1003 = arith.maximumf %get3A_995, %max3A_1002 : vector<16x128xf32>
      %min3A_1004 = arith.constant 9.210240e+00 : f32
      %min3A_1005 = vector.broadcast %min3A_1004 : f32 to vector<16x128xf32>
      %min3A_1006 = arith.minimumf %max3A_1003, %min3A_1005 : vector<16x128xf32>
      %neg3A_1007 = arith.constant 0.000000e+00 : f32
      %neg3A_1008 = vector.broadcast %neg3A_1007 : f32 to vector<16x128xf32>
      %neg3A_1009 = arith.subf %neg3A_1008, %min3A_1006 : vector<16x128xf32>
      %exp3A_1010 = math.exp %neg3A_1009 : vector<16x128xf32>
      %add3A_1011 = arith.constant 1.000000e+00 : f32
      %add3A_1012 = vector.broadcast %add3A_1011 : f32 to vector<16x128xf32>
      %add3A_1013 = arith.addf %exp3A_1010, %add3A_1012 : vector<16x128xf32>
      %log3A_1014 = math.log %add3A_1013 : vector<16x128xf32>
      %mul3A_1015 = arith.mulf %add3A_1013, %add3A_1013 : vector<16x128xf32>
      %div3A_1016 = arith.constant 1.000000e+00 : f32
      %div3A_1017 = vector.broadcast %div3A_1016 : f32 to vector<16x128xf32>
      %div3A_1018 = arith.divf %div3A_1017, %mul3A_1015 : vector<16x128xf32>
      %eq3A_1019 = arith.constant 1.000000e+00 : f32
      %eq3A_1020 = vector.broadcast %eq3A_1019 : f32 to vector<16x128xf32>
      %eq3A_1021 = arith.cmpf oeq, %get3A_1000, %eq3A_1020 : vector<16x128xf32>
      %sub3A_1022 = arith.constant 1.000000e+00 : f32
      %sub3A_1023 = vector.broadcast %sub3A_1022 : f32 to vector<16x128xf32>
      %sub3A_1024 = arith.subf %sub3A_1023, %get3A_1000 : vector<16x128xf32>
      %mul3A_1025 = arith.mulf %sub3A_1024, %sub3A_1024 : vector<16x128xf32>
      %mul3A_1026 = arith.mulf %exp3A_1010, %exp3A_1010 : vector<16x128xf32>
      %mul3A_1027 = arith.mulf %log3A_1014, %mul3A_1026 : vector<16x128xf32>
      %add3A_1028 = arith.addf %log3A_1014, %min3A_1006 : vector<16x128xf32>
      %mul3A_1029 = arith.mulf %mul3A_1025, %mul3A_1025 : vector<16x128xf32>
      %mul3A_1030 = arith.mulf %add3A_1028, %mul3A_1029 : vector<16x128xf32>
      %select_n3A_1031 = arith.select %eq3A_1021, %mul3A_1027, %mul3A_1030 : vector<16x128xi1>, vector<16x128xf32>
      %mul3A_1032 = arith.mulf %select_n3A_1031, %div3A_1018 : vector<16x128xf32>
      %add3A_1033 = arith.addf %add3A_982, %mul3A_1032 : vector<16x128xf32>
      %jit3A_1034 = arith.constant 1.000000e+00 : f32
      %jit3A_1035 = arith.constant 0.000000e+00 : f32
      %broadcast_in_dim3A_1036 = vector.broadcast %jit3A_1034 : f32 to vector<16x128xf32>
      %broadcast_in_dim3A_1037 = vector.broadcast %jit3A_1035 : f32 to vector<16x128xf32>
      %select_n3A_1038 = arith.select %eq3A_1021, %broadcast_in_dim3A_1036, %broadcast_in_dim3A_1037 : vector<16x128xi1>, vector<16x128xf32>
      %add3A_1039 = arith.addf %add3A_988, %select_n3A_1038 : vector<16x128xf32>
      %scan3A_1040 = arith.constant 20 : i32
      %scan3A_1041 = arith.addi %scan3A_29, %scan3A_1040 : i32
      %mul3A_1042 = arith.constant 16 : i32
      %mul3A_1043 = arith.muli %scan3A_1041, %mul3A_1042 : i32
      %get3A_1044 = arith.index_cast %mul3A_1043 : i32 to index
      %get3A_1045 = arith.constant 0 : index
      %get3A_1046 = vector.load %arg1[%get3A_1044, %get3A_1045] : memref<10240x128xf32, #tpu.memory_space<vmem>>, vector<16x128xf32>
      %mul3A_1047 = arith.constant 16 : i32
      %mul3A_1048 = arith.muli %scan3A_1041, %mul3A_1047 : i32
      %get3A_1049 = arith.index_cast %mul3A_1048 : i32 to index
      %get3A_1050 = arith.constant 0 : index
      %get3A_1051 = vector.load %arg2[%get3A_1049, %get3A_1050] : memref<10240x128xf32, #tpu.memory_space<vmem>>, vector<16x128xf32>
      %max3A_1052 = arith.constant -9.210240e+00 : f32
      %max3A_1053 = vector.broadcast %max3A_1052 : f32 to vector<16x128xf32>
      %max3A_1054 = arith.maximumf %get3A_1046, %max3A_1053 : vector<16x128xf32>
      %min3A_1055 = arith.constant 9.210240e+00 : f32
      %min3A_1056 = vector.broadcast %min3A_1055 : f32 to vector<16x128xf32>
      %min3A_1057 = arith.minimumf %max3A_1054, %min3A_1056 : vector<16x128xf32>
      %neg3A_1058 = arith.constant 0.000000e+00 : f32
      %neg3A_1059 = vector.broadcast %neg3A_1058 : f32 to vector<16x128xf32>
      %neg3A_1060 = arith.subf %neg3A_1059, %min3A_1057 : vector<16x128xf32>
      %exp3A_1061 = math.exp %neg3A_1060 : vector<16x128xf32>
      %add3A_1062 = arith.constant 1.000000e+00 : f32
      %add3A_1063 = vector.broadcast %add3A_1062 : f32 to vector<16x128xf32>
      %add3A_1064 = arith.addf %exp3A_1061, %add3A_1063 : vector<16x128xf32>
      %log3A_1065 = math.log %add3A_1064 : vector<16x128xf32>
      %mul3A_1066 = arith.mulf %add3A_1064, %add3A_1064 : vector<16x128xf32>
      %div3A_1067 = arith.constant 1.000000e+00 : f32
      %div3A_1068 = vector.broadcast %div3A_1067 : f32 to vector<16x128xf32>
      %div3A_1069 = arith.divf %div3A_1068, %mul3A_1066 : vector<16x128xf32>
      %eq3A_1070 = arith.constant 1.000000e+00 : f32
      %eq3A_1071 = vector.broadcast %eq3A_1070 : f32 to vector<16x128xf32>
      %eq3A_1072 = arith.cmpf oeq, %get3A_1051, %eq3A_1071 : vector<16x128xf32>
      %sub3A_1073 = arith.constant 1.000000e+00 : f32
      %sub3A_1074 = vector.broadcast %sub3A_1073 : f32 to vector<16x128xf32>
      %sub3A_1075 = arith.subf %sub3A_1074, %get3A_1051 : vector<16x128xf32>
      %mul3A_1076 = arith.mulf %sub3A_1075, %sub3A_1075 : vector<16x128xf32>
      %mul3A_1077 = arith.mulf %exp3A_1061, %exp3A_1061 : vector<16x128xf32>
      %mul3A_1078 = arith.mulf %log3A_1065, %mul3A_1077 : vector<16x128xf32>
      %add3A_1079 = arith.addf %log3A_1065, %min3A_1057 : vector<16x128xf32>
      %mul3A_1080 = arith.mulf %mul3A_1076, %mul3A_1076 : vector<16x128xf32>
      %mul3A_1081 = arith.mulf %add3A_1079, %mul3A_1080 : vector<16x128xf32>
      %select_n3A_1082 = arith.select %eq3A_1072, %mul3A_1078, %mul3A_1081 : vector<16x128xi1>, vector<16x128xf32>
      %mul3A_1083 = arith.mulf %select_n3A_1082, %div3A_1069 : vector<16x128xf32>
      %add3A_1084 = arith.addf %add3A_1033, %mul3A_1083 : vector<16x128xf32>
      %jit3A_1085 = arith.constant 1.000000e+00 : f32
      %jit3A_1086 = arith.constant 0.000000e+00 : f32
      %broadcast_in_dim3A_1087 = vector.broadcast %jit3A_1085 : f32 to vector<16x128xf32>
      %broadcast_in_dim3A_1088 = vector.broadcast %jit3A_1086 : f32 to vector<16x128xf32>
      %select_n3A_1089 = arith.select %eq3A_1072, %broadcast_in_dim3A_1087, %broadcast_in_dim3A_1088 : vector<16x128xi1>, vector<16x128xf32>
      %add3A_1090 = arith.addf %add3A_1039, %select_n3A_1089 : vector<16x128xf32>
      %scan3A_1091 = arith.constant 21 : i32
      %scan3A_1092 = arith.addi %scan3A_29, %scan3A_1091 : i32
      %mul3A_1093 = arith.constant 16 : i32
      %mul3A_1094 = arith.muli %scan3A_1092, %mul3A_1093 : i32
      %get3A_1095 = arith.index_cast %mul3A_1094 : i32 to index
      %get3A_1096 = arith.constant 0 : index
      %get3A_1097 = vector.load %arg1[%get3A_1095, %get3A_1096] : memref<10240x128xf32, #tpu.memory_space<vmem>>, vector<16x128xf32>
      %mul3A_1098 = arith.constant 16 : i32
      %mul3A_1099 = arith.muli %scan3A_1092, %mul3A_1098 : i32
      %get3A_1100 = arith.index_cast %mul3A_1099 : i32 to index
      %get3A_1101 = arith.constant 0 : index
      %get3A_1102 = vector.load %arg2[%get3A_1100, %get3A_1101] : memref<10240x128xf32, #tpu.memory_space<vmem>>, vector<16x128xf32>
      %max3A_1103 = arith.constant -9.210240e+00 : f32
      %max3A_1104 = vector.broadcast %max3A_1103 : f32 to vector<16x128xf32>
      %max3A_1105 = arith.maximumf %get3A_1097, %max3A_1104 : vector<16x128xf32>
      %min3A_1106 = arith.constant 9.210240e+00 : f32
      %min3A_1107 = vector.broadcast %min3A_1106 : f32 to vector<16x128xf32>
      %min3A_1108 = arith.minimumf %max3A_1105, %min3A_1107 : vector<16x128xf32>
      %neg3A_1109 = arith.constant 0.000000e+00 : f32
      %neg3A_1110 = vector.broadcast %neg3A_1109 : f32 to vector<16x128xf32>
      %neg3A_1111 = arith.subf %neg3A_1110, %min3A_1108 : vector<16x128xf32>
      %exp3A_1112 = math.exp %neg3A_1111 : vector<16x128xf32>
      %add3A_1113 = arith.constant 1.000000e+00 : f32
      %add3A_1114 = vector.broadcast %add3A_1113 : f32 to vector<16x128xf32>
      %add3A_1115 = arith.addf %exp3A_1112, %add3A_1114 : vector<16x128xf32>
      %log3A_1116 = math.log %add3A_1115 : vector<16x128xf32>
      %mul3A_1117 = arith.mulf %add3A_1115, %add3A_1115 : vector<16x128xf32>
      %div3A_1118 = arith.constant 1.000000e+00 : f32
      %div3A_1119 = vector.broadcast %div3A_1118 : f32 to vector<16x128xf32>
      %div3A_1120 = arith.divf %div3A_1119, %mul3A_1117 : vector<16x128xf32>
      %eq3A_1121 = arith.constant 1.000000e+00 : f32
      %eq3A_1122 = vector.broadcast %eq3A_1121 : f32 to vector<16x128xf32>
      %eq3A_1123 = arith.cmpf oeq, %get3A_1102, %eq3A_1122 : vector<16x128xf32>
      %sub3A_1124 = arith.constant 1.000000e+00 : f32
      %sub3A_1125 = vector.broadcast %sub3A_1124 : f32 to vector<16x128xf32>
      %sub3A_1126 = arith.subf %sub3A_1125, %get3A_1102 : vector<16x128xf32>
      %mul3A_1127 = arith.mulf %sub3A_1126, %sub3A_1126 : vector<16x128xf32>
      %mul3A_1128 = arith.mulf %exp3A_1112, %exp3A_1112 : vector<16x128xf32>
      %mul3A_1129 = arith.mulf %log3A_1116, %mul3A_1128 : vector<16x128xf32>
      %add3A_1130 = arith.addf %log3A_1116, %min3A_1108 : vector<16x128xf32>
      %mul3A_1131 = arith.mulf %mul3A_1127, %mul3A_1127 : vector<16x128xf32>
      %mul3A_1132 = arith.mulf %add3A_1130, %mul3A_1131 : vector<16x128xf32>
      %select_n3A_1133 = arith.select %eq3A_1123, %mul3A_1129, %mul3A_1132 : vector<16x128xi1>, vector<16x128xf32>
      %mul3A_1134 = arith.mulf %select_n3A_1133, %div3A_1120 : vector<16x128xf32>
      %add3A_1135 = arith.addf %add3A_1084, %mul3A_1134 : vector<16x128xf32>
      %jit3A_1136 = arith.constant 1.000000e+00 : f32
      %jit3A_1137 = arith.constant 0.000000e+00 : f32
      %broadcast_in_dim3A_1138 = vector.broadcast %jit3A_1136 : f32 to vector<16x128xf32>
      %broadcast_in_dim3A_1139 = vector.broadcast %jit3A_1137 : f32 to vector<16x128xf32>
      %select_n3A_1140 = arith.select %eq3A_1123, %broadcast_in_dim3A_1138, %broadcast_in_dim3A_1139 : vector<16x128xi1>, vector<16x128xf32>
      %add3A_1141 = arith.addf %add3A_1090, %select_n3A_1140 : vector<16x128xf32>
      %scan3A_1142 = arith.constant 22 : i32
      %scan3A_1143 = arith.addi %scan3A_29, %scan3A_1142 : i32
      %mul3A_1144 = arith.constant 16 : i32
      %mul3A_1145 = arith.muli %scan3A_1143, %mul3A_1144 : i32
      %get3A_1146 = arith.index_cast %mul3A_1145 : i32 to index
      %get3A_1147 = arith.constant 0 : index
      %get3A_1148 = vector.load %arg1[%get3A_1146, %get3A_1147] : memref<10240x128xf32, #tpu.memory_space<vmem>>, vector<16x128xf32>
      %mul3A_1149 = arith.constant 16 : i32
      %mul3A_1150 = arith.muli %scan3A_1143, %mul3A_1149 : i32
      %get3A_1151 = arith.index_cast %mul3A_1150 : i32 to index
      %get3A_1152 = arith.constant 0 : index
      %get3A_1153 = vector.load %arg2[%get3A_1151, %get3A_1152] : memref<10240x128xf32, #tpu.memory_space<vmem>>, vector<16x128xf32>
      %max3A_1154 = arith.constant -9.210240e+00 : f32
      %max3A_1155 = vector.broadcast %max3A_1154 : f32 to vector<16x128xf32>
      %max3A_1156 = arith.maximumf %get3A_1148, %max3A_1155 : vector<16x128xf32>
      %min3A_1157 = arith.constant 9.210240e+00 : f32
      %min3A_1158 = vector.broadcast %min3A_1157 : f32 to vector<16x128xf32>
      %min3A_1159 = arith.minimumf %max3A_1156, %min3A_1158 : vector<16x128xf32>
      %neg3A_1160 = arith.constant 0.000000e+00 : f32
      %neg3A_1161 = vector.broadcast %neg3A_1160 : f32 to vector<16x128xf32>
      %neg3A_1162 = arith.subf %neg3A_1161, %min3A_1159 : vector<16x128xf32>
      %exp3A_1163 = math.exp %neg3A_1162 : vector<16x128xf32>
      %add3A_1164 = arith.constant 1.000000e+00 : f32
      %add3A_1165 = vector.broadcast %add3A_1164 : f32 to vector<16x128xf32>
      %add3A_1166 = arith.addf %exp3A_1163, %add3A_1165 : vector<16x128xf32>
      %log3A_1167 = math.log %add3A_1166 : vector<16x128xf32>
      %mul3A_1168 = arith.mulf %add3A_1166, %add3A_1166 : vector<16x128xf32>
      %div3A_1169 = arith.constant 1.000000e+00 : f32
      %div3A_1170 = vector.broadcast %div3A_1169 : f32 to vector<16x128xf32>
      %div3A_1171 = arith.divf %div3A_1170, %mul3A_1168 : vector<16x128xf32>
      %eq3A_1172 = arith.constant 1.000000e+00 : f32
      %eq3A_1173 = vector.broadcast %eq3A_1172 : f32 to vector<16x128xf32>
      %eq3A_1174 = arith.cmpf oeq, %get3A_1153, %eq3A_1173 : vector<16x128xf32>
      %sub3A_1175 = arith.constant 1.000000e+00 : f32
      %sub3A_1176 = vector.broadcast %sub3A_1175 : f32 to vector<16x128xf32>
      %sub3A_1177 = arith.subf %sub3A_1176, %get3A_1153 : vector<16x128xf32>
      %mul3A_1178 = arith.mulf %sub3A_1177, %sub3A_1177 : vector<16x128xf32>
      %mul3A_1179 = arith.mulf %exp3A_1163, %exp3A_1163 : vector<16x128xf32>
      %mul3A_1180 = arith.mulf %log3A_1167, %mul3A_1179 : vector<16x128xf32>
      %add3A_1181 = arith.addf %log3A_1167, %min3A_1159 : vector<16x128xf32>
      %mul3A_1182 = arith.mulf %mul3A_1178, %mul3A_1178 : vector<16x128xf32>
      %mul3A_1183 = arith.mulf %add3A_1181, %mul3A_1182 : vector<16x128xf32>
      %select_n3A_1184 = arith.select %eq3A_1174, %mul3A_1180, %mul3A_1183 : vector<16x128xi1>, vector<16x128xf32>
      %mul3A_1185 = arith.mulf %select_n3A_1184, %div3A_1171 : vector<16x128xf32>
      %add3A_1186 = arith.addf %add3A_1135, %mul3A_1185 : vector<16x128xf32>
      %jit3A_1187 = arith.constant 1.000000e+00 : f32
      %jit3A_1188 = arith.constant 0.000000e+00 : f32
      %broadcast_in_dim3A_1189 = vector.broadcast %jit3A_1187 : f32 to vector<16x128xf32>
      %broadcast_in_dim3A_1190 = vector.broadcast %jit3A_1188 : f32 to vector<16x128xf32>
      %select_n3A_1191 = arith.select %eq3A_1174, %broadcast_in_dim3A_1189, %broadcast_in_dim3A_1190 : vector<16x128xi1>, vector<16x128xf32>
      %add3A_1192 = arith.addf %add3A_1141, %select_n3A_1191 : vector<16x128xf32>
      %scan3A_1193 = arith.constant 23 : i32
      %scan3A_1194 = arith.addi %scan3A_29, %scan3A_1193 : i32
      %mul3A_1195 = arith.constant 16 : i32
      %mul3A_1196 = arith.muli %scan3A_1194, %mul3A_1195 : i32
      %get3A_1197 = arith.index_cast %mul3A_1196 : i32 to index
      %get3A_1198 = arith.constant 0 : index
      %get3A_1199 = vector.load %arg1[%get3A_1197, %get3A_1198] : memref<10240x128xf32, #tpu.memory_space<vmem>>, vector<16x128xf32>
      %mul3A_1200 = arith.constant 16 : i32
      %mul3A_1201 = arith.muli %scan3A_1194, %mul3A_1200 : i32
      %get3A_1202 = arith.index_cast %mul3A_1201 : i32 to index
      %get3A_1203 = arith.constant 0 : index
      %get3A_1204 = vector.load %arg2[%get3A_1202, %get3A_1203] : memref<10240x128xf32, #tpu.memory_space<vmem>>, vector<16x128xf32>
      %max3A_1205 = arith.constant -9.210240e+00 : f32
      %max3A_1206 = vector.broadcast %max3A_1205 : f32 to vector<16x128xf32>
      %max3A_1207 = arith.maximumf %get3A_1199, %max3A_1206 : vector<16x128xf32>
      %min3A_1208 = arith.constant 9.210240e+00 : f32
      %min3A_1209 = vector.broadcast %min3A_1208 : f32 to vector<16x128xf32>
      %min3A_1210 = arith.minimumf %max3A_1207, %min3A_1209 : vector<16x128xf32>
      %neg3A_1211 = arith.constant 0.000000e+00 : f32
      %neg3A_1212 = vector.broadcast %neg3A_1211 : f32 to vector<16x128xf32>
      %neg3A_1213 = arith.subf %neg3A_1212, %min3A_1210 : vector<16x128xf32>
      %exp3A_1214 = math.exp %neg3A_1213 : vector<16x128xf32>
      %add3A_1215 = arith.constant 1.000000e+00 : f32
      %add3A_1216 = vector.broadcast %add3A_1215 : f32 to vector<16x128xf32>
      %add3A_1217 = arith.addf %exp3A_1214, %add3A_1216 : vector<16x128xf32>
      %log3A_1218 = math.log %add3A_1217 : vector<16x128xf32>
      %mul3A_1219 = arith.mulf %add3A_1217, %add3A_1217 : vector<16x128xf32>
      %div3A_1220 = arith.constant 1.000000e+00 : f32
      %div3A_1221 = vector.broadcast %div3A_1220 : f32 to vector<16x128xf32>
      %div3A_1222 = arith.divf %div3A_1221, %mul3A_1219 : vector<16x128xf32>
      %eq3A_1223 = arith.constant 1.000000e+00 : f32
      %eq3A_1224 = vector.broadcast %eq3A_1223 : f32 to vector<16x128xf32>
      %eq3A_1225 = arith.cmpf oeq, %get3A_1204, %eq3A_1224 : vector<16x128xf32>
      %sub3A_1226 = arith.constant 1.000000e+00 : f32
      %sub3A_1227 = vector.broadcast %sub3A_1226 : f32 to vector<16x128xf32>
      %sub3A_1228 = arith.subf %sub3A_1227, %get3A_1204 : vector<16x128xf32>
      %mul3A_1229 = arith.mulf %sub3A_1228, %sub3A_1228 : vector<16x128xf32>
      %mul3A_1230 = arith.mulf %exp3A_1214, %exp3A_1214 : vector<16x128xf32>
      %mul3A_1231 = arith.mulf %log3A_1218, %mul3A_1230 : vector<16x128xf32>
      %add3A_1232 = arith.addf %log3A_1218, %min3A_1210 : vector<16x128xf32>
      %mul3A_1233 = arith.mulf %mul3A_1229, %mul3A_1229 : vector<16x128xf32>
      %mul3A_1234 = arith.mulf %add3A_1232, %mul3A_1233 : vector<16x128xf32>
      %select_n3A_1235 = arith.select %eq3A_1225, %mul3A_1231, %mul3A_1234 : vector<16x128xi1>, vector<16x128xf32>
      %mul3A_1236 = arith.mulf %select_n3A_1235, %div3A_1222 : vector<16x128xf32>
      %add3A_1237 = arith.addf %add3A_1186, %mul3A_1236 : vector<16x128xf32>
      %jit3A_1238 = arith.constant 1.000000e+00 : f32
      %jit3A_1239 = arith.constant 0.000000e+00 : f32
      %broadcast_in_dim3A_1240 = vector.broadcast %jit3A_1238 : f32 to vector<16x128xf32>
      %broadcast_in_dim3A_1241 = vector.broadcast %jit3A_1239 : f32 to vector<16x128xf32>
      %select_n3A_1242 = arith.select %eq3A_1225, %broadcast_in_dim3A_1240, %broadcast_in_dim3A_1241 : vector<16x128xi1>, vector<16x128xf32>
      %add3A_1243 = arith.addf %add3A_1192, %select_n3A_1242 : vector<16x128xf32>
      %scan3A_1244 = arith.constant 24 : i32
      %scan3A_1245 = arith.addi %scan3A_29, %scan3A_1244 : i32
      %mul3A_1246 = arith.constant 16 : i32
      %mul3A_1247 = arith.muli %scan3A_1245, %mul3A_1246 : i32
      %get3A_1248 = arith.index_cast %mul3A_1247 : i32 to index
      %get3A_1249 = arith.constant 0 : index
      %get3A_1250 = vector.load %arg1[%get3A_1248, %get3A_1249] : memref<10240x128xf32, #tpu.memory_space<vmem>>, vector<16x128xf32>
      %mul3A_1251 = arith.constant 16 : i32
      %mul3A_1252 = arith.muli %scan3A_1245, %mul3A_1251 : i32
      %get3A_1253 = arith.index_cast %mul3A_1252 : i32 to index
      %get3A_1254 = arith.constant 0 : index
      %get3A_1255 = vector.load %arg2[%get3A_1253, %get3A_1254] : memref<10240x128xf32, #tpu.memory_space<vmem>>, vector<16x128xf32>
      %max3A_1256 = arith.constant -9.210240e+00 : f32
      %max3A_1257 = vector.broadcast %max3A_1256 : f32 to vector<16x128xf32>
      %max3A_1258 = arith.maximumf %get3A_1250, %max3A_1257 : vector<16x128xf32>
      %min3A_1259 = arith.constant 9.210240e+00 : f32
      %min3A_1260 = vector.broadcast %min3A_1259 : f32 to vector<16x128xf32>
      %min3A_1261 = arith.minimumf %max3A_1258, %min3A_1260 : vector<16x128xf32>
      %neg3A_1262 = arith.constant 0.000000e+00 : f32
      %neg3A_1263 = vector.broadcast %neg3A_1262 : f32 to vector<16x128xf32>
      %neg3A_1264 = arith.subf %neg3A_1263, %min3A_1261 : vector<16x128xf32>
      %exp3A_1265 = math.exp %neg3A_1264 : vector<16x128xf32>
      %add3A_1266 = arith.constant 1.000000e+00 : f32
      %add3A_1267 = vector.broadcast %add3A_1266 : f32 to vector<16x128xf32>
      %add3A_1268 = arith.addf %exp3A_1265, %add3A_1267 : vector<16x128xf32>
      %log3A_1269 = math.log %add3A_1268 : vector<16x128xf32>
      %mul3A_1270 = arith.mulf %add3A_1268, %add3A_1268 : vector<16x128xf32>
      %div3A_1271 = arith.constant 1.000000e+00 : f32
      %div3A_1272 = vector.broadcast %div3A_1271 : f32 to vector<16x128xf32>
      %div3A_1273 = arith.divf %div3A_1272, %mul3A_1270 : vector<16x128xf32>
      %eq3A_1274 = arith.constant 1.000000e+00 : f32
      %eq3A_1275 = vector.broadcast %eq3A_1274 : f32 to vector<16x128xf32>
      %eq3A_1276 = arith.cmpf oeq, %get3A_1255, %eq3A_1275 : vector<16x128xf32>
      %sub3A_1277 = arith.constant 1.000000e+00 : f32
      %sub3A_1278 = vector.broadcast %sub3A_1277 : f32 to vector<16x128xf32>
      %sub3A_1279 = arith.subf %sub3A_1278, %get3A_1255 : vector<16x128xf32>
      %mul3A_1280 = arith.mulf %sub3A_1279, %sub3A_1279 : vector<16x128xf32>
      %mul3A_1281 = arith.mulf %exp3A_1265, %exp3A_1265 : vector<16x128xf32>
      %mul3A_1282 = arith.mulf %log3A_1269, %mul3A_1281 : vector<16x128xf32>
      %add3A_1283 = arith.addf %log3A_1269, %min3A_1261 : vector<16x128xf32>
      %mul3A_1284 = arith.mulf %mul3A_1280, %mul3A_1280 : vector<16x128xf32>
      %mul3A_1285 = arith.mulf %add3A_1283, %mul3A_1284 : vector<16x128xf32>
      %select_n3A_1286 = arith.select %eq3A_1276, %mul3A_1282, %mul3A_1285 : vector<16x128xi1>, vector<16x128xf32>
      %mul3A_1287 = arith.mulf %select_n3A_1286, %div3A_1273 : vector<16x128xf32>
      %add3A_1288 = arith.addf %add3A_1237, %mul3A_1287 : vector<16x128xf32>
      %jit3A_1289 = arith.constant 1.000000e+00 : f32
      %jit3A_1290 = arith.constant 0.000000e+00 : f32
      %broadcast_in_dim3A_1291 = vector.broadcast %jit3A_1289 : f32 to vector<16x128xf32>
      %broadcast_in_dim3A_1292 = vector.broadcast %jit3A_1290 : f32 to vector<16x128xf32>
      %select_n3A_1293 = arith.select %eq3A_1276, %broadcast_in_dim3A_1291, %broadcast_in_dim3A_1292 : vector<16x128xi1>, vector<16x128xf32>
      %add3A_1294 = arith.addf %add3A_1243, %select_n3A_1293 : vector<16x128xf32>
      %scan3A_1295 = arith.constant 25 : i32
      %scan3A_1296 = arith.addi %scan3A_29, %scan3A_1295 : i32
      %mul3A_1297 = arith.constant 16 : i32
      %mul3A_1298 = arith.muli %scan3A_1296, %mul3A_1297 : i32
      %get3A_1299 = arith.index_cast %mul3A_1298 : i32 to index
      %get3A_1300 = arith.constant 0 : index
      %get3A_1301 = vector.load %arg1[%get3A_1299, %get3A_1300] : memref<10240x128xf32, #tpu.memory_space<vmem>>, vector<16x128xf32>
      %mul3A_1302 = arith.constant 16 : i32
      %mul3A_1303 = arith.muli %scan3A_1296, %mul3A_1302 : i32
      %get3A_1304 = arith.index_cast %mul3A_1303 : i32 to index
      %get3A_1305 = arith.constant 0 : index
      %get3A_1306 = vector.load %arg2[%get3A_1304, %get3A_1305] : memref<10240x128xf32, #tpu.memory_space<vmem>>, vector<16x128xf32>
      %max3A_1307 = arith.constant -9.210240e+00 : f32
      %max3A_1308 = vector.broadcast %max3A_1307 : f32 to vector<16x128xf32>
      %max3A_1309 = arith.maximumf %get3A_1301, %max3A_1308 : vector<16x128xf32>
      %min3A_1310 = arith.constant 9.210240e+00 : f32
      %min3A_1311 = vector.broadcast %min3A_1310 : f32 to vector<16x128xf32>
      %min3A_1312 = arith.minimumf %max3A_1309, %min3A_1311 : vector<16x128xf32>
      %neg3A_1313 = arith.constant 0.000000e+00 : f32
      %neg3A_1314 = vector.broadcast %neg3A_1313 : f32 to vector<16x128xf32>
      %neg3A_1315 = arith.subf %neg3A_1314, %min3A_1312 : vector<16x128xf32>
      %exp3A_1316 = math.exp %neg3A_1315 : vector<16x128xf32>
      %add3A_1317 = arith.constant 1.000000e+00 : f32
      %add3A_1318 = vector.broadcast %add3A_1317 : f32 to vector<16x128xf32>
      %add3A_1319 = arith.addf %exp3A_1316, %add3A_1318 : vector<16x128xf32>
      %log3A_1320 = math.log %add3A_1319 : vector<16x128xf32>
      %mul3A_1321 = arith.mulf %add3A_1319, %add3A_1319 : vector<16x128xf32>
      %div3A_1322 = arith.constant 1.000000e+00 : f32
      %div3A_1323 = vector.broadcast %div3A_1322 : f32 to vector<16x128xf32>
      %div3A_1324 = arith.divf %div3A_1323, %mul3A_1321 : vector<16x128xf32>
      %eq3A_1325 = arith.constant 1.000000e+00 : f32
      %eq3A_1326 = vector.broadcast %eq3A_1325 : f32 to vector<16x128xf32>
      %eq3A_1327 = arith.cmpf oeq, %get3A_1306, %eq3A_1326 : vector<16x128xf32>
      %sub3A_1328 = arith.constant 1.000000e+00 : f32
      %sub3A_1329 = vector.broadcast %sub3A_1328 : f32 to vector<16x128xf32>
      %sub3A_1330 = arith.subf %sub3A_1329, %get3A_1306 : vector<16x128xf32>
      %mul3A_1331 = arith.mulf %sub3A_1330, %sub3A_1330 : vector<16x128xf32>
      %mul3A_1332 = arith.mulf %exp3A_1316, %exp3A_1316 : vector<16x128xf32>
      %mul3A_1333 = arith.mulf %log3A_1320, %mul3A_1332 : vector<16x128xf32>
      %add3A_1334 = arith.addf %log3A_1320, %min3A_1312 : vector<16x128xf32>
      %mul3A_1335 = arith.mulf %mul3A_1331, %mul3A_1331 : vector<16x128xf32>
      %mul3A_1336 = arith.mulf %add3A_1334, %mul3A_1335 : vector<16x128xf32>
      %select_n3A_1337 = arith.select %eq3A_1327, %mul3A_1333, %mul3A_1336 : vector<16x128xi1>, vector<16x128xf32>
      %mul3A_1338 = arith.mulf %select_n3A_1337, %div3A_1324 : vector<16x128xf32>
      %add3A_1339 = arith.addf %add3A_1288, %mul3A_1338 : vector<16x128xf32>
      %jit3A_1340 = arith.constant 1.000000e+00 : f32
      %jit3A_1341 = arith.constant 0.000000e+00 : f32
      %broadcast_in_dim3A_1342 = vector.broadcast %jit3A_1340 : f32 to vector<16x128xf32>
      %broadcast_in_dim3A_1343 = vector.broadcast %jit3A_1341 : f32 to vector<16x128xf32>
      %select_n3A_1344 = arith.select %eq3A_1327, %broadcast_in_dim3A_1342, %broadcast_in_dim3A_1343 : vector<16x128xi1>, vector<16x128xf32>
      %add3A_1345 = arith.addf %add3A_1294, %select_n3A_1344 : vector<16x128xf32>
      %scan3A_1346 = arith.constant 26 : i32
      %scan3A_1347 = arith.addi %scan3A_29, %scan3A_1346 : i32
      %mul3A_1348 = arith.constant 16 : i32
      %mul3A_1349 = arith.muli %scan3A_1347, %mul3A_1348 : i32
      %get3A_1350 = arith.index_cast %mul3A_1349 : i32 to index
      %get3A_1351 = arith.constant 0 : index
      %get3A_1352 = vector.load %arg1[%get3A_1350, %get3A_1351] : memref<10240x128xf32, #tpu.memory_space<vmem>>, vector<16x128xf32>
      %mul3A_1353 = arith.constant 16 : i32
      %mul3A_1354 = arith.muli %scan3A_1347, %mul3A_1353 : i32
      %get3A_1355 = arith.index_cast %mul3A_1354 : i32 to index
      %get3A_1356 = arith.constant 0 : index
      %get3A_1357 = vector.load %arg2[%get3A_1355, %get3A_1356] : memref<10240x128xf32, #tpu.memory_space<vmem>>, vector<16x128xf32>
      %max3A_1358 = arith.constant -9.210240e+00 : f32
      %max3A_1359 = vector.broadcast %max3A_1358 : f32 to vector<16x128xf32>
      %max3A_1360 = arith.maximumf %get3A_1352, %max3A_1359 : vector<16x128xf32>
      %min3A_1361 = arith.constant 9.210240e+00 : f32
      %min3A_1362 = vector.broadcast %min3A_1361 : f32 to vector<16x128xf32>
      %min3A_1363 = arith.minimumf %max3A_1360, %min3A_1362 : vector<16x128xf32>
      %neg3A_1364 = arith.constant 0.000000e+00 : f32
      %neg3A_1365 = vector.broadcast %neg3A_1364 : f32 to vector<16x128xf32>
      %neg3A_1366 = arith.subf %neg3A_1365, %min3A_1363 : vector<16x128xf32>
      %exp3A_1367 = math.exp %neg3A_1366 : vector<16x128xf32>
      %add3A_1368 = arith.constant 1.000000e+00 : f32
      %add3A_1369 = vector.broadcast %add3A_1368 : f32 to vector<16x128xf32>
      %add3A_1370 = arith.addf %exp3A_1367, %add3A_1369 : vector<16x128xf32>
      %log3A_1371 = math.log %add3A_1370 : vector<16x128xf32>
      %mul3A_1372 = arith.mulf %add3A_1370, %add3A_1370 : vector<16x128xf32>
      %div3A_1373 = arith.constant 1.000000e+00 : f32
      %div3A_1374 = vector.broadcast %div3A_1373 : f32 to vector<16x128xf32>
      %div3A_1375 = arith.divf %div3A_1374, %mul3A_1372 : vector<16x128xf32>
      %eq3A_1376 = arith.constant 1.000000e+00 : f32
      %eq3A_1377 = vector.broadcast %eq3A_1376 : f32 to vector<16x128xf32>
      %eq3A_1378 = arith.cmpf oeq, %get3A_1357, %eq3A_1377 : vector<16x128xf32>
      %sub3A_1379 = arith.constant 1.000000e+00 : f32
      %sub3A_1380 = vector.broadcast %sub3A_1379 : f32 to vector<16x128xf32>
      %sub3A_1381 = arith.subf %sub3A_1380, %get3A_1357 : vector<16x128xf32>
      %mul3A_1382 = arith.mulf %sub3A_1381, %sub3A_1381 : vector<16x128xf32>
      %mul3A_1383 = arith.mulf %exp3A_1367, %exp3A_1367 : vector<16x128xf32>
      %mul3A_1384 = arith.mulf %log3A_1371, %mul3A_1383 : vector<16x128xf32>
      %add3A_1385 = arith.addf %log3A_1371, %min3A_1363 : vector<16x128xf32>
      %mul3A_1386 = arith.mulf %mul3A_1382, %mul3A_1382 : vector<16x128xf32>
      %mul3A_1387 = arith.mulf %add3A_1385, %mul3A_1386 : vector<16x128xf32>
      %select_n3A_1388 = arith.select %eq3A_1378, %mul3A_1384, %mul3A_1387 : vector<16x128xi1>, vector<16x128xf32>
      %mul3A_1389 = arith.mulf %select_n3A_1388, %div3A_1375 : vector<16x128xf32>
      %add3A_1390 = arith.addf %add3A_1339, %mul3A_1389 : vector<16x128xf32>
      %jit3A_1391 = arith.constant 1.000000e+00 : f32
      %jit3A_1392 = arith.constant 0.000000e+00 : f32
      %broadcast_in_dim3A_1393 = vector.broadcast %jit3A_1391 : f32 to vector<16x128xf32>
      %broadcast_in_dim3A_1394 = vector.broadcast %jit3A_1392 : f32 to vector<16x128xf32>
      %select_n3A_1395 = arith.select %eq3A_1378, %broadcast_in_dim3A_1393, %broadcast_in_dim3A_1394 : vector<16x128xi1>, vector<16x128xf32>
      %add3A_1396 = arith.addf %add3A_1345, %select_n3A_1395 : vector<16x128xf32>
      %scan3A_1397 = arith.constant 27 : i32
      %scan3A_1398 = arith.addi %scan3A_29, %scan3A_1397 : i32
      %mul3A_1399 = arith.constant 16 : i32
      %mul3A_1400 = arith.muli %scan3A_1398, %mul3A_1399 : i32
      %get3A_1401 = arith.index_cast %mul3A_1400 : i32 to index
      %get3A_1402 = arith.constant 0 : index
      %get3A_1403 = vector.load %arg1[%get3A_1401, %get3A_1402] : memref<10240x128xf32, #tpu.memory_space<vmem>>, vector<16x128xf32>
      %mul3A_1404 = arith.constant 16 : i32
      %mul3A_1405 = arith.muli %scan3A_1398, %mul3A_1404 : i32
      %get3A_1406 = arith.index_cast %mul3A_1405 : i32 to index
      %get3A_1407 = arith.constant 0 : index
      %get3A_1408 = vector.load %arg2[%get3A_1406, %get3A_1407] : memref<10240x128xf32, #tpu.memory_space<vmem>>, vector<16x128xf32>
      %max3A_1409 = arith.constant -9.210240e+00 : f32
      %max3A_1410 = vector.broadcast %max3A_1409 : f32 to vector<16x128xf32>
      %max3A_1411 = arith.maximumf %get3A_1403, %max3A_1410 : vector<16x128xf32>
      %min3A_1412 = arith.constant 9.210240e+00 : f32
      %min3A_1413 = vector.broadcast %min3A_1412 : f32 to vector<16x128xf32>
      %min3A_1414 = arith.minimumf %max3A_1411, %min3A_1413 : vector<16x128xf32>
      %neg3A_1415 = arith.constant 0.000000e+00 : f32
      %neg3A_1416 = vector.broadcast %neg3A_1415 : f32 to vector<16x128xf32>
      %neg3A_1417 = arith.subf %neg3A_1416, %min3A_1414 : vector<16x128xf32>
      %exp3A_1418 = math.exp %neg3A_1417 : vector<16x128xf32>
      %add3A_1419 = arith.constant 1.000000e+00 : f32
      %add3A_1420 = vector.broadcast %add3A_1419 : f32 to vector<16x128xf32>
      %add3A_1421 = arith.addf %exp3A_1418, %add3A_1420 : vector<16x128xf32>
      %log3A_1422 = math.log %add3A_1421 : vector<16x128xf32>
      %mul3A_1423 = arith.mulf %add3A_1421, %add3A_1421 : vector<16x128xf32>
      %div3A_1424 = arith.constant 1.000000e+00 : f32
      %div3A_1425 = vector.broadcast %div3A_1424 : f32 to vector<16x128xf32>
      %div3A_1426 = arith.divf %div3A_1425, %mul3A_1423 : vector<16x128xf32>
      %eq3A_1427 = arith.constant 1.000000e+00 : f32
      %eq3A_1428 = vector.broadcast %eq3A_1427 : f32 to vector<16x128xf32>
      %eq3A_1429 = arith.cmpf oeq, %get3A_1408, %eq3A_1428 : vector<16x128xf32>
      %sub3A_1430 = arith.constant 1.000000e+00 : f32
      %sub3A_1431 = vector.broadcast %sub3A_1430 : f32 to vector<16x128xf32>
      %sub3A_1432 = arith.subf %sub3A_1431, %get3A_1408 : vector<16x128xf32>
      %mul3A_1433 = arith.mulf %sub3A_1432, %sub3A_1432 : vector<16x128xf32>
      %mul3A_1434 = arith.mulf %exp3A_1418, %exp3A_1418 : vector<16x128xf32>
      %mul3A_1435 = arith.mulf %log3A_1422, %mul3A_1434 : vector<16x128xf32>
      %add3A_1436 = arith.addf %log3A_1422, %min3A_1414 : vector<16x128xf32>
      %mul3A_1437 = arith.mulf %mul3A_1433, %mul3A_1433 : vector<16x128xf32>
      %mul3A_1438 = arith.mulf %add3A_1436, %mul3A_1437 : vector<16x128xf32>
      %select_n3A_1439 = arith.select %eq3A_1429, %mul3A_1435, %mul3A_1438 : vector<16x128xi1>, vector<16x128xf32>
      %mul3A_1440 = arith.mulf %select_n3A_1439, %div3A_1426 : vector<16x128xf32>
      %add3A_1441 = arith.addf %add3A_1390, %mul3A_1440 : vector<16x128xf32>
      %jit3A_1442 = arith.constant 1.000000e+00 : f32
      %jit3A_1443 = arith.constant 0.000000e+00 : f32
      %broadcast_in_dim3A_1444 = vector.broadcast %jit3A_1442 : f32 to vector<16x128xf32>
      %broadcast_in_dim3A_1445 = vector.broadcast %jit3A_1443 : f32 to vector<16x128xf32>
      %select_n3A_1446 = arith.select %eq3A_1429, %broadcast_in_dim3A_1444, %broadcast_in_dim3A_1445 : vector<16x128xi1>, vector<16x128xf32>
      %add3A_1447 = arith.addf %add3A_1396, %select_n3A_1446 : vector<16x128xf32>
      %scan3A_1448 = arith.constant 28 : i32
      %scan3A_1449 = arith.addi %scan3A_29, %scan3A_1448 : i32
      %mul3A_1450 = arith.constant 16 : i32
      %mul3A_1451 = arith.muli %scan3A_1449, %mul3A_1450 : i32
      %get3A_1452 = arith.index_cast %mul3A_1451 : i32 to index
      %get3A_1453 = arith.constant 0 : index
      %get3A_1454 = vector.load %arg1[%get3A_1452, %get3A_1453] : memref<10240x128xf32, #tpu.memory_space<vmem>>, vector<16x128xf32>
      %mul3A_1455 = arith.constant 16 : i32
      %mul3A_1456 = arith.muli %scan3A_1449, %mul3A_1455 : i32
      %get3A_1457 = arith.index_cast %mul3A_1456 : i32 to index
      %get3A_1458 = arith.constant 0 : index
      %get3A_1459 = vector.load %arg2[%get3A_1457, %get3A_1458] : memref<10240x128xf32, #tpu.memory_space<vmem>>, vector<16x128xf32>
      %max3A_1460 = arith.constant -9.210240e+00 : f32
      %max3A_1461 = vector.broadcast %max3A_1460 : f32 to vector<16x128xf32>
      %max3A_1462 = arith.maximumf %get3A_1454, %max3A_1461 : vector<16x128xf32>
      %min3A_1463 = arith.constant 9.210240e+00 : f32
      %min3A_1464 = vector.broadcast %min3A_1463 : f32 to vector<16x128xf32>
      %min3A_1465 = arith.minimumf %max3A_1462, %min3A_1464 : vector<16x128xf32>
      %neg3A_1466 = arith.constant 0.000000e+00 : f32
      %neg3A_1467 = vector.broadcast %neg3A_1466 : f32 to vector<16x128xf32>
      %neg3A_1468 = arith.subf %neg3A_1467, %min3A_1465 : vector<16x128xf32>
      %exp3A_1469 = math.exp %neg3A_1468 : vector<16x128xf32>
      %add3A_1470 = arith.constant 1.000000e+00 : f32
      %add3A_1471 = vector.broadcast %add3A_1470 : f32 to vector<16x128xf32>
      %add3A_1472 = arith.addf %exp3A_1469, %add3A_1471 : vector<16x128xf32>
      %log3A_1473 = math.log %add3A_1472 : vector<16x128xf32>
      %mul3A_1474 = arith.mulf %add3A_1472, %add3A_1472 : vector<16x128xf32>
      %div3A_1475 = arith.constant 1.000000e+00 : f32
      %div3A_1476 = vector.broadcast %div3A_1475 : f32 to vector<16x128xf32>
      %div3A_1477 = arith.divf %div3A_1476, %mul3A_1474 : vector<16x128xf32>
      %eq3A_1478 = arith.constant 1.000000e+00 : f32
      %eq3A_1479 = vector.broadcast %eq3A_1478 : f32 to vector<16x128xf32>
      %eq3A_1480 = arith.cmpf oeq, %get3A_1459, %eq3A_1479 : vector<16x128xf32>
      %sub3A_1481 = arith.constant 1.000000e+00 : f32
      %sub3A_1482 = vector.broadcast %sub3A_1481 : f32 to vector<16x128xf32>
      %sub3A_1483 = arith.subf %sub3A_1482, %get3A_1459 : vector<16x128xf32>
      %mul3A_1484 = arith.mulf %sub3A_1483, %sub3A_1483 : vector<16x128xf32>
      %mul3A_1485 = arith.mulf %exp3A_1469, %exp3A_1469 : vector<16x128xf32>
      %mul3A_1486 = arith.mulf %log3A_1473, %mul3A_1485 : vector<16x128xf32>
      %add3A_1487 = arith.addf %log3A_1473, %min3A_1465 : vector<16x128xf32>
      %mul3A_1488 = arith.mulf %mul3A_1484, %mul3A_1484 : vector<16x128xf32>
      %mul3A_1489 = arith.mulf %add3A_1487, %mul3A_1488 : vector<16x128xf32>
      %select_n3A_1490 = arith.select %eq3A_1480, %mul3A_1486, %mul3A_1489 : vector<16x128xi1>, vector<16x128xf32>
      %mul3A_1491 = arith.mulf %select_n3A_1490, %div3A_1477 : vector<16x128xf32>
      %add3A_1492 = arith.addf %add3A_1441, %mul3A_1491 : vector<16x128xf32>
      %jit3A_1493 = arith.constant 1.000000e+00 : f32
      %jit3A_1494 = arith.constant 0.000000e+00 : f32
      %broadcast_in_dim3A_1495 = vector.broadcast %jit3A_1493 : f32 to vector<16x128xf32>
      %broadcast_in_dim3A_1496 = vector.broadcast %jit3A_1494 : f32 to vector<16x128xf32>
      %select_n3A_1497 = arith.select %eq3A_1480, %broadcast_in_dim3A_1495, %broadcast_in_dim3A_1496 : vector<16x128xi1>, vector<16x128xf32>
      %add3A_1498 = arith.addf %add3A_1447, %select_n3A_1497 : vector<16x128xf32>
      %scan3A_1499 = arith.constant 29 : i32
      %scan3A_1500 = arith.addi %scan3A_29, %scan3A_1499 : i32
      %mul3A_1501 = arith.constant 16 : i32
      %mul3A_1502 = arith.muli %scan3A_1500, %mul3A_1501 : i32
      %get3A_1503 = arith.index_cast %mul3A_1502 : i32 to index
      %get3A_1504 = arith.constant 0 : index
      %get3A_1505 = vector.load %arg1[%get3A_1503, %get3A_1504] : memref<10240x128xf32, #tpu.memory_space<vmem>>, vector<16x128xf32>
      %mul3A_1506 = arith.constant 16 : i32
      %mul3A_1507 = arith.muli %scan3A_1500, %mul3A_1506 : i32
      %get3A_1508 = arith.index_cast %mul3A_1507 : i32 to index
      %get3A_1509 = arith.constant 0 : index
      %get3A_1510 = vector.load %arg2[%get3A_1508, %get3A_1509] : memref<10240x128xf32, #tpu.memory_space<vmem>>, vector<16x128xf32>
      %max3A_1511 = arith.constant -9.210240e+00 : f32
      %max3A_1512 = vector.broadcast %max3A_1511 : f32 to vector<16x128xf32>
      %max3A_1513 = arith.maximumf %get3A_1505, %max3A_1512 : vector<16x128xf32>
      %min3A_1514 = arith.constant 9.210240e+00 : f32
      %min3A_1515 = vector.broadcast %min3A_1514 : f32 to vector<16x128xf32>
      %min3A_1516 = arith.minimumf %max3A_1513, %min3A_1515 : vector<16x128xf32>
      %neg3A_1517 = arith.constant 0.000000e+00 : f32
      %neg3A_1518 = vector.broadcast %neg3A_1517 : f32 to vector<16x128xf32>
      %neg3A_1519 = arith.subf %neg3A_1518, %min3A_1516 : vector<16x128xf32>
      %exp3A_1520 = math.exp %neg3A_1519 : vector<16x128xf32>
      %add3A_1521 = arith.constant 1.000000e+00 : f32
      %add3A_1522 = vector.broadcast %add3A_1521 : f32 to vector<16x128xf32>
      %add3A_1523 = arith.addf %exp3A_1520, %add3A_1522 : vector<16x128xf32>
      %log3A_1524 = math.log %add3A_1523 : vector<16x128xf32>
      %mul3A_1525 = arith.mulf %add3A_1523, %add3A_1523 : vector<16x128xf32>
      %div3A_1526 = arith.constant 1.000000e+00 : f32
      %div3A_1527 = vector.broadcast %div3A_1526 : f32 to vector<16x128xf32>
      %div3A_1528 = arith.divf %div3A_1527, %mul3A_1525 : vector<16x128xf32>
      %eq3A_1529 = arith.constant 1.000000e+00 : f32
      %eq3A_1530 = vector.broadcast %eq3A_1529 : f32 to vector<16x128xf32>
      %eq3A_1531 = arith.cmpf oeq, %get3A_1510, %eq3A_1530 : vector<16x128xf32>
      %sub3A_1532 = arith.constant 1.000000e+00 : f32
      %sub3A_1533 = vector.broadcast %sub3A_1532 : f32 to vector<16x128xf32>
      %sub3A_1534 = arith.subf %sub3A_1533, %get3A_1510 : vector<16x128xf32>
      %mul3A_1535 = arith.mulf %sub3A_1534, %sub3A_1534 : vector<16x128xf32>
      %mul3A_1536 = arith.mulf %exp3A_1520, %exp3A_1520 : vector<16x128xf32>
      %mul3A_1537 = arith.mulf %log3A_1524, %mul3A_1536 : vector<16x128xf32>
      %add3A_1538 = arith.addf %log3A_1524, %min3A_1516 : vector<16x128xf32>
      %mul3A_1539 = arith.mulf %mul3A_1535, %mul3A_1535 : vector<16x128xf32>
      %mul3A_1540 = arith.mulf %add3A_1538, %mul3A_1539 : vector<16x128xf32>
      %select_n3A_1541 = arith.select %eq3A_1531, %mul3A_1537, %mul3A_1540 : vector<16x128xi1>, vector<16x128xf32>
      %mul3A_1542 = arith.mulf %select_n3A_1541, %div3A_1528 : vector<16x128xf32>
      %add3A_1543 = arith.addf %add3A_1492, %mul3A_1542 : vector<16x128xf32>
      %jit3A_1544 = arith.constant 1.000000e+00 : f32
      %jit3A_1545 = arith.constant 0.000000e+00 : f32
      %broadcast_in_dim3A_1546 = vector.broadcast %jit3A_1544 : f32 to vector<16x128xf32>
      %broadcast_in_dim3A_1547 = vector.broadcast %jit3A_1545 : f32 to vector<16x128xf32>
      %select_n3A_1548 = arith.select %eq3A_1531, %broadcast_in_dim3A_1546, %broadcast_in_dim3A_1547 : vector<16x128xi1>, vector<16x128xf32>
      %add3A_1549 = arith.addf %add3A_1498, %select_n3A_1548 : vector<16x128xf32>
      %scan3A_1550 = arith.constant 30 : i32
      %scan3A_1551 = arith.addi %scan3A_29, %scan3A_1550 : i32
      %mul3A_1552 = arith.constant 16 : i32
      %mul3A_1553 = arith.muli %scan3A_1551, %mul3A_1552 : i32
      %get3A_1554 = arith.index_cast %mul3A_1553 : i32 to index
      %get3A_1555 = arith.constant 0 : index
      %get3A_1556 = vector.load %arg1[%get3A_1554, %get3A_1555] : memref<10240x128xf32, #tpu.memory_space<vmem>>, vector<16x128xf32>
      %mul3A_1557 = arith.constant 16 : i32
      %mul3A_1558 = arith.muli %scan3A_1551, %mul3A_1557 : i32
      %get3A_1559 = arith.index_cast %mul3A_1558 : i32 to index
      %get3A_1560 = arith.constant 0 : index
      %get3A_1561 = vector.load %arg2[%get3A_1559, %get3A_1560] : memref<10240x128xf32, #tpu.memory_space<vmem>>, vector<16x128xf32>
      %max3A_1562 = arith.constant -9.210240e+00 : f32
      %max3A_1563 = vector.broadcast %max3A_1562 : f32 to vector<16x128xf32>
      %max3A_1564 = arith.maximumf %get3A_1556, %max3A_1563 : vector<16x128xf32>
      %min3A_1565 = arith.constant 9.210240e+00 : f32
      %min3A_1566 = vector.broadcast %min3A_1565 : f32 to vector<16x128xf32>
      %min3A_1567 = arith.minimumf %max3A_1564, %min3A_1566 : vector<16x128xf32>
      %neg3A_1568 = arith.constant 0.000000e+00 : f32
      %neg3A_1569 = vector.broadcast %neg3A_1568 : f32 to vector<16x128xf32>
      %neg3A_1570 = arith.subf %neg3A_1569, %min3A_1567 : vector<16x128xf32>
      %exp3A_1571 = math.exp %neg3A_1570 : vector<16x128xf32>
      %add3A_1572 = arith.constant 1.000000e+00 : f32
      %add3A_1573 = vector.broadcast %add3A_1572 : f32 to vector<16x128xf32>
      %add3A_1574 = arith.addf %exp3A_1571, %add3A_1573 : vector<16x128xf32>
      %log3A_1575 = math.log %add3A_1574 : vector<16x128xf32>
      %mul3A_1576 = arith.mulf %add3A_1574, %add3A_1574 : vector<16x128xf32>
      %div3A_1577 = arith.constant 1.000000e+00 : f32
      %div3A_1578 = vector.broadcast %div3A_1577 : f32 to vector<16x128xf32>
      %div3A_1579 = arith.divf %div3A_1578, %mul3A_1576 : vector<16x128xf32>
      %eq3A_1580 = arith.constant 1.000000e+00 : f32
      %eq3A_1581 = vector.broadcast %eq3A_1580 : f32 to vector<16x128xf32>
      %eq3A_1582 = arith.cmpf oeq, %get3A_1561, %eq3A_1581 : vector<16x128xf32>
      %sub3A_1583 = arith.constant 1.000000e+00 : f32
      %sub3A_1584 = vector.broadcast %sub3A_1583 : f32 to vector<16x128xf32>
      %sub3A_1585 = arith.subf %sub3A_1584, %get3A_1561 : vector<16x128xf32>
      %mul3A_1586 = arith.mulf %sub3A_1585, %sub3A_1585 : vector<16x128xf32>
      %mul3A_1587 = arith.mulf %exp3A_1571, %exp3A_1571 : vector<16x128xf32>
      %mul3A_1588 = arith.mulf %log3A_1575, %mul3A_1587 : vector<16x128xf32>
      %add3A_1589 = arith.addf %log3A_1575, %min3A_1567 : vector<16x128xf32>
      %mul3A_1590 = arith.mulf %mul3A_1586, %mul3A_1586 : vector<16x128xf32>
      %mul3A_1591 = arith.mulf %add3A_1589, %mul3A_1590 : vector<16x128xf32>
      %select_n3A_1592 = arith.select %eq3A_1582, %mul3A_1588, %mul3A_1591 : vector<16x128xi1>, vector<16x128xf32>
      %mul3A_1593 = arith.mulf %select_n3A_1592, %div3A_1579 : vector<16x128xf32>
      %add3A_1594 = arith.addf %add3A_1543, %mul3A_1593 : vector<16x128xf32>
      %jit3A_1595 = arith.constant 1.000000e+00 : f32
      %jit3A_1596 = arith.constant 0.000000e+00 : f32
      %broadcast_in_dim3A_1597 = vector.broadcast %jit3A_1595 : f32 to vector<16x128xf32>
      %broadcast_in_dim3A_1598 = vector.broadcast %jit3A_1596 : f32 to vector<16x128xf32>
      %select_n3A_1599 = arith.select %eq3A_1582, %broadcast_in_dim3A_1597, %broadcast_in_dim3A_1598 : vector<16x128xi1>, vector<16x128xf32>
      %add3A_1600 = arith.addf %add3A_1549, %select_n3A_1599 : vector<16x128xf32>
      %scan3A_1601 = arith.constant 31 : i32
      %scan3A_1602 = arith.addi %scan3A_29, %scan3A_1601 : i32
      %mul3A_1603 = arith.constant 16 : i32
      %mul3A_1604 = arith.muli %scan3A_1602, %mul3A_1603 : i32
      %get3A_1605 = arith.index_cast %mul3A_1604 : i32 to index
      %get3A_1606 = arith.constant 0 : index
      %get3A_1607 = vector.load %arg1[%get3A_1605, %get3A_1606] : memref<10240x128xf32, #tpu.memory_space<vmem>>, vector<16x128xf32>
      %mul3A_1608 = arith.constant 16 : i32
      %mul3A_1609 = arith.muli %scan3A_1602, %mul3A_1608 : i32
      %get3A_1610 = arith.index_cast %mul3A_1609 : i32 to index
      %get3A_1611 = arith.constant 0 : index
      %get3A_1612 = vector.load %arg2[%get3A_1610, %get3A_1611] : memref<10240x128xf32, #tpu.memory_space<vmem>>, vector<16x128xf32>
      %max3A_1613 = arith.constant -9.210240e+00 : f32
      %max3A_1614 = vector.broadcast %max3A_1613 : f32 to vector<16x128xf32>
      %max3A_1615 = arith.maximumf %get3A_1607, %max3A_1614 : vector<16x128xf32>
      %min3A_1616 = arith.constant 9.210240e+00 : f32
      %min3A_1617 = vector.broadcast %min3A_1616 : f32 to vector<16x128xf32>
      %min3A_1618 = arith.minimumf %max3A_1615, %min3A_1617 : vector<16x128xf32>
      %neg3A_1619 = arith.constant 0.000000e+00 : f32
      %neg3A_1620 = vector.broadcast %neg3A_1619 : f32 to vector<16x128xf32>
      %neg3A_1621 = arith.subf %neg3A_1620, %min3A_1618 : vector<16x128xf32>
      %exp3A_1622 = math.exp %neg3A_1621 : vector<16x128xf32>
      %add3A_1623 = arith.constant 1.000000e+00 : f32
      %add3A_1624 = vector.broadcast %add3A_1623 : f32 to vector<16x128xf32>
      %add3A_1625 = arith.addf %exp3A_1622, %add3A_1624 : vector<16x128xf32>
      %log3A_1626 = math.log %add3A_1625 : vector<16x128xf32>
      %mul3A_1627 = arith.mulf %add3A_1625, %add3A_1625 : vector<16x128xf32>
      %div3A_1628 = arith.constant 1.000000e+00 : f32
      %div3A_1629 = vector.broadcast %div3A_1628 : f32 to vector<16x128xf32>
      %div3A_1630 = arith.divf %div3A_1629, %mul3A_1627 : vector<16x128xf32>
      %eq3A_1631 = arith.constant 1.000000e+00 : f32
      %eq3A_1632 = vector.broadcast %eq3A_1631 : f32 to vector<16x128xf32>
      %eq3A_1633 = arith.cmpf oeq, %get3A_1612, %eq3A_1632 : vector<16x128xf32>
      %sub3A_1634 = arith.constant 1.000000e+00 : f32
      %sub3A_1635 = vector.broadcast %sub3A_1634 : f32 to vector<16x128xf32>
      %sub3A_1636 = arith.subf %sub3A_1635, %get3A_1612 : vector<16x128xf32>
      %mul3A_1637 = arith.mulf %sub3A_1636, %sub3A_1636 : vector<16x128xf32>
      %mul3A_1638 = arith.mulf %exp3A_1622, %exp3A_1622 : vector<16x128xf32>
      %mul3A_1639 = arith.mulf %log3A_1626, %mul3A_1638 : vector<16x128xf32>
      %add3A_1640 = arith.addf %log3A_1626, %min3A_1618 : vector<16x128xf32>
      %mul3A_1641 = arith.mulf %mul3A_1637, %mul3A_1637 : vector<16x128xf32>
      %mul3A_1642 = arith.mulf %add3A_1640, %mul3A_1641 : vector<16x128xf32>
      %select_n3A_1643 = arith.select %eq3A_1633, %mul3A_1639, %mul3A_1642 : vector<16x128xi1>, vector<16x128xf32>
      %mul3A_1644 = arith.mulf %select_n3A_1643, %div3A_1630 : vector<16x128xf32>
      %add3A_1645 = arith.addf %add3A_1594, %mul3A_1644 : vector<16x128xf32>
      %jit3A_1646 = arith.constant 1.000000e+00 : f32
      %jit3A_1647 = arith.constant 0.000000e+00 : f32
      %broadcast_in_dim3A_1648 = vector.broadcast %jit3A_1646 : f32 to vector<16x128xf32>
      %broadcast_in_dim3A_1649 = vector.broadcast %jit3A_1647 : f32 to vector<16x128xf32>
      %select_n3A_1650 = arith.select %eq3A_1633, %broadcast_in_dim3A_1648, %broadcast_in_dim3A_1649 : vector<16x128xi1>, vector<16x128xf32>
      %add3A_1651 = arith.addf %add3A_1600, %select_n3A_1650 : vector<16x128xf32>
      %scan3A_1652 = arith.constant 32 : i32
      %scan3A_1653 = arith.addi %scan3A_29, %scan3A_1652 : i32
      %mul3A_1654 = arith.constant 16 : i32
      %mul3A_1655 = arith.muli %scan3A_1653, %mul3A_1654 : i32
      %get3A_1656 = arith.index_cast %mul3A_1655 : i32 to index
      %get3A_1657 = arith.constant 0 : index
      %get3A_1658 = vector.load %arg1[%get3A_1656, %get3A_1657] : memref<10240x128xf32, #tpu.memory_space<vmem>>, vector<16x128xf32>
      %mul3A_1659 = arith.constant 16 : i32
      %mul3A_1660 = arith.muli %scan3A_1653, %mul3A_1659 : i32
      %get3A_1661 = arith.index_cast %mul3A_1660 : i32 to index
      %get3A_1662 = arith.constant 0 : index
      %get3A_1663 = vector.load %arg2[%get3A_1661, %get3A_1662] : memref<10240x128xf32, #tpu.memory_space<vmem>>, vector<16x128xf32>
      %max3A_1664 = arith.constant -9.210240e+00 : f32
      %max3A_1665 = vector.broadcast %max3A_1664 : f32 to vector<16x128xf32>
      %max3A_1666 = arith.maximumf %get3A_1658, %max3A_1665 : vector<16x128xf32>
      %min3A_1667 = arith.constant 9.210240e+00 : f32
      %min3A_1668 = vector.broadcast %min3A_1667 : f32 to vector<16x128xf32>
      %min3A_1669 = arith.minimumf %max3A_1666, %min3A_1668 : vector<16x128xf32>
      %neg3A_1670 = arith.constant 0.000000e+00 : f32
      %neg3A_1671 = vector.broadcast %neg3A_1670 : f32 to vector<16x128xf32>
      %neg3A_1672 = arith.subf %neg3A_1671, %min3A_1669 : vector<16x128xf32>
      %exp3A_1673 = math.exp %neg3A_1672 : vector<16x128xf32>
      %add3A_1674 = arith.constant 1.000000e+00 : f32
      %add3A_1675 = vector.broadcast %add3A_1674 : f32 to vector<16x128xf32>
      %add3A_1676 = arith.addf %exp3A_1673, %add3A_1675 : vector<16x128xf32>
      %log3A_1677 = math.log %add3A_1676 : vector<16x128xf32>
      %mul3A_1678 = arith.mulf %add3A_1676, %add3A_1676 : vector<16x128xf32>
      %div3A_1679 = arith.constant 1.000000e+00 : f32
      %div3A_1680 = vector.broadcast %div3A_1679 : f32 to vector<16x128xf32>
      %div3A_1681 = arith.divf %div3A_1680, %mul3A_1678 : vector<16x128xf32>
      %eq3A_1682 = arith.constant 1.000000e+00 : f32
      %eq3A_1683 = vector.broadcast %eq3A_1682 : f32 to vector<16x128xf32>
      %eq3A_1684 = arith.cmpf oeq, %get3A_1663, %eq3A_1683 : vector<16x128xf32>
      %sub3A_1685 = arith.constant 1.000000e+00 : f32
      %sub3A_1686 = vector.broadcast %sub3A_1685 : f32 to vector<16x128xf32>
      %sub3A_1687 = arith.subf %sub3A_1686, %get3A_1663 : vector<16x128xf32>
      %mul3A_1688 = arith.mulf %sub3A_1687, %sub3A_1687 : vector<16x128xf32>
      %mul3A_1689 = arith.mulf %exp3A_1673, %exp3A_1673 : vector<16x128xf32>
      %mul3A_1690 = arith.mulf %log3A_1677, %mul3A_1689 : vector<16x128xf32>
      %add3A_1691 = arith.addf %log3A_1677, %min3A_1669 : vector<16x128xf32>
      %mul3A_1692 = arith.mulf %mul3A_1688, %mul3A_1688 : vector<16x128xf32>
      %mul3A_1693 = arith.mulf %add3A_1691, %mul3A_1692 : vector<16x128xf32>
      %select_n3A_1694 = arith.select %eq3A_1684, %mul3A_1690, %mul3A_1693 : vector<16x128xi1>, vector<16x128xf32>
      %mul3A_1695 = arith.mulf %select_n3A_1694, %div3A_1681 : vector<16x128xf32>
      %add3A_1696 = arith.addf %add3A_1645, %mul3A_1695 : vector<16x128xf32>
      %jit3A_1697 = arith.constant 1.000000e+00 : f32
      %jit3A_1698 = arith.constant 0.000000e+00 : f32
      %broadcast_in_dim3A_1699 = vector.broadcast %jit3A_1697 : f32 to vector<16x128xf32>
      %broadcast_in_dim3A_1700 = vector.broadcast %jit3A_1698 : f32 to vector<16x128xf32>
      %select_n3A_1701 = arith.select %eq3A_1684, %broadcast_in_dim3A_1699, %broadcast_in_dim3A_1700 : vector<16x128xi1>, vector<16x128xf32>
      %add3A_1702 = arith.addf %add3A_1651, %select_n3A_1701 : vector<16x128xf32>
      %scan3A_1703 = arith.constant 33 : i32
      %scan3A_1704 = arith.addi %scan3A_29, %scan3A_1703 : i32
      %mul3A_1705 = arith.constant 16 : i32
      %mul3A_1706 = arith.muli %scan3A_1704, %mul3A_1705 : i32
      %get3A_1707 = arith.index_cast %mul3A_1706 : i32 to index
      %get3A_1708 = arith.constant 0 : index
      %get3A_1709 = vector.load %arg1[%get3A_1707, %get3A_1708] : memref<10240x128xf32, #tpu.memory_space<vmem>>, vector<16x128xf32>
      %mul3A_1710 = arith.constant 16 : i32
      %mul3A_1711 = arith.muli %scan3A_1704, %mul3A_1710 : i32
      %get3A_1712 = arith.index_cast %mul3A_1711 : i32 to index
      %get3A_1713 = arith.constant 0 : index
      %get3A_1714 = vector.load %arg2[%get3A_1712, %get3A_1713] : memref<10240x128xf32, #tpu.memory_space<vmem>>, vector<16x128xf32>
      %max3A_1715 = arith.constant -9.210240e+00 : f32
      %max3A_1716 = vector.broadcast %max3A_1715 : f32 to vector<16x128xf32>
      %max3A_1717 = arith.maximumf %get3A_1709, %max3A_1716 : vector<16x128xf32>
      %min3A_1718 = arith.constant 9.210240e+00 : f32
      %min3A_1719 = vector.broadcast %min3A_1718 : f32 to vector<16x128xf32>
      %min3A_1720 = arith.minimumf %max3A_1717, %min3A_1719 : vector<16x128xf32>
      %neg3A_1721 = arith.constant 0.000000e+00 : f32
      %neg3A_1722 = vector.broadcast %neg3A_1721 : f32 to vector<16x128xf32>
      %neg3A_1723 = arith.subf %neg3A_1722, %min3A_1720 : vector<16x128xf32>
      %exp3A_1724 = math.exp %neg3A_1723 : vector<16x128xf32>
      %add3A_1725 = arith.constant 1.000000e+00 : f32
      %add3A_1726 = vector.broadcast %add3A_1725 : f32 to vector<16x128xf32>
      %add3A_1727 = arith.addf %exp3A_1724, %add3A_1726 : vector<16x128xf32>
      %log3A_1728 = math.log %add3A_1727 : vector<16x128xf32>
      %mul3A_1729 = arith.mulf %add3A_1727, %add3A_1727 : vector<16x128xf32>
      %div3A_1730 = arith.constant 1.000000e+00 : f32
      %div3A_1731 = vector.broadcast %div3A_1730 : f32 to vector<16x128xf32>
      %div3A_1732 = arith.divf %div3A_1731, %mul3A_1729 : vector<16x128xf32>
      %eq3A_1733 = arith.constant 1.000000e+00 : f32
      %eq3A_1734 = vector.broadcast %eq3A_1733 : f32 to vector<16x128xf32>
      %eq3A_1735 = arith.cmpf oeq, %get3A_1714, %eq3A_1734 : vector<16x128xf32>
      %sub3A_1736 = arith.constant 1.000000e+00 : f32
      %sub3A_1737 = vector.broadcast %sub3A_1736 : f32 to vector<16x128xf32>
      %sub3A_1738 = arith.subf %sub3A_1737, %get3A_1714 : vector<16x128xf32>
      %mul3A_1739 = arith.mulf %sub3A_1738, %sub3A_1738 : vector<16x128xf32>
      %mul3A_1740 = arith.mulf %exp3A_1724, %exp3A_1724 : vector<16x128xf32>
      %mul3A_1741 = arith.mulf %log3A_1728, %mul3A_1740 : vector<16x128xf32>
      %add3A_1742 = arith.addf %log3A_1728, %min3A_1720 : vector<16x128xf32>
      %mul3A_1743 = arith.mulf %mul3A_1739, %mul3A_1739 : vector<16x128xf32>
      %mul3A_1744 = arith.mulf %add3A_1742, %mul3A_1743 : vector<16x128xf32>
      %select_n3A_1745 = arith.select %eq3A_1735, %mul3A_1741, %mul3A_1744 : vector<16x128xi1>, vector<16x128xf32>
      %mul3A_1746 = arith.mulf %select_n3A_1745, %div3A_1732 : vector<16x128xf32>
      %add3A_1747 = arith.addf %add3A_1696, %mul3A_1746 : vector<16x128xf32>
      %jit3A_1748 = arith.constant 1.000000e+00 : f32
      %jit3A_1749 = arith.constant 0.000000e+00 : f32
      %broadcast_in_dim3A_1750 = vector.broadcast %jit3A_1748 : f32 to vector<16x128xf32>
      %broadcast_in_dim3A_1751 = vector.broadcast %jit3A_1749 : f32 to vector<16x128xf32>
      %select_n3A_1752 = arith.select %eq3A_1735, %broadcast_in_dim3A_1750, %broadcast_in_dim3A_1751 : vector<16x128xi1>, vector<16x128xf32>
      %add3A_1753 = arith.addf %add3A_1702, %select_n3A_1752 : vector<16x128xf32>
      %scan3A_1754 = arith.constant 34 : i32
      %scan3A_1755 = arith.addi %scan3A_29, %scan3A_1754 : i32
      %mul3A_1756 = arith.constant 16 : i32
      %mul3A_1757 = arith.muli %scan3A_1755, %mul3A_1756 : i32
      %get3A_1758 = arith.index_cast %mul3A_1757 : i32 to index
      %get3A_1759 = arith.constant 0 : index
      %get3A_1760 = vector.load %arg1[%get3A_1758, %get3A_1759] : memref<10240x128xf32, #tpu.memory_space<vmem>>, vector<16x128xf32>
      %mul3A_1761 = arith.constant 16 : i32
      %mul3A_1762 = arith.muli %scan3A_1755, %mul3A_1761 : i32
      %get3A_1763 = arith.index_cast %mul3A_1762 : i32 to index
      %get3A_1764 = arith.constant 0 : index
      %get3A_1765 = vector.load %arg2[%get3A_1763, %get3A_1764] : memref<10240x128xf32, #tpu.memory_space<vmem>>, vector<16x128xf32>
      %max3A_1766 = arith.constant -9.210240e+00 : f32
      %max3A_1767 = vector.broadcast %max3A_1766 : f32 to vector<16x128xf32>
      %max3A_1768 = arith.maximumf %get3A_1760, %max3A_1767 : vector<16x128xf32>
      %min3A_1769 = arith.constant 9.210240e+00 : f32
      %min3A_1770 = vector.broadcast %min3A_1769 : f32 to vector<16x128xf32>
      %min3A_1771 = arith.minimumf %max3A_1768, %min3A_1770 : vector<16x128xf32>
      %neg3A_1772 = arith.constant 0.000000e+00 : f32
      %neg3A_1773 = vector.broadcast %neg3A_1772 : f32 to vector<16x128xf32>
      %neg3A_1774 = arith.subf %neg3A_1773, %min3A_1771 : vector<16x128xf32>
      %exp3A_1775 = math.exp %neg3A_1774 : vector<16x128xf32>
      %add3A_1776 = arith.constant 1.000000e+00 : f32
      %add3A_1777 = vector.broadcast %add3A_1776 : f32 to vector<16x128xf32>
      %add3A_1778 = arith.addf %exp3A_1775, %add3A_1777 : vector<16x128xf32>
      %log3A_1779 = math.log %add3A_1778 : vector<16x128xf32>
      %mul3A_1780 = arith.mulf %add3A_1778, %add3A_1778 : vector<16x128xf32>
      %div3A_1781 = arith.constant 1.000000e+00 : f32
      %div3A_1782 = vector.broadcast %div3A_1781 : f32 to vector<16x128xf32>
      %div3A_1783 = arith.divf %div3A_1782, %mul3A_1780 : vector<16x128xf32>
      %eq3A_1784 = arith.constant 1.000000e+00 : f32
      %eq3A_1785 = vector.broadcast %eq3A_1784 : f32 to vector<16x128xf32>
      %eq3A_1786 = arith.cmpf oeq, %get3A_1765, %eq3A_1785 : vector<16x128xf32>
      %sub3A_1787 = arith.constant 1.000000e+00 : f32
      %sub3A_1788 = vector.broadcast %sub3A_1787 : f32 to vector<16x128xf32>
      %sub3A_1789 = arith.subf %sub3A_1788, %get3A_1765 : vector<16x128xf32>
      %mul3A_1790 = arith.mulf %sub3A_1789, %sub3A_1789 : vector<16x128xf32>
      %mul3A_1791 = arith.mulf %exp3A_1775, %exp3A_1775 : vector<16x128xf32>
      %mul3A_1792 = arith.mulf %log3A_1779, %mul3A_1791 : vector<16x128xf32>
      %add3A_1793 = arith.addf %log3A_1779, %min3A_1771 : vector<16x128xf32>
      %mul3A_1794 = arith.mulf %mul3A_1790, %mul3A_1790 : vector<16x128xf32>
      %mul3A_1795 = arith.mulf %add3A_1793, %mul3A_1794 : vector<16x128xf32>
      %select_n3A_1796 = arith.select %eq3A_1786, %mul3A_1792, %mul3A_1795 : vector<16x128xi1>, vector<16x128xf32>
      %mul3A_1797 = arith.mulf %select_n3A_1796, %div3A_1783 : vector<16x128xf32>
      %add3A_1798 = arith.addf %add3A_1747, %mul3A_1797 : vector<16x128xf32>
      %jit3A_1799 = arith.constant 1.000000e+00 : f32
      %jit3A_1800 = arith.constant 0.000000e+00 : f32
      %broadcast_in_dim3A_1801 = vector.broadcast %jit3A_1799 : f32 to vector<16x128xf32>
      %broadcast_in_dim3A_1802 = vector.broadcast %jit3A_1800 : f32 to vector<16x128xf32>
      %select_n3A_1803 = arith.select %eq3A_1786, %broadcast_in_dim3A_1801, %broadcast_in_dim3A_1802 : vector<16x128xi1>, vector<16x128xf32>
      %add3A_1804 = arith.addf %add3A_1753, %select_n3A_1803 : vector<16x128xf32>
      %scan3A_1805 = arith.constant 35 : i32
      %scan3A_1806 = arith.addi %scan3A_29, %scan3A_1805 : i32
      %mul3A_1807 = arith.constant 16 : i32
      %mul3A_1808 = arith.muli %scan3A_1806, %mul3A_1807 : i32
      %get3A_1809 = arith.index_cast %mul3A_1808 : i32 to index
      %get3A_1810 = arith.constant 0 : index
      %get3A_1811 = vector.load %arg1[%get3A_1809, %get3A_1810] : memref<10240x128xf32, #tpu.memory_space<vmem>>, vector<16x128xf32>
      %mul3A_1812 = arith.constant 16 : i32
      %mul3A_1813 = arith.muli %scan3A_1806, %mul3A_1812 : i32
      %get3A_1814 = arith.index_cast %mul3A_1813 : i32 to index
      %get3A_1815 = arith.constant 0 : index
      %get3A_1816 = vector.load %arg2[%get3A_1814, %get3A_1815] : memref<10240x128xf32, #tpu.memory_space<vmem>>, vector<16x128xf32>
      %max3A_1817 = arith.constant -9.210240e+00 : f32
      %max3A_1818 = vector.broadcast %max3A_1817 : f32 to vector<16x128xf32>
      %max3A_1819 = arith.maximumf %get3A_1811, %max3A_1818 : vector<16x128xf32>
      %min3A_1820 = arith.constant 9.210240e+00 : f32
      %min3A_1821 = vector.broadcast %min3A_1820 : f32 to vector<16x128xf32>
      %min3A_1822 = arith.minimumf %max3A_1819, %min3A_1821 : vector<16x128xf32>
      %neg3A_1823 = arith.constant 0.000000e+00 : f32
      %neg3A_1824 = vector.broadcast %neg3A_1823 : f32 to vector<16x128xf32>
      %neg3A_1825 = arith.subf %neg3A_1824, %min3A_1822 : vector<16x128xf32>
      %exp3A_1826 = math.exp %neg3A_1825 : vector<16x128xf32>
      %add3A_1827 = arith.constant 1.000000e+00 : f32
      %add3A_1828 = vector.broadcast %add3A_1827 : f32 to vector<16x128xf32>
      %add3A_1829 = arith.addf %exp3A_1826, %add3A_1828 : vector<16x128xf32>
      %log3A_1830 = math.log %add3A_1829 : vector<16x128xf32>
      %mul3A_1831 = arith.mulf %add3A_1829, %add3A_1829 : vector<16x128xf32>
      %div3A_1832 = arith.constant 1.000000e+00 : f32
      %div3A_1833 = vector.broadcast %div3A_1832 : f32 to vector<16x128xf32>
      %div3A_1834 = arith.divf %div3A_1833, %mul3A_1831 : vector<16x128xf32>
      %eq3A_1835 = arith.constant 1.000000e+00 : f32
      %eq3A_1836 = vector.broadcast %eq3A_1835 : f32 to vector<16x128xf32>
      %eq3A_1837 = arith.cmpf oeq, %get3A_1816, %eq3A_1836 : vector<16x128xf32>
      %sub3A_1838 = arith.constant 1.000000e+00 : f32
      %sub3A_1839 = vector.broadcast %sub3A_1838 : f32 to vector<16x128xf32>
      %sub3A_1840 = arith.subf %sub3A_1839, %get3A_1816 : vector<16x128xf32>
      %mul3A_1841 = arith.mulf %sub3A_1840, %sub3A_1840 : vector<16x128xf32>
      %mul3A_1842 = arith.mulf %exp3A_1826, %exp3A_1826 : vector<16x128xf32>
      %mul3A_1843 = arith.mulf %log3A_1830, %mul3A_1842 : vector<16x128xf32>
      %add3A_1844 = arith.addf %log3A_1830, %min3A_1822 : vector<16x128xf32>
      %mul3A_1845 = arith.mulf %mul3A_1841, %mul3A_1841 : vector<16x128xf32>
      %mul3A_1846 = arith.mulf %add3A_1844, %mul3A_1845 : vector<16x128xf32>
      %select_n3A_1847 = arith.select %eq3A_1837, %mul3A_1843, %mul3A_1846 : vector<16x128xi1>, vector<16x128xf32>
      %mul3A_1848 = arith.mulf %select_n3A_1847, %div3A_1834 : vector<16x128xf32>
      %add3A_1849 = arith.addf %add3A_1798, %mul3A_1848 : vector<16x128xf32>
      %jit3A_1850 = arith.constant 1.000000e+00 : f32
      %jit3A_1851 = arith.constant 0.000000e+00 : f32
      %broadcast_in_dim3A_1852 = vector.broadcast %jit3A_1850 : f32 to vector<16x128xf32>
      %broadcast_in_dim3A_1853 = vector.broadcast %jit3A_1851 : f32 to vector<16x128xf32>
      %select_n3A_1854 = arith.select %eq3A_1837, %broadcast_in_dim3A_1852, %broadcast_in_dim3A_1853 : vector<16x128xi1>, vector<16x128xf32>
      %add3A_1855 = arith.addf %add3A_1804, %select_n3A_1854 : vector<16x128xf32>
      %scan3A_1856 = arith.constant 36 : i32
      %scan3A_1857 = arith.addi %scan3A_29, %scan3A_1856 : i32
      %mul3A_1858 = arith.constant 16 : i32
      %mul3A_1859 = arith.muli %scan3A_1857, %mul3A_1858 : i32
      %get3A_1860 = arith.index_cast %mul3A_1859 : i32 to index
      %get3A_1861 = arith.constant 0 : index
      %get3A_1862 = vector.load %arg1[%get3A_1860, %get3A_1861] : memref<10240x128xf32, #tpu.memory_space<vmem>>, vector<16x128xf32>
      %mul3A_1863 = arith.constant 16 : i32
      %mul3A_1864 = arith.muli %scan3A_1857, %mul3A_1863 : i32
      %get3A_1865 = arith.index_cast %mul3A_1864 : i32 to index
      %get3A_1866 = arith.constant 0 : index
      %get3A_1867 = vector.load %arg2[%get3A_1865, %get3A_1866] : memref<10240x128xf32, #tpu.memory_space<vmem>>, vector<16x128xf32>
      %max3A_1868 = arith.constant -9.210240e+00 : f32
      %max3A_1869 = vector.broadcast %max3A_1868 : f32 to vector<16x128xf32>
      %max3A_1870 = arith.maximumf %get3A_1862, %max3A_1869 : vector<16x128xf32>
      %min3A_1871 = arith.constant 9.210240e+00 : f32
      %min3A_1872 = vector.broadcast %min3A_1871 : f32 to vector<16x128xf32>
      %min3A_1873 = arith.minimumf %max3A_1870, %min3A_1872 : vector<16x128xf32>
      %neg3A_1874 = arith.constant 0.000000e+00 : f32
      %neg3A_1875 = vector.broadcast %neg3A_1874 : f32 to vector<16x128xf32>
      %neg3A_1876 = arith.subf %neg3A_1875, %min3A_1873 : vector<16x128xf32>
      %exp3A_1877 = math.exp %neg3A_1876 : vector<16x128xf32>
      %add3A_1878 = arith.constant 1.000000e+00 : f32
      %add3A_1879 = vector.broadcast %add3A_1878 : f32 to vector<16x128xf32>
      %add3A_1880 = arith.addf %exp3A_1877, %add3A_1879 : vector<16x128xf32>
      %log3A_1881 = math.log %add3A_1880 : vector<16x128xf32>
      %mul3A_1882 = arith.mulf %add3A_1880, %add3A_1880 : vector<16x128xf32>
      %div3A_1883 = arith.constant 1.000000e+00 : f32
      %div3A_1884 = vector.broadcast %div3A_1883 : f32 to vector<16x128xf32>
      %div3A_1885 = arith.divf %div3A_1884, %mul3A_1882 : vector<16x128xf32>
      %eq3A_1886 = arith.constant 1.000000e+00 : f32
      %eq3A_1887 = vector.broadcast %eq3A_1886 : f32 to vector<16x128xf32>
      %eq3A_1888 = arith.cmpf oeq, %get3A_1867, %eq3A_1887 : vector<16x128xf32>
      %sub3A_1889 = arith.constant 1.000000e+00 : f32
      %sub3A_1890 = vector.broadcast %sub3A_1889 : f32 to vector<16x128xf32>
      %sub3A_1891 = arith.subf %sub3A_1890, %get3A_1867 : vector<16x128xf32>
      %mul3A_1892 = arith.mulf %sub3A_1891, %sub3A_1891 : vector<16x128xf32>
      %mul3A_1893 = arith.mulf %exp3A_1877, %exp3A_1877 : vector<16x128xf32>
      %mul3A_1894 = arith.mulf %log3A_1881, %mul3A_1893 : vector<16x128xf32>
      %add3A_1895 = arith.addf %log3A_1881, %min3A_1873 : vector<16x128xf32>
      %mul3A_1896 = arith.mulf %mul3A_1892, %mul3A_1892 : vector<16x128xf32>
      %mul3A_1897 = arith.mulf %add3A_1895, %mul3A_1896 : vector<16x128xf32>
      %select_n3A_1898 = arith.select %eq3A_1888, %mul3A_1894, %mul3A_1897 : vector<16x128xi1>, vector<16x128xf32>
      %mul3A_1899 = arith.mulf %select_n3A_1898, %div3A_1885 : vector<16x128xf32>
      %add3A_1900 = arith.addf %add3A_1849, %mul3A_1899 : vector<16x128xf32>
      %jit3A_1901 = arith.constant 1.000000e+00 : f32
      %jit3A_1902 = arith.constant 0.000000e+00 : f32
      %broadcast_in_dim3A_1903 = vector.broadcast %jit3A_1901 : f32 to vector<16x128xf32>
      %broadcast_in_dim3A_1904 = vector.broadcast %jit3A_1902 : f32 to vector<16x128xf32>
      %select_n3A_1905 = arith.select %eq3A_1888, %broadcast_in_dim3A_1903, %broadcast_in_dim3A_1904 : vector<16x128xi1>, vector<16x128xf32>
      %add3A_1906 = arith.addf %add3A_1855, %select_n3A_1905 : vector<16x128xf32>
      %scan3A_1907 = arith.constant 37 : i32
      %scan3A_1908 = arith.addi %scan3A_29, %scan3A_1907 : i32
      %mul3A_1909 = arith.constant 16 : i32
      %mul3A_1910 = arith.muli %scan3A_1908, %mul3A_1909 : i32
      %get3A_1911 = arith.index_cast %mul3A_1910 : i32 to index
      %get3A_1912 = arith.constant 0 : index
      %get3A_1913 = vector.load %arg1[%get3A_1911, %get3A_1912] : memref<10240x128xf32, #tpu.memory_space<vmem>>, vector<16x128xf32>
      %mul3A_1914 = arith.constant 16 : i32
      %mul3A_1915 = arith.muli %scan3A_1908, %mul3A_1914 : i32
      %get3A_1916 = arith.index_cast %mul3A_1915 : i32 to index
      %get3A_1917 = arith.constant 0 : index
      %get3A_1918 = vector.load %arg2[%get3A_1916, %get3A_1917] : memref<10240x128xf32, #tpu.memory_space<vmem>>, vector<16x128xf32>
      %max3A_1919 = arith.constant -9.210240e+00 : f32
      %max3A_1920 = vector.broadcast %max3A_1919 : f32 to vector<16x128xf32>
      %max3A_1921 = arith.maximumf %get3A_1913, %max3A_1920 : vector<16x128xf32>
      %min3A_1922 = arith.constant 9.210240e+00 : f32
      %min3A_1923 = vector.broadcast %min3A_1922 : f32 to vector<16x128xf32>
      %min3A_1924 = arith.minimumf %max3A_1921, %min3A_1923 : vector<16x128xf32>
      %neg3A_1925 = arith.constant 0.000000e+00 : f32
      %neg3A_1926 = vector.broadcast %neg3A_1925 : f32 to vector<16x128xf32>
      %neg3A_1927 = arith.subf %neg3A_1926, %min3A_1924 : vector<16x128xf32>
      %exp3A_1928 = math.exp %neg3A_1927 : vector<16x128xf32>
      %add3A_1929 = arith.constant 1.000000e+00 : f32
      %add3A_1930 = vector.broadcast %add3A_1929 : f32 to vector<16x128xf32>
      %add3A_1931 = arith.addf %exp3A_1928, %add3A_1930 : vector<16x128xf32>
      %log3A_1932 = math.log %add3A_1931 : vector<16x128xf32>
      %mul3A_1933 = arith.mulf %add3A_1931, %add3A_1931 : vector<16x128xf32>
      %div3A_1934 = arith.constant 1.000000e+00 : f32
      %div3A_1935 = vector.broadcast %div3A_1934 : f32 to vector<16x128xf32>
      %div3A_1936 = arith.divf %div3A_1935, %mul3A_1933 : vector<16x128xf32>
      %eq3A_1937 = arith.constant 1.000000e+00 : f32
      %eq3A_1938 = vector.broadcast %eq3A_1937 : f32 to vector<16x128xf32>
      %eq3A_1939 = arith.cmpf oeq, %get3A_1918, %eq3A_1938 : vector<16x128xf32>
      %sub3A_1940 = arith.constant 1.000000e+00 : f32
      %sub3A_1941 = vector.broadcast %sub3A_1940 : f32 to vector<16x128xf32>
      %sub3A_1942 = arith.subf %sub3A_1941, %get3A_1918 : vector<16x128xf32>
      %mul3A_1943 = arith.mulf %sub3A_1942, %sub3A_1942 : vector<16x128xf32>
      %mul3A_1944 = arith.mulf %exp3A_1928, %exp3A_1928 : vector<16x128xf32>
      %mul3A_1945 = arith.mulf %log3A_1932, %mul3A_1944 : vector<16x128xf32>
      %add3A_1946 = arith.addf %log3A_1932, %min3A_1924 : vector<16x128xf32>
      %mul3A_1947 = arith.mulf %mul3A_1943, %mul3A_1943 : vector<16x128xf32>
      %mul3A_1948 = arith.mulf %add3A_1946, %mul3A_1947 : vector<16x128xf32>
      %select_n3A_1949 = arith.select %eq3A_1939, %mul3A_1945, %mul3A_1948 : vector<16x128xi1>, vector<16x128xf32>
      %mul3A_1950 = arith.mulf %select_n3A_1949, %div3A_1936 : vector<16x128xf32>
      %add3A_1951 = arith.addf %add3A_1900, %mul3A_1950 : vector<16x128xf32>
      %jit3A_1952 = arith.constant 1.000000e+00 : f32
      %jit3A_1953 = arith.constant 0.000000e+00 : f32
      %broadcast_in_dim3A_1954 = vector.broadcast %jit3A_1952 : f32 to vector<16x128xf32>
      %broadcast_in_dim3A_1955 = vector.broadcast %jit3A_1953 : f32 to vector<16x128xf32>
      %select_n3A_1956 = arith.select %eq3A_1939, %broadcast_in_dim3A_1954, %broadcast_in_dim3A_1955 : vector<16x128xi1>, vector<16x128xf32>
      %add3A_1957 = arith.addf %add3A_1906, %select_n3A_1956 : vector<16x128xf32>
      %scan3A_1958 = arith.constant 38 : i32
      %scan3A_1959 = arith.addi %scan3A_29, %scan3A_1958 : i32
      %mul3A_1960 = arith.constant 16 : i32
      %mul3A_1961 = arith.muli %scan3A_1959, %mul3A_1960 : i32
      %get3A_1962 = arith.index_cast %mul3A_1961 : i32 to index
      %get3A_1963 = arith.constant 0 : index
      %get3A_1964 = vector.load %arg1[%get3A_1962, %get3A_1963] : memref<10240x128xf32, #tpu.memory_space<vmem>>, vector<16x128xf32>
      %mul3A_1965 = arith.constant 16 : i32
      %mul3A_1966 = arith.muli %scan3A_1959, %mul3A_1965 : i32
      %get3A_1967 = arith.index_cast %mul3A_1966 : i32 to index
      %get3A_1968 = arith.constant 0 : index
      %get3A_1969 = vector.load %arg2[%get3A_1967, %get3A_1968] : memref<10240x128xf32, #tpu.memory_space<vmem>>, vector<16x128xf32>
      %max3A_1970 = arith.constant -9.210240e+00 : f32
      %max3A_1971 = vector.broadcast %max3A_1970 : f32 to vector<16x128xf32>
      %max3A_1972 = arith.maximumf %get3A_1964, %max3A_1971 : vector<16x128xf32>
      %min3A_1973 = arith.constant 9.210240e+00 : f32
      %min3A_1974 = vector.broadcast %min3A_1973 : f32 to vector<16x128xf32>
      %min3A_1975 = arith.minimumf %max3A_1972, %min3A_1974 : vector<16x128xf32>
      %neg3A_1976 = arith.constant 0.000000e+00 : f32
      %neg3A_1977 = vector.broadcast %neg3A_1976 : f32 to vector<16x128xf32>
      %neg3A_1978 = arith.subf %neg3A_1977, %min3A_1975 : vector<16x128xf32>
      %exp3A_1979 = math.exp %neg3A_1978 : vector<16x128xf32>
      %add3A_1980 = arith.constant 1.000000e+00 : f32
      %add3A_1981 = vector.broadcast %add3A_1980 : f32 to vector<16x128xf32>
      %add3A_1982 = arith.addf %exp3A_1979, %add3A_1981 : vector<16x128xf32>
      %log3A_1983 = math.log %add3A_1982 : vector<16x128xf32>
      %mul3A_1984 = arith.mulf %add3A_1982, %add3A_1982 : vector<16x128xf32>
      %div3A_1985 = arith.constant 1.000000e+00 : f32
      %div3A_1986 = vector.broadcast %div3A_1985 : f32 to vector<16x128xf32>
      %div3A_1987 = arith.divf %div3A_1986, %mul3A_1984 : vector<16x128xf32>
      %eq3A_1988 = arith.constant 1.000000e+00 : f32
      %eq3A_1989 = vector.broadcast %eq3A_1988 : f32 to vector<16x128xf32>
      %eq3A_1990 = arith.cmpf oeq, %get3A_1969, %eq3A_1989 : vector<16x128xf32>
      %sub3A_1991 = arith.constant 1.000000e+00 : f32
      %sub3A_1992 = vector.broadcast %sub3A_1991 : f32 to vector<16x128xf32>
      %sub3A_1993 = arith.subf %sub3A_1992, %get3A_1969 : vector<16x128xf32>
      %mul3A_1994 = arith.mulf %sub3A_1993, %sub3A_1993 : vector<16x128xf32>
      %mul3A_1995 = arith.mulf %exp3A_1979, %exp3A_1979 : vector<16x128xf32>
      %mul3A_1996 = arith.mulf %log3A_1983, %mul3A_1995 : vector<16x128xf32>
      %add3A_1997 = arith.addf %log3A_1983, %min3A_1975 : vector<16x128xf32>
      %mul3A_1998 = arith.mulf %mul3A_1994, %mul3A_1994 : vector<16x128xf32>
      %mul3A_1999 = arith.mulf %add3A_1997, %mul3A_1998 : vector<16x128xf32>
      %select_n3A_2000 = arith.select %eq3A_1990, %mul3A_1996, %mul3A_1999 : vector<16x128xi1>, vector<16x128xf32>
      %mul3A_2001 = arith.mulf %select_n3A_2000, %div3A_1987 : vector<16x128xf32>
      %add3A_2002 = arith.addf %add3A_1951, %mul3A_2001 : vector<16x128xf32>
      %jit3A_2003 = arith.constant 1.000000e+00 : f32
      %jit3A_2004 = arith.constant 0.000000e+00 : f32
      %broadcast_in_dim3A_2005 = vector.broadcast %jit3A_2003 : f32 to vector<16x128xf32>
      %broadcast_in_dim3A_2006 = vector.broadcast %jit3A_2004 : f32 to vector<16x128xf32>
      %select_n3A_2007 = arith.select %eq3A_1990, %broadcast_in_dim3A_2005, %broadcast_in_dim3A_2006 : vector<16x128xi1>, vector<16x128xf32>
      %add3A_2008 = arith.addf %add3A_1957, %select_n3A_2007 : vector<16x128xf32>
      %scan3A_2009 = arith.constant 39 : i32
      %scan3A_2010 = arith.addi %scan3A_29, %scan3A_2009 : i32
      %mul3A_2011 = arith.constant 16 : i32
      %mul3A_2012 = arith.muli %scan3A_2010, %mul3A_2011 : i32
      %get3A_2013 = arith.index_cast %mul3A_2012 : i32 to index
      %get3A_2014 = arith.constant 0 : index
      %get3A_2015 = vector.load %arg1[%get3A_2013, %get3A_2014] : memref<10240x128xf32, #tpu.memory_space<vmem>>, vector<16x128xf32>
      %mul3A_2016 = arith.constant 16 : i32
      %mul3A_2017 = arith.muli %scan3A_2010, %mul3A_2016 : i32
      %get3A_2018 = arith.index_cast %mul3A_2017 : i32 to index
      %get3A_2019 = arith.constant 0 : index
      %get3A_2020 = vector.load %arg2[%get3A_2018, %get3A_2019] : memref<10240x128xf32, #tpu.memory_space<vmem>>, vector<16x128xf32>
      %max3A_2021 = arith.constant -9.210240e+00 : f32
      %max3A_2022 = vector.broadcast %max3A_2021 : f32 to vector<16x128xf32>
      %max3A_2023 = arith.maximumf %get3A_2015, %max3A_2022 : vector<16x128xf32>
      %min3A_2024 = arith.constant 9.210240e+00 : f32
      %min3A_2025 = vector.broadcast %min3A_2024 : f32 to vector<16x128xf32>
      %min3A_2026 = arith.minimumf %max3A_2023, %min3A_2025 : vector<16x128xf32>
      %neg3A_2027 = arith.constant 0.000000e+00 : f32
      %neg3A_2028 = vector.broadcast %neg3A_2027 : f32 to vector<16x128xf32>
      %neg3A_2029 = arith.subf %neg3A_2028, %min3A_2026 : vector<16x128xf32>
      %exp3A_2030 = math.exp %neg3A_2029 : vector<16x128xf32>
      %add3A_2031 = arith.constant 1.000000e+00 : f32
      %add3A_2032 = vector.broadcast %add3A_2031 : f32 to vector<16x128xf32>
      %add3A_2033 = arith.addf %exp3A_2030, %add3A_2032 : vector<16x128xf32>
      %log3A_2034 = math.log %add3A_2033 : vector<16x128xf32>
      %mul3A_2035 = arith.mulf %add3A_2033, %add3A_2033 : vector<16x128xf32>
      %div3A_2036 = arith.constant 1.000000e+00 : f32
      %div3A_2037 = vector.broadcast %div3A_2036 : f32 to vector<16x128xf32>
      %div3A_2038 = arith.divf %div3A_2037, %mul3A_2035 : vector<16x128xf32>
      %eq3A_2039 = arith.constant 1.000000e+00 : f32
      %eq3A_2040 = vector.broadcast %eq3A_2039 : f32 to vector<16x128xf32>
      %eq3A_2041 = arith.cmpf oeq, %get3A_2020, %eq3A_2040 : vector<16x128xf32>
      %sub3A_2042 = arith.constant 1.000000e+00 : f32
      %sub3A_2043 = vector.broadcast %sub3A_2042 : f32 to vector<16x128xf32>
      %sub3A_2044 = arith.subf %sub3A_2043, %get3A_2020 : vector<16x128xf32>
      %mul3A_2045 = arith.mulf %sub3A_2044, %sub3A_2044 : vector<16x128xf32>
      %mul3A_2046 = arith.mulf %exp3A_2030, %exp3A_2030 : vector<16x128xf32>
      %mul3A_2047 = arith.mulf %log3A_2034, %mul3A_2046 : vector<16x128xf32>
      %add3A_2048 = arith.addf %log3A_2034, %min3A_2026 : vector<16x128xf32>
      %mul3A_2049 = arith.mulf %mul3A_2045, %mul3A_2045 : vector<16x128xf32>
      %mul3A_2050 = arith.mulf %add3A_2048, %mul3A_2049 : vector<16x128xf32>
      %select_n3A_2051 = arith.select %eq3A_2041, %mul3A_2047, %mul3A_2050 : vector<16x128xi1>, vector<16x128xf32>
      %mul3A_2052 = arith.mulf %select_n3A_2051, %div3A_2038 : vector<16x128xf32>
      %add3A_2053 = arith.addf %add3A_2002, %mul3A_2052 : vector<16x128xf32>
      %jit3A_2054 = arith.constant 1.000000e+00 : f32
      %jit3A_2055 = arith.constant 0.000000e+00 : f32
      %broadcast_in_dim3A_2056 = vector.broadcast %jit3A_2054 : f32 to vector<16x128xf32>
      %broadcast_in_dim3A_2057 = vector.broadcast %jit3A_2055 : f32 to vector<16x128xf32>
      %select_n3A_2058 = arith.select %eq3A_2041, %broadcast_in_dim3A_2056, %broadcast_in_dim3A_2057 : vector<16x128xi1>, vector<16x128xf32>
      %add3A_2059 = arith.addf %add3A_2008, %select_n3A_2058 : vector<16x128xf32>
      %scan3A_2060 = arith.constant 40 : i32
      %scan3A_2061 = arith.addi %scan3A_29, %scan3A_2060 : i32
      %mul3A_2062 = arith.constant 16 : i32
      %mul3A_2063 = arith.muli %scan3A_2061, %mul3A_2062 : i32
      %get3A_2064 = arith.index_cast %mul3A_2063 : i32 to index
      %get3A_2065 = arith.constant 0 : index
      %get3A_2066 = vector.load %arg1[%get3A_2064, %get3A_2065] : memref<10240x128xf32, #tpu.memory_space<vmem>>, vector<16x128xf32>
      %mul3A_2067 = arith.constant 16 : i32
      %mul3A_2068 = arith.muli %scan3A_2061, %mul3A_2067 : i32
      %get3A_2069 = arith.index_cast %mul3A_2068 : i32 to index
      %get3A_2070 = arith.constant 0 : index
      %get3A_2071 = vector.load %arg2[%get3A_2069, %get3A_2070] : memref<10240x128xf32, #tpu.memory_space<vmem>>, vector<16x128xf32>
      %max3A_2072 = arith.constant -9.210240e+00 : f32
      %max3A_2073 = vector.broadcast %max3A_2072 : f32 to vector<16x128xf32>
      %max3A_2074 = arith.maximumf %get3A_2066, %max3A_2073 : vector<16x128xf32>
      %min3A_2075 = arith.constant 9.210240e+00 : f32
      %min3A_2076 = vector.broadcast %min3A_2075 : f32 to vector<16x128xf32>
      %min3A_2077 = arith.minimumf %max3A_2074, %min3A_2076 : vector<16x128xf32>
      %neg3A_2078 = arith.constant 0.000000e+00 : f32
      %neg3A_2079 = vector.broadcast %neg3A_2078 : f32 to vector<16x128xf32>
      %neg3A_2080 = arith.subf %neg3A_2079, %min3A_2077 : vector<16x128xf32>
      %exp3A_2081 = math.exp %neg3A_2080 : vector<16x128xf32>
      %add3A_2082 = arith.constant 1.000000e+00 : f32
      %add3A_2083 = vector.broadcast %add3A_2082 : f32 to vector<16x128xf32>
      %add3A_2084 = arith.addf %exp3A_2081, %add3A_2083 : vector<16x128xf32>
      %log3A_2085 = math.log %add3A_2084 : vector<16x128xf32>
      %mul3A_2086 = arith.mulf %add3A_2084, %add3A_2084 : vector<16x128xf32>
      %div3A_2087 = arith.constant 1.000000e+00 : f32
      %div3A_2088 = vector.broadcast %div3A_2087 : f32 to vector<16x128xf32>
      %div3A_2089 = arith.divf %div3A_2088, %mul3A_2086 : vector<16x128xf32>
      %eq3A_2090 = arith.constant 1.000000e+00 : f32
      %eq3A_2091 = vector.broadcast %eq3A_2090 : f32 to vector<16x128xf32>
      %eq3A_2092 = arith.cmpf oeq, %get3A_2071, %eq3A_2091 : vector<16x128xf32>
      %sub3A_2093 = arith.constant 1.000000e+00 : f32
      %sub3A_2094 = vector.broadcast %sub3A_2093 : f32 to vector<16x128xf32>
      %sub3A_2095 = arith.subf %sub3A_2094, %get3A_2071 : vector<16x128xf32>
      %mul3A_2096 = arith.mulf %sub3A_2095, %sub3A_2095 : vector<16x128xf32>
      %mul3A_2097 = arith.mulf %exp3A_2081, %exp3A_2081 : vector<16x128xf32>
      %mul3A_2098 = arith.mulf %log3A_2085, %mul3A_2097 : vector<16x128xf32>
      %add3A_2099 = arith.addf %log3A_2085, %min3A_2077 : vector<16x128xf32>
      %mul3A_2100 = arith.mulf %mul3A_2096, %mul3A_2096 : vector<16x128xf32>
      %mul3A_2101 = arith.mulf %add3A_2099, %mul3A_2100 : vector<16x128xf32>
      %select_n3A_2102 = arith.select %eq3A_2092, %mul3A_2098, %mul3A_2101 : vector<16x128xi1>, vector<16x128xf32>
      %mul3A_2103 = arith.mulf %select_n3A_2102, %div3A_2089 : vector<16x128xf32>
      %add3A_2104 = arith.addf %add3A_2053, %mul3A_2103 : vector<16x128xf32>
      %jit3A_2105 = arith.constant 1.000000e+00 : f32
      %jit3A_2106 = arith.constant 0.000000e+00 : f32
      %broadcast_in_dim3A_2107 = vector.broadcast %jit3A_2105 : f32 to vector<16x128xf32>
      %broadcast_in_dim3A_2108 = vector.broadcast %jit3A_2106 : f32 to vector<16x128xf32>
      %select_n3A_2109 = arith.select %eq3A_2092, %broadcast_in_dim3A_2107, %broadcast_in_dim3A_2108 : vector<16x128xi1>, vector<16x128xf32>
      %add3A_2110 = arith.addf %add3A_2059, %select_n3A_2109 : vector<16x128xf32>
      %scan3A_2111 = arith.constant 41 : i32
      %scan3A_2112 = arith.addi %scan3A_29, %scan3A_2111 : i32
      %mul3A_2113 = arith.constant 16 : i32
      %mul3A_2114 = arith.muli %scan3A_2112, %mul3A_2113 : i32
      %get3A_2115 = arith.index_cast %mul3A_2114 : i32 to index
      %get3A_2116 = arith.constant 0 : index
      %get3A_2117 = vector.load %arg1[%get3A_2115, %get3A_2116] : memref<10240x128xf32, #tpu.memory_space<vmem>>, vector<16x128xf32>
      %mul3A_2118 = arith.constant 16 : i32
      %mul3A_2119 = arith.muli %scan3A_2112, %mul3A_2118 : i32
      %get3A_2120 = arith.index_cast %mul3A_2119 : i32 to index
      %get3A_2121 = arith.constant 0 : index
      %get3A_2122 = vector.load %arg2[%get3A_2120, %get3A_2121] : memref<10240x128xf32, #tpu.memory_space<vmem>>, vector<16x128xf32>
      %max3A_2123 = arith.constant -9.210240e+00 : f32
      %max3A_2124 = vector.broadcast %max3A_2123 : f32 to vector<16x128xf32>
      %max3A_2125 = arith.maximumf %get3A_2117, %max3A_2124 : vector<16x128xf32>
      %min3A_2126 = arith.constant 9.210240e+00 : f32
      %min3A_2127 = vector.broadcast %min3A_2126 : f32 to vector<16x128xf32>
      %min3A_2128 = arith.minimumf %max3A_2125, %min3A_2127 : vector<16x128xf32>
      %neg3A_2129 = arith.constant 0.000000e+00 : f32
      %neg3A_2130 = vector.broadcast %neg3A_2129 : f32 to vector<16x128xf32>
      %neg3A_2131 = arith.subf %neg3A_2130, %min3A_2128 : vector<16x128xf32>
      %exp3A_2132 = math.exp %neg3A_2131 : vector<16x128xf32>
      %add3A_2133 = arith.constant 1.000000e+00 : f32
      %add3A_2134 = vector.broadcast %add3A_2133 : f32 to vector<16x128xf32>
      %add3A_2135 = arith.addf %exp3A_2132, %add3A_2134 : vector<16x128xf32>
      %log3A_2136 = math.log %add3A_2135 : vector<16x128xf32>
      %mul3A_2137 = arith.mulf %add3A_2135, %add3A_2135 : vector<16x128xf32>
      %div3A_2138 = arith.constant 1.000000e+00 : f32
      %div3A_2139 = vector.broadcast %div3A_2138 : f32 to vector<16x128xf32>
      %div3A_2140 = arith.divf %div3A_2139, %mul3A_2137 : vector<16x128xf32>
      %eq3A_2141 = arith.constant 1.000000e+00 : f32
      %eq3A_2142 = vector.broadcast %eq3A_2141 : f32 to vector<16x128xf32>
      %eq3A_2143 = arith.cmpf oeq, %get3A_2122, %eq3A_2142 : vector<16x128xf32>
      %sub3A_2144 = arith.constant 1.000000e+00 : f32
      %sub3A_2145 = vector.broadcast %sub3A_2144 : f32 to vector<16x128xf32>
      %sub3A_2146 = arith.subf %sub3A_2145, %get3A_2122 : vector<16x128xf32>
      %mul3A_2147 = arith.mulf %sub3A_2146, %sub3A_2146 : vector<16x128xf32>
      %mul3A_2148 = arith.mulf %exp3A_2132, %exp3A_2132 : vector<16x128xf32>
      %mul3A_2149 = arith.mulf %log3A_2136, %mul3A_2148 : vector<16x128xf32>
      %add3A_2150 = arith.addf %log3A_2136, %min3A_2128 : vector<16x128xf32>
      %mul3A_2151 = arith.mulf %mul3A_2147, %mul3A_2147 : vector<16x128xf32>
      %mul3A_2152 = arith.mulf %add3A_2150, %mul3A_2151 : vector<16x128xf32>
      %select_n3A_2153 = arith.select %eq3A_2143, %mul3A_2149, %mul3A_2152 : vector<16x128xi1>, vector<16x128xf32>
      %mul3A_2154 = arith.mulf %select_n3A_2153, %div3A_2140 : vector<16x128xf32>
      %add3A_2155 = arith.addf %add3A_2104, %mul3A_2154 : vector<16x128xf32>
      %jit3A_2156 = arith.constant 1.000000e+00 : f32
      %jit3A_2157 = arith.constant 0.000000e+00 : f32
      %broadcast_in_dim3A_2158 = vector.broadcast %jit3A_2156 : f32 to vector<16x128xf32>
      %broadcast_in_dim3A_2159 = vector.broadcast %jit3A_2157 : f32 to vector<16x128xf32>
      %select_n3A_2160 = arith.select %eq3A_2143, %broadcast_in_dim3A_2158, %broadcast_in_dim3A_2159 : vector<16x128xi1>, vector<16x128xf32>
      %add3A_2161 = arith.addf %add3A_2110, %select_n3A_2160 : vector<16x128xf32>
      %scan3A_2162 = arith.constant 42 : i32
      %scan3A_2163 = arith.addi %scan3A_29, %scan3A_2162 : i32
      %mul3A_2164 = arith.constant 16 : i32
      %mul3A_2165 = arith.muli %scan3A_2163, %mul3A_2164 : i32
      %get3A_2166 = arith.index_cast %mul3A_2165 : i32 to index
      %get3A_2167 = arith.constant 0 : index
      %get3A_2168 = vector.load %arg1[%get3A_2166, %get3A_2167] : memref<10240x128xf32, #tpu.memory_space<vmem>>, vector<16x128xf32>
      %mul3A_2169 = arith.constant 16 : i32
      %mul3A_2170 = arith.muli %scan3A_2163, %mul3A_2169 : i32
      %get3A_2171 = arith.index_cast %mul3A_2170 : i32 to index
      %get3A_2172 = arith.constant 0 : index
      %get3A_2173 = vector.load %arg2[%get3A_2171, %get3A_2172] : memref<10240x128xf32, #tpu.memory_space<vmem>>, vector<16x128xf32>
      %max3A_2174 = arith.constant -9.210240e+00 : f32
      %max3A_2175 = vector.broadcast %max3A_2174 : f32 to vector<16x128xf32>
      %max3A_2176 = arith.maximumf %get3A_2168, %max3A_2175 : vector<16x128xf32>
      %min3A_2177 = arith.constant 9.210240e+00 : f32
      %min3A_2178 = vector.broadcast %min3A_2177 : f32 to vector<16x128xf32>
      %min3A_2179 = arith.minimumf %max3A_2176, %min3A_2178 : vector<16x128xf32>
      %neg3A_2180 = arith.constant 0.000000e+00 : f32
      %neg3A_2181 = vector.broadcast %neg3A_2180 : f32 to vector<16x128xf32>
      %neg3A_2182 = arith.subf %neg3A_2181, %min3A_2179 : vector<16x128xf32>
      %exp3A_2183 = math.exp %neg3A_2182 : vector<16x128xf32>
      %add3A_2184 = arith.constant 1.000000e+00 : f32
      %add3A_2185 = vector.broadcast %add3A_2184 : f32 to vector<16x128xf32>
      %add3A_2186 = arith.addf %exp3A_2183, %add3A_2185 : vector<16x128xf32>
      %log3A_2187 = math.log %add3A_2186 : vector<16x128xf32>
      %mul3A_2188 = arith.mulf %add3A_2186, %add3A_2186 : vector<16x128xf32>
      %div3A_2189 = arith.constant 1.000000e+00 : f32
      %div3A_2190 = vector.broadcast %div3A_2189 : f32 to vector<16x128xf32>
      %div3A_2191 = arith.divf %div3A_2190, %mul3A_2188 : vector<16x128xf32>
      %eq3A_2192 = arith.constant 1.000000e+00 : f32
      %eq3A_2193 = vector.broadcast %eq3A_2192 : f32 to vector<16x128xf32>
      %eq3A_2194 = arith.cmpf oeq, %get3A_2173, %eq3A_2193 : vector<16x128xf32>
      %sub3A_2195 = arith.constant 1.000000e+00 : f32
      %sub3A_2196 = vector.broadcast %sub3A_2195 : f32 to vector<16x128xf32>
      %sub3A_2197 = arith.subf %sub3A_2196, %get3A_2173 : vector<16x128xf32>
      %mul3A_2198 = arith.mulf %sub3A_2197, %sub3A_2197 : vector<16x128xf32>
      %mul3A_2199 = arith.mulf %exp3A_2183, %exp3A_2183 : vector<16x128xf32>
      %mul3A_2200 = arith.mulf %log3A_2187, %mul3A_2199 : vector<16x128xf32>
      %add3A_2201 = arith.addf %log3A_2187, %min3A_2179 : vector<16x128xf32>
      %mul3A_2202 = arith.mulf %mul3A_2198, %mul3A_2198 : vector<16x128xf32>
      %mul3A_2203 = arith.mulf %add3A_2201, %mul3A_2202 : vector<16x128xf32>
      %select_n3A_2204 = arith.select %eq3A_2194, %mul3A_2200, %mul3A_2203 : vector<16x128xi1>, vector<16x128xf32>
      %mul3A_2205 = arith.mulf %select_n3A_2204, %div3A_2191 : vector<16x128xf32>
      %add3A_2206 = arith.addf %add3A_2155, %mul3A_2205 : vector<16x128xf32>
      %jit3A_2207 = arith.constant 1.000000e+00 : f32
      %jit3A_2208 = arith.constant 0.000000e+00 : f32
      %broadcast_in_dim3A_2209 = vector.broadcast %jit3A_2207 : f32 to vector<16x128xf32>
      %broadcast_in_dim3A_2210 = vector.broadcast %jit3A_2208 : f32 to vector<16x128xf32>
      %select_n3A_2211 = arith.select %eq3A_2194, %broadcast_in_dim3A_2209, %broadcast_in_dim3A_2210 : vector<16x128xi1>, vector<16x128xf32>
      %add3A_2212 = arith.addf %add3A_2161, %select_n3A_2211 : vector<16x128xf32>
      %scan3A_2213 = arith.constant 43 : i32
      %scan3A_2214 = arith.addi %scan3A_29, %scan3A_2213 : i32
      %mul3A_2215 = arith.constant 16 : i32
      %mul3A_2216 = arith.muli %scan3A_2214, %mul3A_2215 : i32
      %get3A_2217 = arith.index_cast %mul3A_2216 : i32 to index
      %get3A_2218 = arith.constant 0 : index
      %get3A_2219 = vector.load %arg1[%get3A_2217, %get3A_2218] : memref<10240x128xf32, #tpu.memory_space<vmem>>, vector<16x128xf32>
      %mul3A_2220 = arith.constant 16 : i32
      %mul3A_2221 = arith.muli %scan3A_2214, %mul3A_2220 : i32
      %get3A_2222 = arith.index_cast %mul3A_2221 : i32 to index
      %get3A_2223 = arith.constant 0 : index
      %get3A_2224 = vector.load %arg2[%get3A_2222, %get3A_2223] : memref<10240x128xf32, #tpu.memory_space<vmem>>, vector<16x128xf32>
      %max3A_2225 = arith.constant -9.210240e+00 : f32
      %max3A_2226 = vector.broadcast %max3A_2225 : f32 to vector<16x128xf32>
      %max3A_2227 = arith.maximumf %get3A_2219, %max3A_2226 : vector<16x128xf32>
      %min3A_2228 = arith.constant 9.210240e+00 : f32
      %min3A_2229 = vector.broadcast %min3A_2228 : f32 to vector<16x128xf32>
      %min3A_2230 = arith.minimumf %max3A_2227, %min3A_2229 : vector<16x128xf32>
      %neg3A_2231 = arith.constant 0.000000e+00 : f32
      %neg3A_2232 = vector.broadcast %neg3A_2231 : f32 to vector<16x128xf32>
      %neg3A_2233 = arith.subf %neg3A_2232, %min3A_2230 : vector<16x128xf32>
      %exp3A_2234 = math.exp %neg3A_2233 : vector<16x128xf32>
      %add3A_2235 = arith.constant 1.000000e+00 : f32
      %add3A_2236 = vector.broadcast %add3A_2235 : f32 to vector<16x128xf32>
      %add3A_2237 = arith.addf %exp3A_2234, %add3A_2236 : vector<16x128xf32>
      %log3A_2238 = math.log %add3A_2237 : vector<16x128xf32>
      %mul3A_2239 = arith.mulf %add3A_2237, %add3A_2237 : vector<16x128xf32>
      %div3A_2240 = arith.constant 1.000000e+00 : f32
      %div3A_2241 = vector.broadcast %div3A_2240 : f32 to vector<16x128xf32>
      %div3A_2242 = arith.divf %div3A_2241, %mul3A_2239 : vector<16x128xf32>
      %eq3A_2243 = arith.constant 1.000000e+00 : f32
      %eq3A_2244 = vector.broadcast %eq3A_2243 : f32 to vector<16x128xf32>
      %eq3A_2245 = arith.cmpf oeq, %get3A_2224, %eq3A_2244 : vector<16x128xf32>
      %sub3A_2246 = arith.constant 1.000000e+00 : f32
      %sub3A_2247 = vector.broadcast %sub3A_2246 : f32 to vector<16x128xf32>
      %sub3A_2248 = arith.subf %sub3A_2247, %get3A_2224 : vector<16x128xf32>
      %mul3A_2249 = arith.mulf %sub3A_2248, %sub3A_2248 : vector<16x128xf32>
      %mul3A_2250 = arith.mulf %exp3A_2234, %exp3A_2234 : vector<16x128xf32>
      %mul3A_2251 = arith.mulf %log3A_2238, %mul3A_2250 : vector<16x128xf32>
      %add3A_2252 = arith.addf %log3A_2238, %min3A_2230 : vector<16x128xf32>
      %mul3A_2253 = arith.mulf %mul3A_2249, %mul3A_2249 : vector<16x128xf32>
      %mul3A_2254 = arith.mulf %add3A_2252, %mul3A_2253 : vector<16x128xf32>
      %select_n3A_2255 = arith.select %eq3A_2245, %mul3A_2251, %mul3A_2254 : vector<16x128xi1>, vector<16x128xf32>
      %mul3A_2256 = arith.mulf %select_n3A_2255, %div3A_2242 : vector<16x128xf32>
      %add3A_2257 = arith.addf %add3A_2206, %mul3A_2256 : vector<16x128xf32>
      %jit3A_2258 = arith.constant 1.000000e+00 : f32
      %jit3A_2259 = arith.constant 0.000000e+00 : f32
      %broadcast_in_dim3A_2260 = vector.broadcast %jit3A_2258 : f32 to vector<16x128xf32>
      %broadcast_in_dim3A_2261 = vector.broadcast %jit3A_2259 : f32 to vector<16x128xf32>
      %select_n3A_2262 = arith.select %eq3A_2245, %broadcast_in_dim3A_2260, %broadcast_in_dim3A_2261 : vector<16x128xi1>, vector<16x128xf32>
      %add3A_2263 = arith.addf %add3A_2212, %select_n3A_2262 : vector<16x128xf32>
      %scan3A_2264 = arith.constant 44 : i32
      %scan3A_2265 = arith.addi %scan3A_29, %scan3A_2264 : i32
      %mul3A_2266 = arith.constant 16 : i32
      %mul3A_2267 = arith.muli %scan3A_2265, %mul3A_2266 : i32
      %get3A_2268 = arith.index_cast %mul3A_2267 : i32 to index
      %get3A_2269 = arith.constant 0 : index
      %get3A_2270 = vector.load %arg1[%get3A_2268, %get3A_2269] : memref<10240x128xf32, #tpu.memory_space<vmem>>, vector<16x128xf32>
      %mul3A_2271 = arith.constant 16 : i32
      %mul3A_2272 = arith.muli %scan3A_2265, %mul3A_2271 : i32
      %get3A_2273 = arith.index_cast %mul3A_2272 : i32 to index
      %get3A_2274 = arith.constant 0 : index
      %get3A_2275 = vector.load %arg2[%get3A_2273, %get3A_2274] : memref<10240x128xf32, #tpu.memory_space<vmem>>, vector<16x128xf32>
      %max3A_2276 = arith.constant -9.210240e+00 : f32
      %max3A_2277 = vector.broadcast %max3A_2276 : f32 to vector<16x128xf32>
      %max3A_2278 = arith.maximumf %get3A_2270, %max3A_2277 : vector<16x128xf32>
      %min3A_2279 = arith.constant 9.210240e+00 : f32
      %min3A_2280 = vector.broadcast %min3A_2279 : f32 to vector<16x128xf32>
      %min3A_2281 = arith.minimumf %max3A_2278, %min3A_2280 : vector<16x128xf32>
      %neg3A_2282 = arith.constant 0.000000e+00 : f32
      %neg3A_2283 = vector.broadcast %neg3A_2282 : f32 to vector<16x128xf32>
      %neg3A_2284 = arith.subf %neg3A_2283, %min3A_2281 : vector<16x128xf32>
      %exp3A_2285 = math.exp %neg3A_2284 : vector<16x128xf32>
      %add3A_2286 = arith.constant 1.000000e+00 : f32
      %add3A_2287 = vector.broadcast %add3A_2286 : f32 to vector<16x128xf32>
      %add3A_2288 = arith.addf %exp3A_2285, %add3A_2287 : vector<16x128xf32>
      %log3A_2289 = math.log %add3A_2288 : vector<16x128xf32>
      %mul3A_2290 = arith.mulf %add3A_2288, %add3A_2288 : vector<16x128xf32>
      %div3A_2291 = arith.constant 1.000000e+00 : f32
      %div3A_2292 = vector.broadcast %div3A_2291 : f32 to vector<16x128xf32>
      %div3A_2293 = arith.divf %div3A_2292, %mul3A_2290 : vector<16x128xf32>
      %eq3A_2294 = arith.constant 1.000000e+00 : f32
      %eq3A_2295 = vector.broadcast %eq3A_2294 : f32 to vector<16x128xf32>
      %eq3A_2296 = arith.cmpf oeq, %get3A_2275, %eq3A_2295 : vector<16x128xf32>
      %sub3A_2297 = arith.constant 1.000000e+00 : f32
      %sub3A_2298 = vector.broadcast %sub3A_2297 : f32 to vector<16x128xf32>
      %sub3A_2299 = arith.subf %sub3A_2298, %get3A_2275 : vector<16x128xf32>
      %mul3A_2300 = arith.mulf %sub3A_2299, %sub3A_2299 : vector<16x128xf32>
      %mul3A_2301 = arith.mulf %exp3A_2285, %exp3A_2285 : vector<16x128xf32>
      %mul3A_2302 = arith.mulf %log3A_2289, %mul3A_2301 : vector<16x128xf32>
      %add3A_2303 = arith.addf %log3A_2289, %min3A_2281 : vector<16x128xf32>
      %mul3A_2304 = arith.mulf %mul3A_2300, %mul3A_2300 : vector<16x128xf32>
      %mul3A_2305 = arith.mulf %add3A_2303, %mul3A_2304 : vector<16x128xf32>
      %select_n3A_2306 = arith.select %eq3A_2296, %mul3A_2302, %mul3A_2305 : vector<16x128xi1>, vector<16x128xf32>
      %mul3A_2307 = arith.mulf %select_n3A_2306, %div3A_2293 : vector<16x128xf32>
      %add3A_2308 = arith.addf %add3A_2257, %mul3A_2307 : vector<16x128xf32>
      %jit3A_2309 = arith.constant 1.000000e+00 : f32
      %jit3A_2310 = arith.constant 0.000000e+00 : f32
      %broadcast_in_dim3A_2311 = vector.broadcast %jit3A_2309 : f32 to vector<16x128xf32>
      %broadcast_in_dim3A_2312 = vector.broadcast %jit3A_2310 : f32 to vector<16x128xf32>
      %select_n3A_2313 = arith.select %eq3A_2296, %broadcast_in_dim3A_2311, %broadcast_in_dim3A_2312 : vector<16x128xi1>, vector<16x128xf32>
      %add3A_2314 = arith.addf %add3A_2263, %select_n3A_2313 : vector<16x128xf32>
      %scan3A_2315 = arith.constant 45 : i32
      %scan3A_2316 = arith.addi %scan3A_29, %scan3A_2315 : i32
      %mul3A_2317 = arith.constant 16 : i32
      %mul3A_2318 = arith.muli %scan3A_2316, %mul3A_2317 : i32
      %get3A_2319 = arith.index_cast %mul3A_2318 : i32 to index
      %get3A_2320 = arith.constant 0 : index
      %get3A_2321 = vector.load %arg1[%get3A_2319, %get3A_2320] : memref<10240x128xf32, #tpu.memory_space<vmem>>, vector<16x128xf32>
      %mul3A_2322 = arith.constant 16 : i32
      %mul3A_2323 = arith.muli %scan3A_2316, %mul3A_2322 : i32
      %get3A_2324 = arith.index_cast %mul3A_2323 : i32 to index
      %get3A_2325 = arith.constant 0 : index
      %get3A_2326 = vector.load %arg2[%get3A_2324, %get3A_2325] : memref<10240x128xf32, #tpu.memory_space<vmem>>, vector<16x128xf32>
      %max3A_2327 = arith.constant -9.210240e+00 : f32
      %max3A_2328 = vector.broadcast %max3A_2327 : f32 to vector<16x128xf32>
      %max3A_2329 = arith.maximumf %get3A_2321, %max3A_2328 : vector<16x128xf32>
      %min3A_2330 = arith.constant 9.210240e+00 : f32
      %min3A_2331 = vector.broadcast %min3A_2330 : f32 to vector<16x128xf32>
      %min3A_2332 = arith.minimumf %max3A_2329, %min3A_2331 : vector<16x128xf32>
      %neg3A_2333 = arith.constant 0.000000e+00 : f32
      %neg3A_2334 = vector.broadcast %neg3A_2333 : f32 to vector<16x128xf32>
      %neg3A_2335 = arith.subf %neg3A_2334, %min3A_2332 : vector<16x128xf32>
      %exp3A_2336 = math.exp %neg3A_2335 : vector<16x128xf32>
      %add3A_2337 = arith.constant 1.000000e+00 : f32
      %add3A_2338 = vector.broadcast %add3A_2337 : f32 to vector<16x128xf32>
      %add3A_2339 = arith.addf %exp3A_2336, %add3A_2338 : vector<16x128xf32>
      %log3A_2340 = math.log %add3A_2339 : vector<16x128xf32>
      %mul3A_2341 = arith.mulf %add3A_2339, %add3A_2339 : vector<16x128xf32>
      %div3A_2342 = arith.constant 1.000000e+00 : f32
      %div3A_2343 = vector.broadcast %div3A_2342 : f32 to vector<16x128xf32>
      %div3A_2344 = arith.divf %div3A_2343, %mul3A_2341 : vector<16x128xf32>
      %eq3A_2345 = arith.constant 1.000000e+00 : f32
      %eq3A_2346 = vector.broadcast %eq3A_2345 : f32 to vector<16x128xf32>
      %eq3A_2347 = arith.cmpf oeq, %get3A_2326, %eq3A_2346 : vector<16x128xf32>
      %sub3A_2348 = arith.constant 1.000000e+00 : f32
      %sub3A_2349 = vector.broadcast %sub3A_2348 : f32 to vector<16x128xf32>
      %sub3A_2350 = arith.subf %sub3A_2349, %get3A_2326 : vector<16x128xf32>
      %mul3A_2351 = arith.mulf %sub3A_2350, %sub3A_2350 : vector<16x128xf32>
      %mul3A_2352 = arith.mulf %exp3A_2336, %exp3A_2336 : vector<16x128xf32>
      %mul3A_2353 = arith.mulf %log3A_2340, %mul3A_2352 : vector<16x128xf32>
      %add3A_2354 = arith.addf %log3A_2340, %min3A_2332 : vector<16x128xf32>
      %mul3A_2355 = arith.mulf %mul3A_2351, %mul3A_2351 : vector<16x128xf32>
      %mul3A_2356 = arith.mulf %add3A_2354, %mul3A_2355 : vector<16x128xf32>
      %select_n3A_2357 = arith.select %eq3A_2347, %mul3A_2353, %mul3A_2356 : vector<16x128xi1>, vector<16x128xf32>
      %mul3A_2358 = arith.mulf %select_n3A_2357, %div3A_2344 : vector<16x128xf32>
      %add3A_2359 = arith.addf %add3A_2308, %mul3A_2358 : vector<16x128xf32>
      %jit3A_2360 = arith.constant 1.000000e+00 : f32
      %jit3A_2361 = arith.constant 0.000000e+00 : f32
      %broadcast_in_dim3A_2362 = vector.broadcast %jit3A_2360 : f32 to vector<16x128xf32>
      %broadcast_in_dim3A_2363 = vector.broadcast %jit3A_2361 : f32 to vector<16x128xf32>
      %select_n3A_2364 = arith.select %eq3A_2347, %broadcast_in_dim3A_2362, %broadcast_in_dim3A_2363 : vector<16x128xi1>, vector<16x128xf32>
      %add3A_2365 = arith.addf %add3A_2314, %select_n3A_2364 : vector<16x128xf32>
      %scan3A_2366 = arith.constant 46 : i32
      %scan3A_2367 = arith.addi %scan3A_29, %scan3A_2366 : i32
      %mul3A_2368 = arith.constant 16 : i32
      %mul3A_2369 = arith.muli %scan3A_2367, %mul3A_2368 : i32
      %get3A_2370 = arith.index_cast %mul3A_2369 : i32 to index
      %get3A_2371 = arith.constant 0 : index
      %get3A_2372 = vector.load %arg1[%get3A_2370, %get3A_2371] : memref<10240x128xf32, #tpu.memory_space<vmem>>, vector<16x128xf32>
      %mul3A_2373 = arith.constant 16 : i32
      %mul3A_2374 = arith.muli %scan3A_2367, %mul3A_2373 : i32
      %get3A_2375 = arith.index_cast %mul3A_2374 : i32 to index
      %get3A_2376 = arith.constant 0 : index
      %get3A_2377 = vector.load %arg2[%get3A_2375, %get3A_2376] : memref<10240x128xf32, #tpu.memory_space<vmem>>, vector<16x128xf32>
      %max3A_2378 = arith.constant -9.210240e+00 : f32
      %max3A_2379 = vector.broadcast %max3A_2378 : f32 to vector<16x128xf32>
      %max3A_2380 = arith.maximumf %get3A_2372, %max3A_2379 : vector<16x128xf32>
      %min3A_2381 = arith.constant 9.210240e+00 : f32
      %min3A_2382 = vector.broadcast %min3A_2381 : f32 to vector<16x128xf32>
      %min3A_2383 = arith.minimumf %max3A_2380, %min3A_2382 : vector<16x128xf32>
      %neg3A_2384 = arith.constant 0.000000e+00 : f32
      %neg3A_2385 = vector.broadcast %neg3A_2384 : f32 to vector<16x128xf32>
      %neg3A_2386 = arith.subf %neg3A_2385, %min3A_2383 : vector<16x128xf32>
      %exp3A_2387 = math.exp %neg3A_2386 : vector<16x128xf32>
      %add3A_2388 = arith.constant 1.000000e+00 : f32
      %add3A_2389 = vector.broadcast %add3A_2388 : f32 to vector<16x128xf32>
      %add3A_2390 = arith.addf %exp3A_2387, %add3A_2389 : vector<16x128xf32>
      %log3A_2391 = math.log %add3A_2390 : vector<16x128xf32>
      %mul3A_2392 = arith.mulf %add3A_2390, %add3A_2390 : vector<16x128xf32>
      %div3A_2393 = arith.constant 1.000000e+00 : f32
      %div3A_2394 = vector.broadcast %div3A_2393 : f32 to vector<16x128xf32>
      %div3A_2395 = arith.divf %div3A_2394, %mul3A_2392 : vector<16x128xf32>
      %eq3A_2396 = arith.constant 1.000000e+00 : f32
      %eq3A_2397 = vector.broadcast %eq3A_2396 : f32 to vector<16x128xf32>
      %eq3A_2398 = arith.cmpf oeq, %get3A_2377, %eq3A_2397 : vector<16x128xf32>
      %sub3A_2399 = arith.constant 1.000000e+00 : f32
      %sub3A_2400 = vector.broadcast %sub3A_2399 : f32 to vector<16x128xf32>
      %sub3A_2401 = arith.subf %sub3A_2400, %get3A_2377 : vector<16x128xf32>
      %mul3A_2402 = arith.mulf %sub3A_2401, %sub3A_2401 : vector<16x128xf32>
      %mul3A_2403 = arith.mulf %exp3A_2387, %exp3A_2387 : vector<16x128xf32>
      %mul3A_2404 = arith.mulf %log3A_2391, %mul3A_2403 : vector<16x128xf32>
      %add3A_2405 = arith.addf %log3A_2391, %min3A_2383 : vector<16x128xf32>
      %mul3A_2406 = arith.mulf %mul3A_2402, %mul3A_2402 : vector<16x128xf32>
      %mul3A_2407 = arith.mulf %add3A_2405, %mul3A_2406 : vector<16x128xf32>
      %select_n3A_2408 = arith.select %eq3A_2398, %mul3A_2404, %mul3A_2407 : vector<16x128xi1>, vector<16x128xf32>
      %mul3A_2409 = arith.mulf %select_n3A_2408, %div3A_2395 : vector<16x128xf32>
      %add3A_2410 = arith.addf %add3A_2359, %mul3A_2409 : vector<16x128xf32>
      %jit3A_2411 = arith.constant 1.000000e+00 : f32
      %jit3A_2412 = arith.constant 0.000000e+00 : f32
      %broadcast_in_dim3A_2413 = vector.broadcast %jit3A_2411 : f32 to vector<16x128xf32>
      %broadcast_in_dim3A_2414 = vector.broadcast %jit3A_2412 : f32 to vector<16x128xf32>
      %select_n3A_2415 = arith.select %eq3A_2398, %broadcast_in_dim3A_2413, %broadcast_in_dim3A_2414 : vector<16x128xi1>, vector<16x128xf32>
      %add3A_2416 = arith.addf %add3A_2365, %select_n3A_2415 : vector<16x128xf32>
      %scan3A_2417 = arith.constant 47 : i32
      %scan3A_2418 = arith.addi %scan3A_29, %scan3A_2417 : i32
      %mul3A_2419 = arith.constant 16 : i32
      %mul3A_2420 = arith.muli %scan3A_2418, %mul3A_2419 : i32
      %get3A_2421 = arith.index_cast %mul3A_2420 : i32 to index
      %get3A_2422 = arith.constant 0 : index
      %get3A_2423 = vector.load %arg1[%get3A_2421, %get3A_2422] : memref<10240x128xf32, #tpu.memory_space<vmem>>, vector<16x128xf32>
      %mul3A_2424 = arith.constant 16 : i32
      %mul3A_2425 = arith.muli %scan3A_2418, %mul3A_2424 : i32
      %get3A_2426 = arith.index_cast %mul3A_2425 : i32 to index
      %get3A_2427 = arith.constant 0 : index
      %get3A_2428 = vector.load %arg2[%get3A_2426, %get3A_2427] : memref<10240x128xf32, #tpu.memory_space<vmem>>, vector<16x128xf32>
      %max3A_2429 = arith.constant -9.210240e+00 : f32
      %max3A_2430 = vector.broadcast %max3A_2429 : f32 to vector<16x128xf32>
      %max3A_2431 = arith.maximumf %get3A_2423, %max3A_2430 : vector<16x128xf32>
      %min3A_2432 = arith.constant 9.210240e+00 : f32
      %min3A_2433 = vector.broadcast %min3A_2432 : f32 to vector<16x128xf32>
      %min3A_2434 = arith.minimumf %max3A_2431, %min3A_2433 : vector<16x128xf32>
      %neg3A_2435 = arith.constant 0.000000e+00 : f32
      %neg3A_2436 = vector.broadcast %neg3A_2435 : f32 to vector<16x128xf32>
      %neg3A_2437 = arith.subf %neg3A_2436, %min3A_2434 : vector<16x128xf32>
      %exp3A_2438 = math.exp %neg3A_2437 : vector<16x128xf32>
      %add3A_2439 = arith.constant 1.000000e+00 : f32
      %add3A_2440 = vector.broadcast %add3A_2439 : f32 to vector<16x128xf32>
      %add3A_2441 = arith.addf %exp3A_2438, %add3A_2440 : vector<16x128xf32>
      %log3A_2442 = math.log %add3A_2441 : vector<16x128xf32>
      %mul3A_2443 = arith.mulf %add3A_2441, %add3A_2441 : vector<16x128xf32>
      %div3A_2444 = arith.constant 1.000000e+00 : f32
      %div3A_2445 = vector.broadcast %div3A_2444 : f32 to vector<16x128xf32>
      %div3A_2446 = arith.divf %div3A_2445, %mul3A_2443 : vector<16x128xf32>
      %eq3A_2447 = arith.constant 1.000000e+00 : f32
      %eq3A_2448 = vector.broadcast %eq3A_2447 : f32 to vector<16x128xf32>
      %eq3A_2449 = arith.cmpf oeq, %get3A_2428, %eq3A_2448 : vector<16x128xf32>
      %sub3A_2450 = arith.constant 1.000000e+00 : f32
      %sub3A_2451 = vector.broadcast %sub3A_2450 : f32 to vector<16x128xf32>
      %sub3A_2452 = arith.subf %sub3A_2451, %get3A_2428 : vector<16x128xf32>
      %mul3A_2453 = arith.mulf %sub3A_2452, %sub3A_2452 : vector<16x128xf32>
      %mul3A_2454 = arith.mulf %exp3A_2438, %exp3A_2438 : vector<16x128xf32>
      %mul3A_2455 = arith.mulf %log3A_2442, %mul3A_2454 : vector<16x128xf32>
      %add3A_2456 = arith.addf %log3A_2442, %min3A_2434 : vector<16x128xf32>
      %mul3A_2457 = arith.mulf %mul3A_2453, %mul3A_2453 : vector<16x128xf32>
      %mul3A_2458 = arith.mulf %add3A_2456, %mul3A_2457 : vector<16x128xf32>
      %select_n3A_2459 = arith.select %eq3A_2449, %mul3A_2455, %mul3A_2458 : vector<16x128xi1>, vector<16x128xf32>
      %mul3A_2460 = arith.mulf %select_n3A_2459, %div3A_2446 : vector<16x128xf32>
      %add3A_2461 = arith.addf %add3A_2410, %mul3A_2460 : vector<16x128xf32>
      %jit3A_2462 = arith.constant 1.000000e+00 : f32
      %jit3A_2463 = arith.constant 0.000000e+00 : f32
      %broadcast_in_dim3A_2464 = vector.broadcast %jit3A_2462 : f32 to vector<16x128xf32>
      %broadcast_in_dim3A_2465 = vector.broadcast %jit3A_2463 : f32 to vector<16x128xf32>
      %select_n3A_2466 = arith.select %eq3A_2449, %broadcast_in_dim3A_2464, %broadcast_in_dim3A_2465 : vector<16x128xi1>, vector<16x128xf32>
      %add3A_2467 = arith.addf %add3A_2416, %select_n3A_2466 : vector<16x128xf32>
      %scan3A_2468 = arith.constant 48 : i32
      %scan3A_2469 = arith.addi %scan3A_29, %scan3A_2468 : i32
      %mul3A_2470 = arith.constant 16 : i32
      %mul3A_2471 = arith.muli %scan3A_2469, %mul3A_2470 : i32
      %get3A_2472 = arith.index_cast %mul3A_2471 : i32 to index
      %get3A_2473 = arith.constant 0 : index
      %get3A_2474 = vector.load %arg1[%get3A_2472, %get3A_2473] : memref<10240x128xf32, #tpu.memory_space<vmem>>, vector<16x128xf32>
      %mul3A_2475 = arith.constant 16 : i32
      %mul3A_2476 = arith.muli %scan3A_2469, %mul3A_2475 : i32
      %get3A_2477 = arith.index_cast %mul3A_2476 : i32 to index
      %get3A_2478 = arith.constant 0 : index
      %get3A_2479 = vector.load %arg2[%get3A_2477, %get3A_2478] : memref<10240x128xf32, #tpu.memory_space<vmem>>, vector<16x128xf32>
      %max3A_2480 = arith.constant -9.210240e+00 : f32
      %max3A_2481 = vector.broadcast %max3A_2480 : f32 to vector<16x128xf32>
      %max3A_2482 = arith.maximumf %get3A_2474, %max3A_2481 : vector<16x128xf32>
      %min3A_2483 = arith.constant 9.210240e+00 : f32
      %min3A_2484 = vector.broadcast %min3A_2483 : f32 to vector<16x128xf32>
      %min3A_2485 = arith.minimumf %max3A_2482, %min3A_2484 : vector<16x128xf32>
      %neg3A_2486 = arith.constant 0.000000e+00 : f32
      %neg3A_2487 = vector.broadcast %neg3A_2486 : f32 to vector<16x128xf32>
      %neg3A_2488 = arith.subf %neg3A_2487, %min3A_2485 : vector<16x128xf32>
      %exp3A_2489 = math.exp %neg3A_2488 : vector<16x128xf32>
      %add3A_2490 = arith.constant 1.000000e+00 : f32
      %add3A_2491 = vector.broadcast %add3A_2490 : f32 to vector<16x128xf32>
      %add3A_2492 = arith.addf %exp3A_2489, %add3A_2491 : vector<16x128xf32>
      %log3A_2493 = math.log %add3A_2492 : vector<16x128xf32>
      %mul3A_2494 = arith.mulf %add3A_2492, %add3A_2492 : vector<16x128xf32>
      %div3A_2495 = arith.constant 1.000000e+00 : f32
      %div3A_2496 = vector.broadcast %div3A_2495 : f32 to vector<16x128xf32>
      %div3A_2497 = arith.divf %div3A_2496, %mul3A_2494 : vector<16x128xf32>
      %eq3A_2498 = arith.constant 1.000000e+00 : f32
      %eq3A_2499 = vector.broadcast %eq3A_2498 : f32 to vector<16x128xf32>
      %eq3A_2500 = arith.cmpf oeq, %get3A_2479, %eq3A_2499 : vector<16x128xf32>
      %sub3A_2501 = arith.constant 1.000000e+00 : f32
      %sub3A_2502 = vector.broadcast %sub3A_2501 : f32 to vector<16x128xf32>
      %sub3A_2503 = arith.subf %sub3A_2502, %get3A_2479 : vector<16x128xf32>
      %mul3A_2504 = arith.mulf %sub3A_2503, %sub3A_2503 : vector<16x128xf32>
      %mul3A_2505 = arith.mulf %exp3A_2489, %exp3A_2489 : vector<16x128xf32>
      %mul3A_2506 = arith.mulf %log3A_2493, %mul3A_2505 : vector<16x128xf32>
      %add3A_2507 = arith.addf %log3A_2493, %min3A_2485 : vector<16x128xf32>
      %mul3A_2508 = arith.mulf %mul3A_2504, %mul3A_2504 : vector<16x128xf32>
      %mul3A_2509 = arith.mulf %add3A_2507, %mul3A_2508 : vector<16x128xf32>
      %select_n3A_2510 = arith.select %eq3A_2500, %mul3A_2506, %mul3A_2509 : vector<16x128xi1>, vector<16x128xf32>
      %mul3A_2511 = arith.mulf %select_n3A_2510, %div3A_2497 : vector<16x128xf32>
      %add3A_2512 = arith.addf %add3A_2461, %mul3A_2511 : vector<16x128xf32>
      %jit3A_2513 = arith.constant 1.000000e+00 : f32
      %jit3A_2514 = arith.constant 0.000000e+00 : f32
      %broadcast_in_dim3A_2515 = vector.broadcast %jit3A_2513 : f32 to vector<16x128xf32>
      %broadcast_in_dim3A_2516 = vector.broadcast %jit3A_2514 : f32 to vector<16x128xf32>
      %select_n3A_2517 = arith.select %eq3A_2500, %broadcast_in_dim3A_2515, %broadcast_in_dim3A_2516 : vector<16x128xi1>, vector<16x128xf32>
      %add3A_2518 = arith.addf %add3A_2467, %select_n3A_2517 : vector<16x128xf32>
      %scan3A_2519 = arith.constant 49 : i32
      %scan3A_2520 = arith.addi %scan3A_29, %scan3A_2519 : i32
      %mul3A_2521 = arith.constant 16 : i32
      %mul3A_2522 = arith.muli %scan3A_2520, %mul3A_2521 : i32
      %get3A_2523 = arith.index_cast %mul3A_2522 : i32 to index
      %get3A_2524 = arith.constant 0 : index
      %get3A_2525 = vector.load %arg1[%get3A_2523, %get3A_2524] : memref<10240x128xf32, #tpu.memory_space<vmem>>, vector<16x128xf32>
      %mul3A_2526 = arith.constant 16 : i32
      %mul3A_2527 = arith.muli %scan3A_2520, %mul3A_2526 : i32
      %get3A_2528 = arith.index_cast %mul3A_2527 : i32 to index
      %get3A_2529 = arith.constant 0 : index
      %get3A_2530 = vector.load %arg2[%get3A_2528, %get3A_2529] : memref<10240x128xf32, #tpu.memory_space<vmem>>, vector<16x128xf32>
      %max3A_2531 = arith.constant -9.210240e+00 : f32
      %max3A_2532 = vector.broadcast %max3A_2531 : f32 to vector<16x128xf32>
      %max3A_2533 = arith.maximumf %get3A_2525, %max3A_2532 : vector<16x128xf32>
      %min3A_2534 = arith.constant 9.210240e+00 : f32
      %min3A_2535 = vector.broadcast %min3A_2534 : f32 to vector<16x128xf32>
      %min3A_2536 = arith.minimumf %max3A_2533, %min3A_2535 : vector<16x128xf32>
      %neg3A_2537 = arith.constant 0.000000e+00 : f32
      %neg3A_2538 = vector.broadcast %neg3A_2537 : f32 to vector<16x128xf32>
      %neg3A_2539 = arith.subf %neg3A_2538, %min3A_2536 : vector<16x128xf32>
      %exp3A_2540 = math.exp %neg3A_2539 : vector<16x128xf32>
      %add3A_2541 = arith.constant 1.000000e+00 : f32
      %add3A_2542 = vector.broadcast %add3A_2541 : f32 to vector<16x128xf32>
      %add3A_2543 = arith.addf %exp3A_2540, %add3A_2542 : vector<16x128xf32>
      %log3A_2544 = math.log %add3A_2543 : vector<16x128xf32>
      %mul3A_2545 = arith.mulf %add3A_2543, %add3A_2543 : vector<16x128xf32>
      %div3A_2546 = arith.constant 1.000000e+00 : f32
      %div3A_2547 = vector.broadcast %div3A_2546 : f32 to vector<16x128xf32>
      %div3A_2548 = arith.divf %div3A_2547, %mul3A_2545 : vector<16x128xf32>
      %eq3A_2549 = arith.constant 1.000000e+00 : f32
      %eq3A_2550 = vector.broadcast %eq3A_2549 : f32 to vector<16x128xf32>
      %eq3A_2551 = arith.cmpf oeq, %get3A_2530, %eq3A_2550 : vector<16x128xf32>
      %sub3A_2552 = arith.constant 1.000000e+00 : f32
      %sub3A_2553 = vector.broadcast %sub3A_2552 : f32 to vector<16x128xf32>
      %sub3A_2554 = arith.subf %sub3A_2553, %get3A_2530 : vector<16x128xf32>
      %mul3A_2555 = arith.mulf %sub3A_2554, %sub3A_2554 : vector<16x128xf32>
      %mul3A_2556 = arith.mulf %exp3A_2540, %exp3A_2540 : vector<16x128xf32>
      %mul3A_2557 = arith.mulf %log3A_2544, %mul3A_2556 : vector<16x128xf32>
      %add3A_2558 = arith.addf %log3A_2544, %min3A_2536 : vector<16x128xf32>
      %mul3A_2559 = arith.mulf %mul3A_2555, %mul3A_2555 : vector<16x128xf32>
      %mul3A_2560 = arith.mulf %add3A_2558, %mul3A_2559 : vector<16x128xf32>
      %select_n3A_2561 = arith.select %eq3A_2551, %mul3A_2557, %mul3A_2560 : vector<16x128xi1>, vector<16x128xf32>
      %mul3A_2562 = arith.mulf %select_n3A_2561, %div3A_2548 : vector<16x128xf32>
      %add3A_2563 = arith.addf %add3A_2512, %mul3A_2562 : vector<16x128xf32>
      %jit3A_2564 = arith.constant 1.000000e+00 : f32
      %jit3A_2565 = arith.constant 0.000000e+00 : f32
      %broadcast_in_dim3A_2566 = vector.broadcast %jit3A_2564 : f32 to vector<16x128xf32>
      %broadcast_in_dim3A_2567 = vector.broadcast %jit3A_2565 : f32 to vector<16x128xf32>
      %select_n3A_2568 = arith.select %eq3A_2551, %broadcast_in_dim3A_2566, %broadcast_in_dim3A_2567 : vector<16x128xi1>, vector<16x128xf32>
      %add3A_2569 = arith.addf %add3A_2518, %select_n3A_2568 : vector<16x128xf32>
      %scan3A_2570 = arith.constant 50 : i32
      %scan3A_2571 = arith.addi %scan3A_29, %scan3A_2570 : i32
      %mul3A_2572 = arith.constant 16 : i32
      %mul3A_2573 = arith.muli %scan3A_2571, %mul3A_2572 : i32
      %get3A_2574 = arith.index_cast %mul3A_2573 : i32 to index
      %get3A_2575 = arith.constant 0 : index
      %get3A_2576 = vector.load %arg1[%get3A_2574, %get3A_2575] : memref<10240x128xf32, #tpu.memory_space<vmem>>, vector<16x128xf32>
      %mul3A_2577 = arith.constant 16 : i32
      %mul3A_2578 = arith.muli %scan3A_2571, %mul3A_2577 : i32
      %get3A_2579 = arith.index_cast %mul3A_2578 : i32 to index
      %get3A_2580 = arith.constant 0 : index
      %get3A_2581 = vector.load %arg2[%get3A_2579, %get3A_2580] : memref<10240x128xf32, #tpu.memory_space<vmem>>, vector<16x128xf32>
      %max3A_2582 = arith.constant -9.210240e+00 : f32
      %max3A_2583 = vector.broadcast %max3A_2582 : f32 to vector<16x128xf32>
      %max3A_2584 = arith.maximumf %get3A_2576, %max3A_2583 : vector<16x128xf32>
      %min3A_2585 = arith.constant 9.210240e+00 : f32
      %min3A_2586 = vector.broadcast %min3A_2585 : f32 to vector<16x128xf32>
      %min3A_2587 = arith.minimumf %max3A_2584, %min3A_2586 : vector<16x128xf32>
      %neg3A_2588 = arith.constant 0.000000e+00 : f32
      %neg3A_2589 = vector.broadcast %neg3A_2588 : f32 to vector<16x128xf32>
      %neg3A_2590 = arith.subf %neg3A_2589, %min3A_2587 : vector<16x128xf32>
      %exp3A_2591 = math.exp %neg3A_2590 : vector<16x128xf32>
      %add3A_2592 = arith.constant 1.000000e+00 : f32
      %add3A_2593 = vector.broadcast %add3A_2592 : f32 to vector<16x128xf32>
      %add3A_2594 = arith.addf %exp3A_2591, %add3A_2593 : vector<16x128xf32>
      %log3A_2595 = math.log %add3A_2594 : vector<16x128xf32>
      %mul3A_2596 = arith.mulf %add3A_2594, %add3A_2594 : vector<16x128xf32>
      %div3A_2597 = arith.constant 1.000000e+00 : f32
      %div3A_2598 = vector.broadcast %div3A_2597 : f32 to vector<16x128xf32>
      %div3A_2599 = arith.divf %div3A_2598, %mul3A_2596 : vector<16x128xf32>
      %eq3A_2600 = arith.constant 1.000000e+00 : f32
      %eq3A_2601 = vector.broadcast %eq3A_2600 : f32 to vector<16x128xf32>
      %eq3A_2602 = arith.cmpf oeq, %get3A_2581, %eq3A_2601 : vector<16x128xf32>
      %sub3A_2603 = arith.constant 1.000000e+00 : f32
      %sub3A_2604 = vector.broadcast %sub3A_2603 : f32 to vector<16x128xf32>
      %sub3A_2605 = arith.subf %sub3A_2604, %get3A_2581 : vector<16x128xf32>
      %mul3A_2606 = arith.mulf %sub3A_2605, %sub3A_2605 : vector<16x128xf32>
      %mul3A_2607 = arith.mulf %exp3A_2591, %exp3A_2591 : vector<16x128xf32>
      %mul3A_2608 = arith.mulf %log3A_2595, %mul3A_2607 : vector<16x128xf32>
      %add3A_2609 = arith.addf %log3A_2595, %min3A_2587 : vector<16x128xf32>
      %mul3A_2610 = arith.mulf %mul3A_2606, %mul3A_2606 : vector<16x128xf32>
      %mul3A_2611 = arith.mulf %add3A_2609, %mul3A_2610 : vector<16x128xf32>
      %select_n3A_2612 = arith.select %eq3A_2602, %mul3A_2608, %mul3A_2611 : vector<16x128xi1>, vector<16x128xf32>
      %mul3A_2613 = arith.mulf %select_n3A_2612, %div3A_2599 : vector<16x128xf32>
      %add3A_2614 = arith.addf %add3A_2563, %mul3A_2613 : vector<16x128xf32>
      %jit3A_2615 = arith.constant 1.000000e+00 : f32
      %jit3A_2616 = arith.constant 0.000000e+00 : f32
      %broadcast_in_dim3A_2617 = vector.broadcast %jit3A_2615 : f32 to vector<16x128xf32>
      %broadcast_in_dim3A_2618 = vector.broadcast %jit3A_2616 : f32 to vector<16x128xf32>
      %select_n3A_2619 = arith.select %eq3A_2602, %broadcast_in_dim3A_2617, %broadcast_in_dim3A_2618 : vector<16x128xi1>, vector<16x128xf32>
      %add3A_2620 = arith.addf %add3A_2569, %select_n3A_2619 : vector<16x128xf32>
      %scan3A_2621 = arith.constant 51 : i32
      %scan3A_2622 = arith.addi %scan3A_29, %scan3A_2621 : i32
      %mul3A_2623 = arith.constant 16 : i32
      %mul3A_2624 = arith.muli %scan3A_2622, %mul3A_2623 : i32
      %get3A_2625 = arith.index_cast %mul3A_2624 : i32 to index
      %get3A_2626 = arith.constant 0 : index
      %get3A_2627 = vector.load %arg1[%get3A_2625, %get3A_2626] : memref<10240x128xf32, #tpu.memory_space<vmem>>, vector<16x128xf32>
      %mul3A_2628 = arith.constant 16 : i32
      %mul3A_2629 = arith.muli %scan3A_2622, %mul3A_2628 : i32
      %get3A_2630 = arith.index_cast %mul3A_2629 : i32 to index
      %get3A_2631 = arith.constant 0 : index
      %get3A_2632 = vector.load %arg2[%get3A_2630, %get3A_2631] : memref<10240x128xf32, #tpu.memory_space<vmem>>, vector<16x128xf32>
      %max3A_2633 = arith.constant -9.210240e+00 : f32
      %max3A_2634 = vector.broadcast %max3A_2633 : f32 to vector<16x128xf32>
      %max3A_2635 = arith.maximumf %get3A_2627, %max3A_2634 : vector<16x128xf32>
      %min3A_2636 = arith.constant 9.210240e+00 : f32
      %min3A_2637 = vector.broadcast %min3A_2636 : f32 to vector<16x128xf32>
      %min3A_2638 = arith.minimumf %max3A_2635, %min3A_2637 : vector<16x128xf32>
      %neg3A_2639 = arith.constant 0.000000e+00 : f32
      %neg3A_2640 = vector.broadcast %neg3A_2639 : f32 to vector<16x128xf32>
      %neg3A_2641 = arith.subf %neg3A_2640, %min3A_2638 : vector<16x128xf32>
      %exp3A_2642 = math.exp %neg3A_2641 : vector<16x128xf32>
      %add3A_2643 = arith.constant 1.000000e+00 : f32
      %add3A_2644 = vector.broadcast %add3A_2643 : f32 to vector<16x128xf32>
      %add3A_2645 = arith.addf %exp3A_2642, %add3A_2644 : vector<16x128xf32>
      %log3A_2646 = math.log %add3A_2645 : vector<16x128xf32>
      %mul3A_2647 = arith.mulf %add3A_2645, %add3A_2645 : vector<16x128xf32>
      %div3A_2648 = arith.constant 1.000000e+00 : f32
      %div3A_2649 = vector.broadcast %div3A_2648 : f32 to vector<16x128xf32>
      %div3A_2650 = arith.divf %div3A_2649, %mul3A_2647 : vector<16x128xf32>
      %eq3A_2651 = arith.constant 1.000000e+00 : f32
      %eq3A_2652 = vector.broadcast %eq3A_2651 : f32 to vector<16x128xf32>
      %eq3A_2653 = arith.cmpf oeq, %get3A_2632, %eq3A_2652 : vector<16x128xf32>
      %sub3A_2654 = arith.constant 1.000000e+00 : f32
      %sub3A_2655 = vector.broadcast %sub3A_2654 : f32 to vector<16x128xf32>
      %sub3A_2656 = arith.subf %sub3A_2655, %get3A_2632 : vector<16x128xf32>
      %mul3A_2657 = arith.mulf %sub3A_2656, %sub3A_2656 : vector<16x128xf32>
      %mul3A_2658 = arith.mulf %exp3A_2642, %exp3A_2642 : vector<16x128xf32>
      %mul3A_2659 = arith.mulf %log3A_2646, %mul3A_2658 : vector<16x128xf32>
      %add3A_2660 = arith.addf %log3A_2646, %min3A_2638 : vector<16x128xf32>
      %mul3A_2661 = arith.mulf %mul3A_2657, %mul3A_2657 : vector<16x128xf32>
      %mul3A_2662 = arith.mulf %add3A_2660, %mul3A_2661 : vector<16x128xf32>
      %select_n3A_2663 = arith.select %eq3A_2653, %mul3A_2659, %mul3A_2662 : vector<16x128xi1>, vector<16x128xf32>
      %mul3A_2664 = arith.mulf %select_n3A_2663, %div3A_2650 : vector<16x128xf32>
      %add3A_2665 = arith.addf %add3A_2614, %mul3A_2664 : vector<16x128xf32>
      %jit3A_2666 = arith.constant 1.000000e+00 : f32
      %jit3A_2667 = arith.constant 0.000000e+00 : f32
      %broadcast_in_dim3A_2668 = vector.broadcast %jit3A_2666 : f32 to vector<16x128xf32>
      %broadcast_in_dim3A_2669 = vector.broadcast %jit3A_2667 : f32 to vector<16x128xf32>
      %select_n3A_2670 = arith.select %eq3A_2653, %broadcast_in_dim3A_2668, %broadcast_in_dim3A_2669 : vector<16x128xi1>, vector<16x128xf32>
      %add3A_2671 = arith.addf %add3A_2620, %select_n3A_2670 : vector<16x128xf32>
      %scan3A_2672 = arith.constant 52 : i32
      %scan3A_2673 = arith.addi %scan3A_29, %scan3A_2672 : i32
      %mul3A_2674 = arith.constant 16 : i32
      %mul3A_2675 = arith.muli %scan3A_2673, %mul3A_2674 : i32
      %get3A_2676 = arith.index_cast %mul3A_2675 : i32 to index
      %get3A_2677 = arith.constant 0 : index
      %get3A_2678 = vector.load %arg1[%get3A_2676, %get3A_2677] : memref<10240x128xf32, #tpu.memory_space<vmem>>, vector<16x128xf32>
      %mul3A_2679 = arith.constant 16 : i32
      %mul3A_2680 = arith.muli %scan3A_2673, %mul3A_2679 : i32
      %get3A_2681 = arith.index_cast %mul3A_2680 : i32 to index
      %get3A_2682 = arith.constant 0 : index
      %get3A_2683 = vector.load %arg2[%get3A_2681, %get3A_2682] : memref<10240x128xf32, #tpu.memory_space<vmem>>, vector<16x128xf32>
      %max3A_2684 = arith.constant -9.210240e+00 : f32
      %max3A_2685 = vector.broadcast %max3A_2684 : f32 to vector<16x128xf32>
      %max3A_2686 = arith.maximumf %get3A_2678, %max3A_2685 : vector<16x128xf32>
      %min3A_2687 = arith.constant 9.210240e+00 : f32
      %min3A_2688 = vector.broadcast %min3A_2687 : f32 to vector<16x128xf32>
      %min3A_2689 = arith.minimumf %max3A_2686, %min3A_2688 : vector<16x128xf32>
      %neg3A_2690 = arith.constant 0.000000e+00 : f32
      %neg3A_2691 = vector.broadcast %neg3A_2690 : f32 to vector<16x128xf32>
      %neg3A_2692 = arith.subf %neg3A_2691, %min3A_2689 : vector<16x128xf32>
      %exp3A_2693 = math.exp %neg3A_2692 : vector<16x128xf32>
      %add3A_2694 = arith.constant 1.000000e+00 : f32
      %add3A_2695 = vector.broadcast %add3A_2694 : f32 to vector<16x128xf32>
      %add3A_2696 = arith.addf %exp3A_2693, %add3A_2695 : vector<16x128xf32>
      %log3A_2697 = math.log %add3A_2696 : vector<16x128xf32>
      %mul3A_2698 = arith.mulf %add3A_2696, %add3A_2696 : vector<16x128xf32>
      %div3A_2699 = arith.constant 1.000000e+00 : f32
      %div3A_2700 = vector.broadcast %div3A_2699 : f32 to vector<16x128xf32>
      %div3A_2701 = arith.divf %div3A_2700, %mul3A_2698 : vector<16x128xf32>
      %eq3A_2702 = arith.constant 1.000000e+00 : f32
      %eq3A_2703 = vector.broadcast %eq3A_2702 : f32 to vector<16x128xf32>
      %eq3A_2704 = arith.cmpf oeq, %get3A_2683, %eq3A_2703 : vector<16x128xf32>
      %sub3A_2705 = arith.constant 1.000000e+00 : f32
      %sub3A_2706 = vector.broadcast %sub3A_2705 : f32 to vector<16x128xf32>
      %sub3A_2707 = arith.subf %sub3A_2706, %get3A_2683 : vector<16x128xf32>
      %mul3A_2708 = arith.mulf %sub3A_2707, %sub3A_2707 : vector<16x128xf32>
      %mul3A_2709 = arith.mulf %exp3A_2693, %exp3A_2693 : vector<16x128xf32>
      %mul3A_2710 = arith.mulf %log3A_2697, %mul3A_2709 : vector<16x128xf32>
      %add3A_2711 = arith.addf %log3A_2697, %min3A_2689 : vector<16x128xf32>
      %mul3A_2712 = arith.mulf %mul3A_2708, %mul3A_2708 : vector<16x128xf32>
      %mul3A_2713 = arith.mulf %add3A_2711, %mul3A_2712 : vector<16x128xf32>
      %select_n3A_2714 = arith.select %eq3A_2704, %mul3A_2710, %mul3A_2713 : vector<16x128xi1>, vector<16x128xf32>
      %mul3A_2715 = arith.mulf %select_n3A_2714, %div3A_2701 : vector<16x128xf32>
      %add3A_2716 = arith.addf %add3A_2665, %mul3A_2715 : vector<16x128xf32>
      %jit3A_2717 = arith.constant 1.000000e+00 : f32
      %jit3A_2718 = arith.constant 0.000000e+00 : f32
      %broadcast_in_dim3A_2719 = vector.broadcast %jit3A_2717 : f32 to vector<16x128xf32>
      %broadcast_in_dim3A_2720 = vector.broadcast %jit3A_2718 : f32 to vector<16x128xf32>
      %select_n3A_2721 = arith.select %eq3A_2704, %broadcast_in_dim3A_2719, %broadcast_in_dim3A_2720 : vector<16x128xi1>, vector<16x128xf32>
      %add3A_2722 = arith.addf %add3A_2671, %select_n3A_2721 : vector<16x128xf32>
      %scan3A_2723 = arith.constant 53 : i32
      %scan3A_2724 = arith.addi %scan3A_29, %scan3A_2723 : i32
      %mul3A_2725 = arith.constant 16 : i32
      %mul3A_2726 = arith.muli %scan3A_2724, %mul3A_2725 : i32
      %get3A_2727 = arith.index_cast %mul3A_2726 : i32 to index
      %get3A_2728 = arith.constant 0 : index
      %get3A_2729 = vector.load %arg1[%get3A_2727, %get3A_2728] : memref<10240x128xf32, #tpu.memory_space<vmem>>, vector<16x128xf32>
      %mul3A_2730 = arith.constant 16 : i32
      %mul3A_2731 = arith.muli %scan3A_2724, %mul3A_2730 : i32
      %get3A_2732 = arith.index_cast %mul3A_2731 : i32 to index
      %get3A_2733 = arith.constant 0 : index
      %get3A_2734 = vector.load %arg2[%get3A_2732, %get3A_2733] : memref<10240x128xf32, #tpu.memory_space<vmem>>, vector<16x128xf32>
      %max3A_2735 = arith.constant -9.210240e+00 : f32
      %max3A_2736 = vector.broadcast %max3A_2735 : f32 to vector<16x128xf32>
      %max3A_2737 = arith.maximumf %get3A_2729, %max3A_2736 : vector<16x128xf32>
      %min3A_2738 = arith.constant 9.210240e+00 : f32
      %min3A_2739 = vector.broadcast %min3A_2738 : f32 to vector<16x128xf32>
      %min3A_2740 = arith.minimumf %max3A_2737, %min3A_2739 : vector<16x128xf32>
      %neg3A_2741 = arith.constant 0.000000e+00 : f32
      %neg3A_2742 = vector.broadcast %neg3A_2741 : f32 to vector<16x128xf32>
      %neg3A_2743 = arith.subf %neg3A_2742, %min3A_2740 : vector<16x128xf32>
      %exp3A_2744 = math.exp %neg3A_2743 : vector<16x128xf32>
      %add3A_2745 = arith.constant 1.000000e+00 : f32
      %add3A_2746 = vector.broadcast %add3A_2745 : f32 to vector<16x128xf32>
      %add3A_2747 = arith.addf %exp3A_2744, %add3A_2746 : vector<16x128xf32>
      %log3A_2748 = math.log %add3A_2747 : vector<16x128xf32>
      %mul3A_2749 = arith.mulf %add3A_2747, %add3A_2747 : vector<16x128xf32>
      %div3A_2750 = arith.constant 1.000000e+00 : f32
      %div3A_2751 = vector.broadcast %div3A_2750 : f32 to vector<16x128xf32>
      %div3A_2752 = arith.divf %div3A_2751, %mul3A_2749 : vector<16x128xf32>
      %eq3A_2753 = arith.constant 1.000000e+00 : f32
      %eq3A_2754 = vector.broadcast %eq3A_2753 : f32 to vector<16x128xf32>
      %eq3A_2755 = arith.cmpf oeq, %get3A_2734, %eq3A_2754 : vector<16x128xf32>
      %sub3A_2756 = arith.constant 1.000000e+00 : f32
      %sub3A_2757 = vector.broadcast %sub3A_2756 : f32 to vector<16x128xf32>
      %sub3A_2758 = arith.subf %sub3A_2757, %get3A_2734 : vector<16x128xf32>
      %mul3A_2759 = arith.mulf %sub3A_2758, %sub3A_2758 : vector<16x128xf32>
      %mul3A_2760 = arith.mulf %exp3A_2744, %exp3A_2744 : vector<16x128xf32>
      %mul3A_2761 = arith.mulf %log3A_2748, %mul3A_2760 : vector<16x128xf32>
      %add3A_2762 = arith.addf %log3A_2748, %min3A_2740 : vector<16x128xf32>
      %mul3A_2763 = arith.mulf %mul3A_2759, %mul3A_2759 : vector<16x128xf32>
      %mul3A_2764 = arith.mulf %add3A_2762, %mul3A_2763 : vector<16x128xf32>
      %select_n3A_2765 = arith.select %eq3A_2755, %mul3A_2761, %mul3A_2764 : vector<16x128xi1>, vector<16x128xf32>
      %mul3A_2766 = arith.mulf %select_n3A_2765, %div3A_2752 : vector<16x128xf32>
      %add3A_2767 = arith.addf %add3A_2716, %mul3A_2766 : vector<16x128xf32>
      %jit3A_2768 = arith.constant 1.000000e+00 : f32
      %jit3A_2769 = arith.constant 0.000000e+00 : f32
      %broadcast_in_dim3A_2770 = vector.broadcast %jit3A_2768 : f32 to vector<16x128xf32>
      %broadcast_in_dim3A_2771 = vector.broadcast %jit3A_2769 : f32 to vector<16x128xf32>
      %select_n3A_2772 = arith.select %eq3A_2755, %broadcast_in_dim3A_2770, %broadcast_in_dim3A_2771 : vector<16x128xi1>, vector<16x128xf32>
      %add3A_2773 = arith.addf %add3A_2722, %select_n3A_2772 : vector<16x128xf32>
      %scan3A_2774 = arith.constant 54 : i32
      %scan3A_2775 = arith.addi %scan3A_29, %scan3A_2774 : i32
      %mul3A_2776 = arith.constant 16 : i32
      %mul3A_2777 = arith.muli %scan3A_2775, %mul3A_2776 : i32
      %get3A_2778 = arith.index_cast %mul3A_2777 : i32 to index
      %get3A_2779 = arith.constant 0 : index
      %get3A_2780 = vector.load %arg1[%get3A_2778, %get3A_2779] : memref<10240x128xf32, #tpu.memory_space<vmem>>, vector<16x128xf32>
      %mul3A_2781 = arith.constant 16 : i32
      %mul3A_2782 = arith.muli %scan3A_2775, %mul3A_2781 : i32
      %get3A_2783 = arith.index_cast %mul3A_2782 : i32 to index
      %get3A_2784 = arith.constant 0 : index
      %get3A_2785 = vector.load %arg2[%get3A_2783, %get3A_2784] : memref<10240x128xf32, #tpu.memory_space<vmem>>, vector<16x128xf32>
      %max3A_2786 = arith.constant -9.210240e+00 : f32
      %max3A_2787 = vector.broadcast %max3A_2786 : f32 to vector<16x128xf32>
      %max3A_2788 = arith.maximumf %get3A_2780, %max3A_2787 : vector<16x128xf32>
      %min3A_2789 = arith.constant 9.210240e+00 : f32
      %min3A_2790 = vector.broadcast %min3A_2789 : f32 to vector<16x128xf32>
      %min3A_2791 = arith.minimumf %max3A_2788, %min3A_2790 : vector<16x128xf32>
      %neg3A_2792 = arith.constant 0.000000e+00 : f32
      %neg3A_2793 = vector.broadcast %neg3A_2792 : f32 to vector<16x128xf32>
      %neg3A_2794 = arith.subf %neg3A_2793, %min3A_2791 : vector<16x128xf32>
      %exp3A_2795 = math.exp %neg3A_2794 : vector<16x128xf32>
      %add3A_2796 = arith.constant 1.000000e+00 : f32
      %add3A_2797 = vector.broadcast %add3A_2796 : f32 to vector<16x128xf32>
      %add3A_2798 = arith.addf %exp3A_2795, %add3A_2797 : vector<16x128xf32>
      %log3A_2799 = math.log %add3A_2798 : vector<16x128xf32>
      %mul3A_2800 = arith.mulf %add3A_2798, %add3A_2798 : vector<16x128xf32>
      %div3A_2801 = arith.constant 1.000000e+00 : f32
      %div3A_2802 = vector.broadcast %div3A_2801 : f32 to vector<16x128xf32>
      %div3A_2803 = arith.divf %div3A_2802, %mul3A_2800 : vector<16x128xf32>
      %eq3A_2804 = arith.constant 1.000000e+00 : f32
      %eq3A_2805 = vector.broadcast %eq3A_2804 : f32 to vector<16x128xf32>
      %eq3A_2806 = arith.cmpf oeq, %get3A_2785, %eq3A_2805 : vector<16x128xf32>
      %sub3A_2807 = arith.constant 1.000000e+00 : f32
      %sub3A_2808 = vector.broadcast %sub3A_2807 : f32 to vector<16x128xf32>
      %sub3A_2809 = arith.subf %sub3A_2808, %get3A_2785 : vector<16x128xf32>
      %mul3A_2810 = arith.mulf %sub3A_2809, %sub3A_2809 : vector<16x128xf32>
      %mul3A_2811 = arith.mulf %exp3A_2795, %exp3A_2795 : vector<16x128xf32>
      %mul3A_2812 = arith.mulf %log3A_2799, %mul3A_2811 : vector<16x128xf32>
      %add3A_2813 = arith.addf %log3A_2799, %min3A_2791 : vector<16x128xf32>
      %mul3A_2814 = arith.mulf %mul3A_2810, %mul3A_2810 : vector<16x128xf32>
      %mul3A_2815 = arith.mulf %add3A_2813, %mul3A_2814 : vector<16x128xf32>
      %select_n3A_2816 = arith.select %eq3A_2806, %mul3A_2812, %mul3A_2815 : vector<16x128xi1>, vector<16x128xf32>
      %mul3A_2817 = arith.mulf %select_n3A_2816, %div3A_2803 : vector<16x128xf32>
      %add3A_2818 = arith.addf %add3A_2767, %mul3A_2817 : vector<16x128xf32>
      %jit3A_2819 = arith.constant 1.000000e+00 : f32
      %jit3A_2820 = arith.constant 0.000000e+00 : f32
      %broadcast_in_dim3A_2821 = vector.broadcast %jit3A_2819 : f32 to vector<16x128xf32>
      %broadcast_in_dim3A_2822 = vector.broadcast %jit3A_2820 : f32 to vector<16x128xf32>
      %select_n3A_2823 = arith.select %eq3A_2806, %broadcast_in_dim3A_2821, %broadcast_in_dim3A_2822 : vector<16x128xi1>, vector<16x128xf32>
      %add3A_2824 = arith.addf %add3A_2773, %select_n3A_2823 : vector<16x128xf32>
      %scan3A_2825 = arith.constant 55 : i32
      %scan3A_2826 = arith.addi %scan3A_29, %scan3A_2825 : i32
      %mul3A_2827 = arith.constant 16 : i32
      %mul3A_2828 = arith.muli %scan3A_2826, %mul3A_2827 : i32
      %get3A_2829 = arith.index_cast %mul3A_2828 : i32 to index
      %get3A_2830 = arith.constant 0 : index
      %get3A_2831 = vector.load %arg1[%get3A_2829, %get3A_2830] : memref<10240x128xf32, #tpu.memory_space<vmem>>, vector<16x128xf32>
      %mul3A_2832 = arith.constant 16 : i32
      %mul3A_2833 = arith.muli %scan3A_2826, %mul3A_2832 : i32
      %get3A_2834 = arith.index_cast %mul3A_2833 : i32 to index
      %get3A_2835 = arith.constant 0 : index
      %get3A_2836 = vector.load %arg2[%get3A_2834, %get3A_2835] : memref<10240x128xf32, #tpu.memory_space<vmem>>, vector<16x128xf32>
      %max3A_2837 = arith.constant -9.210240e+00 : f32
      %max3A_2838 = vector.broadcast %max3A_2837 : f32 to vector<16x128xf32>
      %max3A_2839 = arith.maximumf %get3A_2831, %max3A_2838 : vector<16x128xf32>
      %min3A_2840 = arith.constant 9.210240e+00 : f32
      %min3A_2841 = vector.broadcast %min3A_2840 : f32 to vector<16x128xf32>
      %min3A_2842 = arith.minimumf %max3A_2839, %min3A_2841 : vector<16x128xf32>
      %neg3A_2843 = arith.constant 0.000000e+00 : f32
      %neg3A_2844 = vector.broadcast %neg3A_2843 : f32 to vector<16x128xf32>
      %neg3A_2845 = arith.subf %neg3A_2844, %min3A_2842 : vector<16x128xf32>
      %exp3A_2846 = math.exp %neg3A_2845 : vector<16x128xf32>
      %add3A_2847 = arith.constant 1.000000e+00 : f32
      %add3A_2848 = vector.broadcast %add3A_2847 : f32 to vector<16x128xf32>
      %add3A_2849 = arith.addf %exp3A_2846, %add3A_2848 : vector<16x128xf32>
      %log3A_2850 = math.log %add3A_2849 : vector<16x128xf32>
      %mul3A_2851 = arith.mulf %add3A_2849, %add3A_2849 : vector<16x128xf32>
      %div3A_2852 = arith.constant 1.000000e+00 : f32
      %div3A_2853 = vector.broadcast %div3A_2852 : f32 to vector<16x128xf32>
      %div3A_2854 = arith.divf %div3A_2853, %mul3A_2851 : vector<16x128xf32>
      %eq3A_2855 = arith.constant 1.000000e+00 : f32
      %eq3A_2856 = vector.broadcast %eq3A_2855 : f32 to vector<16x128xf32>
      %eq3A_2857 = arith.cmpf oeq, %get3A_2836, %eq3A_2856 : vector<16x128xf32>
      %sub3A_2858 = arith.constant 1.000000e+00 : f32
      %sub3A_2859 = vector.broadcast %sub3A_2858 : f32 to vector<16x128xf32>
      %sub3A_2860 = arith.subf %sub3A_2859, %get3A_2836 : vector<16x128xf32>
      %mul3A_2861 = arith.mulf %sub3A_2860, %sub3A_2860 : vector<16x128xf32>
      %mul3A_2862 = arith.mulf %exp3A_2846, %exp3A_2846 : vector<16x128xf32>
      %mul3A_2863 = arith.mulf %log3A_2850, %mul3A_2862 : vector<16x128xf32>
      %add3A_2864 = arith.addf %log3A_2850, %min3A_2842 : vector<16x128xf32>
      %mul3A_2865 = arith.mulf %mul3A_2861, %mul3A_2861 : vector<16x128xf32>
      %mul3A_2866 = arith.mulf %add3A_2864, %mul3A_2865 : vector<16x128xf32>
      %select_n3A_2867 = arith.select %eq3A_2857, %mul3A_2863, %mul3A_2866 : vector<16x128xi1>, vector<16x128xf32>
      %mul3A_2868 = arith.mulf %select_n3A_2867, %div3A_2854 : vector<16x128xf32>
      %add3A_2869 = arith.addf %add3A_2818, %mul3A_2868 : vector<16x128xf32>
      %jit3A_2870 = arith.constant 1.000000e+00 : f32
      %jit3A_2871 = arith.constant 0.000000e+00 : f32
      %broadcast_in_dim3A_2872 = vector.broadcast %jit3A_2870 : f32 to vector<16x128xf32>
      %broadcast_in_dim3A_2873 = vector.broadcast %jit3A_2871 : f32 to vector<16x128xf32>
      %select_n3A_2874 = arith.select %eq3A_2857, %broadcast_in_dim3A_2872, %broadcast_in_dim3A_2873 : vector<16x128xi1>, vector<16x128xf32>
      %add3A_2875 = arith.addf %add3A_2824, %select_n3A_2874 : vector<16x128xf32>
      %scan3A_2876 = arith.constant 56 : i32
      %scan3A_2877 = arith.addi %scan3A_29, %scan3A_2876 : i32
      %mul3A_2878 = arith.constant 16 : i32
      %mul3A_2879 = arith.muli %scan3A_2877, %mul3A_2878 : i32
      %get3A_2880 = arith.index_cast %mul3A_2879 : i32 to index
      %get3A_2881 = arith.constant 0 : index
      %get3A_2882 = vector.load %arg1[%get3A_2880, %get3A_2881] : memref<10240x128xf32, #tpu.memory_space<vmem>>, vector<16x128xf32>
      %mul3A_2883 = arith.constant 16 : i32
      %mul3A_2884 = arith.muli %scan3A_2877, %mul3A_2883 : i32
      %get3A_2885 = arith.index_cast %mul3A_2884 : i32 to index
      %get3A_2886 = arith.constant 0 : index
      %get3A_2887 = vector.load %arg2[%get3A_2885, %get3A_2886] : memref<10240x128xf32, #tpu.memory_space<vmem>>, vector<16x128xf32>
      %max3A_2888 = arith.constant -9.210240e+00 : f32
      %max3A_2889 = vector.broadcast %max3A_2888 : f32 to vector<16x128xf32>
      %max3A_2890 = arith.maximumf %get3A_2882, %max3A_2889 : vector<16x128xf32>
      %min3A_2891 = arith.constant 9.210240e+00 : f32
      %min3A_2892 = vector.broadcast %min3A_2891 : f32 to vector<16x128xf32>
      %min3A_2893 = arith.minimumf %max3A_2890, %min3A_2892 : vector<16x128xf32>
      %neg3A_2894 = arith.constant 0.000000e+00 : f32
      %neg3A_2895 = vector.broadcast %neg3A_2894 : f32 to vector<16x128xf32>
      %neg3A_2896 = arith.subf %neg3A_2895, %min3A_2893 : vector<16x128xf32>
      %exp3A_2897 = math.exp %neg3A_2896 : vector<16x128xf32>
      %add3A_2898 = arith.constant 1.000000e+00 : f32
      %add3A_2899 = vector.broadcast %add3A_2898 : f32 to vector<16x128xf32>
      %add3A_2900 = arith.addf %exp3A_2897, %add3A_2899 : vector<16x128xf32>
      %log3A_2901 = math.log %add3A_2900 : vector<16x128xf32>
      %mul3A_2902 = arith.mulf %add3A_2900, %add3A_2900 : vector<16x128xf32>
      %div3A_2903 = arith.constant 1.000000e+00 : f32
      %div3A_2904 = vector.broadcast %div3A_2903 : f32 to vector<16x128xf32>
      %div3A_2905 = arith.divf %div3A_2904, %mul3A_2902 : vector<16x128xf32>
      %eq3A_2906 = arith.constant 1.000000e+00 : f32
      %eq3A_2907 = vector.broadcast %eq3A_2906 : f32 to vector<16x128xf32>
      %eq3A_2908 = arith.cmpf oeq, %get3A_2887, %eq3A_2907 : vector<16x128xf32>
      %sub3A_2909 = arith.constant 1.000000e+00 : f32
      %sub3A_2910 = vector.broadcast %sub3A_2909 : f32 to vector<16x128xf32>
      %sub3A_2911 = arith.subf %sub3A_2910, %get3A_2887 : vector<16x128xf32>
      %mul3A_2912 = arith.mulf %sub3A_2911, %sub3A_2911 : vector<16x128xf32>
      %mul3A_2913 = arith.mulf %exp3A_2897, %exp3A_2897 : vector<16x128xf32>
      %mul3A_2914 = arith.mulf %log3A_2901, %mul3A_2913 : vector<16x128xf32>
      %add3A_2915 = arith.addf %log3A_2901, %min3A_2893 : vector<16x128xf32>
      %mul3A_2916 = arith.mulf %mul3A_2912, %mul3A_2912 : vector<16x128xf32>
      %mul3A_2917 = arith.mulf %add3A_2915, %mul3A_2916 : vector<16x128xf32>
      %select_n3A_2918 = arith.select %eq3A_2908, %mul3A_2914, %mul3A_2917 : vector<16x128xi1>, vector<16x128xf32>
      %mul3A_2919 = arith.mulf %select_n3A_2918, %div3A_2905 : vector<16x128xf32>
      %add3A_2920 = arith.addf %add3A_2869, %mul3A_2919 : vector<16x128xf32>
      %jit3A_2921 = arith.constant 1.000000e+00 : f32
      %jit3A_2922 = arith.constant 0.000000e+00 : f32
      %broadcast_in_dim3A_2923 = vector.broadcast %jit3A_2921 : f32 to vector<16x128xf32>
      %broadcast_in_dim3A_2924 = vector.broadcast %jit3A_2922 : f32 to vector<16x128xf32>
      %select_n3A_2925 = arith.select %eq3A_2908, %broadcast_in_dim3A_2923, %broadcast_in_dim3A_2924 : vector<16x128xi1>, vector<16x128xf32>
      %add3A_2926 = arith.addf %add3A_2875, %select_n3A_2925 : vector<16x128xf32>
      %scan3A_2927 = arith.constant 57 : i32
      %scan3A_2928 = arith.addi %scan3A_29, %scan3A_2927 : i32
      %mul3A_2929 = arith.constant 16 : i32
      %mul3A_2930 = arith.muli %scan3A_2928, %mul3A_2929 : i32
      %get3A_2931 = arith.index_cast %mul3A_2930 : i32 to index
      %get3A_2932 = arith.constant 0 : index
      %get3A_2933 = vector.load %arg1[%get3A_2931, %get3A_2932] : memref<10240x128xf32, #tpu.memory_space<vmem>>, vector<16x128xf32>
      %mul3A_2934 = arith.constant 16 : i32
      %mul3A_2935 = arith.muli %scan3A_2928, %mul3A_2934 : i32
      %get3A_2936 = arith.index_cast %mul3A_2935 : i32 to index
      %get3A_2937 = arith.constant 0 : index
      %get3A_2938 = vector.load %arg2[%get3A_2936, %get3A_2937] : memref<10240x128xf32, #tpu.memory_space<vmem>>, vector<16x128xf32>
      %max3A_2939 = arith.constant -9.210240e+00 : f32
      %max3A_2940 = vector.broadcast %max3A_2939 : f32 to vector<16x128xf32>
      %max3A_2941 = arith.maximumf %get3A_2933, %max3A_2940 : vector<16x128xf32>
      %min3A_2942 = arith.constant 9.210240e+00 : f32
      %min3A_2943 = vector.broadcast %min3A_2942 : f32 to vector<16x128xf32>
      %min3A_2944 = arith.minimumf %max3A_2941, %min3A_2943 : vector<16x128xf32>
      %neg3A_2945 = arith.constant 0.000000e+00 : f32
      %neg3A_2946 = vector.broadcast %neg3A_2945 : f32 to vector<16x128xf32>
      %neg3A_2947 = arith.subf %neg3A_2946, %min3A_2944 : vector<16x128xf32>
      %exp3A_2948 = math.exp %neg3A_2947 : vector<16x128xf32>
      %add3A_2949 = arith.constant 1.000000e+00 : f32
      %add3A_2950 = vector.broadcast %add3A_2949 : f32 to vector<16x128xf32>
      %add3A_2951 = arith.addf %exp3A_2948, %add3A_2950 : vector<16x128xf32>
      %log3A_2952 = math.log %add3A_2951 : vector<16x128xf32>
      %mul3A_2953 = arith.mulf %add3A_2951, %add3A_2951 : vector<16x128xf32>
      %div3A_2954 = arith.constant 1.000000e+00 : f32
      %div3A_2955 = vector.broadcast %div3A_2954 : f32 to vector<16x128xf32>
      %div3A_2956 = arith.divf %div3A_2955, %mul3A_2953 : vector<16x128xf32>
      %eq3A_2957 = arith.constant 1.000000e+00 : f32
      %eq3A_2958 = vector.broadcast %eq3A_2957 : f32 to vector<16x128xf32>
      %eq3A_2959 = arith.cmpf oeq, %get3A_2938, %eq3A_2958 : vector<16x128xf32>
      %sub3A_2960 = arith.constant 1.000000e+00 : f32
      %sub3A_2961 = vector.broadcast %sub3A_2960 : f32 to vector<16x128xf32>
      %sub3A_2962 = arith.subf %sub3A_2961, %get3A_2938 : vector<16x128xf32>
      %mul3A_2963 = arith.mulf %sub3A_2962, %sub3A_2962 : vector<16x128xf32>
      %mul3A_2964 = arith.mulf %exp3A_2948, %exp3A_2948 : vector<16x128xf32>
      %mul3A_2965 = arith.mulf %log3A_2952, %mul3A_2964 : vector<16x128xf32>
      %add3A_2966 = arith.addf %log3A_2952, %min3A_2944 : vector<16x128xf32>
      %mul3A_2967 = arith.mulf %mul3A_2963, %mul3A_2963 : vector<16x128xf32>
      %mul3A_2968 = arith.mulf %add3A_2966, %mul3A_2967 : vector<16x128xf32>
      %select_n3A_2969 = arith.select %eq3A_2959, %mul3A_2965, %mul3A_2968 : vector<16x128xi1>, vector<16x128xf32>
      %mul3A_2970 = arith.mulf %select_n3A_2969, %div3A_2956 : vector<16x128xf32>
      %add3A_2971 = arith.addf %add3A_2920, %mul3A_2970 : vector<16x128xf32>
      %jit3A_2972 = arith.constant 1.000000e+00 : f32
      %jit3A_2973 = arith.constant 0.000000e+00 : f32
      %broadcast_in_dim3A_2974 = vector.broadcast %jit3A_2972 : f32 to vector<16x128xf32>
      %broadcast_in_dim3A_2975 = vector.broadcast %jit3A_2973 : f32 to vector<16x128xf32>
      %select_n3A_2976 = arith.select %eq3A_2959, %broadcast_in_dim3A_2974, %broadcast_in_dim3A_2975 : vector<16x128xi1>, vector<16x128xf32>
      %add3A_2977 = arith.addf %add3A_2926, %select_n3A_2976 : vector<16x128xf32>
      %scan3A_2978 = arith.constant 58 : i32
      %scan3A_2979 = arith.addi %scan3A_29, %scan3A_2978 : i32
      %mul3A_2980 = arith.constant 16 : i32
      %mul3A_2981 = arith.muli %scan3A_2979, %mul3A_2980 : i32
      %get3A_2982 = arith.index_cast %mul3A_2981 : i32 to index
      %get3A_2983 = arith.constant 0 : index
      %get3A_2984 = vector.load %arg1[%get3A_2982, %get3A_2983] : memref<10240x128xf32, #tpu.memory_space<vmem>>, vector<16x128xf32>
      %mul3A_2985 = arith.constant 16 : i32
      %mul3A_2986 = arith.muli %scan3A_2979, %mul3A_2985 : i32
      %get3A_2987 = arith.index_cast %mul3A_2986 : i32 to index
      %get3A_2988 = arith.constant 0 : index
      %get3A_2989 = vector.load %arg2[%get3A_2987, %get3A_2988] : memref<10240x128xf32, #tpu.memory_space<vmem>>, vector<16x128xf32>
      %max3A_2990 = arith.constant -9.210240e+00 : f32
      %max3A_2991 = vector.broadcast %max3A_2990 : f32 to vector<16x128xf32>
      %max3A_2992 = arith.maximumf %get3A_2984, %max3A_2991 : vector<16x128xf32>
      %min3A_2993 = arith.constant 9.210240e+00 : f32
      %min3A_2994 = vector.broadcast %min3A_2993 : f32 to vector<16x128xf32>
      %min3A_2995 = arith.minimumf %max3A_2992, %min3A_2994 : vector<16x128xf32>
      %neg3A_2996 = arith.constant 0.000000e+00 : f32
      %neg3A_2997 = vector.broadcast %neg3A_2996 : f32 to vector<16x128xf32>
      %neg3A_2998 = arith.subf %neg3A_2997, %min3A_2995 : vector<16x128xf32>
      %exp3A_2999 = math.exp %neg3A_2998 : vector<16x128xf32>
      %add3A_3000 = arith.constant 1.000000e+00 : f32
      %add3A_3001 = vector.broadcast %add3A_3000 : f32 to vector<16x128xf32>
      %add3A_3002 = arith.addf %exp3A_2999, %add3A_3001 : vector<16x128xf32>
      %log3A_3003 = math.log %add3A_3002 : vector<16x128xf32>
      %mul3A_3004 = arith.mulf %add3A_3002, %add3A_3002 : vector<16x128xf32>
      %div3A_3005 = arith.constant 1.000000e+00 : f32
      %div3A_3006 = vector.broadcast %div3A_3005 : f32 to vector<16x128xf32>
      %div3A_3007 = arith.divf %div3A_3006, %mul3A_3004 : vector<16x128xf32>
      %eq3A_3008 = arith.constant 1.000000e+00 : f32
      %eq3A_3009 = vector.broadcast %eq3A_3008 : f32 to vector<16x128xf32>
      %eq3A_3010 = arith.cmpf oeq, %get3A_2989, %eq3A_3009 : vector<16x128xf32>
      %sub3A_3011 = arith.constant 1.000000e+00 : f32
      %sub3A_3012 = vector.broadcast %sub3A_3011 : f32 to vector<16x128xf32>
      %sub3A_3013 = arith.subf %sub3A_3012, %get3A_2989 : vector<16x128xf32>
      %mul3A_3014 = arith.mulf %sub3A_3013, %sub3A_3013 : vector<16x128xf32>
      %mul3A_3015 = arith.mulf %exp3A_2999, %exp3A_2999 : vector<16x128xf32>
      %mul3A_3016 = arith.mulf %log3A_3003, %mul3A_3015 : vector<16x128xf32>
      %add3A_3017 = arith.addf %log3A_3003, %min3A_2995 : vector<16x128xf32>
      %mul3A_3018 = arith.mulf %mul3A_3014, %mul3A_3014 : vector<16x128xf32>
      %mul3A_3019 = arith.mulf %add3A_3017, %mul3A_3018 : vector<16x128xf32>
      %select_n3A_3020 = arith.select %eq3A_3010, %mul3A_3016, %mul3A_3019 : vector<16x128xi1>, vector<16x128xf32>
      %mul3A_3021 = arith.mulf %select_n3A_3020, %div3A_3007 : vector<16x128xf32>
      %add3A_3022 = arith.addf %add3A_2971, %mul3A_3021 : vector<16x128xf32>
      %jit3A_3023 = arith.constant 1.000000e+00 : f32
      %jit3A_3024 = arith.constant 0.000000e+00 : f32
      %broadcast_in_dim3A_3025 = vector.broadcast %jit3A_3023 : f32 to vector<16x128xf32>
      %broadcast_in_dim3A_3026 = vector.broadcast %jit3A_3024 : f32 to vector<16x128xf32>
      %select_n3A_3027 = arith.select %eq3A_3010, %broadcast_in_dim3A_3025, %broadcast_in_dim3A_3026 : vector<16x128xi1>, vector<16x128xf32>
      %add3A_3028 = arith.addf %add3A_2977, %select_n3A_3027 : vector<16x128xf32>
      %scan3A_3029 = arith.constant 59 : i32
      %scan3A_3030 = arith.addi %scan3A_29, %scan3A_3029 : i32
      %mul3A_3031 = arith.constant 16 : i32
      %mul3A_3032 = arith.muli %scan3A_3030, %mul3A_3031 : i32
      %get3A_3033 = arith.index_cast %mul3A_3032 : i32 to index
      %get3A_3034 = arith.constant 0 : index
      %get3A_3035 = vector.load %arg1[%get3A_3033, %get3A_3034] : memref<10240x128xf32, #tpu.memory_space<vmem>>, vector<16x128xf32>
      %mul3A_3036 = arith.constant 16 : i32
      %mul3A_3037 = arith.muli %scan3A_3030, %mul3A_3036 : i32
      %get3A_3038 = arith.index_cast %mul3A_3037 : i32 to index
      %get3A_3039 = arith.constant 0 : index
      %get3A_3040 = vector.load %arg2[%get3A_3038, %get3A_3039] : memref<10240x128xf32, #tpu.memory_space<vmem>>, vector<16x128xf32>
      %max3A_3041 = arith.constant -9.210240e+00 : f32
      %max3A_3042 = vector.broadcast %max3A_3041 : f32 to vector<16x128xf32>
      %max3A_3043 = arith.maximumf %get3A_3035, %max3A_3042 : vector<16x128xf32>
      %min3A_3044 = arith.constant 9.210240e+00 : f32
      %min3A_3045 = vector.broadcast %min3A_3044 : f32 to vector<16x128xf32>
      %min3A_3046 = arith.minimumf %max3A_3043, %min3A_3045 : vector<16x128xf32>
      %neg3A_3047 = arith.constant 0.000000e+00 : f32
      %neg3A_3048 = vector.broadcast %neg3A_3047 : f32 to vector<16x128xf32>
      %neg3A_3049 = arith.subf %neg3A_3048, %min3A_3046 : vector<16x128xf32>
      %exp3A_3050 = math.exp %neg3A_3049 : vector<16x128xf32>
      %add3A_3051 = arith.constant 1.000000e+00 : f32
      %add3A_3052 = vector.broadcast %add3A_3051 : f32 to vector<16x128xf32>
      %add3A_3053 = arith.addf %exp3A_3050, %add3A_3052 : vector<16x128xf32>
      %log3A_3054 = math.log %add3A_3053 : vector<16x128xf32>
      %mul3A_3055 = arith.mulf %add3A_3053, %add3A_3053 : vector<16x128xf32>
      %div3A_3056 = arith.constant 1.000000e+00 : f32
      %div3A_3057 = vector.broadcast %div3A_3056 : f32 to vector<16x128xf32>
      %div3A_3058 = arith.divf %div3A_3057, %mul3A_3055 : vector<16x128xf32>
      %eq3A_3059 = arith.constant 1.000000e+00 : f32
      %eq3A_3060 = vector.broadcast %eq3A_3059 : f32 to vector<16x128xf32>
      %eq3A_3061 = arith.cmpf oeq, %get3A_3040, %eq3A_3060 : vector<16x128xf32>
      %sub3A_3062 = arith.constant 1.000000e+00 : f32
      %sub3A_3063 = vector.broadcast %sub3A_3062 : f32 to vector<16x128xf32>
      %sub3A_3064 = arith.subf %sub3A_3063, %get3A_3040 : vector<16x128xf32>
      %mul3A_3065 = arith.mulf %sub3A_3064, %sub3A_3064 : vector<16x128xf32>
      %mul3A_3066 = arith.mulf %exp3A_3050, %exp3A_3050 : vector<16x128xf32>
      %mul3A_3067 = arith.mulf %log3A_3054, %mul3A_3066 : vector<16x128xf32>
      %add3A_3068 = arith.addf %log3A_3054, %min3A_3046 : vector<16x128xf32>
      %mul3A_3069 = arith.mulf %mul3A_3065, %mul3A_3065 : vector<16x128xf32>
      %mul3A_3070 = arith.mulf %add3A_3068, %mul3A_3069 : vector<16x128xf32>
      %select_n3A_3071 = arith.select %eq3A_3061, %mul3A_3067, %mul3A_3070 : vector<16x128xi1>, vector<16x128xf32>
      %mul3A_3072 = arith.mulf %select_n3A_3071, %div3A_3058 : vector<16x128xf32>
      %add3A_3073 = arith.addf %add3A_3022, %mul3A_3072 : vector<16x128xf32>
      %jit3A_3074 = arith.constant 1.000000e+00 : f32
      %jit3A_3075 = arith.constant 0.000000e+00 : f32
      %broadcast_in_dim3A_3076 = vector.broadcast %jit3A_3074 : f32 to vector<16x128xf32>
      %broadcast_in_dim3A_3077 = vector.broadcast %jit3A_3075 : f32 to vector<16x128xf32>
      %select_n3A_3078 = arith.select %eq3A_3061, %broadcast_in_dim3A_3076, %broadcast_in_dim3A_3077 : vector<16x128xi1>, vector<16x128xf32>
      %add3A_3079 = arith.addf %add3A_3028, %select_n3A_3078 : vector<16x128xf32>
      %scan3A_3080 = arith.constant 60 : i32
      %scan3A_3081 = arith.addi %scan3A_29, %scan3A_3080 : i32
      %mul3A_3082 = arith.constant 16 : i32
      %mul3A_3083 = arith.muli %scan3A_3081, %mul3A_3082 : i32
      %get3A_3084 = arith.index_cast %mul3A_3083 : i32 to index
      %get3A_3085 = arith.constant 0 : index
      %get3A_3086 = vector.load %arg1[%get3A_3084, %get3A_3085] : memref<10240x128xf32, #tpu.memory_space<vmem>>, vector<16x128xf32>
      %mul3A_3087 = arith.constant 16 : i32
      %mul3A_3088 = arith.muli %scan3A_3081, %mul3A_3087 : i32
      %get3A_3089 = arith.index_cast %mul3A_3088 : i32 to index
      %get3A_3090 = arith.constant 0 : index
      %get3A_3091 = vector.load %arg2[%get3A_3089, %get3A_3090] : memref<10240x128xf32, #tpu.memory_space<vmem>>, vector<16x128xf32>
      %max3A_3092 = arith.constant -9.210240e+00 : f32
      %max3A_3093 = vector.broadcast %max3A_3092 : f32 to vector<16x128xf32>
      %max3A_3094 = arith.maximumf %get3A_3086, %max3A_3093 : vector<16x128xf32>
      %min3A_3095 = arith.constant 9.210240e+00 : f32
      %min3A_3096 = vector.broadcast %min3A_3095 : f32 to vector<16x128xf32>
      %min3A_3097 = arith.minimumf %max3A_3094, %min3A_3096 : vector<16x128xf32>
      %neg3A_3098 = arith.constant 0.000000e+00 : f32
      %neg3A_3099 = vector.broadcast %neg3A_3098 : f32 to vector<16x128xf32>
      %neg3A_3100 = arith.subf %neg3A_3099, %min3A_3097 : vector<16x128xf32>
      %exp3A_3101 = math.exp %neg3A_3100 : vector<16x128xf32>
      %add3A_3102 = arith.constant 1.000000e+00 : f32
      %add3A_3103 = vector.broadcast %add3A_3102 : f32 to vector<16x128xf32>
      %add3A_3104 = arith.addf %exp3A_3101, %add3A_3103 : vector<16x128xf32>
      %log3A_3105 = math.log %add3A_3104 : vector<16x128xf32>
      %mul3A_3106 = arith.mulf %add3A_3104, %add3A_3104 : vector<16x128xf32>
      %div3A_3107 = arith.constant 1.000000e+00 : f32
      %div3A_3108 = vector.broadcast %div3A_3107 : f32 to vector<16x128xf32>
      %div3A_3109 = arith.divf %div3A_3108, %mul3A_3106 : vector<16x128xf32>
      %eq3A_3110 = arith.constant 1.000000e+00 : f32
      %eq3A_3111 = vector.broadcast %eq3A_3110 : f32 to vector<16x128xf32>
      %eq3A_3112 = arith.cmpf oeq, %get3A_3091, %eq3A_3111 : vector<16x128xf32>
      %sub3A_3113 = arith.constant 1.000000e+00 : f32
      %sub3A_3114 = vector.broadcast %sub3A_3113 : f32 to vector<16x128xf32>
      %sub3A_3115 = arith.subf %sub3A_3114, %get3A_3091 : vector<16x128xf32>
      %mul3A_3116 = arith.mulf %sub3A_3115, %sub3A_3115 : vector<16x128xf32>
      %mul3A_3117 = arith.mulf %exp3A_3101, %exp3A_3101 : vector<16x128xf32>
      %mul3A_3118 = arith.mulf %log3A_3105, %mul3A_3117 : vector<16x128xf32>
      %add3A_3119 = arith.addf %log3A_3105, %min3A_3097 : vector<16x128xf32>
      %mul3A_3120 = arith.mulf %mul3A_3116, %mul3A_3116 : vector<16x128xf32>
      %mul3A_3121 = arith.mulf %add3A_3119, %mul3A_3120 : vector<16x128xf32>
      %select_n3A_3122 = arith.select %eq3A_3112, %mul3A_3118, %mul3A_3121 : vector<16x128xi1>, vector<16x128xf32>
      %mul3A_3123 = arith.mulf %select_n3A_3122, %div3A_3109 : vector<16x128xf32>
      %add3A_3124 = arith.addf %add3A_3073, %mul3A_3123 : vector<16x128xf32>
      %jit3A_3125 = arith.constant 1.000000e+00 : f32
      %jit3A_3126 = arith.constant 0.000000e+00 : f32
      %broadcast_in_dim3A_3127 = vector.broadcast %jit3A_3125 : f32 to vector<16x128xf32>
      %broadcast_in_dim3A_3128 = vector.broadcast %jit3A_3126 : f32 to vector<16x128xf32>
      %select_n3A_3129 = arith.select %eq3A_3112, %broadcast_in_dim3A_3127, %broadcast_in_dim3A_3128 : vector<16x128xi1>, vector<16x128xf32>
      %add3A_3130 = arith.addf %add3A_3079, %select_n3A_3129 : vector<16x128xf32>
      %scan3A_3131 = arith.constant 61 : i32
      %scan3A_3132 = arith.addi %scan3A_29, %scan3A_3131 : i32
      %mul3A_3133 = arith.constant 16 : i32
      %mul3A_3134 = arith.muli %scan3A_3132, %mul3A_3133 : i32
      %get3A_3135 = arith.index_cast %mul3A_3134 : i32 to index
      %get3A_3136 = arith.constant 0 : index
      %get3A_3137 = vector.load %arg1[%get3A_3135, %get3A_3136] : memref<10240x128xf32, #tpu.memory_space<vmem>>, vector<16x128xf32>
      %mul3A_3138 = arith.constant 16 : i32
      %mul3A_3139 = arith.muli %scan3A_3132, %mul3A_3138 : i32
      %get3A_3140 = arith.index_cast %mul3A_3139 : i32 to index
      %get3A_3141 = arith.constant 0 : index
      %get3A_3142 = vector.load %arg2[%get3A_3140, %get3A_3141] : memref<10240x128xf32, #tpu.memory_space<vmem>>, vector<16x128xf32>
      %max3A_3143 = arith.constant -9.210240e+00 : f32
      %max3A_3144 = vector.broadcast %max3A_3143 : f32 to vector<16x128xf32>
      %max3A_3145 = arith.maximumf %get3A_3137, %max3A_3144 : vector<16x128xf32>
      %min3A_3146 = arith.constant 9.210240e+00 : f32
      %min3A_3147 = vector.broadcast %min3A_3146 : f32 to vector<16x128xf32>
      %min3A_3148 = arith.minimumf %max3A_3145, %min3A_3147 : vector<16x128xf32>
      %neg3A_3149 = arith.constant 0.000000e+00 : f32
      %neg3A_3150 = vector.broadcast %neg3A_3149 : f32 to vector<16x128xf32>
      %neg3A_3151 = arith.subf %neg3A_3150, %min3A_3148 : vector<16x128xf32>
      %exp3A_3152 = math.exp %neg3A_3151 : vector<16x128xf32>
      %add3A_3153 = arith.constant 1.000000e+00 : f32
      %add3A_3154 = vector.broadcast %add3A_3153 : f32 to vector<16x128xf32>
      %add3A_3155 = arith.addf %exp3A_3152, %add3A_3154 : vector<16x128xf32>
      %log3A_3156 = math.log %add3A_3155 : vector<16x128xf32>
      %mul3A_3157 = arith.mulf %add3A_3155, %add3A_3155 : vector<16x128xf32>
      %div3A_3158 = arith.constant 1.000000e+00 : f32
      %div3A_3159 = vector.broadcast %div3A_3158 : f32 to vector<16x128xf32>
      %div3A_3160 = arith.divf %div3A_3159, %mul3A_3157 : vector<16x128xf32>
      %eq3A_3161 = arith.constant 1.000000e+00 : f32
      %eq3A_3162 = vector.broadcast %eq3A_3161 : f32 to vector<16x128xf32>
      %eq3A_3163 = arith.cmpf oeq, %get3A_3142, %eq3A_3162 : vector<16x128xf32>
      %sub3A_3164 = arith.constant 1.000000e+00 : f32
      %sub3A_3165 = vector.broadcast %sub3A_3164 : f32 to vector<16x128xf32>
      %sub3A_3166 = arith.subf %sub3A_3165, %get3A_3142 : vector<16x128xf32>
      %mul3A_3167 = arith.mulf %sub3A_3166, %sub3A_3166 : vector<16x128xf32>
      %mul3A_3168 = arith.mulf %exp3A_3152, %exp3A_3152 : vector<16x128xf32>
      %mul3A_3169 = arith.mulf %log3A_3156, %mul3A_3168 : vector<16x128xf32>
      %add3A_3170 = arith.addf %log3A_3156, %min3A_3148 : vector<16x128xf32>
      %mul3A_3171 = arith.mulf %mul3A_3167, %mul3A_3167 : vector<16x128xf32>
      %mul3A_3172 = arith.mulf %add3A_3170, %mul3A_3171 : vector<16x128xf32>
      %select_n3A_3173 = arith.select %eq3A_3163, %mul3A_3169, %mul3A_3172 : vector<16x128xi1>, vector<16x128xf32>
      %mul3A_3174 = arith.mulf %select_n3A_3173, %div3A_3160 : vector<16x128xf32>
      %add3A_3175 = arith.addf %add3A_3124, %mul3A_3174 : vector<16x128xf32>
      %jit3A_3176 = arith.constant 1.000000e+00 : f32
      %jit3A_3177 = arith.constant 0.000000e+00 : f32
      %broadcast_in_dim3A_3178 = vector.broadcast %jit3A_3176 : f32 to vector<16x128xf32>
      %broadcast_in_dim3A_3179 = vector.broadcast %jit3A_3177 : f32 to vector<16x128xf32>
      %select_n3A_3180 = arith.select %eq3A_3163, %broadcast_in_dim3A_3178, %broadcast_in_dim3A_3179 : vector<16x128xi1>, vector<16x128xf32>
      %add3A_3181 = arith.addf %add3A_3130, %select_n3A_3180 : vector<16x128xf32>
      %scan3A_3182 = arith.constant 62 : i32
      %scan3A_3183 = arith.addi %scan3A_29, %scan3A_3182 : i32
      %mul3A_3184 = arith.constant 16 : i32
      %mul3A_3185 = arith.muli %scan3A_3183, %mul3A_3184 : i32
      %get3A_3186 = arith.index_cast %mul3A_3185 : i32 to index
      %get3A_3187 = arith.constant 0 : index
      %get3A_3188 = vector.load %arg1[%get3A_3186, %get3A_3187] : memref<10240x128xf32, #tpu.memory_space<vmem>>, vector<16x128xf32>
      %mul3A_3189 = arith.constant 16 : i32
      %mul3A_3190 = arith.muli %scan3A_3183, %mul3A_3189 : i32
      %get3A_3191 = arith.index_cast %mul3A_3190 : i32 to index
      %get3A_3192 = arith.constant 0 : index
      %get3A_3193 = vector.load %arg2[%get3A_3191, %get3A_3192] : memref<10240x128xf32, #tpu.memory_space<vmem>>, vector<16x128xf32>
      %max3A_3194 = arith.constant -9.210240e+00 : f32
      %max3A_3195 = vector.broadcast %max3A_3194 : f32 to vector<16x128xf32>
      %max3A_3196 = arith.maximumf %get3A_3188, %max3A_3195 : vector<16x128xf32>
      %min3A_3197 = arith.constant 9.210240e+00 : f32
      %min3A_3198 = vector.broadcast %min3A_3197 : f32 to vector<16x128xf32>
      %min3A_3199 = arith.minimumf %max3A_3196, %min3A_3198 : vector<16x128xf32>
      %neg3A_3200 = arith.constant 0.000000e+00 : f32
      %neg3A_3201 = vector.broadcast %neg3A_3200 : f32 to vector<16x128xf32>
      %neg3A_3202 = arith.subf %neg3A_3201, %min3A_3199 : vector<16x128xf32>
      %exp3A_3203 = math.exp %neg3A_3202 : vector<16x128xf32>
      %add3A_3204 = arith.constant 1.000000e+00 : f32
      %add3A_3205 = vector.broadcast %add3A_3204 : f32 to vector<16x128xf32>
      %add3A_3206 = arith.addf %exp3A_3203, %add3A_3205 : vector<16x128xf32>
      %log3A_3207 = math.log %add3A_3206 : vector<16x128xf32>
      %mul3A_3208 = arith.mulf %add3A_3206, %add3A_3206 : vector<16x128xf32>
      %div3A_3209 = arith.constant 1.000000e+00 : f32
      %div3A_3210 = vector.broadcast %div3A_3209 : f32 to vector<16x128xf32>
      %div3A_3211 = arith.divf %div3A_3210, %mul3A_3208 : vector<16x128xf32>
      %eq3A_3212 = arith.constant 1.000000e+00 : f32
      %eq3A_3213 = vector.broadcast %eq3A_3212 : f32 to vector<16x128xf32>
      %eq3A_3214 = arith.cmpf oeq, %get3A_3193, %eq3A_3213 : vector<16x128xf32>
      %sub3A_3215 = arith.constant 1.000000e+00 : f32
      %sub3A_3216 = vector.broadcast %sub3A_3215 : f32 to vector<16x128xf32>
      %sub3A_3217 = arith.subf %sub3A_3216, %get3A_3193 : vector<16x128xf32>
      %mul3A_3218 = arith.mulf %sub3A_3217, %sub3A_3217 : vector<16x128xf32>
      %mul3A_3219 = arith.mulf %exp3A_3203, %exp3A_3203 : vector<16x128xf32>
      %mul3A_3220 = arith.mulf %log3A_3207, %mul3A_3219 : vector<16x128xf32>
      %add3A_3221 = arith.addf %log3A_3207, %min3A_3199 : vector<16x128xf32>
      %mul3A_3222 = arith.mulf %mul3A_3218, %mul3A_3218 : vector<16x128xf32>
      %mul3A_3223 = arith.mulf %add3A_3221, %mul3A_3222 : vector<16x128xf32>
      %select_n3A_3224 = arith.select %eq3A_3214, %mul3A_3220, %mul3A_3223 : vector<16x128xi1>, vector<16x128xf32>
      %mul3A_3225 = arith.mulf %select_n3A_3224, %div3A_3211 : vector<16x128xf32>
      %add3A_3226 = arith.addf %add3A_3175, %mul3A_3225 : vector<16x128xf32>
      %jit3A_3227 = arith.constant 1.000000e+00 : f32
      %jit3A_3228 = arith.constant 0.000000e+00 : f32
      %broadcast_in_dim3A_3229 = vector.broadcast %jit3A_3227 : f32 to vector<16x128xf32>
      %broadcast_in_dim3A_3230 = vector.broadcast %jit3A_3228 : f32 to vector<16x128xf32>
      %select_n3A_3231 = arith.select %eq3A_3214, %broadcast_in_dim3A_3229, %broadcast_in_dim3A_3230 : vector<16x128xi1>, vector<16x128xf32>
      %add3A_3232 = arith.addf %add3A_3181, %select_n3A_3231 : vector<16x128xf32>
      %scan3A_3233 = arith.constant 63 : i32
      %scan3A_3234 = arith.addi %scan3A_29, %scan3A_3233 : i32
      %mul3A_3235 = arith.constant 16 : i32
      %mul3A_3236 = arith.muli %scan3A_3234, %mul3A_3235 : i32
      %get3A_3237 = arith.index_cast %mul3A_3236 : i32 to index
      %get3A_3238 = arith.constant 0 : index
      %get3A_3239 = vector.load %arg1[%get3A_3237, %get3A_3238] : memref<10240x128xf32, #tpu.memory_space<vmem>>, vector<16x128xf32>
      %mul3A_3240 = arith.constant 16 : i32
      %mul3A_3241 = arith.muli %scan3A_3234, %mul3A_3240 : i32
      %get3A_3242 = arith.index_cast %mul3A_3241 : i32 to index
      %get3A_3243 = arith.constant 0 : index
      %get3A_3244 = vector.load %arg2[%get3A_3242, %get3A_3243] : memref<10240x128xf32, #tpu.memory_space<vmem>>, vector<16x128xf32>
      %max3A_3245 = arith.constant -9.210240e+00 : f32
      %max3A_3246 = vector.broadcast %max3A_3245 : f32 to vector<16x128xf32>
      %max3A_3247 = arith.maximumf %get3A_3239, %max3A_3246 : vector<16x128xf32>
      %min3A_3248 = arith.constant 9.210240e+00 : f32
      %min3A_3249 = vector.broadcast %min3A_3248 : f32 to vector<16x128xf32>
      %min3A_3250 = arith.minimumf %max3A_3247, %min3A_3249 : vector<16x128xf32>
      %neg3A_3251 = arith.constant 0.000000e+00 : f32
      %neg3A_3252 = vector.broadcast %neg3A_3251 : f32 to vector<16x128xf32>
      %neg3A_3253 = arith.subf %neg3A_3252, %min3A_3250 : vector<16x128xf32>
      %exp3A_3254 = math.exp %neg3A_3253 : vector<16x128xf32>
      %add3A_3255 = arith.constant 1.000000e+00 : f32
      %add3A_3256 = vector.broadcast %add3A_3255 : f32 to vector<16x128xf32>
      %add3A_3257 = arith.addf %exp3A_3254, %add3A_3256 : vector<16x128xf32>
      %log3A_3258 = math.log %add3A_3257 : vector<16x128xf32>
      %mul3A_3259 = arith.mulf %add3A_3257, %add3A_3257 : vector<16x128xf32>
      %div3A_3260 = arith.constant 1.000000e+00 : f32
      %div3A_3261 = vector.broadcast %div3A_3260 : f32 to vector<16x128xf32>
      %div3A_3262 = arith.divf %div3A_3261, %mul3A_3259 : vector<16x128xf32>
      %eq3A_3263 = arith.constant 1.000000e+00 : f32
      %eq3A_3264 = vector.broadcast %eq3A_3263 : f32 to vector<16x128xf32>
      %eq3A_3265 = arith.cmpf oeq, %get3A_3244, %eq3A_3264 : vector<16x128xf32>
      %sub3A_3266 = arith.constant 1.000000e+00 : f32
      %sub3A_3267 = vector.broadcast %sub3A_3266 : f32 to vector<16x128xf32>
      %sub3A_3268 = arith.subf %sub3A_3267, %get3A_3244 : vector<16x128xf32>
      %mul3A_3269 = arith.mulf %sub3A_3268, %sub3A_3268 : vector<16x128xf32>
      %mul3A_3270 = arith.mulf %exp3A_3254, %exp3A_3254 : vector<16x128xf32>
      %mul3A_3271 = arith.mulf %log3A_3258, %mul3A_3270 : vector<16x128xf32>
      %add3A_3272 = arith.addf %log3A_3258, %min3A_3250 : vector<16x128xf32>
      %mul3A_3273 = arith.mulf %mul3A_3269, %mul3A_3269 : vector<16x128xf32>
      %mul3A_3274 = arith.mulf %add3A_3272, %mul3A_3273 : vector<16x128xf32>
      %select_n3A_3275 = arith.select %eq3A_3265, %mul3A_3271, %mul3A_3274 : vector<16x128xi1>, vector<16x128xf32>
      %mul3A_3276 = arith.mulf %select_n3A_3275, %div3A_3262 : vector<16x128xf32>
      %add3A_3277 = arith.addf %add3A_3226, %mul3A_3276 : vector<16x128xf32>
      %jit3A_3278 = arith.constant 1.000000e+00 : f32
      %jit3A_3279 = arith.constant 0.000000e+00 : f32
      %broadcast_in_dim3A_3280 = vector.broadcast %jit3A_3278 : f32 to vector<16x128xf32>
      %broadcast_in_dim3A_3281 = vector.broadcast %jit3A_3279 : f32 to vector<16x128xf32>
      %select_n3A_3282 = arith.select %eq3A_3265, %broadcast_in_dim3A_3280, %broadcast_in_dim3A_3281 : vector<16x128xi1>, vector<16x128xf32>
      %add3A_3283 = arith.addf %add3A_3232, %select_n3A_3282 : vector<16x128xf32>
      %scan3A_3284 = arith.constant 64 : i32
      %scan3A_3285 = arith.addi %scan3A_29, %scan3A_3284 : i32
      %mul3A_3286 = arith.constant 16 : i32
      %mul3A_3287 = arith.muli %scan3A_3285, %mul3A_3286 : i32
      %get3A_3288 = arith.index_cast %mul3A_3287 : i32 to index
      %get3A_3289 = arith.constant 0 : index
      %get3A_3290 = vector.load %arg1[%get3A_3288, %get3A_3289] : memref<10240x128xf32, #tpu.memory_space<vmem>>, vector<16x128xf32>
      %mul3A_3291 = arith.constant 16 : i32
      %mul3A_3292 = arith.muli %scan3A_3285, %mul3A_3291 : i32
      %get3A_3293 = arith.index_cast %mul3A_3292 : i32 to index
      %get3A_3294 = arith.constant 0 : index
      %get3A_3295 = vector.load %arg2[%get3A_3293, %get3A_3294] : memref<10240x128xf32, #tpu.memory_space<vmem>>, vector<16x128xf32>
      %max3A_3296 = arith.constant -9.210240e+00 : f32
      %max3A_3297 = vector.broadcast %max3A_3296 : f32 to vector<16x128xf32>
      %max3A_3298 = arith.maximumf %get3A_3290, %max3A_3297 : vector<16x128xf32>
      %min3A_3299 = arith.constant 9.210240e+00 : f32
      %min3A_3300 = vector.broadcast %min3A_3299 : f32 to vector<16x128xf32>
      %min3A_3301 = arith.minimumf %max3A_3298, %min3A_3300 : vector<16x128xf32>
      %neg3A_3302 = arith.constant 0.000000e+00 : f32
      %neg3A_3303 = vector.broadcast %neg3A_3302 : f32 to vector<16x128xf32>
      %neg3A_3304 = arith.subf %neg3A_3303, %min3A_3301 : vector<16x128xf32>
      %exp3A_3305 = math.exp %neg3A_3304 : vector<16x128xf32>
      %add3A_3306 = arith.constant 1.000000e+00 : f32
      %add3A_3307 = vector.broadcast %add3A_3306 : f32 to vector<16x128xf32>
      %add3A_3308 = arith.addf %exp3A_3305, %add3A_3307 : vector<16x128xf32>
      %log3A_3309 = math.log %add3A_3308 : vector<16x128xf32>
      %mul3A_3310 = arith.mulf %add3A_3308, %add3A_3308 : vector<16x128xf32>
      %div3A_3311 = arith.constant 1.000000e+00 : f32
      %div3A_3312 = vector.broadcast %div3A_3311 : f32 to vector<16x128xf32>
      %div3A_3313 = arith.divf %div3A_3312, %mul3A_3310 : vector<16x128xf32>
      %eq3A_3314 = arith.constant 1.000000e+00 : f32
      %eq3A_3315 = vector.broadcast %eq3A_3314 : f32 to vector<16x128xf32>
      %eq3A_3316 = arith.cmpf oeq, %get3A_3295, %eq3A_3315 : vector<16x128xf32>
      %sub3A_3317 = arith.constant 1.000000e+00 : f32
      %sub3A_3318 = vector.broadcast %sub3A_3317 : f32 to vector<16x128xf32>
      %sub3A_3319 = arith.subf %sub3A_3318, %get3A_3295 : vector<16x128xf32>
      %mul3A_3320 = arith.mulf %sub3A_3319, %sub3A_3319 : vector<16x128xf32>
      %mul3A_3321 = arith.mulf %exp3A_3305, %exp3A_3305 : vector<16x128xf32>
      %mul3A_3322 = arith.mulf %log3A_3309, %mul3A_3321 : vector<16x128xf32>
      %add3A_3323 = arith.addf %log3A_3309, %min3A_3301 : vector<16x128xf32>
      %mul3A_3324 = arith.mulf %mul3A_3320, %mul3A_3320 : vector<16x128xf32>
      %mul3A_3325 = arith.mulf %add3A_3323, %mul3A_3324 : vector<16x128xf32>
      %select_n3A_3326 = arith.select %eq3A_3316, %mul3A_3322, %mul3A_3325 : vector<16x128xi1>, vector<16x128xf32>
      %mul3A_3327 = arith.mulf %select_n3A_3326, %div3A_3313 : vector<16x128xf32>
      %add3A_3328 = arith.addf %add3A_3277, %mul3A_3327 : vector<16x128xf32>
      %jit3A_3329 = arith.constant 1.000000e+00 : f32
      %jit3A_3330 = arith.constant 0.000000e+00 : f32
      %broadcast_in_dim3A_3331 = vector.broadcast %jit3A_3329 : f32 to vector<16x128xf32>
      %broadcast_in_dim3A_3332 = vector.broadcast %jit3A_3330 : f32 to vector<16x128xf32>
      %select_n3A_3333 = arith.select %eq3A_3316, %broadcast_in_dim3A_3331, %broadcast_in_dim3A_3332 : vector<16x128xi1>, vector<16x128xf32>
      %add3A_3334 = arith.addf %add3A_3283, %select_n3A_3333 : vector<16x128xf32>
      %scan3A_3335 = arith.constant 65 : i32
      %scan3A_3336 = arith.addi %scan3A_29, %scan3A_3335 : i32
      %mul3A_3337 = arith.constant 16 : i32
      %mul3A_3338 = arith.muli %scan3A_3336, %mul3A_3337 : i32
      %get3A_3339 = arith.index_cast %mul3A_3338 : i32 to index
      %get3A_3340 = arith.constant 0 : index
      %get3A_3341 = vector.load %arg1[%get3A_3339, %get3A_3340] : memref<10240x128xf32, #tpu.memory_space<vmem>>, vector<16x128xf32>
      %mul3A_3342 = arith.constant 16 : i32
      %mul3A_3343 = arith.muli %scan3A_3336, %mul3A_3342 : i32
      %get3A_3344 = arith.index_cast %mul3A_3343 : i32 to index
      %get3A_3345 = arith.constant 0 : index
      %get3A_3346 = vector.load %arg2[%get3A_3344, %get3A_3345] : memref<10240x128xf32, #tpu.memory_space<vmem>>, vector<16x128xf32>
      %max3A_3347 = arith.constant -9.210240e+00 : f32
      %max3A_3348 = vector.broadcast %max3A_3347 : f32 to vector<16x128xf32>
      %max3A_3349 = arith.maximumf %get3A_3341, %max3A_3348 : vector<16x128xf32>
      %min3A_3350 = arith.constant 9.210240e+00 : f32
      %min3A_3351 = vector.broadcast %min3A_3350 : f32 to vector<16x128xf32>
      %min3A_3352 = arith.minimumf %max3A_3349, %min3A_3351 : vector<16x128xf32>
      %neg3A_3353 = arith.constant 0.000000e+00 : f32
      %neg3A_3354 = vector.broadcast %neg3A_3353 : f32 to vector<16x128xf32>
      %neg3A_3355 = arith.subf %neg3A_3354, %min3A_3352 : vector<16x128xf32>
      %exp3A_3356 = math.exp %neg3A_3355 : vector<16x128xf32>
      %add3A_3357 = arith.constant 1.000000e+00 : f32
      %add3A_3358 = vector.broadcast %add3A_3357 : f32 to vector<16x128xf32>
      %add3A_3359 = arith.addf %exp3A_3356, %add3A_3358 : vector<16x128xf32>
      %log3A_3360 = math.log %add3A_3359 : vector<16x128xf32>
      %mul3A_3361 = arith.mulf %add3A_3359, %add3A_3359 : vector<16x128xf32>
      %div3A_3362 = arith.constant 1.000000e+00 : f32
      %div3A_3363 = vector.broadcast %div3A_3362 : f32 to vector<16x128xf32>
      %div3A_3364 = arith.divf %div3A_3363, %mul3A_3361 : vector<16x128xf32>
      %eq3A_3365 = arith.constant 1.000000e+00 : f32
      %eq3A_3366 = vector.broadcast %eq3A_3365 : f32 to vector<16x128xf32>
      %eq3A_3367 = arith.cmpf oeq, %get3A_3346, %eq3A_3366 : vector<16x128xf32>
      %sub3A_3368 = arith.constant 1.000000e+00 : f32
      %sub3A_3369 = vector.broadcast %sub3A_3368 : f32 to vector<16x128xf32>
      %sub3A_3370 = arith.subf %sub3A_3369, %get3A_3346 : vector<16x128xf32>
      %mul3A_3371 = arith.mulf %sub3A_3370, %sub3A_3370 : vector<16x128xf32>
      %mul3A_3372 = arith.mulf %exp3A_3356, %exp3A_3356 : vector<16x128xf32>
      %mul3A_3373 = arith.mulf %log3A_3360, %mul3A_3372 : vector<16x128xf32>
      %add3A_3374 = arith.addf %log3A_3360, %min3A_3352 : vector<16x128xf32>
      %mul3A_3375 = arith.mulf %mul3A_3371, %mul3A_3371 : vector<16x128xf32>
      %mul3A_3376 = arith.mulf %add3A_3374, %mul3A_3375 : vector<16x128xf32>
      %select_n3A_3377 = arith.select %eq3A_3367, %mul3A_3373, %mul3A_3376 : vector<16x128xi1>, vector<16x128xf32>
      %mul3A_3378 = arith.mulf %select_n3A_3377, %div3A_3364 : vector<16x128xf32>
      %add3A_3379 = arith.addf %add3A_3328, %mul3A_3378 : vector<16x128xf32>
      %jit3A_3380 = arith.constant 1.000000e+00 : f32
      %jit3A_3381 = arith.constant 0.000000e+00 : f32
      %broadcast_in_dim3A_3382 = vector.broadcast %jit3A_3380 : f32 to vector<16x128xf32>
      %broadcast_in_dim3A_3383 = vector.broadcast %jit3A_3381 : f32 to vector<16x128xf32>
      %select_n3A_3384 = arith.select %eq3A_3367, %broadcast_in_dim3A_3382, %broadcast_in_dim3A_3383 : vector<16x128xi1>, vector<16x128xf32>
      %add3A_3385 = arith.addf %add3A_3334, %select_n3A_3384 : vector<16x128xf32>
      %scan3A_3386 = arith.constant 66 : i32
      %scan3A_3387 = arith.addi %scan3A_29, %scan3A_3386 : i32
      %mul3A_3388 = arith.constant 16 : i32
      %mul3A_3389 = arith.muli %scan3A_3387, %mul3A_3388 : i32
      %get3A_3390 = arith.index_cast %mul3A_3389 : i32 to index
      %get3A_3391 = arith.constant 0 : index
      %get3A_3392 = vector.load %arg1[%get3A_3390, %get3A_3391] : memref<10240x128xf32, #tpu.memory_space<vmem>>, vector<16x128xf32>
      %mul3A_3393 = arith.constant 16 : i32
      %mul3A_3394 = arith.muli %scan3A_3387, %mul3A_3393 : i32
      %get3A_3395 = arith.index_cast %mul3A_3394 : i32 to index
      %get3A_3396 = arith.constant 0 : index
      %get3A_3397 = vector.load %arg2[%get3A_3395, %get3A_3396] : memref<10240x128xf32, #tpu.memory_space<vmem>>, vector<16x128xf32>
      %max3A_3398 = arith.constant -9.210240e+00 : f32
      %max3A_3399 = vector.broadcast %max3A_3398 : f32 to vector<16x128xf32>
      %max3A_3400 = arith.maximumf %get3A_3392, %max3A_3399 : vector<16x128xf32>
      %min3A_3401 = arith.constant 9.210240e+00 : f32
      %min3A_3402 = vector.broadcast %min3A_3401 : f32 to vector<16x128xf32>
      %min3A_3403 = arith.minimumf %max3A_3400, %min3A_3402 : vector<16x128xf32>
      %neg3A_3404 = arith.constant 0.000000e+00 : f32
      %neg3A_3405 = vector.broadcast %neg3A_3404 : f32 to vector<16x128xf32>
      %neg3A_3406 = arith.subf %neg3A_3405, %min3A_3403 : vector<16x128xf32>
      %exp3A_3407 = math.exp %neg3A_3406 : vector<16x128xf32>
      %add3A_3408 = arith.constant 1.000000e+00 : f32
      %add3A_3409 = vector.broadcast %add3A_3408 : f32 to vector<16x128xf32>
      %add3A_3410 = arith.addf %exp3A_3407, %add3A_3409 : vector<16x128xf32>
      %log3A_3411 = math.log %add3A_3410 : vector<16x128xf32>
      %mul3A_3412 = arith.mulf %add3A_3410, %add3A_3410 : vector<16x128xf32>
      %div3A_3413 = arith.constant 1.000000e+00 : f32
      %div3A_3414 = vector.broadcast %div3A_3413 : f32 to vector<16x128xf32>
      %div3A_3415 = arith.divf %div3A_3414, %mul3A_3412 : vector<16x128xf32>
      %eq3A_3416 = arith.constant 1.000000e+00 : f32
      %eq3A_3417 = vector.broadcast %eq3A_3416 : f32 to vector<16x128xf32>
      %eq3A_3418 = arith.cmpf oeq, %get3A_3397, %eq3A_3417 : vector<16x128xf32>
      %sub3A_3419 = arith.constant 1.000000e+00 : f32
      %sub3A_3420 = vector.broadcast %sub3A_3419 : f32 to vector<16x128xf32>
      %sub3A_3421 = arith.subf %sub3A_3420, %get3A_3397 : vector<16x128xf32>
      %mul3A_3422 = arith.mulf %sub3A_3421, %sub3A_3421 : vector<16x128xf32>
      %mul3A_3423 = arith.mulf %exp3A_3407, %exp3A_3407 : vector<16x128xf32>
      %mul3A_3424 = arith.mulf %log3A_3411, %mul3A_3423 : vector<16x128xf32>
      %add3A_3425 = arith.addf %log3A_3411, %min3A_3403 : vector<16x128xf32>
      %mul3A_3426 = arith.mulf %mul3A_3422, %mul3A_3422 : vector<16x128xf32>
      %mul3A_3427 = arith.mulf %add3A_3425, %mul3A_3426 : vector<16x128xf32>
      %select_n3A_3428 = arith.select %eq3A_3418, %mul3A_3424, %mul3A_3427 : vector<16x128xi1>, vector<16x128xf32>
      %mul3A_3429 = arith.mulf %select_n3A_3428, %div3A_3415 : vector<16x128xf32>
      %add3A_3430 = arith.addf %add3A_3379, %mul3A_3429 : vector<16x128xf32>
      %jit3A_3431 = arith.constant 1.000000e+00 : f32
      %jit3A_3432 = arith.constant 0.000000e+00 : f32
      %broadcast_in_dim3A_3433 = vector.broadcast %jit3A_3431 : f32 to vector<16x128xf32>
      %broadcast_in_dim3A_3434 = vector.broadcast %jit3A_3432 : f32 to vector<16x128xf32>
      %select_n3A_3435 = arith.select %eq3A_3418, %broadcast_in_dim3A_3433, %broadcast_in_dim3A_3434 : vector<16x128xi1>, vector<16x128xf32>
      %add3A_3436 = arith.addf %add3A_3385, %select_n3A_3435 : vector<16x128xf32>
      %scan3A_3437 = arith.constant 67 : i32
      %scan3A_3438 = arith.addi %scan3A_29, %scan3A_3437 : i32
      %mul3A_3439 = arith.constant 16 : i32
      %mul3A_3440 = arith.muli %scan3A_3438, %mul3A_3439 : i32
      %get3A_3441 = arith.index_cast %mul3A_3440 : i32 to index
      %get3A_3442 = arith.constant 0 : index
      %get3A_3443 = vector.load %arg1[%get3A_3441, %get3A_3442] : memref<10240x128xf32, #tpu.memory_space<vmem>>, vector<16x128xf32>
      %mul3A_3444 = arith.constant 16 : i32
      %mul3A_3445 = arith.muli %scan3A_3438, %mul3A_3444 : i32
      %get3A_3446 = arith.index_cast %mul3A_3445 : i32 to index
      %get3A_3447 = arith.constant 0 : index
      %get3A_3448 = vector.load %arg2[%get3A_3446, %get3A_3447] : memref<10240x128xf32, #tpu.memory_space<vmem>>, vector<16x128xf32>
      %max3A_3449 = arith.constant -9.210240e+00 : f32
      %max3A_3450 = vector.broadcast %max3A_3449 : f32 to vector<16x128xf32>
      %max3A_3451 = arith.maximumf %get3A_3443, %max3A_3450 : vector<16x128xf32>
      %min3A_3452 = arith.constant 9.210240e+00 : f32
      %min3A_3453 = vector.broadcast %min3A_3452 : f32 to vector<16x128xf32>
      %min3A_3454 = arith.minimumf %max3A_3451, %min3A_3453 : vector<16x128xf32>
      %neg3A_3455 = arith.constant 0.000000e+00 : f32
      %neg3A_3456 = vector.broadcast %neg3A_3455 : f32 to vector<16x128xf32>
      %neg3A_3457 = arith.subf %neg3A_3456, %min3A_3454 : vector<16x128xf32>
      %exp3A_3458 = math.exp %neg3A_3457 : vector<16x128xf32>
      %add3A_3459 = arith.constant 1.000000e+00 : f32
      %add3A_3460 = vector.broadcast %add3A_3459 : f32 to vector<16x128xf32>
      %add3A_3461 = arith.addf %exp3A_3458, %add3A_3460 : vector<16x128xf32>
      %log3A_3462 = math.log %add3A_3461 : vector<16x128xf32>
      %mul3A_3463 = arith.mulf %add3A_3461, %add3A_3461 : vector<16x128xf32>
      %div3A_3464 = arith.constant 1.000000e+00 : f32
      %div3A_3465 = vector.broadcast %div3A_3464 : f32 to vector<16x128xf32>
      %div3A_3466 = arith.divf %div3A_3465, %mul3A_3463 : vector<16x128xf32>
      %eq3A_3467 = arith.constant 1.000000e+00 : f32
      %eq3A_3468 = vector.broadcast %eq3A_3467 : f32 to vector<16x128xf32>
      %eq3A_3469 = arith.cmpf oeq, %get3A_3448, %eq3A_3468 : vector<16x128xf32>
      %sub3A_3470 = arith.constant 1.000000e+00 : f32
      %sub3A_3471 = vector.broadcast %sub3A_3470 : f32 to vector<16x128xf32>
      %sub3A_3472 = arith.subf %sub3A_3471, %get3A_3448 : vector<16x128xf32>
      %mul3A_3473 = arith.mulf %sub3A_3472, %sub3A_3472 : vector<16x128xf32>
      %mul3A_3474 = arith.mulf %exp3A_3458, %exp3A_3458 : vector<16x128xf32>
      %mul3A_3475 = arith.mulf %log3A_3462, %mul3A_3474 : vector<16x128xf32>
      %add3A_3476 = arith.addf %log3A_3462, %min3A_3454 : vector<16x128xf32>
      %mul3A_3477 = arith.mulf %mul3A_3473, %mul3A_3473 : vector<16x128xf32>
      %mul3A_3478 = arith.mulf %add3A_3476, %mul3A_3477 : vector<16x128xf32>
      %select_n3A_3479 = arith.select %eq3A_3469, %mul3A_3475, %mul3A_3478 : vector<16x128xi1>, vector<16x128xf32>
      %mul3A_3480 = arith.mulf %select_n3A_3479, %div3A_3466 : vector<16x128xf32>
      %add3A_3481 = arith.addf %add3A_3430, %mul3A_3480 : vector<16x128xf32>
      %jit3A_3482 = arith.constant 1.000000e+00 : f32
      %jit3A_3483 = arith.constant 0.000000e+00 : f32
      %broadcast_in_dim3A_3484 = vector.broadcast %jit3A_3482 : f32 to vector<16x128xf32>
      %broadcast_in_dim3A_3485 = vector.broadcast %jit3A_3483 : f32 to vector<16x128xf32>
      %select_n3A_3486 = arith.select %eq3A_3469, %broadcast_in_dim3A_3484, %broadcast_in_dim3A_3485 : vector<16x128xi1>, vector<16x128xf32>
      %add3A_3487 = arith.addf %add3A_3436, %select_n3A_3486 : vector<16x128xf32>
      %scan3A_3488 = arith.constant 68 : i32
      %scan3A_3489 = arith.addi %scan3A_29, %scan3A_3488 : i32
      %mul3A_3490 = arith.constant 16 : i32
      %mul3A_3491 = arith.muli %scan3A_3489, %mul3A_3490 : i32
      %get3A_3492 = arith.index_cast %mul3A_3491 : i32 to index
      %get3A_3493 = arith.constant 0 : index
      %get3A_3494 = vector.load %arg1[%get3A_3492, %get3A_3493] : memref<10240x128xf32, #tpu.memory_space<vmem>>, vector<16x128xf32>
      %mul3A_3495 = arith.constant 16 : i32
      %mul3A_3496 = arith.muli %scan3A_3489, %mul3A_3495 : i32
      %get3A_3497 = arith.index_cast %mul3A_3496 : i32 to index
      %get3A_3498 = arith.constant 0 : index
      %get3A_3499 = vector.load %arg2[%get3A_3497, %get3A_3498] : memref<10240x128xf32, #tpu.memory_space<vmem>>, vector<16x128xf32>
      %max3A_3500 = arith.constant -9.210240e+00 : f32
      %max3A_3501 = vector.broadcast %max3A_3500 : f32 to vector<16x128xf32>
      %max3A_3502 = arith.maximumf %get3A_3494, %max3A_3501 : vector<16x128xf32>
      %min3A_3503 = arith.constant 9.210240e+00 : f32
      %min3A_3504 = vector.broadcast %min3A_3503 : f32 to vector<16x128xf32>
      %min3A_3505 = arith.minimumf %max3A_3502, %min3A_3504 : vector<16x128xf32>
      %neg3A_3506 = arith.constant 0.000000e+00 : f32
      %neg3A_3507 = vector.broadcast %neg3A_3506 : f32 to vector<16x128xf32>
      %neg3A_3508 = arith.subf %neg3A_3507, %min3A_3505 : vector<16x128xf32>
      %exp3A_3509 = math.exp %neg3A_3508 : vector<16x128xf32>
      %add3A_3510 = arith.constant 1.000000e+00 : f32
      %add3A_3511 = vector.broadcast %add3A_3510 : f32 to vector<16x128xf32>
      %add3A_3512 = arith.addf %exp3A_3509, %add3A_3511 : vector<16x128xf32>
      %log3A_3513 = math.log %add3A_3512 : vector<16x128xf32>
      %mul3A_3514 = arith.mulf %add3A_3512, %add3A_3512 : vector<16x128xf32>
      %div3A_3515 = arith.constant 1.000000e+00 : f32
      %div3A_3516 = vector.broadcast %div3A_3515 : f32 to vector<16x128xf32>
      %div3A_3517 = arith.divf %div3A_3516, %mul3A_3514 : vector<16x128xf32>
      %eq3A_3518 = arith.constant 1.000000e+00 : f32
      %eq3A_3519 = vector.broadcast %eq3A_3518 : f32 to vector<16x128xf32>
      %eq3A_3520 = arith.cmpf oeq, %get3A_3499, %eq3A_3519 : vector<16x128xf32>
      %sub3A_3521 = arith.constant 1.000000e+00 : f32
      %sub3A_3522 = vector.broadcast %sub3A_3521 : f32 to vector<16x128xf32>
      %sub3A_3523 = arith.subf %sub3A_3522, %get3A_3499 : vector<16x128xf32>
      %mul3A_3524 = arith.mulf %sub3A_3523, %sub3A_3523 : vector<16x128xf32>
      %mul3A_3525 = arith.mulf %exp3A_3509, %exp3A_3509 : vector<16x128xf32>
      %mul3A_3526 = arith.mulf %log3A_3513, %mul3A_3525 : vector<16x128xf32>
      %add3A_3527 = arith.addf %log3A_3513, %min3A_3505 : vector<16x128xf32>
      %mul3A_3528 = arith.mulf %mul3A_3524, %mul3A_3524 : vector<16x128xf32>
      %mul3A_3529 = arith.mulf %add3A_3527, %mul3A_3528 : vector<16x128xf32>
      %select_n3A_3530 = arith.select %eq3A_3520, %mul3A_3526, %mul3A_3529 : vector<16x128xi1>, vector<16x128xf32>
      %mul3A_3531 = arith.mulf %select_n3A_3530, %div3A_3517 : vector<16x128xf32>
      %add3A_3532 = arith.addf %add3A_3481, %mul3A_3531 : vector<16x128xf32>
      %jit3A_3533 = arith.constant 1.000000e+00 : f32
      %jit3A_3534 = arith.constant 0.000000e+00 : f32
      %broadcast_in_dim3A_3535 = vector.broadcast %jit3A_3533 : f32 to vector<16x128xf32>
      %broadcast_in_dim3A_3536 = vector.broadcast %jit3A_3534 : f32 to vector<16x128xf32>
      %select_n3A_3537 = arith.select %eq3A_3520, %broadcast_in_dim3A_3535, %broadcast_in_dim3A_3536 : vector<16x128xi1>, vector<16x128xf32>
      %add3A_3538 = arith.addf %add3A_3487, %select_n3A_3537 : vector<16x128xf32>
      %scan3A_3539 = arith.constant 69 : i32
      %scan3A_3540 = arith.addi %scan3A_29, %scan3A_3539 : i32
      %mul3A_3541 = arith.constant 16 : i32
      %mul3A_3542 = arith.muli %scan3A_3540, %mul3A_3541 : i32
      %get3A_3543 = arith.index_cast %mul3A_3542 : i32 to index
      %get3A_3544 = arith.constant 0 : index
      %get3A_3545 = vector.load %arg1[%get3A_3543, %get3A_3544] : memref<10240x128xf32, #tpu.memory_space<vmem>>, vector<16x128xf32>
      %mul3A_3546 = arith.constant 16 : i32
      %mul3A_3547 = arith.muli %scan3A_3540, %mul3A_3546 : i32
      %get3A_3548 = arith.index_cast %mul3A_3547 : i32 to index
      %get3A_3549 = arith.constant 0 : index
      %get3A_3550 = vector.load %arg2[%get3A_3548, %get3A_3549] : memref<10240x128xf32, #tpu.memory_space<vmem>>, vector<16x128xf32>
      %max3A_3551 = arith.constant -9.210240e+00 : f32
      %max3A_3552 = vector.broadcast %max3A_3551 : f32 to vector<16x128xf32>
      %max3A_3553 = arith.maximumf %get3A_3545, %max3A_3552 : vector<16x128xf32>
      %min3A_3554 = arith.constant 9.210240e+00 : f32
      %min3A_3555 = vector.broadcast %min3A_3554 : f32 to vector<16x128xf32>
      %min3A_3556 = arith.minimumf %max3A_3553, %min3A_3555 : vector<16x128xf32>
      %neg3A_3557 = arith.constant 0.000000e+00 : f32
      %neg3A_3558 = vector.broadcast %neg3A_3557 : f32 to vector<16x128xf32>
      %neg3A_3559 = arith.subf %neg3A_3558, %min3A_3556 : vector<16x128xf32>
      %exp3A_3560 = math.exp %neg3A_3559 : vector<16x128xf32>
      %add3A_3561 = arith.constant 1.000000e+00 : f32
      %add3A_3562 = vector.broadcast %add3A_3561 : f32 to vector<16x128xf32>
      %add3A_3563 = arith.addf %exp3A_3560, %add3A_3562 : vector<16x128xf32>
      %log3A_3564 = math.log %add3A_3563 : vector<16x128xf32>
      %mul3A_3565 = arith.mulf %add3A_3563, %add3A_3563 : vector<16x128xf32>
      %div3A_3566 = arith.constant 1.000000e+00 : f32
      %div3A_3567 = vector.broadcast %div3A_3566 : f32 to vector<16x128xf32>
      %div3A_3568 = arith.divf %div3A_3567, %mul3A_3565 : vector<16x128xf32>
      %eq3A_3569 = arith.constant 1.000000e+00 : f32
      %eq3A_3570 = vector.broadcast %eq3A_3569 : f32 to vector<16x128xf32>
      %eq3A_3571 = arith.cmpf oeq, %get3A_3550, %eq3A_3570 : vector<16x128xf32>
      %sub3A_3572 = arith.constant 1.000000e+00 : f32
      %sub3A_3573 = vector.broadcast %sub3A_3572 : f32 to vector<16x128xf32>
      %sub3A_3574 = arith.subf %sub3A_3573, %get3A_3550 : vector<16x128xf32>
      %mul3A_3575 = arith.mulf %sub3A_3574, %sub3A_3574 : vector<16x128xf32>
      %mul3A_3576 = arith.mulf %exp3A_3560, %exp3A_3560 : vector<16x128xf32>
      %mul3A_3577 = arith.mulf %log3A_3564, %mul3A_3576 : vector<16x128xf32>
      %add3A_3578 = arith.addf %log3A_3564, %min3A_3556 : vector<16x128xf32>
      %mul3A_3579 = arith.mulf %mul3A_3575, %mul3A_3575 : vector<16x128xf32>
      %mul3A_3580 = arith.mulf %add3A_3578, %mul3A_3579 : vector<16x128xf32>
      %select_n3A_3581 = arith.select %eq3A_3571, %mul3A_3577, %mul3A_3580 : vector<16x128xi1>, vector<16x128xf32>
      %mul3A_3582 = arith.mulf %select_n3A_3581, %div3A_3568 : vector<16x128xf32>
      %add3A_3583 = arith.addf %add3A_3532, %mul3A_3582 : vector<16x128xf32>
      %jit3A_3584 = arith.constant 1.000000e+00 : f32
      %jit3A_3585 = arith.constant 0.000000e+00 : f32
      %broadcast_in_dim3A_3586 = vector.broadcast %jit3A_3584 : f32 to vector<16x128xf32>
      %broadcast_in_dim3A_3587 = vector.broadcast %jit3A_3585 : f32 to vector<16x128xf32>
      %select_n3A_3588 = arith.select %eq3A_3571, %broadcast_in_dim3A_3586, %broadcast_in_dim3A_3587 : vector<16x128xi1>, vector<16x128xf32>
      %add3A_3589 = arith.addf %add3A_3538, %select_n3A_3588 : vector<16x128xf32>
      %scan3A_3590 = arith.constant 70 : i32
      %scan3A_3591 = arith.addi %scan3A_29, %scan3A_3590 : i32
      %mul3A_3592 = arith.constant 16 : i32
      %mul3A_3593 = arith.muli %scan3A_3591, %mul3A_3592 : i32
      %get3A_3594 = arith.index_cast %mul3A_3593 : i32 to index
      %get3A_3595 = arith.constant 0 : index
      %get3A_3596 = vector.load %arg1[%get3A_3594, %get3A_3595] : memref<10240x128xf32, #tpu.memory_space<vmem>>, vector<16x128xf32>
      %mul3A_3597 = arith.constant 16 : i32
      %mul3A_3598 = arith.muli %scan3A_3591, %mul3A_3597 : i32
      %get3A_3599 = arith.index_cast %mul3A_3598 : i32 to index
      %get3A_3600 = arith.constant 0 : index
      %get3A_3601 = vector.load %arg2[%get3A_3599, %get3A_3600] : memref<10240x128xf32, #tpu.memory_space<vmem>>, vector<16x128xf32>
      %max3A_3602 = arith.constant -9.210240e+00 : f32
      %max3A_3603 = vector.broadcast %max3A_3602 : f32 to vector<16x128xf32>
      %max3A_3604 = arith.maximumf %get3A_3596, %max3A_3603 : vector<16x128xf32>
      %min3A_3605 = arith.constant 9.210240e+00 : f32
      %min3A_3606 = vector.broadcast %min3A_3605 : f32 to vector<16x128xf32>
      %min3A_3607 = arith.minimumf %max3A_3604, %min3A_3606 : vector<16x128xf32>
      %neg3A_3608 = arith.constant 0.000000e+00 : f32
      %neg3A_3609 = vector.broadcast %neg3A_3608 : f32 to vector<16x128xf32>
      %neg3A_3610 = arith.subf %neg3A_3609, %min3A_3607 : vector<16x128xf32>
      %exp3A_3611 = math.exp %neg3A_3610 : vector<16x128xf32>
      %add3A_3612 = arith.constant 1.000000e+00 : f32
      %add3A_3613 = vector.broadcast %add3A_3612 : f32 to vector<16x128xf32>
      %add3A_3614 = arith.addf %exp3A_3611, %add3A_3613 : vector<16x128xf32>
      %log3A_3615 = math.log %add3A_3614 : vector<16x128xf32>
      %mul3A_3616 = arith.mulf %add3A_3614, %add3A_3614 : vector<16x128xf32>
      %div3A_3617 = arith.constant 1.000000e+00 : f32
      %div3A_3618 = vector.broadcast %div3A_3617 : f32 to vector<16x128xf32>
      %div3A_3619 = arith.divf %div3A_3618, %mul3A_3616 : vector<16x128xf32>
      %eq3A_3620 = arith.constant 1.000000e+00 : f32
      %eq3A_3621 = vector.broadcast %eq3A_3620 : f32 to vector<16x128xf32>
      %eq3A_3622 = arith.cmpf oeq, %get3A_3601, %eq3A_3621 : vector<16x128xf32>
      %sub3A_3623 = arith.constant 1.000000e+00 : f32
      %sub3A_3624 = vector.broadcast %sub3A_3623 : f32 to vector<16x128xf32>
      %sub3A_3625 = arith.subf %sub3A_3624, %get3A_3601 : vector<16x128xf32>
      %mul3A_3626 = arith.mulf %sub3A_3625, %sub3A_3625 : vector<16x128xf32>
      %mul3A_3627 = arith.mulf %exp3A_3611, %exp3A_3611 : vector<16x128xf32>
      %mul3A_3628 = arith.mulf %log3A_3615, %mul3A_3627 : vector<16x128xf32>
      %add3A_3629 = arith.addf %log3A_3615, %min3A_3607 : vector<16x128xf32>
      %mul3A_3630 = arith.mulf %mul3A_3626, %mul3A_3626 : vector<16x128xf32>
      %mul3A_3631 = arith.mulf %add3A_3629, %mul3A_3630 : vector<16x128xf32>
      %select_n3A_3632 = arith.select %eq3A_3622, %mul3A_3628, %mul3A_3631 : vector<16x128xi1>, vector<16x128xf32>
      %mul3A_3633 = arith.mulf %select_n3A_3632, %div3A_3619 : vector<16x128xf32>
      %add3A_3634 = arith.addf %add3A_3583, %mul3A_3633 : vector<16x128xf32>
      %jit3A_3635 = arith.constant 1.000000e+00 : f32
      %jit3A_3636 = arith.constant 0.000000e+00 : f32
      %broadcast_in_dim3A_3637 = vector.broadcast %jit3A_3635 : f32 to vector<16x128xf32>
      %broadcast_in_dim3A_3638 = vector.broadcast %jit3A_3636 : f32 to vector<16x128xf32>
      %select_n3A_3639 = arith.select %eq3A_3622, %broadcast_in_dim3A_3637, %broadcast_in_dim3A_3638 : vector<16x128xi1>, vector<16x128xf32>
      %add3A_3640 = arith.addf %add3A_3589, %select_n3A_3639 : vector<16x128xf32>
      %scan3A_3641 = arith.constant 71 : i32
      %scan3A_3642 = arith.addi %scan3A_29, %scan3A_3641 : i32
      %mul3A_3643 = arith.constant 16 : i32
      %mul3A_3644 = arith.muli %scan3A_3642, %mul3A_3643 : i32
      %get3A_3645 = arith.index_cast %mul3A_3644 : i32 to index
      %get3A_3646 = arith.constant 0 : index
      %get3A_3647 = vector.load %arg1[%get3A_3645, %get3A_3646] : memref<10240x128xf32, #tpu.memory_space<vmem>>, vector<16x128xf32>
      %mul3A_3648 = arith.constant 16 : i32
      %mul3A_3649 = arith.muli %scan3A_3642, %mul3A_3648 : i32
      %get3A_3650 = arith.index_cast %mul3A_3649 : i32 to index
      %get3A_3651 = arith.constant 0 : index
      %get3A_3652 = vector.load %arg2[%get3A_3650, %get3A_3651] : memref<10240x128xf32, #tpu.memory_space<vmem>>, vector<16x128xf32>
      %max3A_3653 = arith.constant -9.210240e+00 : f32
      %max3A_3654 = vector.broadcast %max3A_3653 : f32 to vector<16x128xf32>
      %max3A_3655 = arith.maximumf %get3A_3647, %max3A_3654 : vector<16x128xf32>
      %min3A_3656 = arith.constant 9.210240e+00 : f32
      %min3A_3657 = vector.broadcast %min3A_3656 : f32 to vector<16x128xf32>
      %min3A_3658 = arith.minimumf %max3A_3655, %min3A_3657 : vector<16x128xf32>
      %neg3A_3659 = arith.constant 0.000000e+00 : f32
      %neg3A_3660 = vector.broadcast %neg3A_3659 : f32 to vector<16x128xf32>
      %neg3A_3661 = arith.subf %neg3A_3660, %min3A_3658 : vector<16x128xf32>
      %exp3A_3662 = math.exp %neg3A_3661 : vector<16x128xf32>
      %add3A_3663 = arith.constant 1.000000e+00 : f32
      %add3A_3664 = vector.broadcast %add3A_3663 : f32 to vector<16x128xf32>
      %add3A_3665 = arith.addf %exp3A_3662, %add3A_3664 : vector<16x128xf32>
      %log3A_3666 = math.log %add3A_3665 : vector<16x128xf32>
      %mul3A_3667 = arith.mulf %add3A_3665, %add3A_3665 : vector<16x128xf32>
      %div3A_3668 = arith.constant 1.000000e+00 : f32
      %div3A_3669 = vector.broadcast %div3A_3668 : f32 to vector<16x128xf32>
      %div3A_3670 = arith.divf %div3A_3669, %mul3A_3667 : vector<16x128xf32>
      %eq3A_3671 = arith.constant 1.000000e+00 : f32
      %eq3A_3672 = vector.broadcast %eq3A_3671 : f32 to vector<16x128xf32>
      %eq3A_3673 = arith.cmpf oeq, %get3A_3652, %eq3A_3672 : vector<16x128xf32>
      %sub3A_3674 = arith.constant 1.000000e+00 : f32
      %sub3A_3675 = vector.broadcast %sub3A_3674 : f32 to vector<16x128xf32>
      %sub3A_3676 = arith.subf %sub3A_3675, %get3A_3652 : vector<16x128xf32>
      %mul3A_3677 = arith.mulf %sub3A_3676, %sub3A_3676 : vector<16x128xf32>
      %mul3A_3678 = arith.mulf %exp3A_3662, %exp3A_3662 : vector<16x128xf32>
      %mul3A_3679 = arith.mulf %log3A_3666, %mul3A_3678 : vector<16x128xf32>
      %add3A_3680 = arith.addf %log3A_3666, %min3A_3658 : vector<16x128xf32>
      %mul3A_3681 = arith.mulf %mul3A_3677, %mul3A_3677 : vector<16x128xf32>
      %mul3A_3682 = arith.mulf %add3A_3680, %mul3A_3681 : vector<16x128xf32>
      %select_n3A_3683 = arith.select %eq3A_3673, %mul3A_3679, %mul3A_3682 : vector<16x128xi1>, vector<16x128xf32>
      %mul3A_3684 = arith.mulf %select_n3A_3683, %div3A_3670 : vector<16x128xf32>
      %add3A_3685 = arith.addf %add3A_3634, %mul3A_3684 : vector<16x128xf32>
      %jit3A_3686 = arith.constant 1.000000e+00 : f32
      %jit3A_3687 = arith.constant 0.000000e+00 : f32
      %broadcast_in_dim3A_3688 = vector.broadcast %jit3A_3686 : f32 to vector<16x128xf32>
      %broadcast_in_dim3A_3689 = vector.broadcast %jit3A_3687 : f32 to vector<16x128xf32>
      %select_n3A_3690 = arith.select %eq3A_3673, %broadcast_in_dim3A_3688, %broadcast_in_dim3A_3689 : vector<16x128xi1>, vector<16x128xf32>
      %add3A_3691 = arith.addf %add3A_3640, %select_n3A_3690 : vector<16x128xf32>
      %scan3A_3692 = arith.constant 72 : i32
      %scan3A_3693 = arith.addi %scan3A_29, %scan3A_3692 : i32
      %mul3A_3694 = arith.constant 16 : i32
      %mul3A_3695 = arith.muli %scan3A_3693, %mul3A_3694 : i32
      %get3A_3696 = arith.index_cast %mul3A_3695 : i32 to index
      %get3A_3697 = arith.constant 0 : index
      %get3A_3698 = vector.load %arg1[%get3A_3696, %get3A_3697] : memref<10240x128xf32, #tpu.memory_space<vmem>>, vector<16x128xf32>
      %mul3A_3699 = arith.constant 16 : i32
      %mul3A_3700 = arith.muli %scan3A_3693, %mul3A_3699 : i32
      %get3A_3701 = arith.index_cast %mul3A_3700 : i32 to index
      %get3A_3702 = arith.constant 0 : index
      %get3A_3703 = vector.load %arg2[%get3A_3701, %get3A_3702] : memref<10240x128xf32, #tpu.memory_space<vmem>>, vector<16x128xf32>
      %max3A_3704 = arith.constant -9.210240e+00 : f32
      %max3A_3705 = vector.broadcast %max3A_3704 : f32 to vector<16x128xf32>
      %max3A_3706 = arith.maximumf %get3A_3698, %max3A_3705 : vector<16x128xf32>
      %min3A_3707 = arith.constant 9.210240e+00 : f32
      %min3A_3708 = vector.broadcast %min3A_3707 : f32 to vector<16x128xf32>
      %min3A_3709 = arith.minimumf %max3A_3706, %min3A_3708 : vector<16x128xf32>
      %neg3A_3710 = arith.constant 0.000000e+00 : f32
      %neg3A_3711 = vector.broadcast %neg3A_3710 : f32 to vector<16x128xf32>
      %neg3A_3712 = arith.subf %neg3A_3711, %min3A_3709 : vector<16x128xf32>
      %exp3A_3713 = math.exp %neg3A_3712 : vector<16x128xf32>
      %add3A_3714 = arith.constant 1.000000e+00 : f32
      %add3A_3715 = vector.broadcast %add3A_3714 : f32 to vector<16x128xf32>
      %add3A_3716 = arith.addf %exp3A_3713, %add3A_3715 : vector<16x128xf32>
      %log3A_3717 = math.log %add3A_3716 : vector<16x128xf32>
      %mul3A_3718 = arith.mulf %add3A_3716, %add3A_3716 : vector<16x128xf32>
      %div3A_3719 = arith.constant 1.000000e+00 : f32
      %div3A_3720 = vector.broadcast %div3A_3719 : f32 to vector<16x128xf32>
      %div3A_3721 = arith.divf %div3A_3720, %mul3A_3718 : vector<16x128xf32>
      %eq3A_3722 = arith.constant 1.000000e+00 : f32
      %eq3A_3723 = vector.broadcast %eq3A_3722 : f32 to vector<16x128xf32>
      %eq3A_3724 = arith.cmpf oeq, %get3A_3703, %eq3A_3723 : vector<16x128xf32>
      %sub3A_3725 = arith.constant 1.000000e+00 : f32
      %sub3A_3726 = vector.broadcast %sub3A_3725 : f32 to vector<16x128xf32>
      %sub3A_3727 = arith.subf %sub3A_3726, %get3A_3703 : vector<16x128xf32>
      %mul3A_3728 = arith.mulf %sub3A_3727, %sub3A_3727 : vector<16x128xf32>
      %mul3A_3729 = arith.mulf %exp3A_3713, %exp3A_3713 : vector<16x128xf32>
      %mul3A_3730 = arith.mulf %log3A_3717, %mul3A_3729 : vector<16x128xf32>
      %add3A_3731 = arith.addf %log3A_3717, %min3A_3709 : vector<16x128xf32>
      %mul3A_3732 = arith.mulf %mul3A_3728, %mul3A_3728 : vector<16x128xf32>
      %mul3A_3733 = arith.mulf %add3A_3731, %mul3A_3732 : vector<16x128xf32>
      %select_n3A_3734 = arith.select %eq3A_3724, %mul3A_3730, %mul3A_3733 : vector<16x128xi1>, vector<16x128xf32>
      %mul3A_3735 = arith.mulf %select_n3A_3734, %div3A_3721 : vector<16x128xf32>
      %add3A_3736 = arith.addf %add3A_3685, %mul3A_3735 : vector<16x128xf32>
      %jit3A_3737 = arith.constant 1.000000e+00 : f32
      %jit3A_3738 = arith.constant 0.000000e+00 : f32
      %broadcast_in_dim3A_3739 = vector.broadcast %jit3A_3737 : f32 to vector<16x128xf32>
      %broadcast_in_dim3A_3740 = vector.broadcast %jit3A_3738 : f32 to vector<16x128xf32>
      %select_n3A_3741 = arith.select %eq3A_3724, %broadcast_in_dim3A_3739, %broadcast_in_dim3A_3740 : vector<16x128xi1>, vector<16x128xf32>
      %add3A_3742 = arith.addf %add3A_3691, %select_n3A_3741 : vector<16x128xf32>
      %scan3A_3743 = arith.constant 73 : i32
      %scan3A_3744 = arith.addi %scan3A_29, %scan3A_3743 : i32
      %mul3A_3745 = arith.constant 16 : i32
      %mul3A_3746 = arith.muli %scan3A_3744, %mul3A_3745 : i32
      %get3A_3747 = arith.index_cast %mul3A_3746 : i32 to index
      %get3A_3748 = arith.constant 0 : index
      %get3A_3749 = vector.load %arg1[%get3A_3747, %get3A_3748] : memref<10240x128xf32, #tpu.memory_space<vmem>>, vector<16x128xf32>
      %mul3A_3750 = arith.constant 16 : i32
      %mul3A_3751 = arith.muli %scan3A_3744, %mul3A_3750 : i32
      %get3A_3752 = arith.index_cast %mul3A_3751 : i32 to index
      %get3A_3753 = arith.constant 0 : index
      %get3A_3754 = vector.load %arg2[%get3A_3752, %get3A_3753] : memref<10240x128xf32, #tpu.memory_space<vmem>>, vector<16x128xf32>
      %max3A_3755 = arith.constant -9.210240e+00 : f32
      %max3A_3756 = vector.broadcast %max3A_3755 : f32 to vector<16x128xf32>
      %max3A_3757 = arith.maximumf %get3A_3749, %max3A_3756 : vector<16x128xf32>
      %min3A_3758 = arith.constant 9.210240e+00 : f32
      %min3A_3759 = vector.broadcast %min3A_3758 : f32 to vector<16x128xf32>
      %min3A_3760 = arith.minimumf %max3A_3757, %min3A_3759 : vector<16x128xf32>
      %neg3A_3761 = arith.constant 0.000000e+00 : f32
      %neg3A_3762 = vector.broadcast %neg3A_3761 : f32 to vector<16x128xf32>
      %neg3A_3763 = arith.subf %neg3A_3762, %min3A_3760 : vector<16x128xf32>
      %exp3A_3764 = math.exp %neg3A_3763 : vector<16x128xf32>
      %add3A_3765 = arith.constant 1.000000e+00 : f32
      %add3A_3766 = vector.broadcast %add3A_3765 : f32 to vector<16x128xf32>
      %add3A_3767 = arith.addf %exp3A_3764, %add3A_3766 : vector<16x128xf32>
      %log3A_3768 = math.log %add3A_3767 : vector<16x128xf32>
      %mul3A_3769 = arith.mulf %add3A_3767, %add3A_3767 : vector<16x128xf32>
      %div3A_3770 = arith.constant 1.000000e+00 : f32
      %div3A_3771 = vector.broadcast %div3A_3770 : f32 to vector<16x128xf32>
      %div3A_3772 = arith.divf %div3A_3771, %mul3A_3769 : vector<16x128xf32>
      %eq3A_3773 = arith.constant 1.000000e+00 : f32
      %eq3A_3774 = vector.broadcast %eq3A_3773 : f32 to vector<16x128xf32>
      %eq3A_3775 = arith.cmpf oeq, %get3A_3754, %eq3A_3774 : vector<16x128xf32>
      %sub3A_3776 = arith.constant 1.000000e+00 : f32
      %sub3A_3777 = vector.broadcast %sub3A_3776 : f32 to vector<16x128xf32>
      %sub3A_3778 = arith.subf %sub3A_3777, %get3A_3754 : vector<16x128xf32>
      %mul3A_3779 = arith.mulf %sub3A_3778, %sub3A_3778 : vector<16x128xf32>
      %mul3A_3780 = arith.mulf %exp3A_3764, %exp3A_3764 : vector<16x128xf32>
      %mul3A_3781 = arith.mulf %log3A_3768, %mul3A_3780 : vector<16x128xf32>
      %add3A_3782 = arith.addf %log3A_3768, %min3A_3760 : vector<16x128xf32>
      %mul3A_3783 = arith.mulf %mul3A_3779, %mul3A_3779 : vector<16x128xf32>
      %mul3A_3784 = arith.mulf %add3A_3782, %mul3A_3783 : vector<16x128xf32>
      %select_n3A_3785 = arith.select %eq3A_3775, %mul3A_3781, %mul3A_3784 : vector<16x128xi1>, vector<16x128xf32>
      %mul3A_3786 = arith.mulf %select_n3A_3785, %div3A_3772 : vector<16x128xf32>
      %add3A_3787 = arith.addf %add3A_3736, %mul3A_3786 : vector<16x128xf32>
      %jit3A_3788 = arith.constant 1.000000e+00 : f32
      %jit3A_3789 = arith.constant 0.000000e+00 : f32
      %broadcast_in_dim3A_3790 = vector.broadcast %jit3A_3788 : f32 to vector<16x128xf32>
      %broadcast_in_dim3A_3791 = vector.broadcast %jit3A_3789 : f32 to vector<16x128xf32>
      %select_n3A_3792 = arith.select %eq3A_3775, %broadcast_in_dim3A_3790, %broadcast_in_dim3A_3791 : vector<16x128xi1>, vector<16x128xf32>
      %add3A_3793 = arith.addf %add3A_3742, %select_n3A_3792 : vector<16x128xf32>
      %scan3A_3794 = arith.constant 74 : i32
      %scan3A_3795 = arith.addi %scan3A_29, %scan3A_3794 : i32
      %mul3A_3796 = arith.constant 16 : i32
      %mul3A_3797 = arith.muli %scan3A_3795, %mul3A_3796 : i32
      %get3A_3798 = arith.index_cast %mul3A_3797 : i32 to index
      %get3A_3799 = arith.constant 0 : index
      %get3A_3800 = vector.load %arg1[%get3A_3798, %get3A_3799] : memref<10240x128xf32, #tpu.memory_space<vmem>>, vector<16x128xf32>
      %mul3A_3801 = arith.constant 16 : i32
      %mul3A_3802 = arith.muli %scan3A_3795, %mul3A_3801 : i32
      %get3A_3803 = arith.index_cast %mul3A_3802 : i32 to index
      %get3A_3804 = arith.constant 0 : index
      %get3A_3805 = vector.load %arg2[%get3A_3803, %get3A_3804] : memref<10240x128xf32, #tpu.memory_space<vmem>>, vector<16x128xf32>
      %max3A_3806 = arith.constant -9.210240e+00 : f32
      %max3A_3807 = vector.broadcast %max3A_3806 : f32 to vector<16x128xf32>
      %max3A_3808 = arith.maximumf %get3A_3800, %max3A_3807 : vector<16x128xf32>
      %min3A_3809 = arith.constant 9.210240e+00 : f32
      %min3A_3810 = vector.broadcast %min3A_3809 : f32 to vector<16x128xf32>
      %min3A_3811 = arith.minimumf %max3A_3808, %min3A_3810 : vector<16x128xf32>
      %neg3A_3812 = arith.constant 0.000000e+00 : f32
      %neg3A_3813 = vector.broadcast %neg3A_3812 : f32 to vector<16x128xf32>
      %neg3A_3814 = arith.subf %neg3A_3813, %min3A_3811 : vector<16x128xf32>
      %exp3A_3815 = math.exp %neg3A_3814 : vector<16x128xf32>
      %add3A_3816 = arith.constant 1.000000e+00 : f32
      %add3A_3817 = vector.broadcast %add3A_3816 : f32 to vector<16x128xf32>
      %add3A_3818 = arith.addf %exp3A_3815, %add3A_3817 : vector<16x128xf32>
      %log3A_3819 = math.log %add3A_3818 : vector<16x128xf32>
      %mul3A_3820 = arith.mulf %add3A_3818, %add3A_3818 : vector<16x128xf32>
      %div3A_3821 = arith.constant 1.000000e+00 : f32
      %div3A_3822 = vector.broadcast %div3A_3821 : f32 to vector<16x128xf32>
      %div3A_3823 = arith.divf %div3A_3822, %mul3A_3820 : vector<16x128xf32>
      %eq3A_3824 = arith.constant 1.000000e+00 : f32
      %eq3A_3825 = vector.broadcast %eq3A_3824 : f32 to vector<16x128xf32>
      %eq3A_3826 = arith.cmpf oeq, %get3A_3805, %eq3A_3825 : vector<16x128xf32>
      %sub3A_3827 = arith.constant 1.000000e+00 : f32
      %sub3A_3828 = vector.broadcast %sub3A_3827 : f32 to vector<16x128xf32>
      %sub3A_3829 = arith.subf %sub3A_3828, %get3A_3805 : vector<16x128xf32>
      %mul3A_3830 = arith.mulf %sub3A_3829, %sub3A_3829 : vector<16x128xf32>
      %mul3A_3831 = arith.mulf %exp3A_3815, %exp3A_3815 : vector<16x128xf32>
      %mul3A_3832 = arith.mulf %log3A_3819, %mul3A_3831 : vector<16x128xf32>
      %add3A_3833 = arith.addf %log3A_3819, %min3A_3811 : vector<16x128xf32>
      %mul3A_3834 = arith.mulf %mul3A_3830, %mul3A_3830 : vector<16x128xf32>
      %mul3A_3835 = arith.mulf %add3A_3833, %mul3A_3834 : vector<16x128xf32>
      %select_n3A_3836 = arith.select %eq3A_3826, %mul3A_3832, %mul3A_3835 : vector<16x128xi1>, vector<16x128xf32>
      %mul3A_3837 = arith.mulf %select_n3A_3836, %div3A_3823 : vector<16x128xf32>
      %add3A_3838 = arith.addf %add3A_3787, %mul3A_3837 : vector<16x128xf32>
      %jit3A_3839 = arith.constant 1.000000e+00 : f32
      %jit3A_3840 = arith.constant 0.000000e+00 : f32
      %broadcast_in_dim3A_3841 = vector.broadcast %jit3A_3839 : f32 to vector<16x128xf32>
      %broadcast_in_dim3A_3842 = vector.broadcast %jit3A_3840 : f32 to vector<16x128xf32>
      %select_n3A_3843 = arith.select %eq3A_3826, %broadcast_in_dim3A_3841, %broadcast_in_dim3A_3842 : vector<16x128xi1>, vector<16x128xf32>
      %add3A_3844 = arith.addf %add3A_3793, %select_n3A_3843 : vector<16x128xf32>
      %scan3A_3845 = arith.constant 75 : i32
      %scan3A_3846 = arith.addi %scan3A_29, %scan3A_3845 : i32
      %mul3A_3847 = arith.constant 16 : i32
      %mul3A_3848 = arith.muli %scan3A_3846, %mul3A_3847 : i32
      %get3A_3849 = arith.index_cast %mul3A_3848 : i32 to index
      %get3A_3850 = arith.constant 0 : index
      %get3A_3851 = vector.load %arg1[%get3A_3849, %get3A_3850] : memref<10240x128xf32, #tpu.memory_space<vmem>>, vector<16x128xf32>
      %mul3A_3852 = arith.constant 16 : i32
      %mul3A_3853 = arith.muli %scan3A_3846, %mul3A_3852 : i32
      %get3A_3854 = arith.index_cast %mul3A_3853 : i32 to index
      %get3A_3855 = arith.constant 0 : index
      %get3A_3856 = vector.load %arg2[%get3A_3854, %get3A_3855] : memref<10240x128xf32, #tpu.memory_space<vmem>>, vector<16x128xf32>
      %max3A_3857 = arith.constant -9.210240e+00 : f32
      %max3A_3858 = vector.broadcast %max3A_3857 : f32 to vector<16x128xf32>
      %max3A_3859 = arith.maximumf %get3A_3851, %max3A_3858 : vector<16x128xf32>
      %min3A_3860 = arith.constant 9.210240e+00 : f32
      %min3A_3861 = vector.broadcast %min3A_3860 : f32 to vector<16x128xf32>
      %min3A_3862 = arith.minimumf %max3A_3859, %min3A_3861 : vector<16x128xf32>
      %neg3A_3863 = arith.constant 0.000000e+00 : f32
      %neg3A_3864 = vector.broadcast %neg3A_3863 : f32 to vector<16x128xf32>
      %neg3A_3865 = arith.subf %neg3A_3864, %min3A_3862 : vector<16x128xf32>
      %exp3A_3866 = math.exp %neg3A_3865 : vector<16x128xf32>
      %add3A_3867 = arith.constant 1.000000e+00 : f32
      %add3A_3868 = vector.broadcast %add3A_3867 : f32 to vector<16x128xf32>
      %add3A_3869 = arith.addf %exp3A_3866, %add3A_3868 : vector<16x128xf32>
      %log3A_3870 = math.log %add3A_3869 : vector<16x128xf32>
      %mul3A_3871 = arith.mulf %add3A_3869, %add3A_3869 : vector<16x128xf32>
      %div3A_3872 = arith.constant 1.000000e+00 : f32
      %div3A_3873 = vector.broadcast %div3A_3872 : f32 to vector<16x128xf32>
      %div3A_3874 = arith.divf %div3A_3873, %mul3A_3871 : vector<16x128xf32>
      %eq3A_3875 = arith.constant 1.000000e+00 : f32
      %eq3A_3876 = vector.broadcast %eq3A_3875 : f32 to vector<16x128xf32>
      %eq3A_3877 = arith.cmpf oeq, %get3A_3856, %eq3A_3876 : vector<16x128xf32>
      %sub3A_3878 = arith.constant 1.000000e+00 : f32
      %sub3A_3879 = vector.broadcast %sub3A_3878 : f32 to vector<16x128xf32>
      %sub3A_3880 = arith.subf %sub3A_3879, %get3A_3856 : vector<16x128xf32>
      %mul3A_3881 = arith.mulf %sub3A_3880, %sub3A_3880 : vector<16x128xf32>
      %mul3A_3882 = arith.mulf %exp3A_3866, %exp3A_3866 : vector<16x128xf32>
      %mul3A_3883 = arith.mulf %log3A_3870, %mul3A_3882 : vector<16x128xf32>
      %add3A_3884 = arith.addf %log3A_3870, %min3A_3862 : vector<16x128xf32>
      %mul3A_3885 = arith.mulf %mul3A_3881, %mul3A_3881 : vector<16x128xf32>
      %mul3A_3886 = arith.mulf %add3A_3884, %mul3A_3885 : vector<16x128xf32>
      %select_n3A_3887 = arith.select %eq3A_3877, %mul3A_3883, %mul3A_3886 : vector<16x128xi1>, vector<16x128xf32>
      %mul3A_3888 = arith.mulf %select_n3A_3887, %div3A_3874 : vector<16x128xf32>
      %add3A_3889 = arith.addf %add3A_3838, %mul3A_3888 : vector<16x128xf32>
      %jit3A_3890 = arith.constant 1.000000e+00 : f32
      %jit3A_3891 = arith.constant 0.000000e+00 : f32
      %broadcast_in_dim3A_3892 = vector.broadcast %jit3A_3890 : f32 to vector<16x128xf32>
      %broadcast_in_dim3A_3893 = vector.broadcast %jit3A_3891 : f32 to vector<16x128xf32>
      %select_n3A_3894 = arith.select %eq3A_3877, %broadcast_in_dim3A_3892, %broadcast_in_dim3A_3893 : vector<16x128xi1>, vector<16x128xf32>
      %add3A_3895 = arith.addf %add3A_3844, %select_n3A_3894 : vector<16x128xf32>
      %scan3A_3896 = arith.constant 76 : i32
      %scan3A_3897 = arith.addi %scan3A_29, %scan3A_3896 : i32
      %mul3A_3898 = arith.constant 16 : i32
      %mul3A_3899 = arith.muli %scan3A_3897, %mul3A_3898 : i32
      %get3A_3900 = arith.index_cast %mul3A_3899 : i32 to index
      %get3A_3901 = arith.constant 0 : index
      %get3A_3902 = vector.load %arg1[%get3A_3900, %get3A_3901] : memref<10240x128xf32, #tpu.memory_space<vmem>>, vector<16x128xf32>
      %mul3A_3903 = arith.constant 16 : i32
      %mul3A_3904 = arith.muli %scan3A_3897, %mul3A_3903 : i32
      %get3A_3905 = arith.index_cast %mul3A_3904 : i32 to index
      %get3A_3906 = arith.constant 0 : index
      %get3A_3907 = vector.load %arg2[%get3A_3905, %get3A_3906] : memref<10240x128xf32, #tpu.memory_space<vmem>>, vector<16x128xf32>
      %max3A_3908 = arith.constant -9.210240e+00 : f32
      %max3A_3909 = vector.broadcast %max3A_3908 : f32 to vector<16x128xf32>
      %max3A_3910 = arith.maximumf %get3A_3902, %max3A_3909 : vector<16x128xf32>
      %min3A_3911 = arith.constant 9.210240e+00 : f32
      %min3A_3912 = vector.broadcast %min3A_3911 : f32 to vector<16x128xf32>
      %min3A_3913 = arith.minimumf %max3A_3910, %min3A_3912 : vector<16x128xf32>
      %neg3A_3914 = arith.constant 0.000000e+00 : f32
      %neg3A_3915 = vector.broadcast %neg3A_3914 : f32 to vector<16x128xf32>
      %neg3A_3916 = arith.subf %neg3A_3915, %min3A_3913 : vector<16x128xf32>
      %exp3A_3917 = math.exp %neg3A_3916 : vector<16x128xf32>
      %add3A_3918 = arith.constant 1.000000e+00 : f32
      %add3A_3919 = vector.broadcast %add3A_3918 : f32 to vector<16x128xf32>
      %add3A_3920 = arith.addf %exp3A_3917, %add3A_3919 : vector<16x128xf32>
      %log3A_3921 = math.log %add3A_3920 : vector<16x128xf32>
      %mul3A_3922 = arith.mulf %add3A_3920, %add3A_3920 : vector<16x128xf32>
      %div3A_3923 = arith.constant 1.000000e+00 : f32
      %div3A_3924 = vector.broadcast %div3A_3923 : f32 to vector<16x128xf32>
      %div3A_3925 = arith.divf %div3A_3924, %mul3A_3922 : vector<16x128xf32>
      %eq3A_3926 = arith.constant 1.000000e+00 : f32
      %eq3A_3927 = vector.broadcast %eq3A_3926 : f32 to vector<16x128xf32>
      %eq3A_3928 = arith.cmpf oeq, %get3A_3907, %eq3A_3927 : vector<16x128xf32>
      %sub3A_3929 = arith.constant 1.000000e+00 : f32
      %sub3A_3930 = vector.broadcast %sub3A_3929 : f32 to vector<16x128xf32>
      %sub3A_3931 = arith.subf %sub3A_3930, %get3A_3907 : vector<16x128xf32>
      %mul3A_3932 = arith.mulf %sub3A_3931, %sub3A_3931 : vector<16x128xf32>
      %mul3A_3933 = arith.mulf %exp3A_3917, %exp3A_3917 : vector<16x128xf32>
      %mul3A_3934 = arith.mulf %log3A_3921, %mul3A_3933 : vector<16x128xf32>
      %add3A_3935 = arith.addf %log3A_3921, %min3A_3913 : vector<16x128xf32>
      %mul3A_3936 = arith.mulf %mul3A_3932, %mul3A_3932 : vector<16x128xf32>
      %mul3A_3937 = arith.mulf %add3A_3935, %mul3A_3936 : vector<16x128xf32>
      %select_n3A_3938 = arith.select %eq3A_3928, %mul3A_3934, %mul3A_3937 : vector<16x128xi1>, vector<16x128xf32>
      %mul3A_3939 = arith.mulf %select_n3A_3938, %div3A_3925 : vector<16x128xf32>
      %add3A_3940 = arith.addf %add3A_3889, %mul3A_3939 : vector<16x128xf32>
      %jit3A_3941 = arith.constant 1.000000e+00 : f32
      %jit3A_3942 = arith.constant 0.000000e+00 : f32
      %broadcast_in_dim3A_3943 = vector.broadcast %jit3A_3941 : f32 to vector<16x128xf32>
      %broadcast_in_dim3A_3944 = vector.broadcast %jit3A_3942 : f32 to vector<16x128xf32>
      %select_n3A_3945 = arith.select %eq3A_3928, %broadcast_in_dim3A_3943, %broadcast_in_dim3A_3944 : vector<16x128xi1>, vector<16x128xf32>
      %add3A_3946 = arith.addf %add3A_3895, %select_n3A_3945 : vector<16x128xf32>
      %scan3A_3947 = arith.constant 77 : i32
      %scan3A_3948 = arith.addi %scan3A_29, %scan3A_3947 : i32
      %mul3A_3949 = arith.constant 16 : i32
      %mul3A_3950 = arith.muli %scan3A_3948, %mul3A_3949 : i32
      %get3A_3951 = arith.index_cast %mul3A_3950 : i32 to index
      %get3A_3952 = arith.constant 0 : index
      %get3A_3953 = vector.load %arg1[%get3A_3951, %get3A_3952] : memref<10240x128xf32, #tpu.memory_space<vmem>>, vector<16x128xf32>
      %mul3A_3954 = arith.constant 16 : i32
      %mul3A_3955 = arith.muli %scan3A_3948, %mul3A_3954 : i32
      %get3A_3956 = arith.index_cast %mul3A_3955 : i32 to index
      %get3A_3957 = arith.constant 0 : index
      %get3A_3958 = vector.load %arg2[%get3A_3956, %get3A_3957] : memref<10240x128xf32, #tpu.memory_space<vmem>>, vector<16x128xf32>
      %max3A_3959 = arith.constant -9.210240e+00 : f32
      %max3A_3960 = vector.broadcast %max3A_3959 : f32 to vector<16x128xf32>
      %max3A_3961 = arith.maximumf %get3A_3953, %max3A_3960 : vector<16x128xf32>
      %min3A_3962 = arith.constant 9.210240e+00 : f32
      %min3A_3963 = vector.broadcast %min3A_3962 : f32 to vector<16x128xf32>
      %min3A_3964 = arith.minimumf %max3A_3961, %min3A_3963 : vector<16x128xf32>
      %neg3A_3965 = arith.constant 0.000000e+00 : f32
      %neg3A_3966 = vector.broadcast %neg3A_3965 : f32 to vector<16x128xf32>
      %neg3A_3967 = arith.subf %neg3A_3966, %min3A_3964 : vector<16x128xf32>
      %exp3A_3968 = math.exp %neg3A_3967 : vector<16x128xf32>
      %add3A_3969 = arith.constant 1.000000e+00 : f32
      %add3A_3970 = vector.broadcast %add3A_3969 : f32 to vector<16x128xf32>
      %add3A_3971 = arith.addf %exp3A_3968, %add3A_3970 : vector<16x128xf32>
      %log3A_3972 = math.log %add3A_3971 : vector<16x128xf32>
      %mul3A_3973 = arith.mulf %add3A_3971, %add3A_3971 : vector<16x128xf32>
      %div3A_3974 = arith.constant 1.000000e+00 : f32
      %div3A_3975 = vector.broadcast %div3A_3974 : f32 to vector<16x128xf32>
      %div3A_3976 = arith.divf %div3A_3975, %mul3A_3973 : vector<16x128xf32>
      %eq3A_3977 = arith.constant 1.000000e+00 : f32
      %eq3A_3978 = vector.broadcast %eq3A_3977 : f32 to vector<16x128xf32>
      %eq3A_3979 = arith.cmpf oeq, %get3A_3958, %eq3A_3978 : vector<16x128xf32>
      %sub3A_3980 = arith.constant 1.000000e+00 : f32
      %sub3A_3981 = vector.broadcast %sub3A_3980 : f32 to vector<16x128xf32>
      %sub3A_3982 = arith.subf %sub3A_3981, %get3A_3958 : vector<16x128xf32>
      %mul3A_3983 = arith.mulf %sub3A_3982, %sub3A_3982 : vector<16x128xf32>
      %mul3A_3984 = arith.mulf %exp3A_3968, %exp3A_3968 : vector<16x128xf32>
      %mul3A_3985 = arith.mulf %log3A_3972, %mul3A_3984 : vector<16x128xf32>
      %add3A_3986 = arith.addf %log3A_3972, %min3A_3964 : vector<16x128xf32>
      %mul3A_3987 = arith.mulf %mul3A_3983, %mul3A_3983 : vector<16x128xf32>
      %mul3A_3988 = arith.mulf %add3A_3986, %mul3A_3987 : vector<16x128xf32>
      %select_n3A_3989 = arith.select %eq3A_3979, %mul3A_3985, %mul3A_3988 : vector<16x128xi1>, vector<16x128xf32>
      %mul3A_3990 = arith.mulf %select_n3A_3989, %div3A_3976 : vector<16x128xf32>
      %add3A_3991 = arith.addf %add3A_3940, %mul3A_3990 : vector<16x128xf32>
      %jit3A_3992 = arith.constant 1.000000e+00 : f32
      %jit3A_3993 = arith.constant 0.000000e+00 : f32
      %broadcast_in_dim3A_3994 = vector.broadcast %jit3A_3992 : f32 to vector<16x128xf32>
      %broadcast_in_dim3A_3995 = vector.broadcast %jit3A_3993 : f32 to vector<16x128xf32>
      %select_n3A_3996 = arith.select %eq3A_3979, %broadcast_in_dim3A_3994, %broadcast_in_dim3A_3995 : vector<16x128xi1>, vector<16x128xf32>
      %add3A_3997 = arith.addf %add3A_3946, %select_n3A_3996 : vector<16x128xf32>
      %scan3A_3998 = arith.constant 78 : i32
      %scan3A_3999 = arith.addi %scan3A_29, %scan3A_3998 : i32
      %mul3A_4000 = arith.constant 16 : i32
      %mul3A_4001 = arith.muli %scan3A_3999, %mul3A_4000 : i32
      %get3A_4002 = arith.index_cast %mul3A_4001 : i32 to index
      %get3A_4003 = arith.constant 0 : index
      %get3A_4004 = vector.load %arg1[%get3A_4002, %get3A_4003] : memref<10240x128xf32, #tpu.memory_space<vmem>>, vector<16x128xf32>
      %mul3A_4005 = arith.constant 16 : i32
      %mul3A_4006 = arith.muli %scan3A_3999, %mul3A_4005 : i32
      %get3A_4007 = arith.index_cast %mul3A_4006 : i32 to index
      %get3A_4008 = arith.constant 0 : index
      %get3A_4009 = vector.load %arg2[%get3A_4007, %get3A_4008] : memref<10240x128xf32, #tpu.memory_space<vmem>>, vector<16x128xf32>
      %max3A_4010 = arith.constant -9.210240e+00 : f32
      %max3A_4011 = vector.broadcast %max3A_4010 : f32 to vector<16x128xf32>
      %max3A_4012 = arith.maximumf %get3A_4004, %max3A_4011 : vector<16x128xf32>
      %min3A_4013 = arith.constant 9.210240e+00 : f32
      %min3A_4014 = vector.broadcast %min3A_4013 : f32 to vector<16x128xf32>
      %min3A_4015 = arith.minimumf %max3A_4012, %min3A_4014 : vector<16x128xf32>
      %neg3A_4016 = arith.constant 0.000000e+00 : f32
      %neg3A_4017 = vector.broadcast %neg3A_4016 : f32 to vector<16x128xf32>
      %neg3A_4018 = arith.subf %neg3A_4017, %min3A_4015 : vector<16x128xf32>
      %exp3A_4019 = math.exp %neg3A_4018 : vector<16x128xf32>
      %add3A_4020 = arith.constant 1.000000e+00 : f32
      %add3A_4021 = vector.broadcast %add3A_4020 : f32 to vector<16x128xf32>
      %add3A_4022 = arith.addf %exp3A_4019, %add3A_4021 : vector<16x128xf32>
      %log3A_4023 = math.log %add3A_4022 : vector<16x128xf32>
      %mul3A_4024 = arith.mulf %add3A_4022, %add3A_4022 : vector<16x128xf32>
      %div3A_4025 = arith.constant 1.000000e+00 : f32
      %div3A_4026 = vector.broadcast %div3A_4025 : f32 to vector<16x128xf32>
      %div3A_4027 = arith.divf %div3A_4026, %mul3A_4024 : vector<16x128xf32>
      %eq3A_4028 = arith.constant 1.000000e+00 : f32
      %eq3A_4029 = vector.broadcast %eq3A_4028 : f32 to vector<16x128xf32>
      %eq3A_4030 = arith.cmpf oeq, %get3A_4009, %eq3A_4029 : vector<16x128xf32>
      %sub3A_4031 = arith.constant 1.000000e+00 : f32
      %sub3A_4032 = vector.broadcast %sub3A_4031 : f32 to vector<16x128xf32>
      %sub3A_4033 = arith.subf %sub3A_4032, %get3A_4009 : vector<16x128xf32>
      %mul3A_4034 = arith.mulf %sub3A_4033, %sub3A_4033 : vector<16x128xf32>
      %mul3A_4035 = arith.mulf %exp3A_4019, %exp3A_4019 : vector<16x128xf32>
      %mul3A_4036 = arith.mulf %log3A_4023, %mul3A_4035 : vector<16x128xf32>
      %add3A_4037 = arith.addf %log3A_4023, %min3A_4015 : vector<16x128xf32>
      %mul3A_4038 = arith.mulf %mul3A_4034, %mul3A_4034 : vector<16x128xf32>
      %mul3A_4039 = arith.mulf %add3A_4037, %mul3A_4038 : vector<16x128xf32>
      %select_n3A_4040 = arith.select %eq3A_4030, %mul3A_4036, %mul3A_4039 : vector<16x128xi1>, vector<16x128xf32>
      %mul3A_4041 = arith.mulf %select_n3A_4040, %div3A_4027 : vector<16x128xf32>
      %add3A_4042 = arith.addf %add3A_3991, %mul3A_4041 : vector<16x128xf32>
      %jit3A_4043 = arith.constant 1.000000e+00 : f32
      %jit3A_4044 = arith.constant 0.000000e+00 : f32
      %broadcast_in_dim3A_4045 = vector.broadcast %jit3A_4043 : f32 to vector<16x128xf32>
      %broadcast_in_dim3A_4046 = vector.broadcast %jit3A_4044 : f32 to vector<16x128xf32>
      %select_n3A_4047 = arith.select %eq3A_4030, %broadcast_in_dim3A_4045, %broadcast_in_dim3A_4046 : vector<16x128xi1>, vector<16x128xf32>
      %add3A_4048 = arith.addf %add3A_3997, %select_n3A_4047 : vector<16x128xf32>
      %scan3A_4049 = arith.constant 79 : i32
      %scan3A_4050 = arith.addi %scan3A_29, %scan3A_4049 : i32
      %mul3A_4051 = arith.constant 16 : i32
      %mul3A_4052 = arith.muli %scan3A_4050, %mul3A_4051 : i32
      %get3A_4053 = arith.index_cast %mul3A_4052 : i32 to index
      %get3A_4054 = arith.constant 0 : index
      %get3A_4055 = vector.load %arg1[%get3A_4053, %get3A_4054] : memref<10240x128xf32, #tpu.memory_space<vmem>>, vector<16x128xf32>
      %mul3A_4056 = arith.constant 16 : i32
      %mul3A_4057 = arith.muli %scan3A_4050, %mul3A_4056 : i32
      %get3A_4058 = arith.index_cast %mul3A_4057 : i32 to index
      %get3A_4059 = arith.constant 0 : index
      %get3A_4060 = vector.load %arg2[%get3A_4058, %get3A_4059] : memref<10240x128xf32, #tpu.memory_space<vmem>>, vector<16x128xf32>
      %max3A_4061 = arith.constant -9.210240e+00 : f32
      %max3A_4062 = vector.broadcast %max3A_4061 : f32 to vector<16x128xf32>
      %max3A_4063 = arith.maximumf %get3A_4055, %max3A_4062 : vector<16x128xf32>
      %min3A_4064 = arith.constant 9.210240e+00 : f32
      %min3A_4065 = vector.broadcast %min3A_4064 : f32 to vector<16x128xf32>
      %min3A_4066 = arith.minimumf %max3A_4063, %min3A_4065 : vector<16x128xf32>
      %neg3A_4067 = arith.constant 0.000000e+00 : f32
      %neg3A_4068 = vector.broadcast %neg3A_4067 : f32 to vector<16x128xf32>
      %neg3A_4069 = arith.subf %neg3A_4068, %min3A_4066 : vector<16x128xf32>
      %exp3A_4070 = math.exp %neg3A_4069 : vector<16x128xf32>
      %add3A_4071 = arith.constant 1.000000e+00 : f32
      %add3A_4072 = vector.broadcast %add3A_4071 : f32 to vector<16x128xf32>
      %add3A_4073 = arith.addf %exp3A_4070, %add3A_4072 : vector<16x128xf32>
      %log3A_4074 = math.log %add3A_4073 : vector<16x128xf32>
      %mul3A_4075 = arith.mulf %add3A_4073, %add3A_4073 : vector<16x128xf32>
      %div3A_4076 = arith.constant 1.000000e+00 : f32
      %div3A_4077 = vector.broadcast %div3A_4076 : f32 to vector<16x128xf32>
      %div3A_4078 = arith.divf %div3A_4077, %mul3A_4075 : vector<16x128xf32>
      %eq3A_4079 = arith.constant 1.000000e+00 : f32
      %eq3A_4080 = vector.broadcast %eq3A_4079 : f32 to vector<16x128xf32>
      %eq3A_4081 = arith.cmpf oeq, %get3A_4060, %eq3A_4080 : vector<16x128xf32>
      %sub3A_4082 = arith.constant 1.000000e+00 : f32
      %sub3A_4083 = vector.broadcast %sub3A_4082 : f32 to vector<16x128xf32>
      %sub3A_4084 = arith.subf %sub3A_4083, %get3A_4060 : vector<16x128xf32>
      %mul3A_4085 = arith.mulf %sub3A_4084, %sub3A_4084 : vector<16x128xf32>
      %mul3A_4086 = arith.mulf %exp3A_4070, %exp3A_4070 : vector<16x128xf32>
      %mul3A_4087 = arith.mulf %log3A_4074, %mul3A_4086 : vector<16x128xf32>
      %add3A_4088 = arith.addf %log3A_4074, %min3A_4066 : vector<16x128xf32>
      %mul3A_4089 = arith.mulf %mul3A_4085, %mul3A_4085 : vector<16x128xf32>
      %mul3A_4090 = arith.mulf %add3A_4088, %mul3A_4089 : vector<16x128xf32>
      %select_n3A_4091 = arith.select %eq3A_4081, %mul3A_4087, %mul3A_4090 : vector<16x128xi1>, vector<16x128xf32>
      %mul3A_4092 = arith.mulf %select_n3A_4091, %div3A_4078 : vector<16x128xf32>
      %add3A_4093 = arith.addf %add3A_4042, %mul3A_4092 : vector<16x128xf32>
      %jit3A_4094 = arith.constant 1.000000e+00 : f32
      %jit3A_4095 = arith.constant 0.000000e+00 : f32
      %broadcast_in_dim3A_4096 = vector.broadcast %jit3A_4094 : f32 to vector<16x128xf32>
      %broadcast_in_dim3A_4097 = vector.broadcast %jit3A_4095 : f32 to vector<16x128xf32>
      %select_n3A_4098 = arith.select %eq3A_4081, %broadcast_in_dim3A_4096, %broadcast_in_dim3A_4097 : vector<16x128xi1>, vector<16x128xf32>
      %add3A_4099 = arith.addf %add3A_4048, %select_n3A_4098 : vector<16x128xf32>
      %scan3A_4100 = arith.constant 80 : i32
      %scan3A_4101 = arith.addi %scan3A_29, %scan3A_4100 : i32
      %mul3A_4102 = arith.constant 16 : i32
      %mul3A_4103 = arith.muli %scan3A_4101, %mul3A_4102 : i32
      %get3A_4104 = arith.index_cast %mul3A_4103 : i32 to index
      %get3A_4105 = arith.constant 0 : index
      %get3A_4106 = vector.load %arg1[%get3A_4104, %get3A_4105] : memref<10240x128xf32, #tpu.memory_space<vmem>>, vector<16x128xf32>
      %mul3A_4107 = arith.constant 16 : i32
      %mul3A_4108 = arith.muli %scan3A_4101, %mul3A_4107 : i32
      %get3A_4109 = arith.index_cast %mul3A_4108 : i32 to index
      %get3A_4110 = arith.constant 0 : index
      %get3A_4111 = vector.load %arg2[%get3A_4109, %get3A_4110] : memref<10240x128xf32, #tpu.memory_space<vmem>>, vector<16x128xf32>
      %max3A_4112 = arith.constant -9.210240e+00 : f32
      %max3A_4113 = vector.broadcast %max3A_4112 : f32 to vector<16x128xf32>
      %max3A_4114 = arith.maximumf %get3A_4106, %max3A_4113 : vector<16x128xf32>
      %min3A_4115 = arith.constant 9.210240e+00 : f32
      %min3A_4116 = vector.broadcast %min3A_4115 : f32 to vector<16x128xf32>
      %min3A_4117 = arith.minimumf %max3A_4114, %min3A_4116 : vector<16x128xf32>
      %neg3A_4118 = arith.constant 0.000000e+00 : f32
      %neg3A_4119 = vector.broadcast %neg3A_4118 : f32 to vector<16x128xf32>
      %neg3A_4120 = arith.subf %neg3A_4119, %min3A_4117 : vector<16x128xf32>
      %exp3A_4121 = math.exp %neg3A_4120 : vector<16x128xf32>
      %add3A_4122 = arith.constant 1.000000e+00 : f32
      %add3A_4123 = vector.broadcast %add3A_4122 : f32 to vector<16x128xf32>
      %add3A_4124 = arith.addf %exp3A_4121, %add3A_4123 : vector<16x128xf32>
      %log3A_4125 = math.log %add3A_4124 : vector<16x128xf32>
      %mul3A_4126 = arith.mulf %add3A_4124, %add3A_4124 : vector<16x128xf32>
      %div3A_4127 = arith.constant 1.000000e+00 : f32
      %div3A_4128 = vector.broadcast %div3A_4127 : f32 to vector<16x128xf32>
      %div3A_4129 = arith.divf %div3A_4128, %mul3A_4126 : vector<16x128xf32>
      %eq3A_4130 = arith.constant 1.000000e+00 : f32
      %eq3A_4131 = vector.broadcast %eq3A_4130 : f32 to vector<16x128xf32>
      %eq3A_4132 = arith.cmpf oeq, %get3A_4111, %eq3A_4131 : vector<16x128xf32>
      %sub3A_4133 = arith.constant 1.000000e+00 : f32
      %sub3A_4134 = vector.broadcast %sub3A_4133 : f32 to vector<16x128xf32>
      %sub3A_4135 = arith.subf %sub3A_4134, %get3A_4111 : vector<16x128xf32>
      %mul3A_4136 = arith.mulf %sub3A_4135, %sub3A_4135 : vector<16x128xf32>
      %mul3A_4137 = arith.mulf %exp3A_4121, %exp3A_4121 : vector<16x128xf32>
      %mul3A_4138 = arith.mulf %log3A_4125, %mul3A_4137 : vector<16x128xf32>
      %add3A_4139 = arith.addf %log3A_4125, %min3A_4117 : vector<16x128xf32>
      %mul3A_4140 = arith.mulf %mul3A_4136, %mul3A_4136 : vector<16x128xf32>
      %mul3A_4141 = arith.mulf %add3A_4139, %mul3A_4140 : vector<16x128xf32>
      %select_n3A_4142 = arith.select %eq3A_4132, %mul3A_4138, %mul3A_4141 : vector<16x128xi1>, vector<16x128xf32>
      %mul3A_4143 = arith.mulf %select_n3A_4142, %div3A_4129 : vector<16x128xf32>
      %add3A_4144 = arith.addf %add3A_4093, %mul3A_4143 : vector<16x128xf32>
      %jit3A_4145 = arith.constant 1.000000e+00 : f32
      %jit3A_4146 = arith.constant 0.000000e+00 : f32
      %broadcast_in_dim3A_4147 = vector.broadcast %jit3A_4145 : f32 to vector<16x128xf32>
      %broadcast_in_dim3A_4148 = vector.broadcast %jit3A_4146 : f32 to vector<16x128xf32>
      %select_n3A_4149 = arith.select %eq3A_4132, %broadcast_in_dim3A_4147, %broadcast_in_dim3A_4148 : vector<16x128xi1>, vector<16x128xf32>
      %add3A_4150 = arith.addf %add3A_4099, %select_n3A_4149 : vector<16x128xf32>
      %scan3A_4151 = arith.constant 81 : i32
      %scan3A_4152 = arith.addi %scan3A_29, %scan3A_4151 : i32
      %mul3A_4153 = arith.constant 16 : i32
      %mul3A_4154 = arith.muli %scan3A_4152, %mul3A_4153 : i32
      %get3A_4155 = arith.index_cast %mul3A_4154 : i32 to index
      %get3A_4156 = arith.constant 0 : index
      %get3A_4157 = vector.load %arg1[%get3A_4155, %get3A_4156] : memref<10240x128xf32, #tpu.memory_space<vmem>>, vector<16x128xf32>
      %mul3A_4158 = arith.constant 16 : i32
      %mul3A_4159 = arith.muli %scan3A_4152, %mul3A_4158 : i32
      %get3A_4160 = arith.index_cast %mul3A_4159 : i32 to index
      %get3A_4161 = arith.constant 0 : index
      %get3A_4162 = vector.load %arg2[%get3A_4160, %get3A_4161] : memref<10240x128xf32, #tpu.memory_space<vmem>>, vector<16x128xf32>
      %max3A_4163 = arith.constant -9.210240e+00 : f32
      %max3A_4164 = vector.broadcast %max3A_4163 : f32 to vector<16x128xf32>
      %max3A_4165 = arith.maximumf %get3A_4157, %max3A_4164 : vector<16x128xf32>
      %min3A_4166 = arith.constant 9.210240e+00 : f32
      %min3A_4167 = vector.broadcast %min3A_4166 : f32 to vector<16x128xf32>
      %min3A_4168 = arith.minimumf %max3A_4165, %min3A_4167 : vector<16x128xf32>
      %neg3A_4169 = arith.constant 0.000000e+00 : f32
      %neg3A_4170 = vector.broadcast %neg3A_4169 : f32 to vector<16x128xf32>
      %neg3A_4171 = arith.subf %neg3A_4170, %min3A_4168 : vector<16x128xf32>
      %exp3A_4172 = math.exp %neg3A_4171 : vector<16x128xf32>
      %add3A_4173 = arith.constant 1.000000e+00 : f32
      %add3A_4174 = vector.broadcast %add3A_4173 : f32 to vector<16x128xf32>
      %add3A_4175 = arith.addf %exp3A_4172, %add3A_4174 : vector<16x128xf32>
      %log3A_4176 = math.log %add3A_4175 : vector<16x128xf32>
      %mul3A_4177 = arith.mulf %add3A_4175, %add3A_4175 : vector<16x128xf32>
      %div3A_4178 = arith.constant 1.000000e+00 : f32
      %div3A_4179 = vector.broadcast %div3A_4178 : f32 to vector<16x128xf32>
      %div3A_4180 = arith.divf %div3A_4179, %mul3A_4177 : vector<16x128xf32>
      %eq3A_4181 = arith.constant 1.000000e+00 : f32
      %eq3A_4182 = vector.broadcast %eq3A_4181 : f32 to vector<16x128xf32>
      %eq3A_4183 = arith.cmpf oeq, %get3A_4162, %eq3A_4182 : vector<16x128xf32>
      %sub3A_4184 = arith.constant 1.000000e+00 : f32
      %sub3A_4185 = vector.broadcast %sub3A_4184 : f32 to vector<16x128xf32>
      %sub3A_4186 = arith.subf %sub3A_4185, %get3A_4162 : vector<16x128xf32>
      %mul3A_4187 = arith.mulf %sub3A_4186, %sub3A_4186 : vector<16x128xf32>
      %mul3A_4188 = arith.mulf %exp3A_4172, %exp3A_4172 : vector<16x128xf32>
      %mul3A_4189 = arith.mulf %log3A_4176, %mul3A_4188 : vector<16x128xf32>
      %add3A_4190 = arith.addf %log3A_4176, %min3A_4168 : vector<16x128xf32>
      %mul3A_4191 = arith.mulf %mul3A_4187, %mul3A_4187 : vector<16x128xf32>
      %mul3A_4192 = arith.mulf %add3A_4190, %mul3A_4191 : vector<16x128xf32>
      %select_n3A_4193 = arith.select %eq3A_4183, %mul3A_4189, %mul3A_4192 : vector<16x128xi1>, vector<16x128xf32>
      %mul3A_4194 = arith.mulf %select_n3A_4193, %div3A_4180 : vector<16x128xf32>
      %add3A_4195 = arith.addf %add3A_4144, %mul3A_4194 : vector<16x128xf32>
      %jit3A_4196 = arith.constant 1.000000e+00 : f32
      %jit3A_4197 = arith.constant 0.000000e+00 : f32
      %broadcast_in_dim3A_4198 = vector.broadcast %jit3A_4196 : f32 to vector<16x128xf32>
      %broadcast_in_dim3A_4199 = vector.broadcast %jit3A_4197 : f32 to vector<16x128xf32>
      %select_n3A_4200 = arith.select %eq3A_4183, %broadcast_in_dim3A_4198, %broadcast_in_dim3A_4199 : vector<16x128xi1>, vector<16x128xf32>
      %add3A_4201 = arith.addf %add3A_4150, %select_n3A_4200 : vector<16x128xf32>
      %scan3A_4202 = arith.constant 82 : i32
      %scan3A_4203 = arith.addi %scan3A_29, %scan3A_4202 : i32
      %mul3A_4204 = arith.constant 16 : i32
      %mul3A_4205 = arith.muli %scan3A_4203, %mul3A_4204 : i32
      %get3A_4206 = arith.index_cast %mul3A_4205 : i32 to index
      %get3A_4207 = arith.constant 0 : index
      %get3A_4208 = vector.load %arg1[%get3A_4206, %get3A_4207] : memref<10240x128xf32, #tpu.memory_space<vmem>>, vector<16x128xf32>
      %mul3A_4209 = arith.constant 16 : i32
      %mul3A_4210 = arith.muli %scan3A_4203, %mul3A_4209 : i32
      %get3A_4211 = arith.index_cast %mul3A_4210 : i32 to index
      %get3A_4212 = arith.constant 0 : index
      %get3A_4213 = vector.load %arg2[%get3A_4211, %get3A_4212] : memref<10240x128xf32, #tpu.memory_space<vmem>>, vector<16x128xf32>
      %max3A_4214 = arith.constant -9.210240e+00 : f32
      %max3A_4215 = vector.broadcast %max3A_4214 : f32 to vector<16x128xf32>
      %max3A_4216 = arith.maximumf %get3A_4208, %max3A_4215 : vector<16x128xf32>
      %min3A_4217 = arith.constant 9.210240e+00 : f32
      %min3A_4218 = vector.broadcast %min3A_4217 : f32 to vector<16x128xf32>
      %min3A_4219 = arith.minimumf %max3A_4216, %min3A_4218 : vector<16x128xf32>
      %neg3A_4220 = arith.constant 0.000000e+00 : f32
      %neg3A_4221 = vector.broadcast %neg3A_4220 : f32 to vector<16x128xf32>
      %neg3A_4222 = arith.subf %neg3A_4221, %min3A_4219 : vector<16x128xf32>
      %exp3A_4223 = math.exp %neg3A_4222 : vector<16x128xf32>
      %add3A_4224 = arith.constant 1.000000e+00 : f32
      %add3A_4225 = vector.broadcast %add3A_4224 : f32 to vector<16x128xf32>
      %add3A_4226 = arith.addf %exp3A_4223, %add3A_4225 : vector<16x128xf32>
      %log3A_4227 = math.log %add3A_4226 : vector<16x128xf32>
      %mul3A_4228 = arith.mulf %add3A_4226, %add3A_4226 : vector<16x128xf32>
      %div3A_4229 = arith.constant 1.000000e+00 : f32
      %div3A_4230 = vector.broadcast %div3A_4229 : f32 to vector<16x128xf32>
      %div3A_4231 = arith.divf %div3A_4230, %mul3A_4228 : vector<16x128xf32>
      %eq3A_4232 = arith.constant 1.000000e+00 : f32
      %eq3A_4233 = vector.broadcast %eq3A_4232 : f32 to vector<16x128xf32>
      %eq3A_4234 = arith.cmpf oeq, %get3A_4213, %eq3A_4233 : vector<16x128xf32>
      %sub3A_4235 = arith.constant 1.000000e+00 : f32
      %sub3A_4236 = vector.broadcast %sub3A_4235 : f32 to vector<16x128xf32>
      %sub3A_4237 = arith.subf %sub3A_4236, %get3A_4213 : vector<16x128xf32>
      %mul3A_4238 = arith.mulf %sub3A_4237, %sub3A_4237 : vector<16x128xf32>
      %mul3A_4239 = arith.mulf %exp3A_4223, %exp3A_4223 : vector<16x128xf32>
      %mul3A_4240 = arith.mulf %log3A_4227, %mul3A_4239 : vector<16x128xf32>
      %add3A_4241 = arith.addf %log3A_4227, %min3A_4219 : vector<16x128xf32>
      %mul3A_4242 = arith.mulf %mul3A_4238, %mul3A_4238 : vector<16x128xf32>
      %mul3A_4243 = arith.mulf %add3A_4241, %mul3A_4242 : vector<16x128xf32>
      %select_n3A_4244 = arith.select %eq3A_4234, %mul3A_4240, %mul3A_4243 : vector<16x128xi1>, vector<16x128xf32>
      %mul3A_4245 = arith.mulf %select_n3A_4244, %div3A_4231 : vector<16x128xf32>
      %add3A_4246 = arith.addf %add3A_4195, %mul3A_4245 : vector<16x128xf32>
      %jit3A_4247 = arith.constant 1.000000e+00 : f32
      %jit3A_4248 = arith.constant 0.000000e+00 : f32
      %broadcast_in_dim3A_4249 = vector.broadcast %jit3A_4247 : f32 to vector<16x128xf32>
      %broadcast_in_dim3A_4250 = vector.broadcast %jit3A_4248 : f32 to vector<16x128xf32>
      %select_n3A_4251 = arith.select %eq3A_4234, %broadcast_in_dim3A_4249, %broadcast_in_dim3A_4250 : vector<16x128xi1>, vector<16x128xf32>
      %add3A_4252 = arith.addf %add3A_4201, %select_n3A_4251 : vector<16x128xf32>
      %scan3A_4253 = arith.constant 83 : i32
      %scan3A_4254 = arith.addi %scan3A_29, %scan3A_4253 : i32
      %mul3A_4255 = arith.constant 16 : i32
      %mul3A_4256 = arith.muli %scan3A_4254, %mul3A_4255 : i32
      %get3A_4257 = arith.index_cast %mul3A_4256 : i32 to index
      %get3A_4258 = arith.constant 0 : index
      %get3A_4259 = vector.load %arg1[%get3A_4257, %get3A_4258] : memref<10240x128xf32, #tpu.memory_space<vmem>>, vector<16x128xf32>
      %mul3A_4260 = arith.constant 16 : i32
      %mul3A_4261 = arith.muli %scan3A_4254, %mul3A_4260 : i32
      %get3A_4262 = arith.index_cast %mul3A_4261 : i32 to index
      %get3A_4263 = arith.constant 0 : index
      %get3A_4264 = vector.load %arg2[%get3A_4262, %get3A_4263] : memref<10240x128xf32, #tpu.memory_space<vmem>>, vector<16x128xf32>
      %max3A_4265 = arith.constant -9.210240e+00 : f32
      %max3A_4266 = vector.broadcast %max3A_4265 : f32 to vector<16x128xf32>
      %max3A_4267 = arith.maximumf %get3A_4259, %max3A_4266 : vector<16x128xf32>
      %min3A_4268 = arith.constant 9.210240e+00 : f32
      %min3A_4269 = vector.broadcast %min3A_4268 : f32 to vector<16x128xf32>
      %min3A_4270 = arith.minimumf %max3A_4267, %min3A_4269 : vector<16x128xf32>
      %neg3A_4271 = arith.constant 0.000000e+00 : f32
      %neg3A_4272 = vector.broadcast %neg3A_4271 : f32 to vector<16x128xf32>
      %neg3A_4273 = arith.subf %neg3A_4272, %min3A_4270 : vector<16x128xf32>
      %exp3A_4274 = math.exp %neg3A_4273 : vector<16x128xf32>
      %add3A_4275 = arith.constant 1.000000e+00 : f32
      %add3A_4276 = vector.broadcast %add3A_4275 : f32 to vector<16x128xf32>
      %add3A_4277 = arith.addf %exp3A_4274, %add3A_4276 : vector<16x128xf32>
      %log3A_4278 = math.log %add3A_4277 : vector<16x128xf32>
      %mul3A_4279 = arith.mulf %add3A_4277, %add3A_4277 : vector<16x128xf32>
      %div3A_4280 = arith.constant 1.000000e+00 : f32
      %div3A_4281 = vector.broadcast %div3A_4280 : f32 to vector<16x128xf32>
      %div3A_4282 = arith.divf %div3A_4281, %mul3A_4279 : vector<16x128xf32>
      %eq3A_4283 = arith.constant 1.000000e+00 : f32
      %eq3A_4284 = vector.broadcast %eq3A_4283 : f32 to vector<16x128xf32>
      %eq3A_4285 = arith.cmpf oeq, %get3A_4264, %eq3A_4284 : vector<16x128xf32>
      %sub3A_4286 = arith.constant 1.000000e+00 : f32
      %sub3A_4287 = vector.broadcast %sub3A_4286 : f32 to vector<16x128xf32>
      %sub3A_4288 = arith.subf %sub3A_4287, %get3A_4264 : vector<16x128xf32>
      %mul3A_4289 = arith.mulf %sub3A_4288, %sub3A_4288 : vector<16x128xf32>
      %mul3A_4290 = arith.mulf %exp3A_4274, %exp3A_4274 : vector<16x128xf32>
      %mul3A_4291 = arith.mulf %log3A_4278, %mul3A_4290 : vector<16x128xf32>
      %add3A_4292 = arith.addf %log3A_4278, %min3A_4270 : vector<16x128xf32>
      %mul3A_4293 = arith.mulf %mul3A_4289, %mul3A_4289 : vector<16x128xf32>
      %mul3A_4294 = arith.mulf %add3A_4292, %mul3A_4293 : vector<16x128xf32>
      %select_n3A_4295 = arith.select %eq3A_4285, %mul3A_4291, %mul3A_4294 : vector<16x128xi1>, vector<16x128xf32>
      %mul3A_4296 = arith.mulf %select_n3A_4295, %div3A_4282 : vector<16x128xf32>
      %add3A_4297 = arith.addf %add3A_4246, %mul3A_4296 : vector<16x128xf32>
      %jit3A_4298 = arith.constant 1.000000e+00 : f32
      %jit3A_4299 = arith.constant 0.000000e+00 : f32
      %broadcast_in_dim3A_4300 = vector.broadcast %jit3A_4298 : f32 to vector<16x128xf32>
      %broadcast_in_dim3A_4301 = vector.broadcast %jit3A_4299 : f32 to vector<16x128xf32>
      %select_n3A_4302 = arith.select %eq3A_4285, %broadcast_in_dim3A_4300, %broadcast_in_dim3A_4301 : vector<16x128xi1>, vector<16x128xf32>
      %add3A_4303 = arith.addf %add3A_4252, %select_n3A_4302 : vector<16x128xf32>
      %scan3A_4304 = arith.constant 84 : i32
      %scan3A_4305 = arith.addi %scan3A_29, %scan3A_4304 : i32
      %mul3A_4306 = arith.constant 16 : i32
      %mul3A_4307 = arith.muli %scan3A_4305, %mul3A_4306 : i32
      %get3A_4308 = arith.index_cast %mul3A_4307 : i32 to index
      %get3A_4309 = arith.constant 0 : index
      %get3A_4310 = vector.load %arg1[%get3A_4308, %get3A_4309] : memref<10240x128xf32, #tpu.memory_space<vmem>>, vector<16x128xf32>
      %mul3A_4311 = arith.constant 16 : i32
      %mul3A_4312 = arith.muli %scan3A_4305, %mul3A_4311 : i32
      %get3A_4313 = arith.index_cast %mul3A_4312 : i32 to index
      %get3A_4314 = arith.constant 0 : index
      %get3A_4315 = vector.load %arg2[%get3A_4313, %get3A_4314] : memref<10240x128xf32, #tpu.memory_space<vmem>>, vector<16x128xf32>
      %max3A_4316 = arith.constant -9.210240e+00 : f32
      %max3A_4317 = vector.broadcast %max3A_4316 : f32 to vector<16x128xf32>
      %max3A_4318 = arith.maximumf %get3A_4310, %max3A_4317 : vector<16x128xf32>
      %min3A_4319 = arith.constant 9.210240e+00 : f32
      %min3A_4320 = vector.broadcast %min3A_4319 : f32 to vector<16x128xf32>
      %min3A_4321 = arith.minimumf %max3A_4318, %min3A_4320 : vector<16x128xf32>
      %neg3A_4322 = arith.constant 0.000000e+00 : f32
      %neg3A_4323 = vector.broadcast %neg3A_4322 : f32 to vector<16x128xf32>
      %neg3A_4324 = arith.subf %neg3A_4323, %min3A_4321 : vector<16x128xf32>
      %exp3A_4325 = math.exp %neg3A_4324 : vector<16x128xf32>
      %add3A_4326 = arith.constant 1.000000e+00 : f32
      %add3A_4327 = vector.broadcast %add3A_4326 : f32 to vector<16x128xf32>
      %add3A_4328 = arith.addf %exp3A_4325, %add3A_4327 : vector<16x128xf32>
      %log3A_4329 = math.log %add3A_4328 : vector<16x128xf32>
      %mul3A_4330 = arith.mulf %add3A_4328, %add3A_4328 : vector<16x128xf32>
      %div3A_4331 = arith.constant 1.000000e+00 : f32
      %div3A_4332 = vector.broadcast %div3A_4331 : f32 to vector<16x128xf32>
      %div3A_4333 = arith.divf %div3A_4332, %mul3A_4330 : vector<16x128xf32>
      %eq3A_4334 = arith.constant 1.000000e+00 : f32
      %eq3A_4335 = vector.broadcast %eq3A_4334 : f32 to vector<16x128xf32>
      %eq3A_4336 = arith.cmpf oeq, %get3A_4315, %eq3A_4335 : vector<16x128xf32>
      %sub3A_4337 = arith.constant 1.000000e+00 : f32
      %sub3A_4338 = vector.broadcast %sub3A_4337 : f32 to vector<16x128xf32>
      %sub3A_4339 = arith.subf %sub3A_4338, %get3A_4315 : vector<16x128xf32>
      %mul3A_4340 = arith.mulf %sub3A_4339, %sub3A_4339 : vector<16x128xf32>
      %mul3A_4341 = arith.mulf %exp3A_4325, %exp3A_4325 : vector<16x128xf32>
      %mul3A_4342 = arith.mulf %log3A_4329, %mul3A_4341 : vector<16x128xf32>
      %add3A_4343 = arith.addf %log3A_4329, %min3A_4321 : vector<16x128xf32>
      %mul3A_4344 = arith.mulf %mul3A_4340, %mul3A_4340 : vector<16x128xf32>
      %mul3A_4345 = arith.mulf %add3A_4343, %mul3A_4344 : vector<16x128xf32>
      %select_n3A_4346 = arith.select %eq3A_4336, %mul3A_4342, %mul3A_4345 : vector<16x128xi1>, vector<16x128xf32>
      %mul3A_4347 = arith.mulf %select_n3A_4346, %div3A_4333 : vector<16x128xf32>
      %add3A_4348 = arith.addf %add3A_4297, %mul3A_4347 : vector<16x128xf32>
      %jit3A_4349 = arith.constant 1.000000e+00 : f32
      %jit3A_4350 = arith.constant 0.000000e+00 : f32
      %broadcast_in_dim3A_4351 = vector.broadcast %jit3A_4349 : f32 to vector<16x128xf32>
      %broadcast_in_dim3A_4352 = vector.broadcast %jit3A_4350 : f32 to vector<16x128xf32>
      %select_n3A_4353 = arith.select %eq3A_4336, %broadcast_in_dim3A_4351, %broadcast_in_dim3A_4352 : vector<16x128xi1>, vector<16x128xf32>
      %add3A_4354 = arith.addf %add3A_4303, %select_n3A_4353 : vector<16x128xf32>
      %scan3A_4355 = arith.constant 85 : i32
      %scan3A_4356 = arith.addi %scan3A_29, %scan3A_4355 : i32
      %mul3A_4357 = arith.constant 16 : i32
      %mul3A_4358 = arith.muli %scan3A_4356, %mul3A_4357 : i32
      %get3A_4359 = arith.index_cast %mul3A_4358 : i32 to index
      %get3A_4360 = arith.constant 0 : index
      %get3A_4361 = vector.load %arg1[%get3A_4359, %get3A_4360] : memref<10240x128xf32, #tpu.memory_space<vmem>>, vector<16x128xf32>
      %mul3A_4362 = arith.constant 16 : i32
      %mul3A_4363 = arith.muli %scan3A_4356, %mul3A_4362 : i32
      %get3A_4364 = arith.index_cast %mul3A_4363 : i32 to index
      %get3A_4365 = arith.constant 0 : index
      %get3A_4366 = vector.load %arg2[%get3A_4364, %get3A_4365] : memref<10240x128xf32, #tpu.memory_space<vmem>>, vector<16x128xf32>
      %max3A_4367 = arith.constant -9.210240e+00 : f32
      %max3A_4368 = vector.broadcast %max3A_4367 : f32 to vector<16x128xf32>
      %max3A_4369 = arith.maximumf %get3A_4361, %max3A_4368 : vector<16x128xf32>
      %min3A_4370 = arith.constant 9.210240e+00 : f32
      %min3A_4371 = vector.broadcast %min3A_4370 : f32 to vector<16x128xf32>
      %min3A_4372 = arith.minimumf %max3A_4369, %min3A_4371 : vector<16x128xf32>
      %neg3A_4373 = arith.constant 0.000000e+00 : f32
      %neg3A_4374 = vector.broadcast %neg3A_4373 : f32 to vector<16x128xf32>
      %neg3A_4375 = arith.subf %neg3A_4374, %min3A_4372 : vector<16x128xf32>
      %exp3A_4376 = math.exp %neg3A_4375 : vector<16x128xf32>
      %add3A_4377 = arith.constant 1.000000e+00 : f32
      %add3A_4378 = vector.broadcast %add3A_4377 : f32 to vector<16x128xf32>
      %add3A_4379 = arith.addf %exp3A_4376, %add3A_4378 : vector<16x128xf32>
      %log3A_4380 = math.log %add3A_4379 : vector<16x128xf32>
      %mul3A_4381 = arith.mulf %add3A_4379, %add3A_4379 : vector<16x128xf32>
      %div3A_4382 = arith.constant 1.000000e+00 : f32
      %div3A_4383 = vector.broadcast %div3A_4382 : f32 to vector<16x128xf32>
      %div3A_4384 = arith.divf %div3A_4383, %mul3A_4381 : vector<16x128xf32>
      %eq3A_4385 = arith.constant 1.000000e+00 : f32
      %eq3A_4386 = vector.broadcast %eq3A_4385 : f32 to vector<16x128xf32>
      %eq3A_4387 = arith.cmpf oeq, %get3A_4366, %eq3A_4386 : vector<16x128xf32>
      %sub3A_4388 = arith.constant 1.000000e+00 : f32
      %sub3A_4389 = vector.broadcast %sub3A_4388 : f32 to vector<16x128xf32>
      %sub3A_4390 = arith.subf %sub3A_4389, %get3A_4366 : vector<16x128xf32>
      %mul3A_4391 = arith.mulf %sub3A_4390, %sub3A_4390 : vector<16x128xf32>
      %mul3A_4392 = arith.mulf %exp3A_4376, %exp3A_4376 : vector<16x128xf32>
      %mul3A_4393 = arith.mulf %log3A_4380, %mul3A_4392 : vector<16x128xf32>
      %add3A_4394 = arith.addf %log3A_4380, %min3A_4372 : vector<16x128xf32>
      %mul3A_4395 = arith.mulf %mul3A_4391, %mul3A_4391 : vector<16x128xf32>
      %mul3A_4396 = arith.mulf %add3A_4394, %mul3A_4395 : vector<16x128xf32>
      %select_n3A_4397 = arith.select %eq3A_4387, %mul3A_4393, %mul3A_4396 : vector<16x128xi1>, vector<16x128xf32>
      %mul3A_4398 = arith.mulf %select_n3A_4397, %div3A_4384 : vector<16x128xf32>
      %add3A_4399 = arith.addf %add3A_4348, %mul3A_4398 : vector<16x128xf32>
      %jit3A_4400 = arith.constant 1.000000e+00 : f32
      %jit3A_4401 = arith.constant 0.000000e+00 : f32
      %broadcast_in_dim3A_4402 = vector.broadcast %jit3A_4400 : f32 to vector<16x128xf32>
      %broadcast_in_dim3A_4403 = vector.broadcast %jit3A_4401 : f32 to vector<16x128xf32>
      %select_n3A_4404 = arith.select %eq3A_4387, %broadcast_in_dim3A_4402, %broadcast_in_dim3A_4403 : vector<16x128xi1>, vector<16x128xf32>
      %add3A_4405 = arith.addf %add3A_4354, %select_n3A_4404 : vector<16x128xf32>
      %scan3A_4406 = arith.constant 86 : i32
      %scan3A_4407 = arith.addi %scan3A_29, %scan3A_4406 : i32
      %mul3A_4408 = arith.constant 16 : i32
      %mul3A_4409 = arith.muli %scan3A_4407, %mul3A_4408 : i32
      %get3A_4410 = arith.index_cast %mul3A_4409 : i32 to index
      %get3A_4411 = arith.constant 0 : index
      %get3A_4412 = vector.load %arg1[%get3A_4410, %get3A_4411] : memref<10240x128xf32, #tpu.memory_space<vmem>>, vector<16x128xf32>
      %mul3A_4413 = arith.constant 16 : i32
      %mul3A_4414 = arith.muli %scan3A_4407, %mul3A_4413 : i32
      %get3A_4415 = arith.index_cast %mul3A_4414 : i32 to index
      %get3A_4416 = arith.constant 0 : index
      %get3A_4417 = vector.load %arg2[%get3A_4415, %get3A_4416] : memref<10240x128xf32, #tpu.memory_space<vmem>>, vector<16x128xf32>
      %max3A_4418 = arith.constant -9.210240e+00 : f32
      %max3A_4419 = vector.broadcast %max3A_4418 : f32 to vector<16x128xf32>
      %max3A_4420 = arith.maximumf %get3A_4412, %max3A_4419 : vector<16x128xf32>
      %min3A_4421 = arith.constant 9.210240e+00 : f32
      %min3A_4422 = vector.broadcast %min3A_4421 : f32 to vector<16x128xf32>
      %min3A_4423 = arith.minimumf %max3A_4420, %min3A_4422 : vector<16x128xf32>
      %neg3A_4424 = arith.constant 0.000000e+00 : f32
      %neg3A_4425 = vector.broadcast %neg3A_4424 : f32 to vector<16x128xf32>
      %neg3A_4426 = arith.subf %neg3A_4425, %min3A_4423 : vector<16x128xf32>
      %exp3A_4427 = math.exp %neg3A_4426 : vector<16x128xf32>
      %add3A_4428 = arith.constant 1.000000e+00 : f32
      %add3A_4429 = vector.broadcast %add3A_4428 : f32 to vector<16x128xf32>
      %add3A_4430 = arith.addf %exp3A_4427, %add3A_4429 : vector<16x128xf32>
      %log3A_4431 = math.log %add3A_4430 : vector<16x128xf32>
      %mul3A_4432 = arith.mulf %add3A_4430, %add3A_4430 : vector<16x128xf32>
      %div3A_4433 = arith.constant 1.000000e+00 : f32
      %div3A_4434 = vector.broadcast %div3A_4433 : f32 to vector<16x128xf32>
      %div3A_4435 = arith.divf %div3A_4434, %mul3A_4432 : vector<16x128xf32>
      %eq3A_4436 = arith.constant 1.000000e+00 : f32
      %eq3A_4437 = vector.broadcast %eq3A_4436 : f32 to vector<16x128xf32>
      %eq3A_4438 = arith.cmpf oeq, %get3A_4417, %eq3A_4437 : vector<16x128xf32>
      %sub3A_4439 = arith.constant 1.000000e+00 : f32
      %sub3A_4440 = vector.broadcast %sub3A_4439 : f32 to vector<16x128xf32>
      %sub3A_4441 = arith.subf %sub3A_4440, %get3A_4417 : vector<16x128xf32>
      %mul3A_4442 = arith.mulf %sub3A_4441, %sub3A_4441 : vector<16x128xf32>
      %mul3A_4443 = arith.mulf %exp3A_4427, %exp3A_4427 : vector<16x128xf32>
      %mul3A_4444 = arith.mulf %log3A_4431, %mul3A_4443 : vector<16x128xf32>
      %add3A_4445 = arith.addf %log3A_4431, %min3A_4423 : vector<16x128xf32>
      %mul3A_4446 = arith.mulf %mul3A_4442, %mul3A_4442 : vector<16x128xf32>
      %mul3A_4447 = arith.mulf %add3A_4445, %mul3A_4446 : vector<16x128xf32>
      %select_n3A_4448 = arith.select %eq3A_4438, %mul3A_4444, %mul3A_4447 : vector<16x128xi1>, vector<16x128xf32>
      %mul3A_4449 = arith.mulf %select_n3A_4448, %div3A_4435 : vector<16x128xf32>
      %add3A_4450 = arith.addf %add3A_4399, %mul3A_4449 : vector<16x128xf32>
      %jit3A_4451 = arith.constant 1.000000e+00 : f32
      %jit3A_4452 = arith.constant 0.000000e+00 : f32
      %broadcast_in_dim3A_4453 = vector.broadcast %jit3A_4451 : f32 to vector<16x128xf32>
      %broadcast_in_dim3A_4454 = vector.broadcast %jit3A_4452 : f32 to vector<16x128xf32>
      %select_n3A_4455 = arith.select %eq3A_4438, %broadcast_in_dim3A_4453, %broadcast_in_dim3A_4454 : vector<16x128xi1>, vector<16x128xf32>
      %add3A_4456 = arith.addf %add3A_4405, %select_n3A_4455 : vector<16x128xf32>
      %scan3A_4457 = arith.constant 87 : i32
      %scan3A_4458 = arith.addi %scan3A_29, %scan3A_4457 : i32
      %mul3A_4459 = arith.constant 16 : i32
      %mul3A_4460 = arith.muli %scan3A_4458, %mul3A_4459 : i32
      %get3A_4461 = arith.index_cast %mul3A_4460 : i32 to index
      %get3A_4462 = arith.constant 0 : index
      %get3A_4463 = vector.load %arg1[%get3A_4461, %get3A_4462] : memref<10240x128xf32, #tpu.memory_space<vmem>>, vector<16x128xf32>
      %mul3A_4464 = arith.constant 16 : i32
      %mul3A_4465 = arith.muli %scan3A_4458, %mul3A_4464 : i32
      %get3A_4466 = arith.index_cast %mul3A_4465 : i32 to index
      %get3A_4467 = arith.constant 0 : index
      %get3A_4468 = vector.load %arg2[%get3A_4466, %get3A_4467] : memref<10240x128xf32, #tpu.memory_space<vmem>>, vector<16x128xf32>
      %max3A_4469 = arith.constant -9.210240e+00 : f32
      %max3A_4470 = vector.broadcast %max3A_4469 : f32 to vector<16x128xf32>
      %max3A_4471 = arith.maximumf %get3A_4463, %max3A_4470 : vector<16x128xf32>
      %min3A_4472 = arith.constant 9.210240e+00 : f32
      %min3A_4473 = vector.broadcast %min3A_4472 : f32 to vector<16x128xf32>
      %min3A_4474 = arith.minimumf %max3A_4471, %min3A_4473 : vector<16x128xf32>
      %neg3A_4475 = arith.constant 0.000000e+00 : f32
      %neg3A_4476 = vector.broadcast %neg3A_4475 : f32 to vector<16x128xf32>
      %neg3A_4477 = arith.subf %neg3A_4476, %min3A_4474 : vector<16x128xf32>
      %exp3A_4478 = math.exp %neg3A_4477 : vector<16x128xf32>
      %add3A_4479 = arith.constant 1.000000e+00 : f32
      %add3A_4480 = vector.broadcast %add3A_4479 : f32 to vector<16x128xf32>
      %add3A_4481 = arith.addf %exp3A_4478, %add3A_4480 : vector<16x128xf32>
      %log3A_4482 = math.log %add3A_4481 : vector<16x128xf32>
      %mul3A_4483 = arith.mulf %add3A_4481, %add3A_4481 : vector<16x128xf32>
      %div3A_4484 = arith.constant 1.000000e+00 : f32
      %div3A_4485 = vector.broadcast %div3A_4484 : f32 to vector<16x128xf32>
      %div3A_4486 = arith.divf %div3A_4485, %mul3A_4483 : vector<16x128xf32>
      %eq3A_4487 = arith.constant 1.000000e+00 : f32
      %eq3A_4488 = vector.broadcast %eq3A_4487 : f32 to vector<16x128xf32>
      %eq3A_4489 = arith.cmpf oeq, %get3A_4468, %eq3A_4488 : vector<16x128xf32>
      %sub3A_4490 = arith.constant 1.000000e+00 : f32
      %sub3A_4491 = vector.broadcast %sub3A_4490 : f32 to vector<16x128xf32>
      %sub3A_4492 = arith.subf %sub3A_4491, %get3A_4468 : vector<16x128xf32>
      %mul3A_4493 = arith.mulf %sub3A_4492, %sub3A_4492 : vector<16x128xf32>
      %mul3A_4494 = arith.mulf %exp3A_4478, %exp3A_4478 : vector<16x128xf32>
      %mul3A_4495 = arith.mulf %log3A_4482, %mul3A_4494 : vector<16x128xf32>
      %add3A_4496 = arith.addf %log3A_4482, %min3A_4474 : vector<16x128xf32>
      %mul3A_4497 = arith.mulf %mul3A_4493, %mul3A_4493 : vector<16x128xf32>
      %mul3A_4498 = arith.mulf %add3A_4496, %mul3A_4497 : vector<16x128xf32>
      %select_n3A_4499 = arith.select %eq3A_4489, %mul3A_4495, %mul3A_4498 : vector<16x128xi1>, vector<16x128xf32>
      %mul3A_4500 = arith.mulf %select_n3A_4499, %div3A_4486 : vector<16x128xf32>
      %add3A_4501 = arith.addf %add3A_4450, %mul3A_4500 : vector<16x128xf32>
      %jit3A_4502 = arith.constant 1.000000e+00 : f32
      %jit3A_4503 = arith.constant 0.000000e+00 : f32
      %broadcast_in_dim3A_4504 = vector.broadcast %jit3A_4502 : f32 to vector<16x128xf32>
      %broadcast_in_dim3A_4505 = vector.broadcast %jit3A_4503 : f32 to vector<16x128xf32>
      %select_n3A_4506 = arith.select %eq3A_4489, %broadcast_in_dim3A_4504, %broadcast_in_dim3A_4505 : vector<16x128xi1>, vector<16x128xf32>
      %add3A_4507 = arith.addf %add3A_4456, %select_n3A_4506 : vector<16x128xf32>
      %scan3A_4508 = arith.constant 88 : i32
      %scan3A_4509 = arith.addi %scan3A_29, %scan3A_4508 : i32
      %mul3A_4510 = arith.constant 16 : i32
      %mul3A_4511 = arith.muli %scan3A_4509, %mul3A_4510 : i32
      %get3A_4512 = arith.index_cast %mul3A_4511 : i32 to index
      %get3A_4513 = arith.constant 0 : index
      %get3A_4514 = vector.load %arg1[%get3A_4512, %get3A_4513] : memref<10240x128xf32, #tpu.memory_space<vmem>>, vector<16x128xf32>
      %mul3A_4515 = arith.constant 16 : i32
      %mul3A_4516 = arith.muli %scan3A_4509, %mul3A_4515 : i32
      %get3A_4517 = arith.index_cast %mul3A_4516 : i32 to index
      %get3A_4518 = arith.constant 0 : index
      %get3A_4519 = vector.load %arg2[%get3A_4517, %get3A_4518] : memref<10240x128xf32, #tpu.memory_space<vmem>>, vector<16x128xf32>
      %max3A_4520 = arith.constant -9.210240e+00 : f32
      %max3A_4521 = vector.broadcast %max3A_4520 : f32 to vector<16x128xf32>
      %max3A_4522 = arith.maximumf %get3A_4514, %max3A_4521 : vector<16x128xf32>
      %min3A_4523 = arith.constant 9.210240e+00 : f32
      %min3A_4524 = vector.broadcast %min3A_4523 : f32 to vector<16x128xf32>
      %min3A_4525 = arith.minimumf %max3A_4522, %min3A_4524 : vector<16x128xf32>
      %neg3A_4526 = arith.constant 0.000000e+00 : f32
      %neg3A_4527 = vector.broadcast %neg3A_4526 : f32 to vector<16x128xf32>
      %neg3A_4528 = arith.subf %neg3A_4527, %min3A_4525 : vector<16x128xf32>
      %exp3A_4529 = math.exp %neg3A_4528 : vector<16x128xf32>
      %add3A_4530 = arith.constant 1.000000e+00 : f32
      %add3A_4531 = vector.broadcast %add3A_4530 : f32 to vector<16x128xf32>
      %add3A_4532 = arith.addf %exp3A_4529, %add3A_4531 : vector<16x128xf32>
      %log3A_4533 = math.log %add3A_4532 : vector<16x128xf32>
      %mul3A_4534 = arith.mulf %add3A_4532, %add3A_4532 : vector<16x128xf32>
      %div3A_4535 = arith.constant 1.000000e+00 : f32
      %div3A_4536 = vector.broadcast %div3A_4535 : f32 to vector<16x128xf32>
      %div3A_4537 = arith.divf %div3A_4536, %mul3A_4534 : vector<16x128xf32>
      %eq3A_4538 = arith.constant 1.000000e+00 : f32
      %eq3A_4539 = vector.broadcast %eq3A_4538 : f32 to vector<16x128xf32>
      %eq3A_4540 = arith.cmpf oeq, %get3A_4519, %eq3A_4539 : vector<16x128xf32>
      %sub3A_4541 = arith.constant 1.000000e+00 : f32
      %sub3A_4542 = vector.broadcast %sub3A_4541 : f32 to vector<16x128xf32>
      %sub3A_4543 = arith.subf %sub3A_4542, %get3A_4519 : vector<16x128xf32>
      %mul3A_4544 = arith.mulf %sub3A_4543, %sub3A_4543 : vector<16x128xf32>
      %mul3A_4545 = arith.mulf %exp3A_4529, %exp3A_4529 : vector<16x128xf32>
      %mul3A_4546 = arith.mulf %log3A_4533, %mul3A_4545 : vector<16x128xf32>
      %add3A_4547 = arith.addf %log3A_4533, %min3A_4525 : vector<16x128xf32>
      %mul3A_4548 = arith.mulf %mul3A_4544, %mul3A_4544 : vector<16x128xf32>
      %mul3A_4549 = arith.mulf %add3A_4547, %mul3A_4548 : vector<16x128xf32>
      %select_n3A_4550 = arith.select %eq3A_4540, %mul3A_4546, %mul3A_4549 : vector<16x128xi1>, vector<16x128xf32>
      %mul3A_4551 = arith.mulf %select_n3A_4550, %div3A_4537 : vector<16x128xf32>
      %add3A_4552 = arith.addf %add3A_4501, %mul3A_4551 : vector<16x128xf32>
      %jit3A_4553 = arith.constant 1.000000e+00 : f32
      %jit3A_4554 = arith.constant 0.000000e+00 : f32
      %broadcast_in_dim3A_4555 = vector.broadcast %jit3A_4553 : f32 to vector<16x128xf32>
      %broadcast_in_dim3A_4556 = vector.broadcast %jit3A_4554 : f32 to vector<16x128xf32>
      %select_n3A_4557 = arith.select %eq3A_4540, %broadcast_in_dim3A_4555, %broadcast_in_dim3A_4556 : vector<16x128xi1>, vector<16x128xf32>
      %add3A_4558 = arith.addf %add3A_4507, %select_n3A_4557 : vector<16x128xf32>
      %scan3A_4559 = arith.constant 89 : i32
      %scan3A_4560 = arith.addi %scan3A_29, %scan3A_4559 : i32
      %mul3A_4561 = arith.constant 16 : i32
      %mul3A_4562 = arith.muli %scan3A_4560, %mul3A_4561 : i32
      %get3A_4563 = arith.index_cast %mul3A_4562 : i32 to index
      %get3A_4564 = arith.constant 0 : index
      %get3A_4565 = vector.load %arg1[%get3A_4563, %get3A_4564] : memref<10240x128xf32, #tpu.memory_space<vmem>>, vector<16x128xf32>
      %mul3A_4566 = arith.constant 16 : i32
      %mul3A_4567 = arith.muli %scan3A_4560, %mul3A_4566 : i32
      %get3A_4568 = arith.index_cast %mul3A_4567 : i32 to index
      %get3A_4569 = arith.constant 0 : index
      %get3A_4570 = vector.load %arg2[%get3A_4568, %get3A_4569] : memref<10240x128xf32, #tpu.memory_space<vmem>>, vector<16x128xf32>
      %max3A_4571 = arith.constant -9.210240e+00 : f32
      %max3A_4572 = vector.broadcast %max3A_4571 : f32 to vector<16x128xf32>
      %max3A_4573 = arith.maximumf %get3A_4565, %max3A_4572 : vector<16x128xf32>
      %min3A_4574 = arith.constant 9.210240e+00 : f32
      %min3A_4575 = vector.broadcast %min3A_4574 : f32 to vector<16x128xf32>
      %min3A_4576 = arith.minimumf %max3A_4573, %min3A_4575 : vector<16x128xf32>
      %neg3A_4577 = arith.constant 0.000000e+00 : f32
      %neg3A_4578 = vector.broadcast %neg3A_4577 : f32 to vector<16x128xf32>
      %neg3A_4579 = arith.subf %neg3A_4578, %min3A_4576 : vector<16x128xf32>
      %exp3A_4580 = math.exp %neg3A_4579 : vector<16x128xf32>
      %add3A_4581 = arith.constant 1.000000e+00 : f32
      %add3A_4582 = vector.broadcast %add3A_4581 : f32 to vector<16x128xf32>
      %add3A_4583 = arith.addf %exp3A_4580, %add3A_4582 : vector<16x128xf32>
      %log3A_4584 = math.log %add3A_4583 : vector<16x128xf32>
      %mul3A_4585 = arith.mulf %add3A_4583, %add3A_4583 : vector<16x128xf32>
      %div3A_4586 = arith.constant 1.000000e+00 : f32
      %div3A_4587 = vector.broadcast %div3A_4586 : f32 to vector<16x128xf32>
      %div3A_4588 = arith.divf %div3A_4587, %mul3A_4585 : vector<16x128xf32>
      %eq3A_4589 = arith.constant 1.000000e+00 : f32
      %eq3A_4590 = vector.broadcast %eq3A_4589 : f32 to vector<16x128xf32>
      %eq3A_4591 = arith.cmpf oeq, %get3A_4570, %eq3A_4590 : vector<16x128xf32>
      %sub3A_4592 = arith.constant 1.000000e+00 : f32
      %sub3A_4593 = vector.broadcast %sub3A_4592 : f32 to vector<16x128xf32>
      %sub3A_4594 = arith.subf %sub3A_4593, %get3A_4570 : vector<16x128xf32>
      %mul3A_4595 = arith.mulf %sub3A_4594, %sub3A_4594 : vector<16x128xf32>
      %mul3A_4596 = arith.mulf %exp3A_4580, %exp3A_4580 : vector<16x128xf32>
      %mul3A_4597 = arith.mulf %log3A_4584, %mul3A_4596 : vector<16x128xf32>
      %add3A_4598 = arith.addf %log3A_4584, %min3A_4576 : vector<16x128xf32>
      %mul3A_4599 = arith.mulf %mul3A_4595, %mul3A_4595 : vector<16x128xf32>
      %mul3A_4600 = arith.mulf %add3A_4598, %mul3A_4599 : vector<16x128xf32>
      %select_n3A_4601 = arith.select %eq3A_4591, %mul3A_4597, %mul3A_4600 : vector<16x128xi1>, vector<16x128xf32>
      %mul3A_4602 = arith.mulf %select_n3A_4601, %div3A_4588 : vector<16x128xf32>
      %add3A_4603 = arith.addf %add3A_4552, %mul3A_4602 : vector<16x128xf32>
      %jit3A_4604 = arith.constant 1.000000e+00 : f32
      %jit3A_4605 = arith.constant 0.000000e+00 : f32
      %broadcast_in_dim3A_4606 = vector.broadcast %jit3A_4604 : f32 to vector<16x128xf32>
      %broadcast_in_dim3A_4607 = vector.broadcast %jit3A_4605 : f32 to vector<16x128xf32>
      %select_n3A_4608 = arith.select %eq3A_4591, %broadcast_in_dim3A_4606, %broadcast_in_dim3A_4607 : vector<16x128xi1>, vector<16x128xf32>
      %add3A_4609 = arith.addf %add3A_4558, %select_n3A_4608 : vector<16x128xf32>
      %scan3A_4610 = arith.constant 90 : i32
      %scan3A_4611 = arith.addi %scan3A_29, %scan3A_4610 : i32
      %mul3A_4612 = arith.constant 16 : i32
      %mul3A_4613 = arith.muli %scan3A_4611, %mul3A_4612 : i32
      %get3A_4614 = arith.index_cast %mul3A_4613 : i32 to index
      %get3A_4615 = arith.constant 0 : index
      %get3A_4616 = vector.load %arg1[%get3A_4614, %get3A_4615] : memref<10240x128xf32, #tpu.memory_space<vmem>>, vector<16x128xf32>
      %mul3A_4617 = arith.constant 16 : i32
      %mul3A_4618 = arith.muli %scan3A_4611, %mul3A_4617 : i32
      %get3A_4619 = arith.index_cast %mul3A_4618 : i32 to index
      %get3A_4620 = arith.constant 0 : index
      %get3A_4621 = vector.load %arg2[%get3A_4619, %get3A_4620] : memref<10240x128xf32, #tpu.memory_space<vmem>>, vector<16x128xf32>
      %max3A_4622 = arith.constant -9.210240e+00 : f32
      %max3A_4623 = vector.broadcast %max3A_4622 : f32 to vector<16x128xf32>
      %max3A_4624 = arith.maximumf %get3A_4616, %max3A_4623 : vector<16x128xf32>
      %min3A_4625 = arith.constant 9.210240e+00 : f32
      %min3A_4626 = vector.broadcast %min3A_4625 : f32 to vector<16x128xf32>
      %min3A_4627 = arith.minimumf %max3A_4624, %min3A_4626 : vector<16x128xf32>
      %neg3A_4628 = arith.constant 0.000000e+00 : f32
      %neg3A_4629 = vector.broadcast %neg3A_4628 : f32 to vector<16x128xf32>
      %neg3A_4630 = arith.subf %neg3A_4629, %min3A_4627 : vector<16x128xf32>
      %exp3A_4631 = math.exp %neg3A_4630 : vector<16x128xf32>
      %add3A_4632 = arith.constant 1.000000e+00 : f32
      %add3A_4633 = vector.broadcast %add3A_4632 : f32 to vector<16x128xf32>
      %add3A_4634 = arith.addf %exp3A_4631, %add3A_4633 : vector<16x128xf32>
      %log3A_4635 = math.log %add3A_4634 : vector<16x128xf32>
      %mul3A_4636 = arith.mulf %add3A_4634, %add3A_4634 : vector<16x128xf32>
      %div3A_4637 = arith.constant 1.000000e+00 : f32
      %div3A_4638 = vector.broadcast %div3A_4637 : f32 to vector<16x128xf32>
      %div3A_4639 = arith.divf %div3A_4638, %mul3A_4636 : vector<16x128xf32>
      %eq3A_4640 = arith.constant 1.000000e+00 : f32
      %eq3A_4641 = vector.broadcast %eq3A_4640 : f32 to vector<16x128xf32>
      %eq3A_4642 = arith.cmpf oeq, %get3A_4621, %eq3A_4641 : vector<16x128xf32>
      %sub3A_4643 = arith.constant 1.000000e+00 : f32
      %sub3A_4644 = vector.broadcast %sub3A_4643 : f32 to vector<16x128xf32>
      %sub3A_4645 = arith.subf %sub3A_4644, %get3A_4621 : vector<16x128xf32>
      %mul3A_4646 = arith.mulf %sub3A_4645, %sub3A_4645 : vector<16x128xf32>
      %mul3A_4647 = arith.mulf %exp3A_4631, %exp3A_4631 : vector<16x128xf32>
      %mul3A_4648 = arith.mulf %log3A_4635, %mul3A_4647 : vector<16x128xf32>
      %add3A_4649 = arith.addf %log3A_4635, %min3A_4627 : vector<16x128xf32>
      %mul3A_4650 = arith.mulf %mul3A_4646, %mul3A_4646 : vector<16x128xf32>
      %mul3A_4651 = arith.mulf %add3A_4649, %mul3A_4650 : vector<16x128xf32>
      %select_n3A_4652 = arith.select %eq3A_4642, %mul3A_4648, %mul3A_4651 : vector<16x128xi1>, vector<16x128xf32>
      %mul3A_4653 = arith.mulf %select_n3A_4652, %div3A_4639 : vector<16x128xf32>
      %add3A_4654 = arith.addf %add3A_4603, %mul3A_4653 : vector<16x128xf32>
      %jit3A_4655 = arith.constant 1.000000e+00 : f32
      %jit3A_4656 = arith.constant 0.000000e+00 : f32
      %broadcast_in_dim3A_4657 = vector.broadcast %jit3A_4655 : f32 to vector<16x128xf32>
      %broadcast_in_dim3A_4658 = vector.broadcast %jit3A_4656 : f32 to vector<16x128xf32>
      %select_n3A_4659 = arith.select %eq3A_4642, %broadcast_in_dim3A_4657, %broadcast_in_dim3A_4658 : vector<16x128xi1>, vector<16x128xf32>
      %add3A_4660 = arith.addf %add3A_4609, %select_n3A_4659 : vector<16x128xf32>
      %scan3A_4661 = arith.constant 91 : i32
      %scan3A_4662 = arith.addi %scan3A_29, %scan3A_4661 : i32
      %mul3A_4663 = arith.constant 16 : i32
      %mul3A_4664 = arith.muli %scan3A_4662, %mul3A_4663 : i32
      %get3A_4665 = arith.index_cast %mul3A_4664 : i32 to index
      %get3A_4666 = arith.constant 0 : index
      %get3A_4667 = vector.load %arg1[%get3A_4665, %get3A_4666] : memref<10240x128xf32, #tpu.memory_space<vmem>>, vector<16x128xf32>
      %mul3A_4668 = arith.constant 16 : i32
      %mul3A_4669 = arith.muli %scan3A_4662, %mul3A_4668 : i32
      %get3A_4670 = arith.index_cast %mul3A_4669 : i32 to index
      %get3A_4671 = arith.constant 0 : index
      %get3A_4672 = vector.load %arg2[%get3A_4670, %get3A_4671] : memref<10240x128xf32, #tpu.memory_space<vmem>>, vector<16x128xf32>
      %max3A_4673 = arith.constant -9.210240e+00 : f32
      %max3A_4674 = vector.broadcast %max3A_4673 : f32 to vector<16x128xf32>
      %max3A_4675 = arith.maximumf %get3A_4667, %max3A_4674 : vector<16x128xf32>
      %min3A_4676 = arith.constant 9.210240e+00 : f32
      %min3A_4677 = vector.broadcast %min3A_4676 : f32 to vector<16x128xf32>
      %min3A_4678 = arith.minimumf %max3A_4675, %min3A_4677 : vector<16x128xf32>
      %neg3A_4679 = arith.constant 0.000000e+00 : f32
      %neg3A_4680 = vector.broadcast %neg3A_4679 : f32 to vector<16x128xf32>
      %neg3A_4681 = arith.subf %neg3A_4680, %min3A_4678 : vector<16x128xf32>
      %exp3A_4682 = math.exp %neg3A_4681 : vector<16x128xf32>
      %add3A_4683 = arith.constant 1.000000e+00 : f32
      %add3A_4684 = vector.broadcast %add3A_4683 : f32 to vector<16x128xf32>
      %add3A_4685 = arith.addf %exp3A_4682, %add3A_4684 : vector<16x128xf32>
      %log3A_4686 = math.log %add3A_4685 : vector<16x128xf32>
      %mul3A_4687 = arith.mulf %add3A_4685, %add3A_4685 : vector<16x128xf32>
      %div3A_4688 = arith.constant 1.000000e+00 : f32
      %div3A_4689 = vector.broadcast %div3A_4688 : f32 to vector<16x128xf32>
      %div3A_4690 = arith.divf %div3A_4689, %mul3A_4687 : vector<16x128xf32>
      %eq3A_4691 = arith.constant 1.000000e+00 : f32
      %eq3A_4692 = vector.broadcast %eq3A_4691 : f32 to vector<16x128xf32>
      %eq3A_4693 = arith.cmpf oeq, %get3A_4672, %eq3A_4692 : vector<16x128xf32>
      %sub3A_4694 = arith.constant 1.000000e+00 : f32
      %sub3A_4695 = vector.broadcast %sub3A_4694 : f32 to vector<16x128xf32>
      %sub3A_4696 = arith.subf %sub3A_4695, %get3A_4672 : vector<16x128xf32>
      %mul3A_4697 = arith.mulf %sub3A_4696, %sub3A_4696 : vector<16x128xf32>
      %mul3A_4698 = arith.mulf %exp3A_4682, %exp3A_4682 : vector<16x128xf32>
      %mul3A_4699 = arith.mulf %log3A_4686, %mul3A_4698 : vector<16x128xf32>
      %add3A_4700 = arith.addf %log3A_4686, %min3A_4678 : vector<16x128xf32>
      %mul3A_4701 = arith.mulf %mul3A_4697, %mul3A_4697 : vector<16x128xf32>
      %mul3A_4702 = arith.mulf %add3A_4700, %mul3A_4701 : vector<16x128xf32>
      %select_n3A_4703 = arith.select %eq3A_4693, %mul3A_4699, %mul3A_4702 : vector<16x128xi1>, vector<16x128xf32>
      %mul3A_4704 = arith.mulf %select_n3A_4703, %div3A_4690 : vector<16x128xf32>
      %add3A_4705 = arith.addf %add3A_4654, %mul3A_4704 : vector<16x128xf32>
      %jit3A_4706 = arith.constant 1.000000e+00 : f32
      %jit3A_4707 = arith.constant 0.000000e+00 : f32
      %broadcast_in_dim3A_4708 = vector.broadcast %jit3A_4706 : f32 to vector<16x128xf32>
      %broadcast_in_dim3A_4709 = vector.broadcast %jit3A_4707 : f32 to vector<16x128xf32>
      %select_n3A_4710 = arith.select %eq3A_4693, %broadcast_in_dim3A_4708, %broadcast_in_dim3A_4709 : vector<16x128xi1>, vector<16x128xf32>
      %add3A_4711 = arith.addf %add3A_4660, %select_n3A_4710 : vector<16x128xf32>
      %scan3A_4712 = arith.constant 92 : i32
      %scan3A_4713 = arith.addi %scan3A_29, %scan3A_4712 : i32
      %mul3A_4714 = arith.constant 16 : i32
      %mul3A_4715 = arith.muli %scan3A_4713, %mul3A_4714 : i32
      %get3A_4716 = arith.index_cast %mul3A_4715 : i32 to index
      %get3A_4717 = arith.constant 0 : index
      %get3A_4718 = vector.load %arg1[%get3A_4716, %get3A_4717] : memref<10240x128xf32, #tpu.memory_space<vmem>>, vector<16x128xf32>
      %mul3A_4719 = arith.constant 16 : i32
      %mul3A_4720 = arith.muli %scan3A_4713, %mul3A_4719 : i32
      %get3A_4721 = arith.index_cast %mul3A_4720 : i32 to index
      %get3A_4722 = arith.constant 0 : index
      %get3A_4723 = vector.load %arg2[%get3A_4721, %get3A_4722] : memref<10240x128xf32, #tpu.memory_space<vmem>>, vector<16x128xf32>
      %max3A_4724 = arith.constant -9.210240e+00 : f32
      %max3A_4725 = vector.broadcast %max3A_4724 : f32 to vector<16x128xf32>
      %max3A_4726 = arith.maximumf %get3A_4718, %max3A_4725 : vector<16x128xf32>
      %min3A_4727 = arith.constant 9.210240e+00 : f32
      %min3A_4728 = vector.broadcast %min3A_4727 : f32 to vector<16x128xf32>
      %min3A_4729 = arith.minimumf %max3A_4726, %min3A_4728 : vector<16x128xf32>
      %neg3A_4730 = arith.constant 0.000000e+00 : f32
      %neg3A_4731 = vector.broadcast %neg3A_4730 : f32 to vector<16x128xf32>
      %neg3A_4732 = arith.subf %neg3A_4731, %min3A_4729 : vector<16x128xf32>
      %exp3A_4733 = math.exp %neg3A_4732 : vector<16x128xf32>
      %add3A_4734 = arith.constant 1.000000e+00 : f32
      %add3A_4735 = vector.broadcast %add3A_4734 : f32 to vector<16x128xf32>
      %add3A_4736 = arith.addf %exp3A_4733, %add3A_4735 : vector<16x128xf32>
      %log3A_4737 = math.log %add3A_4736 : vector<16x128xf32>
      %mul3A_4738 = arith.mulf %add3A_4736, %add3A_4736 : vector<16x128xf32>
      %div3A_4739 = arith.constant 1.000000e+00 : f32
      %div3A_4740 = vector.broadcast %div3A_4739 : f32 to vector<16x128xf32>
      %div3A_4741 = arith.divf %div3A_4740, %mul3A_4738 : vector<16x128xf32>
      %eq3A_4742 = arith.constant 1.000000e+00 : f32
      %eq3A_4743 = vector.broadcast %eq3A_4742 : f32 to vector<16x128xf32>
      %eq3A_4744 = arith.cmpf oeq, %get3A_4723, %eq3A_4743 : vector<16x128xf32>
      %sub3A_4745 = arith.constant 1.000000e+00 : f32
      %sub3A_4746 = vector.broadcast %sub3A_4745 : f32 to vector<16x128xf32>
      %sub3A_4747 = arith.subf %sub3A_4746, %get3A_4723 : vector<16x128xf32>
      %mul3A_4748 = arith.mulf %sub3A_4747, %sub3A_4747 : vector<16x128xf32>
      %mul3A_4749 = arith.mulf %exp3A_4733, %exp3A_4733 : vector<16x128xf32>
      %mul3A_4750 = arith.mulf %log3A_4737, %mul3A_4749 : vector<16x128xf32>
      %add3A_4751 = arith.addf %log3A_4737, %min3A_4729 : vector<16x128xf32>
      %mul3A_4752 = arith.mulf %mul3A_4748, %mul3A_4748 : vector<16x128xf32>
      %mul3A_4753 = arith.mulf %add3A_4751, %mul3A_4752 : vector<16x128xf32>
      %select_n3A_4754 = arith.select %eq3A_4744, %mul3A_4750, %mul3A_4753 : vector<16x128xi1>, vector<16x128xf32>
      %mul3A_4755 = arith.mulf %select_n3A_4754, %div3A_4741 : vector<16x128xf32>
      %add3A_4756 = arith.addf %add3A_4705, %mul3A_4755 : vector<16x128xf32>
      %jit3A_4757 = arith.constant 1.000000e+00 : f32
      %jit3A_4758 = arith.constant 0.000000e+00 : f32
      %broadcast_in_dim3A_4759 = vector.broadcast %jit3A_4757 : f32 to vector<16x128xf32>
      %broadcast_in_dim3A_4760 = vector.broadcast %jit3A_4758 : f32 to vector<16x128xf32>
      %select_n3A_4761 = arith.select %eq3A_4744, %broadcast_in_dim3A_4759, %broadcast_in_dim3A_4760 : vector<16x128xi1>, vector<16x128xf32>
      %add3A_4762 = arith.addf %add3A_4711, %select_n3A_4761 : vector<16x128xf32>
      %scan3A_4763 = arith.constant 93 : i32
      %scan3A_4764 = arith.addi %scan3A_29, %scan3A_4763 : i32
      %mul3A_4765 = arith.constant 16 : i32
      %mul3A_4766 = arith.muli %scan3A_4764, %mul3A_4765 : i32
      %get3A_4767 = arith.index_cast %mul3A_4766 : i32 to index
      %get3A_4768 = arith.constant 0 : index
      %get3A_4769 = vector.load %arg1[%get3A_4767, %get3A_4768] : memref<10240x128xf32, #tpu.memory_space<vmem>>, vector<16x128xf32>
      %mul3A_4770 = arith.constant 16 : i32
      %mul3A_4771 = arith.muli %scan3A_4764, %mul3A_4770 : i32
      %get3A_4772 = arith.index_cast %mul3A_4771 : i32 to index
      %get3A_4773 = arith.constant 0 : index
      %get3A_4774 = vector.load %arg2[%get3A_4772, %get3A_4773] : memref<10240x128xf32, #tpu.memory_space<vmem>>, vector<16x128xf32>
      %max3A_4775 = arith.constant -9.210240e+00 : f32
      %max3A_4776 = vector.broadcast %max3A_4775 : f32 to vector<16x128xf32>
      %max3A_4777 = arith.maximumf %get3A_4769, %max3A_4776 : vector<16x128xf32>
      %min3A_4778 = arith.constant 9.210240e+00 : f32
      %min3A_4779 = vector.broadcast %min3A_4778 : f32 to vector<16x128xf32>
      %min3A_4780 = arith.minimumf %max3A_4777, %min3A_4779 : vector<16x128xf32>
      %neg3A_4781 = arith.constant 0.000000e+00 : f32
      %neg3A_4782 = vector.broadcast %neg3A_4781 : f32 to vector<16x128xf32>
      %neg3A_4783 = arith.subf %neg3A_4782, %min3A_4780 : vector<16x128xf32>
      %exp3A_4784 = math.exp %neg3A_4783 : vector<16x128xf32>
      %add3A_4785 = arith.constant 1.000000e+00 : f32
      %add3A_4786 = vector.broadcast %add3A_4785 : f32 to vector<16x128xf32>
      %add3A_4787 = arith.addf %exp3A_4784, %add3A_4786 : vector<16x128xf32>
      %log3A_4788 = math.log %add3A_4787 : vector<16x128xf32>
      %mul3A_4789 = arith.mulf %add3A_4787, %add3A_4787 : vector<16x128xf32>
      %div3A_4790 = arith.constant 1.000000e+00 : f32
      %div3A_4791 = vector.broadcast %div3A_4790 : f32 to vector<16x128xf32>
      %div3A_4792 = arith.divf %div3A_4791, %mul3A_4789 : vector<16x128xf32>
      %eq3A_4793 = arith.constant 1.000000e+00 : f32
      %eq3A_4794 = vector.broadcast %eq3A_4793 : f32 to vector<16x128xf32>
      %eq3A_4795 = arith.cmpf oeq, %get3A_4774, %eq3A_4794 : vector<16x128xf32>
      %sub3A_4796 = arith.constant 1.000000e+00 : f32
      %sub3A_4797 = vector.broadcast %sub3A_4796 : f32 to vector<16x128xf32>
      %sub3A_4798 = arith.subf %sub3A_4797, %get3A_4774 : vector<16x128xf32>
      %mul3A_4799 = arith.mulf %sub3A_4798, %sub3A_4798 : vector<16x128xf32>
      %mul3A_4800 = arith.mulf %exp3A_4784, %exp3A_4784 : vector<16x128xf32>
      %mul3A_4801 = arith.mulf %log3A_4788, %mul3A_4800 : vector<16x128xf32>
      %add3A_4802 = arith.addf %log3A_4788, %min3A_4780 : vector<16x128xf32>
      %mul3A_4803 = arith.mulf %mul3A_4799, %mul3A_4799 : vector<16x128xf32>
      %mul3A_4804 = arith.mulf %add3A_4802, %mul3A_4803 : vector<16x128xf32>
      %select_n3A_4805 = arith.select %eq3A_4795, %mul3A_4801, %mul3A_4804 : vector<16x128xi1>, vector<16x128xf32>
      %mul3A_4806 = arith.mulf %select_n3A_4805, %div3A_4792 : vector<16x128xf32>
      %add3A_4807 = arith.addf %add3A_4756, %mul3A_4806 : vector<16x128xf32>
      %jit3A_4808 = arith.constant 1.000000e+00 : f32
      %jit3A_4809 = arith.constant 0.000000e+00 : f32
      %broadcast_in_dim3A_4810 = vector.broadcast %jit3A_4808 : f32 to vector<16x128xf32>
      %broadcast_in_dim3A_4811 = vector.broadcast %jit3A_4809 : f32 to vector<16x128xf32>
      %select_n3A_4812 = arith.select %eq3A_4795, %broadcast_in_dim3A_4810, %broadcast_in_dim3A_4811 : vector<16x128xi1>, vector<16x128xf32>
      %add3A_4813 = arith.addf %add3A_4762, %select_n3A_4812 : vector<16x128xf32>
      %scan3A_4814 = arith.constant 94 : i32
      %scan3A_4815 = arith.addi %scan3A_29, %scan3A_4814 : i32
      %mul3A_4816 = arith.constant 16 : i32
      %mul3A_4817 = arith.muli %scan3A_4815, %mul3A_4816 : i32
      %get3A_4818 = arith.index_cast %mul3A_4817 : i32 to index
      %get3A_4819 = arith.constant 0 : index
      %get3A_4820 = vector.load %arg1[%get3A_4818, %get3A_4819] : memref<10240x128xf32, #tpu.memory_space<vmem>>, vector<16x128xf32>
      %mul3A_4821 = arith.constant 16 : i32
      %mul3A_4822 = arith.muli %scan3A_4815, %mul3A_4821 : i32
      %get3A_4823 = arith.index_cast %mul3A_4822 : i32 to index
      %get3A_4824 = arith.constant 0 : index
      %get3A_4825 = vector.load %arg2[%get3A_4823, %get3A_4824] : memref<10240x128xf32, #tpu.memory_space<vmem>>, vector<16x128xf32>
      %max3A_4826 = arith.constant -9.210240e+00 : f32
      %max3A_4827 = vector.broadcast %max3A_4826 : f32 to vector<16x128xf32>
      %max3A_4828 = arith.maximumf %get3A_4820, %max3A_4827 : vector<16x128xf32>
      %min3A_4829 = arith.constant 9.210240e+00 : f32
      %min3A_4830 = vector.broadcast %min3A_4829 : f32 to vector<16x128xf32>
      %min3A_4831 = arith.minimumf %max3A_4828, %min3A_4830 : vector<16x128xf32>
      %neg3A_4832 = arith.constant 0.000000e+00 : f32
      %neg3A_4833 = vector.broadcast %neg3A_4832 : f32 to vector<16x128xf32>
      %neg3A_4834 = arith.subf %neg3A_4833, %min3A_4831 : vector<16x128xf32>
      %exp3A_4835 = math.exp %neg3A_4834 : vector<16x128xf32>
      %add3A_4836 = arith.constant 1.000000e+00 : f32
      %add3A_4837 = vector.broadcast %add3A_4836 : f32 to vector<16x128xf32>
      %add3A_4838 = arith.addf %exp3A_4835, %add3A_4837 : vector<16x128xf32>
      %log3A_4839 = math.log %add3A_4838 : vector<16x128xf32>
      %mul3A_4840 = arith.mulf %add3A_4838, %add3A_4838 : vector<16x128xf32>
      %div3A_4841 = arith.constant 1.000000e+00 : f32
      %div3A_4842 = vector.broadcast %div3A_4841 : f32 to vector<16x128xf32>
      %div3A_4843 = arith.divf %div3A_4842, %mul3A_4840 : vector<16x128xf32>
      %eq3A_4844 = arith.constant 1.000000e+00 : f32
      %eq3A_4845 = vector.broadcast %eq3A_4844 : f32 to vector<16x128xf32>
      %eq3A_4846 = arith.cmpf oeq, %get3A_4825, %eq3A_4845 : vector<16x128xf32>
      %sub3A_4847 = arith.constant 1.000000e+00 : f32
      %sub3A_4848 = vector.broadcast %sub3A_4847 : f32 to vector<16x128xf32>
      %sub3A_4849 = arith.subf %sub3A_4848, %get3A_4825 : vector<16x128xf32>
      %mul3A_4850 = arith.mulf %sub3A_4849, %sub3A_4849 : vector<16x128xf32>
      %mul3A_4851 = arith.mulf %exp3A_4835, %exp3A_4835 : vector<16x128xf32>
      %mul3A_4852 = arith.mulf %log3A_4839, %mul3A_4851 : vector<16x128xf32>
      %add3A_4853 = arith.addf %log3A_4839, %min3A_4831 : vector<16x128xf32>
      %mul3A_4854 = arith.mulf %mul3A_4850, %mul3A_4850 : vector<16x128xf32>
      %mul3A_4855 = arith.mulf %add3A_4853, %mul3A_4854 : vector<16x128xf32>
      %select_n3A_4856 = arith.select %eq3A_4846, %mul3A_4852, %mul3A_4855 : vector<16x128xi1>, vector<16x128xf32>
      %mul3A_4857 = arith.mulf %select_n3A_4856, %div3A_4843 : vector<16x128xf32>
      %add3A_4858 = arith.addf %add3A_4807, %mul3A_4857 : vector<16x128xf32>
      %jit3A_4859 = arith.constant 1.000000e+00 : f32
      %jit3A_4860 = arith.constant 0.000000e+00 : f32
      %broadcast_in_dim3A_4861 = vector.broadcast %jit3A_4859 : f32 to vector<16x128xf32>
      %broadcast_in_dim3A_4862 = vector.broadcast %jit3A_4860 : f32 to vector<16x128xf32>
      %select_n3A_4863 = arith.select %eq3A_4846, %broadcast_in_dim3A_4861, %broadcast_in_dim3A_4862 : vector<16x128xi1>, vector<16x128xf32>
      %add3A_4864 = arith.addf %add3A_4813, %select_n3A_4863 : vector<16x128xf32>
      %scan3A_4865 = arith.constant 95 : i32
      %scan3A_4866 = arith.addi %scan3A_29, %scan3A_4865 : i32
      %mul3A_4867 = arith.constant 16 : i32
      %mul3A_4868 = arith.muli %scan3A_4866, %mul3A_4867 : i32
      %get3A_4869 = arith.index_cast %mul3A_4868 : i32 to index
      %get3A_4870 = arith.constant 0 : index
      %get3A_4871 = vector.load %arg1[%get3A_4869, %get3A_4870] : memref<10240x128xf32, #tpu.memory_space<vmem>>, vector<16x128xf32>
      %mul3A_4872 = arith.constant 16 : i32
      %mul3A_4873 = arith.muli %scan3A_4866, %mul3A_4872 : i32
      %get3A_4874 = arith.index_cast %mul3A_4873 : i32 to index
      %get3A_4875 = arith.constant 0 : index
      %get3A_4876 = vector.load %arg2[%get3A_4874, %get3A_4875] : memref<10240x128xf32, #tpu.memory_space<vmem>>, vector<16x128xf32>
      %max3A_4877 = arith.constant -9.210240e+00 : f32
      %max3A_4878 = vector.broadcast %max3A_4877 : f32 to vector<16x128xf32>
      %max3A_4879 = arith.maximumf %get3A_4871, %max3A_4878 : vector<16x128xf32>
      %min3A_4880 = arith.constant 9.210240e+00 : f32
      %min3A_4881 = vector.broadcast %min3A_4880 : f32 to vector<16x128xf32>
      %min3A_4882 = arith.minimumf %max3A_4879, %min3A_4881 : vector<16x128xf32>
      %neg3A_4883 = arith.constant 0.000000e+00 : f32
      %neg3A_4884 = vector.broadcast %neg3A_4883 : f32 to vector<16x128xf32>
      %neg3A_4885 = arith.subf %neg3A_4884, %min3A_4882 : vector<16x128xf32>
      %exp3A_4886 = math.exp %neg3A_4885 : vector<16x128xf32>
      %add3A_4887 = arith.constant 1.000000e+00 : f32
      %add3A_4888 = vector.broadcast %add3A_4887 : f32 to vector<16x128xf32>
      %add3A_4889 = arith.addf %exp3A_4886, %add3A_4888 : vector<16x128xf32>
      %log3A_4890 = math.log %add3A_4889 : vector<16x128xf32>
      %mul3A_4891 = arith.mulf %add3A_4889, %add3A_4889 : vector<16x128xf32>
      %div3A_4892 = arith.constant 1.000000e+00 : f32
      %div3A_4893 = vector.broadcast %div3A_4892 : f32 to vector<16x128xf32>
      %div3A_4894 = arith.divf %div3A_4893, %mul3A_4891 : vector<16x128xf32>
      %eq3A_4895 = arith.constant 1.000000e+00 : f32
      %eq3A_4896 = vector.broadcast %eq3A_4895 : f32 to vector<16x128xf32>
      %eq3A_4897 = arith.cmpf oeq, %get3A_4876, %eq3A_4896 : vector<16x128xf32>
      %sub3A_4898 = arith.constant 1.000000e+00 : f32
      %sub3A_4899 = vector.broadcast %sub3A_4898 : f32 to vector<16x128xf32>
      %sub3A_4900 = arith.subf %sub3A_4899, %get3A_4876 : vector<16x128xf32>
      %mul3A_4901 = arith.mulf %sub3A_4900, %sub3A_4900 : vector<16x128xf32>
      %mul3A_4902 = arith.mulf %exp3A_4886, %exp3A_4886 : vector<16x128xf32>
      %mul3A_4903 = arith.mulf %log3A_4890, %mul3A_4902 : vector<16x128xf32>
      %add3A_4904 = arith.addf %log3A_4890, %min3A_4882 : vector<16x128xf32>
      %mul3A_4905 = arith.mulf %mul3A_4901, %mul3A_4901 : vector<16x128xf32>
      %mul3A_4906 = arith.mulf %add3A_4904, %mul3A_4905 : vector<16x128xf32>
      %select_n3A_4907 = arith.select %eq3A_4897, %mul3A_4903, %mul3A_4906 : vector<16x128xi1>, vector<16x128xf32>
      %mul3A_4908 = arith.mulf %select_n3A_4907, %div3A_4894 : vector<16x128xf32>
      %add3A_4909 = arith.addf %add3A_4858, %mul3A_4908 : vector<16x128xf32>
      %jit3A_4910 = arith.constant 1.000000e+00 : f32
      %jit3A_4911 = arith.constant 0.000000e+00 : f32
      %broadcast_in_dim3A_4912 = vector.broadcast %jit3A_4910 : f32 to vector<16x128xf32>
      %broadcast_in_dim3A_4913 = vector.broadcast %jit3A_4911 : f32 to vector<16x128xf32>
      %select_n3A_4914 = arith.select %eq3A_4897, %broadcast_in_dim3A_4912, %broadcast_in_dim3A_4913 : vector<16x128xi1>, vector<16x128xf32>
      %add3A_4915 = arith.addf %add3A_4864, %select_n3A_4914 : vector<16x128xf32>
      %scan3A_4916 = arith.constant 96 : i32
      %scan3A_4917 = arith.addi %scan3A_29, %scan3A_4916 : i32
      %mul3A_4918 = arith.constant 16 : i32
      %mul3A_4919 = arith.muli %scan3A_4917, %mul3A_4918 : i32
      %get3A_4920 = arith.index_cast %mul3A_4919 : i32 to index
      %get3A_4921 = arith.constant 0 : index
      %get3A_4922 = vector.load %arg1[%get3A_4920, %get3A_4921] : memref<10240x128xf32, #tpu.memory_space<vmem>>, vector<16x128xf32>
      %mul3A_4923 = arith.constant 16 : i32
      %mul3A_4924 = arith.muli %scan3A_4917, %mul3A_4923 : i32
      %get3A_4925 = arith.index_cast %mul3A_4924 : i32 to index
      %get3A_4926 = arith.constant 0 : index
      %get3A_4927 = vector.load %arg2[%get3A_4925, %get3A_4926] : memref<10240x128xf32, #tpu.memory_space<vmem>>, vector<16x128xf32>
      %max3A_4928 = arith.constant -9.210240e+00 : f32
      %max3A_4929 = vector.broadcast %max3A_4928 : f32 to vector<16x128xf32>
      %max3A_4930 = arith.maximumf %get3A_4922, %max3A_4929 : vector<16x128xf32>
      %min3A_4931 = arith.constant 9.210240e+00 : f32
      %min3A_4932 = vector.broadcast %min3A_4931 : f32 to vector<16x128xf32>
      %min3A_4933 = arith.minimumf %max3A_4930, %min3A_4932 : vector<16x128xf32>
      %neg3A_4934 = arith.constant 0.000000e+00 : f32
      %neg3A_4935 = vector.broadcast %neg3A_4934 : f32 to vector<16x128xf32>
      %neg3A_4936 = arith.subf %neg3A_4935, %min3A_4933 : vector<16x128xf32>
      %exp3A_4937 = math.exp %neg3A_4936 : vector<16x128xf32>
      %add3A_4938 = arith.constant 1.000000e+00 : f32
      %add3A_4939 = vector.broadcast %add3A_4938 : f32 to vector<16x128xf32>
      %add3A_4940 = arith.addf %exp3A_4937, %add3A_4939 : vector<16x128xf32>
      %log3A_4941 = math.log %add3A_4940 : vector<16x128xf32>
      %mul3A_4942 = arith.mulf %add3A_4940, %add3A_4940 : vector<16x128xf32>
      %div3A_4943 = arith.constant 1.000000e+00 : f32
      %div3A_4944 = vector.broadcast %div3A_4943 : f32 to vector<16x128xf32>
      %div3A_4945 = arith.divf %div3A_4944, %mul3A_4942 : vector<16x128xf32>
      %eq3A_4946 = arith.constant 1.000000e+00 : f32
      %eq3A_4947 = vector.broadcast %eq3A_4946 : f32 to vector<16x128xf32>
      %eq3A_4948 = arith.cmpf oeq, %get3A_4927, %eq3A_4947 : vector<16x128xf32>
      %sub3A_4949 = arith.constant 1.000000e+00 : f32
      %sub3A_4950 = vector.broadcast %sub3A_4949 : f32 to vector<16x128xf32>
      %sub3A_4951 = arith.subf %sub3A_4950, %get3A_4927 : vector<16x128xf32>
      %mul3A_4952 = arith.mulf %sub3A_4951, %sub3A_4951 : vector<16x128xf32>
      %mul3A_4953 = arith.mulf %exp3A_4937, %exp3A_4937 : vector<16x128xf32>
      %mul3A_4954 = arith.mulf %log3A_4941, %mul3A_4953 : vector<16x128xf32>
      %add3A_4955 = arith.addf %log3A_4941, %min3A_4933 : vector<16x128xf32>
      %mul3A_4956 = arith.mulf %mul3A_4952, %mul3A_4952 : vector<16x128xf32>
      %mul3A_4957 = arith.mulf %add3A_4955, %mul3A_4956 : vector<16x128xf32>
      %select_n3A_4958 = arith.select %eq3A_4948, %mul3A_4954, %mul3A_4957 : vector<16x128xi1>, vector<16x128xf32>
      %mul3A_4959 = arith.mulf %select_n3A_4958, %div3A_4945 : vector<16x128xf32>
      %add3A_4960 = arith.addf %add3A_4909, %mul3A_4959 : vector<16x128xf32>
      %jit3A_4961 = arith.constant 1.000000e+00 : f32
      %jit3A_4962 = arith.constant 0.000000e+00 : f32
      %broadcast_in_dim3A_4963 = vector.broadcast %jit3A_4961 : f32 to vector<16x128xf32>
      %broadcast_in_dim3A_4964 = vector.broadcast %jit3A_4962 : f32 to vector<16x128xf32>
      %select_n3A_4965 = arith.select %eq3A_4948, %broadcast_in_dim3A_4963, %broadcast_in_dim3A_4964 : vector<16x128xi1>, vector<16x128xf32>
      %add3A_4966 = arith.addf %add3A_4915, %select_n3A_4965 : vector<16x128xf32>
      %scan3A_4967 = arith.constant 97 : i32
      %scan3A_4968 = arith.addi %scan3A_29, %scan3A_4967 : i32
      %mul3A_4969 = arith.constant 16 : i32
      %mul3A_4970 = arith.muli %scan3A_4968, %mul3A_4969 : i32
      %get3A_4971 = arith.index_cast %mul3A_4970 : i32 to index
      %get3A_4972 = arith.constant 0 : index
      %get3A_4973 = vector.load %arg1[%get3A_4971, %get3A_4972] : memref<10240x128xf32, #tpu.memory_space<vmem>>, vector<16x128xf32>
      %mul3A_4974 = arith.constant 16 : i32
      %mul3A_4975 = arith.muli %scan3A_4968, %mul3A_4974 : i32
      %get3A_4976 = arith.index_cast %mul3A_4975 : i32 to index
      %get3A_4977 = arith.constant 0 : index
      %get3A_4978 = vector.load %arg2[%get3A_4976, %get3A_4977] : memref<10240x128xf32, #tpu.memory_space<vmem>>, vector<16x128xf32>
      %max3A_4979 = arith.constant -9.210240e+00 : f32
      %max3A_4980 = vector.broadcast %max3A_4979 : f32 to vector<16x128xf32>
      %max3A_4981 = arith.maximumf %get3A_4973, %max3A_4980 : vector<16x128xf32>
      %min3A_4982 = arith.constant 9.210240e+00 : f32
      %min3A_4983 = vector.broadcast %min3A_4982 : f32 to vector<16x128xf32>
      %min3A_4984 = arith.minimumf %max3A_4981, %min3A_4983 : vector<16x128xf32>
      %neg3A_4985 = arith.constant 0.000000e+00 : f32
      %neg3A_4986 = vector.broadcast %neg3A_4985 : f32 to vector<16x128xf32>
      %neg3A_4987 = arith.subf %neg3A_4986, %min3A_4984 : vector<16x128xf32>
      %exp3A_4988 = math.exp %neg3A_4987 : vector<16x128xf32>
      %add3A_4989 = arith.constant 1.000000e+00 : f32
      %add3A_4990 = vector.broadcast %add3A_4989 : f32 to vector<16x128xf32>
      %add3A_4991 = arith.addf %exp3A_4988, %add3A_4990 : vector<16x128xf32>
      %log3A_4992 = math.log %add3A_4991 : vector<16x128xf32>
      %mul3A_4993 = arith.mulf %add3A_4991, %add3A_4991 : vector<16x128xf32>
      %div3A_4994 = arith.constant 1.000000e+00 : f32
      %div3A_4995 = vector.broadcast %div3A_4994 : f32 to vector<16x128xf32>
      %div3A_4996 = arith.divf %div3A_4995, %mul3A_4993 : vector<16x128xf32>
      %eq3A_4997 = arith.constant 1.000000e+00 : f32
      %eq3A_4998 = vector.broadcast %eq3A_4997 : f32 to vector<16x128xf32>
      %eq3A_4999 = arith.cmpf oeq, %get3A_4978, %eq3A_4998 : vector<16x128xf32>
      %sub3A_5000 = arith.constant 1.000000e+00 : f32
      %sub3A_5001 = vector.broadcast %sub3A_5000 : f32 to vector<16x128xf32>
      %sub3A_5002 = arith.subf %sub3A_5001, %get3A_4978 : vector<16x128xf32>
      %mul3A_5003 = arith.mulf %sub3A_5002, %sub3A_5002 : vector<16x128xf32>
      %mul3A_5004 = arith.mulf %exp3A_4988, %exp3A_4988 : vector<16x128xf32>
      %mul3A_5005 = arith.mulf %log3A_4992, %mul3A_5004 : vector<16x128xf32>
      %add3A_5006 = arith.addf %log3A_4992, %min3A_4984 : vector<16x128xf32>
      %mul3A_5007 = arith.mulf %mul3A_5003, %mul3A_5003 : vector<16x128xf32>
      %mul3A_5008 = arith.mulf %add3A_5006, %mul3A_5007 : vector<16x128xf32>
      %select_n3A_5009 = arith.select %eq3A_4999, %mul3A_5005, %mul3A_5008 : vector<16x128xi1>, vector<16x128xf32>
      %mul3A_5010 = arith.mulf %select_n3A_5009, %div3A_4996 : vector<16x128xf32>
      %add3A_5011 = arith.addf %add3A_4960, %mul3A_5010 : vector<16x128xf32>
      %jit3A_5012 = arith.constant 1.000000e+00 : f32
      %jit3A_5013 = arith.constant 0.000000e+00 : f32
      %broadcast_in_dim3A_5014 = vector.broadcast %jit3A_5012 : f32 to vector<16x128xf32>
      %broadcast_in_dim3A_5015 = vector.broadcast %jit3A_5013 : f32 to vector<16x128xf32>
      %select_n3A_5016 = arith.select %eq3A_4999, %broadcast_in_dim3A_5014, %broadcast_in_dim3A_5015 : vector<16x128xi1>, vector<16x128xf32>
      %add3A_5017 = arith.addf %add3A_4966, %select_n3A_5016 : vector<16x128xf32>
      %scan3A_5018 = arith.constant 98 : i32
      %scan3A_5019 = arith.addi %scan3A_29, %scan3A_5018 : i32
      %mul3A_5020 = arith.constant 16 : i32
      %mul3A_5021 = arith.muli %scan3A_5019, %mul3A_5020 : i32
      %get3A_5022 = arith.index_cast %mul3A_5021 : i32 to index
      %get3A_5023 = arith.constant 0 : index
      %get3A_5024 = vector.load %arg1[%get3A_5022, %get3A_5023] : memref<10240x128xf32, #tpu.memory_space<vmem>>, vector<16x128xf32>
      %mul3A_5025 = arith.constant 16 : i32
      %mul3A_5026 = arith.muli %scan3A_5019, %mul3A_5025 : i32
      %get3A_5027 = arith.index_cast %mul3A_5026 : i32 to index
      %get3A_5028 = arith.constant 0 : index
      %get3A_5029 = vector.load %arg2[%get3A_5027, %get3A_5028] : memref<10240x128xf32, #tpu.memory_space<vmem>>, vector<16x128xf32>
      %max3A_5030 = arith.constant -9.210240e+00 : f32
      %max3A_5031 = vector.broadcast %max3A_5030 : f32 to vector<16x128xf32>
      %max3A_5032 = arith.maximumf %get3A_5024, %max3A_5031 : vector<16x128xf32>
      %min3A_5033 = arith.constant 9.210240e+00 : f32
      %min3A_5034 = vector.broadcast %min3A_5033 : f32 to vector<16x128xf32>
      %min3A_5035 = arith.minimumf %max3A_5032, %min3A_5034 : vector<16x128xf32>
      %neg3A_5036 = arith.constant 0.000000e+00 : f32
      %neg3A_5037 = vector.broadcast %neg3A_5036 : f32 to vector<16x128xf32>
      %neg3A_5038 = arith.subf %neg3A_5037, %min3A_5035 : vector<16x128xf32>
      %exp3A_5039 = math.exp %neg3A_5038 : vector<16x128xf32>
      %add3A_5040 = arith.constant 1.000000e+00 : f32
      %add3A_5041 = vector.broadcast %add3A_5040 : f32 to vector<16x128xf32>
      %add3A_5042 = arith.addf %exp3A_5039, %add3A_5041 : vector<16x128xf32>
      %log3A_5043 = math.log %add3A_5042 : vector<16x128xf32>
      %mul3A_5044 = arith.mulf %add3A_5042, %add3A_5042 : vector<16x128xf32>
      %div3A_5045 = arith.constant 1.000000e+00 : f32
      %div3A_5046 = vector.broadcast %div3A_5045 : f32 to vector<16x128xf32>
      %div3A_5047 = arith.divf %div3A_5046, %mul3A_5044 : vector<16x128xf32>
      %eq3A_5048 = arith.constant 1.000000e+00 : f32
      %eq3A_5049 = vector.broadcast %eq3A_5048 : f32 to vector<16x128xf32>
      %eq3A_5050 = arith.cmpf oeq, %get3A_5029, %eq3A_5049 : vector<16x128xf32>
      %sub3A_5051 = arith.constant 1.000000e+00 : f32
      %sub3A_5052 = vector.broadcast %sub3A_5051 : f32 to vector<16x128xf32>
      %sub3A_5053 = arith.subf %sub3A_5052, %get3A_5029 : vector<16x128xf32>
      %mul3A_5054 = arith.mulf %sub3A_5053, %sub3A_5053 : vector<16x128xf32>
      %mul3A_5055 = arith.mulf %exp3A_5039, %exp3A_5039 : vector<16x128xf32>
      %mul3A_5056 = arith.mulf %log3A_5043, %mul3A_5055 : vector<16x128xf32>
      %add3A_5057 = arith.addf %log3A_5043, %min3A_5035 : vector<16x128xf32>
      %mul3A_5058 = arith.mulf %mul3A_5054, %mul3A_5054 : vector<16x128xf32>
      %mul3A_5059 = arith.mulf %add3A_5057, %mul3A_5058 : vector<16x128xf32>
      %select_n3A_5060 = arith.select %eq3A_5050, %mul3A_5056, %mul3A_5059 : vector<16x128xi1>, vector<16x128xf32>
      %mul3A_5061 = arith.mulf %select_n3A_5060, %div3A_5047 : vector<16x128xf32>
      %add3A_5062 = arith.addf %add3A_5011, %mul3A_5061 : vector<16x128xf32>
      %jit3A_5063 = arith.constant 1.000000e+00 : f32
      %jit3A_5064 = arith.constant 0.000000e+00 : f32
      %broadcast_in_dim3A_5065 = vector.broadcast %jit3A_5063 : f32 to vector<16x128xf32>
      %broadcast_in_dim3A_5066 = vector.broadcast %jit3A_5064 : f32 to vector<16x128xf32>
      %select_n3A_5067 = arith.select %eq3A_5050, %broadcast_in_dim3A_5065, %broadcast_in_dim3A_5066 : vector<16x128xi1>, vector<16x128xf32>
      %add3A_5068 = arith.addf %add3A_5017, %select_n3A_5067 : vector<16x128xf32>
      %scan3A_5069 = arith.constant 99 : i32
      %scan3A_5070 = arith.addi %scan3A_29, %scan3A_5069 : i32
      %mul3A_5071 = arith.constant 16 : i32
      %mul3A_5072 = arith.muli %scan3A_5070, %mul3A_5071 : i32
      %get3A_5073 = arith.index_cast %mul3A_5072 : i32 to index
      %get3A_5074 = arith.constant 0 : index
      %get3A_5075 = vector.load %arg1[%get3A_5073, %get3A_5074] : memref<10240x128xf32, #tpu.memory_space<vmem>>, vector<16x128xf32>
      %mul3A_5076 = arith.constant 16 : i32
      %mul3A_5077 = arith.muli %scan3A_5070, %mul3A_5076 : i32
      %get3A_5078 = arith.index_cast %mul3A_5077 : i32 to index
      %get3A_5079 = arith.constant 0 : index
      %get3A_5080 = vector.load %arg2[%get3A_5078, %get3A_5079] : memref<10240x128xf32, #tpu.memory_space<vmem>>, vector<16x128xf32>
      %max3A_5081 = arith.constant -9.210240e+00 : f32
      %max3A_5082 = vector.broadcast %max3A_5081 : f32 to vector<16x128xf32>
      %max3A_5083 = arith.maximumf %get3A_5075, %max3A_5082 : vector<16x128xf32>
      %min3A_5084 = arith.constant 9.210240e+00 : f32
      %min3A_5085 = vector.broadcast %min3A_5084 : f32 to vector<16x128xf32>
      %min3A_5086 = arith.minimumf %max3A_5083, %min3A_5085 : vector<16x128xf32>
      %neg3A_5087 = arith.constant 0.000000e+00 : f32
      %neg3A_5088 = vector.broadcast %neg3A_5087 : f32 to vector<16x128xf32>
      %neg3A_5089 = arith.subf %neg3A_5088, %min3A_5086 : vector<16x128xf32>
      %exp3A_5090 = math.exp %neg3A_5089 : vector<16x128xf32>
      %add3A_5091 = arith.constant 1.000000e+00 : f32
      %add3A_5092 = vector.broadcast %add3A_5091 : f32 to vector<16x128xf32>
      %add3A_5093 = arith.addf %exp3A_5090, %add3A_5092 : vector<16x128xf32>
      %log3A_5094 = math.log %add3A_5093 : vector<16x128xf32>
      %mul3A_5095 = arith.mulf %add3A_5093, %add3A_5093 : vector<16x128xf32>
      %div3A_5096 = arith.constant 1.000000e+00 : f32
      %div3A_5097 = vector.broadcast %div3A_5096 : f32 to vector<16x128xf32>
      %div3A_5098 = arith.divf %div3A_5097, %mul3A_5095 : vector<16x128xf32>
      %eq3A_5099 = arith.constant 1.000000e+00 : f32
      %eq3A_5100 = vector.broadcast %eq3A_5099 : f32 to vector<16x128xf32>
      %eq3A_5101 = arith.cmpf oeq, %get3A_5080, %eq3A_5100 : vector<16x128xf32>
      %sub3A_5102 = arith.constant 1.000000e+00 : f32
      %sub3A_5103 = vector.broadcast %sub3A_5102 : f32 to vector<16x128xf32>
      %sub3A_5104 = arith.subf %sub3A_5103, %get3A_5080 : vector<16x128xf32>
      %mul3A_5105 = arith.mulf %sub3A_5104, %sub3A_5104 : vector<16x128xf32>
      %mul3A_5106 = arith.mulf %exp3A_5090, %exp3A_5090 : vector<16x128xf32>
      %mul3A_5107 = arith.mulf %log3A_5094, %mul3A_5106 : vector<16x128xf32>
      %add3A_5108 = arith.addf %log3A_5094, %min3A_5086 : vector<16x128xf32>
      %mul3A_5109 = arith.mulf %mul3A_5105, %mul3A_5105 : vector<16x128xf32>
      %mul3A_5110 = arith.mulf %add3A_5108, %mul3A_5109 : vector<16x128xf32>
      %select_n3A_5111 = arith.select %eq3A_5101, %mul3A_5107, %mul3A_5110 : vector<16x128xi1>, vector<16x128xf32>
      %mul3A_5112 = arith.mulf %select_n3A_5111, %div3A_5098 : vector<16x128xf32>
      %add3A_5113 = arith.addf %add3A_5062, %mul3A_5112 : vector<16x128xf32>
      %jit3A_5114 = arith.constant 1.000000e+00 : f32
      %jit3A_5115 = arith.constant 0.000000e+00 : f32
      %broadcast_in_dim3A_5116 = vector.broadcast %jit3A_5114 : f32 to vector<16x128xf32>
      %broadcast_in_dim3A_5117 = vector.broadcast %jit3A_5115 : f32 to vector<16x128xf32>
      %select_n3A_5118 = arith.select %eq3A_5101, %broadcast_in_dim3A_5116, %broadcast_in_dim3A_5117 : vector<16x128xi1>, vector<16x128xf32>
      %add3A_5119 = arith.addf %add3A_5068, %select_n3A_5118 : vector<16x128xf32>
      %scan3A_5120 = arith.constant 100 : i32
      %scan3A_5121 = arith.addi %scan3A_29, %scan3A_5120 : i32
      %mul3A_5122 = arith.constant 16 : i32
      %mul3A_5123 = arith.muli %scan3A_5121, %mul3A_5122 : i32
      %get3A_5124 = arith.index_cast %mul3A_5123 : i32 to index
      %get3A_5125 = arith.constant 0 : index
      %get3A_5126 = vector.load %arg1[%get3A_5124, %get3A_5125] : memref<10240x128xf32, #tpu.memory_space<vmem>>, vector<16x128xf32>
      %mul3A_5127 = arith.constant 16 : i32
      %mul3A_5128 = arith.muli %scan3A_5121, %mul3A_5127 : i32
      %get3A_5129 = arith.index_cast %mul3A_5128 : i32 to index
      %get3A_5130 = arith.constant 0 : index
      %get3A_5131 = vector.load %arg2[%get3A_5129, %get3A_5130] : memref<10240x128xf32, #tpu.memory_space<vmem>>, vector<16x128xf32>
      %max3A_5132 = arith.constant -9.210240e+00 : f32
      %max3A_5133 = vector.broadcast %max3A_5132 : f32 to vector<16x128xf32>
      %max3A_5134 = arith.maximumf %get3A_5126, %max3A_5133 : vector<16x128xf32>
      %min3A_5135 = arith.constant 9.210240e+00 : f32
      %min3A_5136 = vector.broadcast %min3A_5135 : f32 to vector<16x128xf32>
      %min3A_5137 = arith.minimumf %max3A_5134, %min3A_5136 : vector<16x128xf32>
      %neg3A_5138 = arith.constant 0.000000e+00 : f32
      %neg3A_5139 = vector.broadcast %neg3A_5138 : f32 to vector<16x128xf32>
      %neg3A_5140 = arith.subf %neg3A_5139, %min3A_5137 : vector<16x128xf32>
      %exp3A_5141 = math.exp %neg3A_5140 : vector<16x128xf32>
      %add3A_5142 = arith.constant 1.000000e+00 : f32
      %add3A_5143 = vector.broadcast %add3A_5142 : f32 to vector<16x128xf32>
      %add3A_5144 = arith.addf %exp3A_5141, %add3A_5143 : vector<16x128xf32>
      %log3A_5145 = math.log %add3A_5144 : vector<16x128xf32>
      %mul3A_5146 = arith.mulf %add3A_5144, %add3A_5144 : vector<16x128xf32>
      %div3A_5147 = arith.constant 1.000000e+00 : f32
      %div3A_5148 = vector.broadcast %div3A_5147 : f32 to vector<16x128xf32>
      %div3A_5149 = arith.divf %div3A_5148, %mul3A_5146 : vector<16x128xf32>
      %eq3A_5150 = arith.constant 1.000000e+00 : f32
      %eq3A_5151 = vector.broadcast %eq3A_5150 : f32 to vector<16x128xf32>
      %eq3A_5152 = arith.cmpf oeq, %get3A_5131, %eq3A_5151 : vector<16x128xf32>
      %sub3A_5153 = arith.constant 1.000000e+00 : f32
      %sub3A_5154 = vector.broadcast %sub3A_5153 : f32 to vector<16x128xf32>
      %sub3A_5155 = arith.subf %sub3A_5154, %get3A_5131 : vector<16x128xf32>
      %mul3A_5156 = arith.mulf %sub3A_5155, %sub3A_5155 : vector<16x128xf32>
      %mul3A_5157 = arith.mulf %exp3A_5141, %exp3A_5141 : vector<16x128xf32>
      %mul3A_5158 = arith.mulf %log3A_5145, %mul3A_5157 : vector<16x128xf32>
      %add3A_5159 = arith.addf %log3A_5145, %min3A_5137 : vector<16x128xf32>
      %mul3A_5160 = arith.mulf %mul3A_5156, %mul3A_5156 : vector<16x128xf32>
      %mul3A_5161 = arith.mulf %add3A_5159, %mul3A_5160 : vector<16x128xf32>
      %select_n3A_5162 = arith.select %eq3A_5152, %mul3A_5158, %mul3A_5161 : vector<16x128xi1>, vector<16x128xf32>
      %mul3A_5163 = arith.mulf %select_n3A_5162, %div3A_5149 : vector<16x128xf32>
      %add3A_5164 = arith.addf %add3A_5113, %mul3A_5163 : vector<16x128xf32>
      %jit3A_5165 = arith.constant 1.000000e+00 : f32
      %jit3A_5166 = arith.constant 0.000000e+00 : f32
      %broadcast_in_dim3A_5167 = vector.broadcast %jit3A_5165 : f32 to vector<16x128xf32>
      %broadcast_in_dim3A_5168 = vector.broadcast %jit3A_5166 : f32 to vector<16x128xf32>
      %select_n3A_5169 = arith.select %eq3A_5152, %broadcast_in_dim3A_5167, %broadcast_in_dim3A_5168 : vector<16x128xi1>, vector<16x128xf32>
      %add3A_5170 = arith.addf %add3A_5119, %select_n3A_5169 : vector<16x128xf32>
      %scan3A_5171 = arith.constant 101 : i32
      %scan3A_5172 = arith.addi %scan3A_29, %scan3A_5171 : i32
      %mul3A_5173 = arith.constant 16 : i32
      %mul3A_5174 = arith.muli %scan3A_5172, %mul3A_5173 : i32
      %get3A_5175 = arith.index_cast %mul3A_5174 : i32 to index
      %get3A_5176 = arith.constant 0 : index
      %get3A_5177 = vector.load %arg1[%get3A_5175, %get3A_5176] : memref<10240x128xf32, #tpu.memory_space<vmem>>, vector<16x128xf32>
      %mul3A_5178 = arith.constant 16 : i32
      %mul3A_5179 = arith.muli %scan3A_5172, %mul3A_5178 : i32
      %get3A_5180 = arith.index_cast %mul3A_5179 : i32 to index
      %get3A_5181 = arith.constant 0 : index
      %get3A_5182 = vector.load %arg2[%get3A_5180, %get3A_5181] : memref<10240x128xf32, #tpu.memory_space<vmem>>, vector<16x128xf32>
      %max3A_5183 = arith.constant -9.210240e+00 : f32
      %max3A_5184 = vector.broadcast %max3A_5183 : f32 to vector<16x128xf32>
      %max3A_5185 = arith.maximumf %get3A_5177, %max3A_5184 : vector<16x128xf32>
      %min3A_5186 = arith.constant 9.210240e+00 : f32
      %min3A_5187 = vector.broadcast %min3A_5186 : f32 to vector<16x128xf32>
      %min3A_5188 = arith.minimumf %max3A_5185, %min3A_5187 : vector<16x128xf32>
      %neg3A_5189 = arith.constant 0.000000e+00 : f32
      %neg3A_5190 = vector.broadcast %neg3A_5189 : f32 to vector<16x128xf32>
      %neg3A_5191 = arith.subf %neg3A_5190, %min3A_5188 : vector<16x128xf32>
      %exp3A_5192 = math.exp %neg3A_5191 : vector<16x128xf32>
      %add3A_5193 = arith.constant 1.000000e+00 : f32
      %add3A_5194 = vector.broadcast %add3A_5193 : f32 to vector<16x128xf32>
      %add3A_5195 = arith.addf %exp3A_5192, %add3A_5194 : vector<16x128xf32>
      %log3A_5196 = math.log %add3A_5195 : vector<16x128xf32>
      %mul3A_5197 = arith.mulf %add3A_5195, %add3A_5195 : vector<16x128xf32>
      %div3A_5198 = arith.constant 1.000000e+00 : f32
      %div3A_5199 = vector.broadcast %div3A_5198 : f32 to vector<16x128xf32>
      %div3A_5200 = arith.divf %div3A_5199, %mul3A_5197 : vector<16x128xf32>
      %eq3A_5201 = arith.constant 1.000000e+00 : f32
      %eq3A_5202 = vector.broadcast %eq3A_5201 : f32 to vector<16x128xf32>
      %eq3A_5203 = arith.cmpf oeq, %get3A_5182, %eq3A_5202 : vector<16x128xf32>
      %sub3A_5204 = arith.constant 1.000000e+00 : f32
      %sub3A_5205 = vector.broadcast %sub3A_5204 : f32 to vector<16x128xf32>
      %sub3A_5206 = arith.subf %sub3A_5205, %get3A_5182 : vector<16x128xf32>
      %mul3A_5207 = arith.mulf %sub3A_5206, %sub3A_5206 : vector<16x128xf32>
      %mul3A_5208 = arith.mulf %exp3A_5192, %exp3A_5192 : vector<16x128xf32>
      %mul3A_5209 = arith.mulf %log3A_5196, %mul3A_5208 : vector<16x128xf32>
      %add3A_5210 = arith.addf %log3A_5196, %min3A_5188 : vector<16x128xf32>
      %mul3A_5211 = arith.mulf %mul3A_5207, %mul3A_5207 : vector<16x128xf32>
      %mul3A_5212 = arith.mulf %add3A_5210, %mul3A_5211 : vector<16x128xf32>
      %select_n3A_5213 = arith.select %eq3A_5203, %mul3A_5209, %mul3A_5212 : vector<16x128xi1>, vector<16x128xf32>
      %mul3A_5214 = arith.mulf %select_n3A_5213, %div3A_5200 : vector<16x128xf32>
      %add3A_5215 = arith.addf %add3A_5164, %mul3A_5214 : vector<16x128xf32>
      %jit3A_5216 = arith.constant 1.000000e+00 : f32
      %jit3A_5217 = arith.constant 0.000000e+00 : f32
      %broadcast_in_dim3A_5218 = vector.broadcast %jit3A_5216 : f32 to vector<16x128xf32>
      %broadcast_in_dim3A_5219 = vector.broadcast %jit3A_5217 : f32 to vector<16x128xf32>
      %select_n3A_5220 = arith.select %eq3A_5203, %broadcast_in_dim3A_5218, %broadcast_in_dim3A_5219 : vector<16x128xi1>, vector<16x128xf32>
      %add3A_5221 = arith.addf %add3A_5170, %select_n3A_5220 : vector<16x128xf32>
      %scan3A_5222 = arith.constant 102 : i32
      %scan3A_5223 = arith.addi %scan3A_29, %scan3A_5222 : i32
      %mul3A_5224 = arith.constant 16 : i32
      %mul3A_5225 = arith.muli %scan3A_5223, %mul3A_5224 : i32
      %get3A_5226 = arith.index_cast %mul3A_5225 : i32 to index
      %get3A_5227 = arith.constant 0 : index
      %get3A_5228 = vector.load %arg1[%get3A_5226, %get3A_5227] : memref<10240x128xf32, #tpu.memory_space<vmem>>, vector<16x128xf32>
      %mul3A_5229 = arith.constant 16 : i32
      %mul3A_5230 = arith.muli %scan3A_5223, %mul3A_5229 : i32
      %get3A_5231 = arith.index_cast %mul3A_5230 : i32 to index
      %get3A_5232 = arith.constant 0 : index
      %get3A_5233 = vector.load %arg2[%get3A_5231, %get3A_5232] : memref<10240x128xf32, #tpu.memory_space<vmem>>, vector<16x128xf32>
      %max3A_5234 = arith.constant -9.210240e+00 : f32
      %max3A_5235 = vector.broadcast %max3A_5234 : f32 to vector<16x128xf32>
      %max3A_5236 = arith.maximumf %get3A_5228, %max3A_5235 : vector<16x128xf32>
      %min3A_5237 = arith.constant 9.210240e+00 : f32
      %min3A_5238 = vector.broadcast %min3A_5237 : f32 to vector<16x128xf32>
      %min3A_5239 = arith.minimumf %max3A_5236, %min3A_5238 : vector<16x128xf32>
      %neg3A_5240 = arith.constant 0.000000e+00 : f32
      %neg3A_5241 = vector.broadcast %neg3A_5240 : f32 to vector<16x128xf32>
      %neg3A_5242 = arith.subf %neg3A_5241, %min3A_5239 : vector<16x128xf32>
      %exp3A_5243 = math.exp %neg3A_5242 : vector<16x128xf32>
      %add3A_5244 = arith.constant 1.000000e+00 : f32
      %add3A_5245 = vector.broadcast %add3A_5244 : f32 to vector<16x128xf32>
      %add3A_5246 = arith.addf %exp3A_5243, %add3A_5245 : vector<16x128xf32>
      %log3A_5247 = math.log %add3A_5246 : vector<16x128xf32>
      %mul3A_5248 = arith.mulf %add3A_5246, %add3A_5246 : vector<16x128xf32>
      %div3A_5249 = arith.constant 1.000000e+00 : f32
      %div3A_5250 = vector.broadcast %div3A_5249 : f32 to vector<16x128xf32>
      %div3A_5251 = arith.divf %div3A_5250, %mul3A_5248 : vector<16x128xf32>
      %eq3A_5252 = arith.constant 1.000000e+00 : f32
      %eq3A_5253 = vector.broadcast %eq3A_5252 : f32 to vector<16x128xf32>
      %eq3A_5254 = arith.cmpf oeq, %get3A_5233, %eq3A_5253 : vector<16x128xf32>
      %sub3A_5255 = arith.constant 1.000000e+00 : f32
      %sub3A_5256 = vector.broadcast %sub3A_5255 : f32 to vector<16x128xf32>
      %sub3A_5257 = arith.subf %sub3A_5256, %get3A_5233 : vector<16x128xf32>
      %mul3A_5258 = arith.mulf %sub3A_5257, %sub3A_5257 : vector<16x128xf32>
      %mul3A_5259 = arith.mulf %exp3A_5243, %exp3A_5243 : vector<16x128xf32>
      %mul3A_5260 = arith.mulf %log3A_5247, %mul3A_5259 : vector<16x128xf32>
      %add3A_5261 = arith.addf %log3A_5247, %min3A_5239 : vector<16x128xf32>
      %mul3A_5262 = arith.mulf %mul3A_5258, %mul3A_5258 : vector<16x128xf32>
      %mul3A_5263 = arith.mulf %add3A_5261, %mul3A_5262 : vector<16x128xf32>
      %select_n3A_5264 = arith.select %eq3A_5254, %mul3A_5260, %mul3A_5263 : vector<16x128xi1>, vector<16x128xf32>
      %mul3A_5265 = arith.mulf %select_n3A_5264, %div3A_5251 : vector<16x128xf32>
      %add3A_5266 = arith.addf %add3A_5215, %mul3A_5265 : vector<16x128xf32>
      %jit3A_5267 = arith.constant 1.000000e+00 : f32
      %jit3A_5268 = arith.constant 0.000000e+00 : f32
      %broadcast_in_dim3A_5269 = vector.broadcast %jit3A_5267 : f32 to vector<16x128xf32>
      %broadcast_in_dim3A_5270 = vector.broadcast %jit3A_5268 : f32 to vector<16x128xf32>
      %select_n3A_5271 = arith.select %eq3A_5254, %broadcast_in_dim3A_5269, %broadcast_in_dim3A_5270 : vector<16x128xi1>, vector<16x128xf32>
      %add3A_5272 = arith.addf %add3A_5221, %select_n3A_5271 : vector<16x128xf32>
      %scan3A_5273 = arith.constant 103 : i32
      %scan3A_5274 = arith.addi %scan3A_29, %scan3A_5273 : i32
      %mul3A_5275 = arith.constant 16 : i32
      %mul3A_5276 = arith.muli %scan3A_5274, %mul3A_5275 : i32
      %get3A_5277 = arith.index_cast %mul3A_5276 : i32 to index
      %get3A_5278 = arith.constant 0 : index
      %get3A_5279 = vector.load %arg1[%get3A_5277, %get3A_5278] : memref<10240x128xf32, #tpu.memory_space<vmem>>, vector<16x128xf32>
      %mul3A_5280 = arith.constant 16 : i32
      %mul3A_5281 = arith.muli %scan3A_5274, %mul3A_5280 : i32
      %get3A_5282 = arith.index_cast %mul3A_5281 : i32 to index
      %get3A_5283 = arith.constant 0 : index
      %get3A_5284 = vector.load %arg2[%get3A_5282, %get3A_5283] : memref<10240x128xf32, #tpu.memory_space<vmem>>, vector<16x128xf32>
      %max3A_5285 = arith.constant -9.210240e+00 : f32
      %max3A_5286 = vector.broadcast %max3A_5285 : f32 to vector<16x128xf32>
      %max3A_5287 = arith.maximumf %get3A_5279, %max3A_5286 : vector<16x128xf32>
      %min3A_5288 = arith.constant 9.210240e+00 : f32
      %min3A_5289 = vector.broadcast %min3A_5288 : f32 to vector<16x128xf32>
      %min3A_5290 = arith.minimumf %max3A_5287, %min3A_5289 : vector<16x128xf32>
      %neg3A_5291 = arith.constant 0.000000e+00 : f32
      %neg3A_5292 = vector.broadcast %neg3A_5291 : f32 to vector<16x128xf32>
      %neg3A_5293 = arith.subf %neg3A_5292, %min3A_5290 : vector<16x128xf32>
      %exp3A_5294 = math.exp %neg3A_5293 : vector<16x128xf32>
      %add3A_5295 = arith.constant 1.000000e+00 : f32
      %add3A_5296 = vector.broadcast %add3A_5295 : f32 to vector<16x128xf32>
      %add3A_5297 = arith.addf %exp3A_5294, %add3A_5296 : vector<16x128xf32>
      %log3A_5298 = math.log %add3A_5297 : vector<16x128xf32>
      %mul3A_5299 = arith.mulf %add3A_5297, %add3A_5297 : vector<16x128xf32>
      %div3A_5300 = arith.constant 1.000000e+00 : f32
      %div3A_5301 = vector.broadcast %div3A_5300 : f32 to vector<16x128xf32>
      %div3A_5302 = arith.divf %div3A_5301, %mul3A_5299 : vector<16x128xf32>
      %eq3A_5303 = arith.constant 1.000000e+00 : f32
      %eq3A_5304 = vector.broadcast %eq3A_5303 : f32 to vector<16x128xf32>
      %eq3A_5305 = arith.cmpf oeq, %get3A_5284, %eq3A_5304 : vector<16x128xf32>
      %sub3A_5306 = arith.constant 1.000000e+00 : f32
      %sub3A_5307 = vector.broadcast %sub3A_5306 : f32 to vector<16x128xf32>
      %sub3A_5308 = arith.subf %sub3A_5307, %get3A_5284 : vector<16x128xf32>
      %mul3A_5309 = arith.mulf %sub3A_5308, %sub3A_5308 : vector<16x128xf32>
      %mul3A_5310 = arith.mulf %exp3A_5294, %exp3A_5294 : vector<16x128xf32>
      %mul3A_5311 = arith.mulf %log3A_5298, %mul3A_5310 : vector<16x128xf32>
      %add3A_5312 = arith.addf %log3A_5298, %min3A_5290 : vector<16x128xf32>
      %mul3A_5313 = arith.mulf %mul3A_5309, %mul3A_5309 : vector<16x128xf32>
      %mul3A_5314 = arith.mulf %add3A_5312, %mul3A_5313 : vector<16x128xf32>
      %select_n3A_5315 = arith.select %eq3A_5305, %mul3A_5311, %mul3A_5314 : vector<16x128xi1>, vector<16x128xf32>
      %mul3A_5316 = arith.mulf %select_n3A_5315, %div3A_5302 : vector<16x128xf32>
      %add3A_5317 = arith.addf %add3A_5266, %mul3A_5316 : vector<16x128xf32>
      %jit3A_5318 = arith.constant 1.000000e+00 : f32
      %jit3A_5319 = arith.constant 0.000000e+00 : f32
      %broadcast_in_dim3A_5320 = vector.broadcast %jit3A_5318 : f32 to vector<16x128xf32>
      %broadcast_in_dim3A_5321 = vector.broadcast %jit3A_5319 : f32 to vector<16x128xf32>
      %select_n3A_5322 = arith.select %eq3A_5305, %broadcast_in_dim3A_5320, %broadcast_in_dim3A_5321 : vector<16x128xi1>, vector<16x128xf32>
      %add3A_5323 = arith.addf %add3A_5272, %select_n3A_5322 : vector<16x128xf32>
      %scan3A_5324 = arith.constant 104 : i32
      %scan3A_5325 = arith.addi %scan3A_29, %scan3A_5324 : i32
      %mul3A_5326 = arith.constant 16 : i32
      %mul3A_5327 = arith.muli %scan3A_5325, %mul3A_5326 : i32
      %get3A_5328 = arith.index_cast %mul3A_5327 : i32 to index
      %get3A_5329 = arith.constant 0 : index
      %get3A_5330 = vector.load %arg1[%get3A_5328, %get3A_5329] : memref<10240x128xf32, #tpu.memory_space<vmem>>, vector<16x128xf32>
      %mul3A_5331 = arith.constant 16 : i32
      %mul3A_5332 = arith.muli %scan3A_5325, %mul3A_5331 : i32
      %get3A_5333 = arith.index_cast %mul3A_5332 : i32 to index
      %get3A_5334 = arith.constant 0 : index
      %get3A_5335 = vector.load %arg2[%get3A_5333, %get3A_5334] : memref<10240x128xf32, #tpu.memory_space<vmem>>, vector<16x128xf32>
      %max3A_5336 = arith.constant -9.210240e+00 : f32
      %max3A_5337 = vector.broadcast %max3A_5336 : f32 to vector<16x128xf32>
      %max3A_5338 = arith.maximumf %get3A_5330, %max3A_5337 : vector<16x128xf32>
      %min3A_5339 = arith.constant 9.210240e+00 : f32
      %min3A_5340 = vector.broadcast %min3A_5339 : f32 to vector<16x128xf32>
      %min3A_5341 = arith.minimumf %max3A_5338, %min3A_5340 : vector<16x128xf32>
      %neg3A_5342 = arith.constant 0.000000e+00 : f32
      %neg3A_5343 = vector.broadcast %neg3A_5342 : f32 to vector<16x128xf32>
      %neg3A_5344 = arith.subf %neg3A_5343, %min3A_5341 : vector<16x128xf32>
      %exp3A_5345 = math.exp %neg3A_5344 : vector<16x128xf32>
      %add3A_5346 = arith.constant 1.000000e+00 : f32
      %add3A_5347 = vector.broadcast %add3A_5346 : f32 to vector<16x128xf32>
      %add3A_5348 = arith.addf %exp3A_5345, %add3A_5347 : vector<16x128xf32>
      %log3A_5349 = math.log %add3A_5348 : vector<16x128xf32>
      %mul3A_5350 = arith.mulf %add3A_5348, %add3A_5348 : vector<16x128xf32>
      %div3A_5351 = arith.constant 1.000000e+00 : f32
      %div3A_5352 = vector.broadcast %div3A_5351 : f32 to vector<16x128xf32>
      %div3A_5353 = arith.divf %div3A_5352, %mul3A_5350 : vector<16x128xf32>
      %eq3A_5354 = arith.constant 1.000000e+00 : f32
      %eq3A_5355 = vector.broadcast %eq3A_5354 : f32 to vector<16x128xf32>
      %eq3A_5356 = arith.cmpf oeq, %get3A_5335, %eq3A_5355 : vector<16x128xf32>
      %sub3A_5357 = arith.constant 1.000000e+00 : f32
      %sub3A_5358 = vector.broadcast %sub3A_5357 : f32 to vector<16x128xf32>
      %sub3A_5359 = arith.subf %sub3A_5358, %get3A_5335 : vector<16x128xf32>
      %mul3A_5360 = arith.mulf %sub3A_5359, %sub3A_5359 : vector<16x128xf32>
      %mul3A_5361 = arith.mulf %exp3A_5345, %exp3A_5345 : vector<16x128xf32>
      %mul3A_5362 = arith.mulf %log3A_5349, %mul3A_5361 : vector<16x128xf32>
      %add3A_5363 = arith.addf %log3A_5349, %min3A_5341 : vector<16x128xf32>
      %mul3A_5364 = arith.mulf %mul3A_5360, %mul3A_5360 : vector<16x128xf32>
      %mul3A_5365 = arith.mulf %add3A_5363, %mul3A_5364 : vector<16x128xf32>
      %select_n3A_5366 = arith.select %eq3A_5356, %mul3A_5362, %mul3A_5365 : vector<16x128xi1>, vector<16x128xf32>
      %mul3A_5367 = arith.mulf %select_n3A_5366, %div3A_5353 : vector<16x128xf32>
      %add3A_5368 = arith.addf %add3A_5317, %mul3A_5367 : vector<16x128xf32>
      %jit3A_5369 = arith.constant 1.000000e+00 : f32
      %jit3A_5370 = arith.constant 0.000000e+00 : f32
      %broadcast_in_dim3A_5371 = vector.broadcast %jit3A_5369 : f32 to vector<16x128xf32>
      %broadcast_in_dim3A_5372 = vector.broadcast %jit3A_5370 : f32 to vector<16x128xf32>
      %select_n3A_5373 = arith.select %eq3A_5356, %broadcast_in_dim3A_5371, %broadcast_in_dim3A_5372 : vector<16x128xi1>, vector<16x128xf32>
      %add3A_5374 = arith.addf %add3A_5323, %select_n3A_5373 : vector<16x128xf32>
      %scan3A_5375 = arith.constant 105 : i32
      %scan3A_5376 = arith.addi %scan3A_29, %scan3A_5375 : i32
      %mul3A_5377 = arith.constant 16 : i32
      %mul3A_5378 = arith.muli %scan3A_5376, %mul3A_5377 : i32
      %get3A_5379 = arith.index_cast %mul3A_5378 : i32 to index
      %get3A_5380 = arith.constant 0 : index
      %get3A_5381 = vector.load %arg1[%get3A_5379, %get3A_5380] : memref<10240x128xf32, #tpu.memory_space<vmem>>, vector<16x128xf32>
      %mul3A_5382 = arith.constant 16 : i32
      %mul3A_5383 = arith.muli %scan3A_5376, %mul3A_5382 : i32
      %get3A_5384 = arith.index_cast %mul3A_5383 : i32 to index
      %get3A_5385 = arith.constant 0 : index
      %get3A_5386 = vector.load %arg2[%get3A_5384, %get3A_5385] : memref<10240x128xf32, #tpu.memory_space<vmem>>, vector<16x128xf32>
      %max3A_5387 = arith.constant -9.210240e+00 : f32
      %max3A_5388 = vector.broadcast %max3A_5387 : f32 to vector<16x128xf32>
      %max3A_5389 = arith.maximumf %get3A_5381, %max3A_5388 : vector<16x128xf32>
      %min3A_5390 = arith.constant 9.210240e+00 : f32
      %min3A_5391 = vector.broadcast %min3A_5390 : f32 to vector<16x128xf32>
      %min3A_5392 = arith.minimumf %max3A_5389, %min3A_5391 : vector<16x128xf32>
      %neg3A_5393 = arith.constant 0.000000e+00 : f32
      %neg3A_5394 = vector.broadcast %neg3A_5393 : f32 to vector<16x128xf32>
      %neg3A_5395 = arith.subf %neg3A_5394, %min3A_5392 : vector<16x128xf32>
      %exp3A_5396 = math.exp %neg3A_5395 : vector<16x128xf32>
      %add3A_5397 = arith.constant 1.000000e+00 : f32
      %add3A_5398 = vector.broadcast %add3A_5397 : f32 to vector<16x128xf32>
      %add3A_5399 = arith.addf %exp3A_5396, %add3A_5398 : vector<16x128xf32>
      %log3A_5400 = math.log %add3A_5399 : vector<16x128xf32>
      %mul3A_5401 = arith.mulf %add3A_5399, %add3A_5399 : vector<16x128xf32>
      %div3A_5402 = arith.constant 1.000000e+00 : f32
      %div3A_5403 = vector.broadcast %div3A_5402 : f32 to vector<16x128xf32>
      %div3A_5404 = arith.divf %div3A_5403, %mul3A_5401 : vector<16x128xf32>
      %eq3A_5405 = arith.constant 1.000000e+00 : f32
      %eq3A_5406 = vector.broadcast %eq3A_5405 : f32 to vector<16x128xf32>
      %eq3A_5407 = arith.cmpf oeq, %get3A_5386, %eq3A_5406 : vector<16x128xf32>
      %sub3A_5408 = arith.constant 1.000000e+00 : f32
      %sub3A_5409 = vector.broadcast %sub3A_5408 : f32 to vector<16x128xf32>
      %sub3A_5410 = arith.subf %sub3A_5409, %get3A_5386 : vector<16x128xf32>
      %mul3A_5411 = arith.mulf %sub3A_5410, %sub3A_5410 : vector<16x128xf32>
      %mul3A_5412 = arith.mulf %exp3A_5396, %exp3A_5396 : vector<16x128xf32>
      %mul3A_5413 = arith.mulf %log3A_5400, %mul3A_5412 : vector<16x128xf32>
      %add3A_5414 = arith.addf %log3A_5400, %min3A_5392 : vector<16x128xf32>
      %mul3A_5415 = arith.mulf %mul3A_5411, %mul3A_5411 : vector<16x128xf32>
      %mul3A_5416 = arith.mulf %add3A_5414, %mul3A_5415 : vector<16x128xf32>
      %select_n3A_5417 = arith.select %eq3A_5407, %mul3A_5413, %mul3A_5416 : vector<16x128xi1>, vector<16x128xf32>
      %mul3A_5418 = arith.mulf %select_n3A_5417, %div3A_5404 : vector<16x128xf32>
      %add3A_5419 = arith.addf %add3A_5368, %mul3A_5418 : vector<16x128xf32>
      %jit3A_5420 = arith.constant 1.000000e+00 : f32
      %jit3A_5421 = arith.constant 0.000000e+00 : f32
      %broadcast_in_dim3A_5422 = vector.broadcast %jit3A_5420 : f32 to vector<16x128xf32>
      %broadcast_in_dim3A_5423 = vector.broadcast %jit3A_5421 : f32 to vector<16x128xf32>
      %select_n3A_5424 = arith.select %eq3A_5407, %broadcast_in_dim3A_5422, %broadcast_in_dim3A_5423 : vector<16x128xi1>, vector<16x128xf32>
      %add3A_5425 = arith.addf %add3A_5374, %select_n3A_5424 : vector<16x128xf32>
      %scan3A_5426 = arith.constant 106 : i32
      %scan3A_5427 = arith.addi %scan3A_29, %scan3A_5426 : i32
      %mul3A_5428 = arith.constant 16 : i32
      %mul3A_5429 = arith.muli %scan3A_5427, %mul3A_5428 : i32
      %get3A_5430 = arith.index_cast %mul3A_5429 : i32 to index
      %get3A_5431 = arith.constant 0 : index
      %get3A_5432 = vector.load %arg1[%get3A_5430, %get3A_5431] : memref<10240x128xf32, #tpu.memory_space<vmem>>, vector<16x128xf32>
      %mul3A_5433 = arith.constant 16 : i32
      %mul3A_5434 = arith.muli %scan3A_5427, %mul3A_5433 : i32
      %get3A_5435 = arith.index_cast %mul3A_5434 : i32 to index
      %get3A_5436 = arith.constant 0 : index
      %get3A_5437 = vector.load %arg2[%get3A_5435, %get3A_5436] : memref<10240x128xf32, #tpu.memory_space<vmem>>, vector<16x128xf32>
      %max3A_5438 = arith.constant -9.210240e+00 : f32
      %max3A_5439 = vector.broadcast %max3A_5438 : f32 to vector<16x128xf32>
      %max3A_5440 = arith.maximumf %get3A_5432, %max3A_5439 : vector<16x128xf32>
      %min3A_5441 = arith.constant 9.210240e+00 : f32
      %min3A_5442 = vector.broadcast %min3A_5441 : f32 to vector<16x128xf32>
      %min3A_5443 = arith.minimumf %max3A_5440, %min3A_5442 : vector<16x128xf32>
      %neg3A_5444 = arith.constant 0.000000e+00 : f32
      %neg3A_5445 = vector.broadcast %neg3A_5444 : f32 to vector<16x128xf32>
      %neg3A_5446 = arith.subf %neg3A_5445, %min3A_5443 : vector<16x128xf32>
      %exp3A_5447 = math.exp %neg3A_5446 : vector<16x128xf32>
      %add3A_5448 = arith.constant 1.000000e+00 : f32
      %add3A_5449 = vector.broadcast %add3A_5448 : f32 to vector<16x128xf32>
      %add3A_5450 = arith.addf %exp3A_5447, %add3A_5449 : vector<16x128xf32>
      %log3A_5451 = math.log %add3A_5450 : vector<16x128xf32>
      %mul3A_5452 = arith.mulf %add3A_5450, %add3A_5450 : vector<16x128xf32>
      %div3A_5453 = arith.constant 1.000000e+00 : f32
      %div3A_5454 = vector.broadcast %div3A_5453 : f32 to vector<16x128xf32>
      %div3A_5455 = arith.divf %div3A_5454, %mul3A_5452 : vector<16x128xf32>
      %eq3A_5456 = arith.constant 1.000000e+00 : f32
      %eq3A_5457 = vector.broadcast %eq3A_5456 : f32 to vector<16x128xf32>
      %eq3A_5458 = arith.cmpf oeq, %get3A_5437, %eq3A_5457 : vector<16x128xf32>
      %sub3A_5459 = arith.constant 1.000000e+00 : f32
      %sub3A_5460 = vector.broadcast %sub3A_5459 : f32 to vector<16x128xf32>
      %sub3A_5461 = arith.subf %sub3A_5460, %get3A_5437 : vector<16x128xf32>
      %mul3A_5462 = arith.mulf %sub3A_5461, %sub3A_5461 : vector<16x128xf32>
      %mul3A_5463 = arith.mulf %exp3A_5447, %exp3A_5447 : vector<16x128xf32>
      %mul3A_5464 = arith.mulf %log3A_5451, %mul3A_5463 : vector<16x128xf32>
      %add3A_5465 = arith.addf %log3A_5451, %min3A_5443 : vector<16x128xf32>
      %mul3A_5466 = arith.mulf %mul3A_5462, %mul3A_5462 : vector<16x128xf32>
      %mul3A_5467 = arith.mulf %add3A_5465, %mul3A_5466 : vector<16x128xf32>
      %select_n3A_5468 = arith.select %eq3A_5458, %mul3A_5464, %mul3A_5467 : vector<16x128xi1>, vector<16x128xf32>
      %mul3A_5469 = arith.mulf %select_n3A_5468, %div3A_5455 : vector<16x128xf32>
      %add3A_5470 = arith.addf %add3A_5419, %mul3A_5469 : vector<16x128xf32>
      %jit3A_5471 = arith.constant 1.000000e+00 : f32
      %jit3A_5472 = arith.constant 0.000000e+00 : f32
      %broadcast_in_dim3A_5473 = vector.broadcast %jit3A_5471 : f32 to vector<16x128xf32>
      %broadcast_in_dim3A_5474 = vector.broadcast %jit3A_5472 : f32 to vector<16x128xf32>
      %select_n3A_5475 = arith.select %eq3A_5458, %broadcast_in_dim3A_5473, %broadcast_in_dim3A_5474 : vector<16x128xi1>, vector<16x128xf32>
      %add3A_5476 = arith.addf %add3A_5425, %select_n3A_5475 : vector<16x128xf32>
      %scan3A_5477 = arith.constant 107 : i32
      %scan3A_5478 = arith.addi %scan3A_29, %scan3A_5477 : i32
      %mul3A_5479 = arith.constant 16 : i32
      %mul3A_5480 = arith.muli %scan3A_5478, %mul3A_5479 : i32
      %get3A_5481 = arith.index_cast %mul3A_5480 : i32 to index
      %get3A_5482 = arith.constant 0 : index
      %get3A_5483 = vector.load %arg1[%get3A_5481, %get3A_5482] : memref<10240x128xf32, #tpu.memory_space<vmem>>, vector<16x128xf32>
      %mul3A_5484 = arith.constant 16 : i32
      %mul3A_5485 = arith.muli %scan3A_5478, %mul3A_5484 : i32
      %get3A_5486 = arith.index_cast %mul3A_5485 : i32 to index
      %get3A_5487 = arith.constant 0 : index
      %get3A_5488 = vector.load %arg2[%get3A_5486, %get3A_5487] : memref<10240x128xf32, #tpu.memory_space<vmem>>, vector<16x128xf32>
      %max3A_5489 = arith.constant -9.210240e+00 : f32
      %max3A_5490 = vector.broadcast %max3A_5489 : f32 to vector<16x128xf32>
      %max3A_5491 = arith.maximumf %get3A_5483, %max3A_5490 : vector<16x128xf32>
      %min3A_5492 = arith.constant 9.210240e+00 : f32
      %min3A_5493 = vector.broadcast %min3A_5492 : f32 to vector<16x128xf32>
      %min3A_5494 = arith.minimumf %max3A_5491, %min3A_5493 : vector<16x128xf32>
      %neg3A_5495 = arith.constant 0.000000e+00 : f32
      %neg3A_5496 = vector.broadcast %neg3A_5495 : f32 to vector<16x128xf32>
      %neg3A_5497 = arith.subf %neg3A_5496, %min3A_5494 : vector<16x128xf32>
      %exp3A_5498 = math.exp %neg3A_5497 : vector<16x128xf32>
      %add3A_5499 = arith.constant 1.000000e+00 : f32
      %add3A_5500 = vector.broadcast %add3A_5499 : f32 to vector<16x128xf32>
      %add3A_5501 = arith.addf %exp3A_5498, %add3A_5500 : vector<16x128xf32>
      %log3A_5502 = math.log %add3A_5501 : vector<16x128xf32>
      %mul3A_5503 = arith.mulf %add3A_5501, %add3A_5501 : vector<16x128xf32>
      %div3A_5504 = arith.constant 1.000000e+00 : f32
      %div3A_5505 = vector.broadcast %div3A_5504 : f32 to vector<16x128xf32>
      %div3A_5506 = arith.divf %div3A_5505, %mul3A_5503 : vector<16x128xf32>
      %eq3A_5507 = arith.constant 1.000000e+00 : f32
      %eq3A_5508 = vector.broadcast %eq3A_5507 : f32 to vector<16x128xf32>
      %eq3A_5509 = arith.cmpf oeq, %get3A_5488, %eq3A_5508 : vector<16x128xf32>
      %sub3A_5510 = arith.constant 1.000000e+00 : f32
      %sub3A_5511 = vector.broadcast %sub3A_5510 : f32 to vector<16x128xf32>
      %sub3A_5512 = arith.subf %sub3A_5511, %get3A_5488 : vector<16x128xf32>
      %mul3A_5513 = arith.mulf %sub3A_5512, %sub3A_5512 : vector<16x128xf32>
      %mul3A_5514 = arith.mulf %exp3A_5498, %exp3A_5498 : vector<16x128xf32>
      %mul3A_5515 = arith.mulf %log3A_5502, %mul3A_5514 : vector<16x128xf32>
      %add3A_5516 = arith.addf %log3A_5502, %min3A_5494 : vector<16x128xf32>
      %mul3A_5517 = arith.mulf %mul3A_5513, %mul3A_5513 : vector<16x128xf32>
      %mul3A_5518 = arith.mulf %add3A_5516, %mul3A_5517 : vector<16x128xf32>
      %select_n3A_5519 = arith.select %eq3A_5509, %mul3A_5515, %mul3A_5518 : vector<16x128xi1>, vector<16x128xf32>
      %mul3A_5520 = arith.mulf %select_n3A_5519, %div3A_5506 : vector<16x128xf32>
      %add3A_5521 = arith.addf %add3A_5470, %mul3A_5520 : vector<16x128xf32>
      %jit3A_5522 = arith.constant 1.000000e+00 : f32
      %jit3A_5523 = arith.constant 0.000000e+00 : f32
      %broadcast_in_dim3A_5524 = vector.broadcast %jit3A_5522 : f32 to vector<16x128xf32>
      %broadcast_in_dim3A_5525 = vector.broadcast %jit3A_5523 : f32 to vector<16x128xf32>
      %select_n3A_5526 = arith.select %eq3A_5509, %broadcast_in_dim3A_5524, %broadcast_in_dim3A_5525 : vector<16x128xi1>, vector<16x128xf32>
      %add3A_5527 = arith.addf %add3A_5476, %select_n3A_5526 : vector<16x128xf32>
      %scan3A_5528 = arith.constant 108 : i32
      %scan3A_5529 = arith.addi %scan3A_29, %scan3A_5528 : i32
      %mul3A_5530 = arith.constant 16 : i32
      %mul3A_5531 = arith.muli %scan3A_5529, %mul3A_5530 : i32
      %get3A_5532 = arith.index_cast %mul3A_5531 : i32 to index
      %get3A_5533 = arith.constant 0 : index
      %get3A_5534 = vector.load %arg1[%get3A_5532, %get3A_5533] : memref<10240x128xf32, #tpu.memory_space<vmem>>, vector<16x128xf32>
      %mul3A_5535 = arith.constant 16 : i32
      %mul3A_5536 = arith.muli %scan3A_5529, %mul3A_5535 : i32
      %get3A_5537 = arith.index_cast %mul3A_5536 : i32 to index
      %get3A_5538 = arith.constant 0 : index
      %get3A_5539 = vector.load %arg2[%get3A_5537, %get3A_5538] : memref<10240x128xf32, #tpu.memory_space<vmem>>, vector<16x128xf32>
      %max3A_5540 = arith.constant -9.210240e+00 : f32
      %max3A_5541 = vector.broadcast %max3A_5540 : f32 to vector<16x128xf32>
      %max3A_5542 = arith.maximumf %get3A_5534, %max3A_5541 : vector<16x128xf32>
      %min3A_5543 = arith.constant 9.210240e+00 : f32
      %min3A_5544 = vector.broadcast %min3A_5543 : f32 to vector<16x128xf32>
      %min3A_5545 = arith.minimumf %max3A_5542, %min3A_5544 : vector<16x128xf32>
      %neg3A_5546 = arith.constant 0.000000e+00 : f32
      %neg3A_5547 = vector.broadcast %neg3A_5546 : f32 to vector<16x128xf32>
      %neg3A_5548 = arith.subf %neg3A_5547, %min3A_5545 : vector<16x128xf32>
      %exp3A_5549 = math.exp %neg3A_5548 : vector<16x128xf32>
      %add3A_5550 = arith.constant 1.000000e+00 : f32
      %add3A_5551 = vector.broadcast %add3A_5550 : f32 to vector<16x128xf32>
      %add3A_5552 = arith.addf %exp3A_5549, %add3A_5551 : vector<16x128xf32>
      %log3A_5553 = math.log %add3A_5552 : vector<16x128xf32>
      %mul3A_5554 = arith.mulf %add3A_5552, %add3A_5552 : vector<16x128xf32>
      %div3A_5555 = arith.constant 1.000000e+00 : f32
      %div3A_5556 = vector.broadcast %div3A_5555 : f32 to vector<16x128xf32>
      %div3A_5557 = arith.divf %div3A_5556, %mul3A_5554 : vector<16x128xf32>
      %eq3A_5558 = arith.constant 1.000000e+00 : f32
      %eq3A_5559 = vector.broadcast %eq3A_5558 : f32 to vector<16x128xf32>
      %eq3A_5560 = arith.cmpf oeq, %get3A_5539, %eq3A_5559 : vector<16x128xf32>
      %sub3A_5561 = arith.constant 1.000000e+00 : f32
      %sub3A_5562 = vector.broadcast %sub3A_5561 : f32 to vector<16x128xf32>
      %sub3A_5563 = arith.subf %sub3A_5562, %get3A_5539 : vector<16x128xf32>
      %mul3A_5564 = arith.mulf %sub3A_5563, %sub3A_5563 : vector<16x128xf32>
      %mul3A_5565 = arith.mulf %exp3A_5549, %exp3A_5549 : vector<16x128xf32>
      %mul3A_5566 = arith.mulf %log3A_5553, %mul3A_5565 : vector<16x128xf32>
      %add3A_5567 = arith.addf %log3A_5553, %min3A_5545 : vector<16x128xf32>
      %mul3A_5568 = arith.mulf %mul3A_5564, %mul3A_5564 : vector<16x128xf32>
      %mul3A_5569 = arith.mulf %add3A_5567, %mul3A_5568 : vector<16x128xf32>
      %select_n3A_5570 = arith.select %eq3A_5560, %mul3A_5566, %mul3A_5569 : vector<16x128xi1>, vector<16x128xf32>
      %mul3A_5571 = arith.mulf %select_n3A_5570, %div3A_5557 : vector<16x128xf32>
      %add3A_5572 = arith.addf %add3A_5521, %mul3A_5571 : vector<16x128xf32>
      %jit3A_5573 = arith.constant 1.000000e+00 : f32
      %jit3A_5574 = arith.constant 0.000000e+00 : f32
      %broadcast_in_dim3A_5575 = vector.broadcast %jit3A_5573 : f32 to vector<16x128xf32>
      %broadcast_in_dim3A_5576 = vector.broadcast %jit3A_5574 : f32 to vector<16x128xf32>
      %select_n3A_5577 = arith.select %eq3A_5560, %broadcast_in_dim3A_5575, %broadcast_in_dim3A_5576 : vector<16x128xi1>, vector<16x128xf32>
      %add3A_5578 = arith.addf %add3A_5527, %select_n3A_5577 : vector<16x128xf32>
      %scan3A_5579 = arith.constant 109 : i32
      %scan3A_5580 = arith.addi %scan3A_29, %scan3A_5579 : i32
      %mul3A_5581 = arith.constant 16 : i32
      %mul3A_5582 = arith.muli %scan3A_5580, %mul3A_5581 : i32
      %get3A_5583 = arith.index_cast %mul3A_5582 : i32 to index
      %get3A_5584 = arith.constant 0 : index
      %get3A_5585 = vector.load %arg1[%get3A_5583, %get3A_5584] : memref<10240x128xf32, #tpu.memory_space<vmem>>, vector<16x128xf32>
      %mul3A_5586 = arith.constant 16 : i32
      %mul3A_5587 = arith.muli %scan3A_5580, %mul3A_5586 : i32
      %get3A_5588 = arith.index_cast %mul3A_5587 : i32 to index
      %get3A_5589 = arith.constant 0 : index
      %get3A_5590 = vector.load %arg2[%get3A_5588, %get3A_5589] : memref<10240x128xf32, #tpu.memory_space<vmem>>, vector<16x128xf32>
      %max3A_5591 = arith.constant -9.210240e+00 : f32
      %max3A_5592 = vector.broadcast %max3A_5591 : f32 to vector<16x128xf32>
      %max3A_5593 = arith.maximumf %get3A_5585, %max3A_5592 : vector<16x128xf32>
      %min3A_5594 = arith.constant 9.210240e+00 : f32
      %min3A_5595 = vector.broadcast %min3A_5594 : f32 to vector<16x128xf32>
      %min3A_5596 = arith.minimumf %max3A_5593, %min3A_5595 : vector<16x128xf32>
      %neg3A_5597 = arith.constant 0.000000e+00 : f32
      %neg3A_5598 = vector.broadcast %neg3A_5597 : f32 to vector<16x128xf32>
      %neg3A_5599 = arith.subf %neg3A_5598, %min3A_5596 : vector<16x128xf32>
      %exp3A_5600 = math.exp %neg3A_5599 : vector<16x128xf32>
      %add3A_5601 = arith.constant 1.000000e+00 : f32
      %add3A_5602 = vector.broadcast %add3A_5601 : f32 to vector<16x128xf32>
      %add3A_5603 = arith.addf %exp3A_5600, %add3A_5602 : vector<16x128xf32>
      %log3A_5604 = math.log %add3A_5603 : vector<16x128xf32>
      %mul3A_5605 = arith.mulf %add3A_5603, %add3A_5603 : vector<16x128xf32>
      %div3A_5606 = arith.constant 1.000000e+00 : f32
      %div3A_5607 = vector.broadcast %div3A_5606 : f32 to vector<16x128xf32>
      %div3A_5608 = arith.divf %div3A_5607, %mul3A_5605 : vector<16x128xf32>
      %eq3A_5609 = arith.constant 1.000000e+00 : f32
      %eq3A_5610 = vector.broadcast %eq3A_5609 : f32 to vector<16x128xf32>
      %eq3A_5611 = arith.cmpf oeq, %get3A_5590, %eq3A_5610 : vector<16x128xf32>
      %sub3A_5612 = arith.constant 1.000000e+00 : f32
      %sub3A_5613 = vector.broadcast %sub3A_5612 : f32 to vector<16x128xf32>
      %sub3A_5614 = arith.subf %sub3A_5613, %get3A_5590 : vector<16x128xf32>
      %mul3A_5615 = arith.mulf %sub3A_5614, %sub3A_5614 : vector<16x128xf32>
      %mul3A_5616 = arith.mulf %exp3A_5600, %exp3A_5600 : vector<16x128xf32>
      %mul3A_5617 = arith.mulf %log3A_5604, %mul3A_5616 : vector<16x128xf32>
      %add3A_5618 = arith.addf %log3A_5604, %min3A_5596 : vector<16x128xf32>
      %mul3A_5619 = arith.mulf %mul3A_5615, %mul3A_5615 : vector<16x128xf32>
      %mul3A_5620 = arith.mulf %add3A_5618, %mul3A_5619 : vector<16x128xf32>
      %select_n3A_5621 = arith.select %eq3A_5611, %mul3A_5617, %mul3A_5620 : vector<16x128xi1>, vector<16x128xf32>
      %mul3A_5622 = arith.mulf %select_n3A_5621, %div3A_5608 : vector<16x128xf32>
      %add3A_5623 = arith.addf %add3A_5572, %mul3A_5622 : vector<16x128xf32>
      %jit3A_5624 = arith.constant 1.000000e+00 : f32
      %jit3A_5625 = arith.constant 0.000000e+00 : f32
      %broadcast_in_dim3A_5626 = vector.broadcast %jit3A_5624 : f32 to vector<16x128xf32>
      %broadcast_in_dim3A_5627 = vector.broadcast %jit3A_5625 : f32 to vector<16x128xf32>
      %select_n3A_5628 = arith.select %eq3A_5611, %broadcast_in_dim3A_5626, %broadcast_in_dim3A_5627 : vector<16x128xi1>, vector<16x128xf32>
      %add3A_5629 = arith.addf %add3A_5578, %select_n3A_5628 : vector<16x128xf32>
      %scan3A_5630 = arith.constant 110 : i32
      %scan3A_5631 = arith.addi %scan3A_29, %scan3A_5630 : i32
      %mul3A_5632 = arith.constant 16 : i32
      %mul3A_5633 = arith.muli %scan3A_5631, %mul3A_5632 : i32
      %get3A_5634 = arith.index_cast %mul3A_5633 : i32 to index
      %get3A_5635 = arith.constant 0 : index
      %get3A_5636 = vector.load %arg1[%get3A_5634, %get3A_5635] : memref<10240x128xf32, #tpu.memory_space<vmem>>, vector<16x128xf32>
      %mul3A_5637 = arith.constant 16 : i32
      %mul3A_5638 = arith.muli %scan3A_5631, %mul3A_5637 : i32
      %get3A_5639 = arith.index_cast %mul3A_5638 : i32 to index
      %get3A_5640 = arith.constant 0 : index
      %get3A_5641 = vector.load %arg2[%get3A_5639, %get3A_5640] : memref<10240x128xf32, #tpu.memory_space<vmem>>, vector<16x128xf32>
      %max3A_5642 = arith.constant -9.210240e+00 : f32
      %max3A_5643 = vector.broadcast %max3A_5642 : f32 to vector<16x128xf32>
      %max3A_5644 = arith.maximumf %get3A_5636, %max3A_5643 : vector<16x128xf32>
      %min3A_5645 = arith.constant 9.210240e+00 : f32
      %min3A_5646 = vector.broadcast %min3A_5645 : f32 to vector<16x128xf32>
      %min3A_5647 = arith.minimumf %max3A_5644, %min3A_5646 : vector<16x128xf32>
      %neg3A_5648 = arith.constant 0.000000e+00 : f32
      %neg3A_5649 = vector.broadcast %neg3A_5648 : f32 to vector<16x128xf32>
      %neg3A_5650 = arith.subf %neg3A_5649, %min3A_5647 : vector<16x128xf32>
      %exp3A_5651 = math.exp %neg3A_5650 : vector<16x128xf32>
      %add3A_5652 = arith.constant 1.000000e+00 : f32
      %add3A_5653 = vector.broadcast %add3A_5652 : f32 to vector<16x128xf32>
      %add3A_5654 = arith.addf %exp3A_5651, %add3A_5653 : vector<16x128xf32>
      %log3A_5655 = math.log %add3A_5654 : vector<16x128xf32>
      %mul3A_5656 = arith.mulf %add3A_5654, %add3A_5654 : vector<16x128xf32>
      %div3A_5657 = arith.constant 1.000000e+00 : f32
      %div3A_5658 = vector.broadcast %div3A_5657 : f32 to vector<16x128xf32>
      %div3A_5659 = arith.divf %div3A_5658, %mul3A_5656 : vector<16x128xf32>
      %eq3A_5660 = arith.constant 1.000000e+00 : f32
      %eq3A_5661 = vector.broadcast %eq3A_5660 : f32 to vector<16x128xf32>
      %eq3A_5662 = arith.cmpf oeq, %get3A_5641, %eq3A_5661 : vector<16x128xf32>
      %sub3A_5663 = arith.constant 1.000000e+00 : f32
      %sub3A_5664 = vector.broadcast %sub3A_5663 : f32 to vector<16x128xf32>
      %sub3A_5665 = arith.subf %sub3A_5664, %get3A_5641 : vector<16x128xf32>
      %mul3A_5666 = arith.mulf %sub3A_5665, %sub3A_5665 : vector<16x128xf32>
      %mul3A_5667 = arith.mulf %exp3A_5651, %exp3A_5651 : vector<16x128xf32>
      %mul3A_5668 = arith.mulf %log3A_5655, %mul3A_5667 : vector<16x128xf32>
      %add3A_5669 = arith.addf %log3A_5655, %min3A_5647 : vector<16x128xf32>
      %mul3A_5670 = arith.mulf %mul3A_5666, %mul3A_5666 : vector<16x128xf32>
      %mul3A_5671 = arith.mulf %add3A_5669, %mul3A_5670 : vector<16x128xf32>
      %select_n3A_5672 = arith.select %eq3A_5662, %mul3A_5668, %mul3A_5671 : vector<16x128xi1>, vector<16x128xf32>
      %mul3A_5673 = arith.mulf %select_n3A_5672, %div3A_5659 : vector<16x128xf32>
      %add3A_5674 = arith.addf %add3A_5623, %mul3A_5673 : vector<16x128xf32>
      %jit3A_5675 = arith.constant 1.000000e+00 : f32
      %jit3A_5676 = arith.constant 0.000000e+00 : f32
      %broadcast_in_dim3A_5677 = vector.broadcast %jit3A_5675 : f32 to vector<16x128xf32>
      %broadcast_in_dim3A_5678 = vector.broadcast %jit3A_5676 : f32 to vector<16x128xf32>
      %select_n3A_5679 = arith.select %eq3A_5662, %broadcast_in_dim3A_5677, %broadcast_in_dim3A_5678 : vector<16x128xi1>, vector<16x128xf32>
      %add3A_5680 = arith.addf %add3A_5629, %select_n3A_5679 : vector<16x128xf32>
      %scan3A_5681 = arith.constant 111 : i32
      %scan3A_5682 = arith.addi %scan3A_29, %scan3A_5681 : i32
      %mul3A_5683 = arith.constant 16 : i32
      %mul3A_5684 = arith.muli %scan3A_5682, %mul3A_5683 : i32
      %get3A_5685 = arith.index_cast %mul3A_5684 : i32 to index
      %get3A_5686 = arith.constant 0 : index
      %get3A_5687 = vector.load %arg1[%get3A_5685, %get3A_5686] : memref<10240x128xf32, #tpu.memory_space<vmem>>, vector<16x128xf32>
      %mul3A_5688 = arith.constant 16 : i32
      %mul3A_5689 = arith.muli %scan3A_5682, %mul3A_5688 : i32
      %get3A_5690 = arith.index_cast %mul3A_5689 : i32 to index
      %get3A_5691 = arith.constant 0 : index
      %get3A_5692 = vector.load %arg2[%get3A_5690, %get3A_5691] : memref<10240x128xf32, #tpu.memory_space<vmem>>, vector<16x128xf32>
      %max3A_5693 = arith.constant -9.210240e+00 : f32
      %max3A_5694 = vector.broadcast %max3A_5693 : f32 to vector<16x128xf32>
      %max3A_5695 = arith.maximumf %get3A_5687, %max3A_5694 : vector<16x128xf32>
      %min3A_5696 = arith.constant 9.210240e+00 : f32
      %min3A_5697 = vector.broadcast %min3A_5696 : f32 to vector<16x128xf32>
      %min3A_5698 = arith.minimumf %max3A_5695, %min3A_5697 : vector<16x128xf32>
      %neg3A_5699 = arith.constant 0.000000e+00 : f32
      %neg3A_5700 = vector.broadcast %neg3A_5699 : f32 to vector<16x128xf32>
      %neg3A_5701 = arith.subf %neg3A_5700, %min3A_5698 : vector<16x128xf32>
      %exp3A_5702 = math.exp %neg3A_5701 : vector<16x128xf32>
      %add3A_5703 = arith.constant 1.000000e+00 : f32
      %add3A_5704 = vector.broadcast %add3A_5703 : f32 to vector<16x128xf32>
      %add3A_5705 = arith.addf %exp3A_5702, %add3A_5704 : vector<16x128xf32>
      %log3A_5706 = math.log %add3A_5705 : vector<16x128xf32>
      %mul3A_5707 = arith.mulf %add3A_5705, %add3A_5705 : vector<16x128xf32>
      %div3A_5708 = arith.constant 1.000000e+00 : f32
      %div3A_5709 = vector.broadcast %div3A_5708 : f32 to vector<16x128xf32>
      %div3A_5710 = arith.divf %div3A_5709, %mul3A_5707 : vector<16x128xf32>
      %eq3A_5711 = arith.constant 1.000000e+00 : f32
      %eq3A_5712 = vector.broadcast %eq3A_5711 : f32 to vector<16x128xf32>
      %eq3A_5713 = arith.cmpf oeq, %get3A_5692, %eq3A_5712 : vector<16x128xf32>
      %sub3A_5714 = arith.constant 1.000000e+00 : f32
      %sub3A_5715 = vector.broadcast %sub3A_5714 : f32 to vector<16x128xf32>
      %sub3A_5716 = arith.subf %sub3A_5715, %get3A_5692 : vector<16x128xf32>
      %mul3A_5717 = arith.mulf %sub3A_5716, %sub3A_5716 : vector<16x128xf32>
      %mul3A_5718 = arith.mulf %exp3A_5702, %exp3A_5702 : vector<16x128xf32>
      %mul3A_5719 = arith.mulf %log3A_5706, %mul3A_5718 : vector<16x128xf32>
      %add3A_5720 = arith.addf %log3A_5706, %min3A_5698 : vector<16x128xf32>
      %mul3A_5721 = arith.mulf %mul3A_5717, %mul3A_5717 : vector<16x128xf32>
      %mul3A_5722 = arith.mulf %add3A_5720, %mul3A_5721 : vector<16x128xf32>
      %select_n3A_5723 = arith.select %eq3A_5713, %mul3A_5719, %mul3A_5722 : vector<16x128xi1>, vector<16x128xf32>
      %mul3A_5724 = arith.mulf %select_n3A_5723, %div3A_5710 : vector<16x128xf32>
      %add3A_5725 = arith.addf %add3A_5674, %mul3A_5724 : vector<16x128xf32>
      %jit3A_5726 = arith.constant 1.000000e+00 : f32
      %jit3A_5727 = arith.constant 0.000000e+00 : f32
      %broadcast_in_dim3A_5728 = vector.broadcast %jit3A_5726 : f32 to vector<16x128xf32>
      %broadcast_in_dim3A_5729 = vector.broadcast %jit3A_5727 : f32 to vector<16x128xf32>
      %select_n3A_5730 = arith.select %eq3A_5713, %broadcast_in_dim3A_5728, %broadcast_in_dim3A_5729 : vector<16x128xi1>, vector<16x128xf32>
      %add3A_5731 = arith.addf %add3A_5680, %select_n3A_5730 : vector<16x128xf32>
      %scan3A_5732 = arith.constant 112 : i32
      %scan3A_5733 = arith.addi %scan3A_29, %scan3A_5732 : i32
      %mul3A_5734 = arith.constant 16 : i32
      %mul3A_5735 = arith.muli %scan3A_5733, %mul3A_5734 : i32
      %get3A_5736 = arith.index_cast %mul3A_5735 : i32 to index
      %get3A_5737 = arith.constant 0 : index
      %get3A_5738 = vector.load %arg1[%get3A_5736, %get3A_5737] : memref<10240x128xf32, #tpu.memory_space<vmem>>, vector<16x128xf32>
      %mul3A_5739 = arith.constant 16 : i32
      %mul3A_5740 = arith.muli %scan3A_5733, %mul3A_5739 : i32
      %get3A_5741 = arith.index_cast %mul3A_5740 : i32 to index
      %get3A_5742 = arith.constant 0 : index
      %get3A_5743 = vector.load %arg2[%get3A_5741, %get3A_5742] : memref<10240x128xf32, #tpu.memory_space<vmem>>, vector<16x128xf32>
      %max3A_5744 = arith.constant -9.210240e+00 : f32
      %max3A_5745 = vector.broadcast %max3A_5744 : f32 to vector<16x128xf32>
      %max3A_5746 = arith.maximumf %get3A_5738, %max3A_5745 : vector<16x128xf32>
      %min3A_5747 = arith.constant 9.210240e+00 : f32
      %min3A_5748 = vector.broadcast %min3A_5747 : f32 to vector<16x128xf32>
      %min3A_5749 = arith.minimumf %max3A_5746, %min3A_5748 : vector<16x128xf32>
      %neg3A_5750 = arith.constant 0.000000e+00 : f32
      %neg3A_5751 = vector.broadcast %neg3A_5750 : f32 to vector<16x128xf32>
      %neg3A_5752 = arith.subf %neg3A_5751, %min3A_5749 : vector<16x128xf32>
      %exp3A_5753 = math.exp %neg3A_5752 : vector<16x128xf32>
      %add3A_5754 = arith.constant 1.000000e+00 : f32
      %add3A_5755 = vector.broadcast %add3A_5754 : f32 to vector<16x128xf32>
      %add3A_5756 = arith.addf %exp3A_5753, %add3A_5755 : vector<16x128xf32>
      %log3A_5757 = math.log %add3A_5756 : vector<16x128xf32>
      %mul3A_5758 = arith.mulf %add3A_5756, %add3A_5756 : vector<16x128xf32>
      %div3A_5759 = arith.constant 1.000000e+00 : f32
      %div3A_5760 = vector.broadcast %div3A_5759 : f32 to vector<16x128xf32>
      %div3A_5761 = arith.divf %div3A_5760, %mul3A_5758 : vector<16x128xf32>
      %eq3A_5762 = arith.constant 1.000000e+00 : f32
      %eq3A_5763 = vector.broadcast %eq3A_5762 : f32 to vector<16x128xf32>
      %eq3A_5764 = arith.cmpf oeq, %get3A_5743, %eq3A_5763 : vector<16x128xf32>
      %sub3A_5765 = arith.constant 1.000000e+00 : f32
      %sub3A_5766 = vector.broadcast %sub3A_5765 : f32 to vector<16x128xf32>
      %sub3A_5767 = arith.subf %sub3A_5766, %get3A_5743 : vector<16x128xf32>
      %mul3A_5768 = arith.mulf %sub3A_5767, %sub3A_5767 : vector<16x128xf32>
      %mul3A_5769 = arith.mulf %exp3A_5753, %exp3A_5753 : vector<16x128xf32>
      %mul3A_5770 = arith.mulf %log3A_5757, %mul3A_5769 : vector<16x128xf32>
      %add3A_5771 = arith.addf %log3A_5757, %min3A_5749 : vector<16x128xf32>
      %mul3A_5772 = arith.mulf %mul3A_5768, %mul3A_5768 : vector<16x128xf32>
      %mul3A_5773 = arith.mulf %add3A_5771, %mul3A_5772 : vector<16x128xf32>
      %select_n3A_5774 = arith.select %eq3A_5764, %mul3A_5770, %mul3A_5773 : vector<16x128xi1>, vector<16x128xf32>
      %mul3A_5775 = arith.mulf %select_n3A_5774, %div3A_5761 : vector<16x128xf32>
      %add3A_5776 = arith.addf %add3A_5725, %mul3A_5775 : vector<16x128xf32>
      %jit3A_5777 = arith.constant 1.000000e+00 : f32
      %jit3A_5778 = arith.constant 0.000000e+00 : f32
      %broadcast_in_dim3A_5779 = vector.broadcast %jit3A_5777 : f32 to vector<16x128xf32>
      %broadcast_in_dim3A_5780 = vector.broadcast %jit3A_5778 : f32 to vector<16x128xf32>
      %select_n3A_5781 = arith.select %eq3A_5764, %broadcast_in_dim3A_5779, %broadcast_in_dim3A_5780 : vector<16x128xi1>, vector<16x128xf32>
      %add3A_5782 = arith.addf %add3A_5731, %select_n3A_5781 : vector<16x128xf32>
      %scan3A_5783 = arith.constant 113 : i32
      %scan3A_5784 = arith.addi %scan3A_29, %scan3A_5783 : i32
      %mul3A_5785 = arith.constant 16 : i32
      %mul3A_5786 = arith.muli %scan3A_5784, %mul3A_5785 : i32
      %get3A_5787 = arith.index_cast %mul3A_5786 : i32 to index
      %get3A_5788 = arith.constant 0 : index
      %get3A_5789 = vector.load %arg1[%get3A_5787, %get3A_5788] : memref<10240x128xf32, #tpu.memory_space<vmem>>, vector<16x128xf32>
      %mul3A_5790 = arith.constant 16 : i32
      %mul3A_5791 = arith.muli %scan3A_5784, %mul3A_5790 : i32
      %get3A_5792 = arith.index_cast %mul3A_5791 : i32 to index
      %get3A_5793 = arith.constant 0 : index
      %get3A_5794 = vector.load %arg2[%get3A_5792, %get3A_5793] : memref<10240x128xf32, #tpu.memory_space<vmem>>, vector<16x128xf32>
      %max3A_5795 = arith.constant -9.210240e+00 : f32
      %max3A_5796 = vector.broadcast %max3A_5795 : f32 to vector<16x128xf32>
      %max3A_5797 = arith.maximumf %get3A_5789, %max3A_5796 : vector<16x128xf32>
      %min3A_5798 = arith.constant 9.210240e+00 : f32
      %min3A_5799 = vector.broadcast %min3A_5798 : f32 to vector<16x128xf32>
      %min3A_5800 = arith.minimumf %max3A_5797, %min3A_5799 : vector<16x128xf32>
      %neg3A_5801 = arith.constant 0.000000e+00 : f32
      %neg3A_5802 = vector.broadcast %neg3A_5801 : f32 to vector<16x128xf32>
      %neg3A_5803 = arith.subf %neg3A_5802, %min3A_5800 : vector<16x128xf32>
      %exp3A_5804 = math.exp %neg3A_5803 : vector<16x128xf32>
      %add3A_5805 = arith.constant 1.000000e+00 : f32
      %add3A_5806 = vector.broadcast %add3A_5805 : f32 to vector<16x128xf32>
      %add3A_5807 = arith.addf %exp3A_5804, %add3A_5806 : vector<16x128xf32>
      %log3A_5808 = math.log %add3A_5807 : vector<16x128xf32>
      %mul3A_5809 = arith.mulf %add3A_5807, %add3A_5807 : vector<16x128xf32>
      %div3A_5810 = arith.constant 1.000000e+00 : f32
      %div3A_5811 = vector.broadcast %div3A_5810 : f32 to vector<16x128xf32>
      %div3A_5812 = arith.divf %div3A_5811, %mul3A_5809 : vector<16x128xf32>
      %eq3A_5813 = arith.constant 1.000000e+00 : f32
      %eq3A_5814 = vector.broadcast %eq3A_5813 : f32 to vector<16x128xf32>
      %eq3A_5815 = arith.cmpf oeq, %get3A_5794, %eq3A_5814 : vector<16x128xf32>
      %sub3A_5816 = arith.constant 1.000000e+00 : f32
      %sub3A_5817 = vector.broadcast %sub3A_5816 : f32 to vector<16x128xf32>
      %sub3A_5818 = arith.subf %sub3A_5817, %get3A_5794 : vector<16x128xf32>
      %mul3A_5819 = arith.mulf %sub3A_5818, %sub3A_5818 : vector<16x128xf32>
      %mul3A_5820 = arith.mulf %exp3A_5804, %exp3A_5804 : vector<16x128xf32>
      %mul3A_5821 = arith.mulf %log3A_5808, %mul3A_5820 : vector<16x128xf32>
      %add3A_5822 = arith.addf %log3A_5808, %min3A_5800 : vector<16x128xf32>
      %mul3A_5823 = arith.mulf %mul3A_5819, %mul3A_5819 : vector<16x128xf32>
      %mul3A_5824 = arith.mulf %add3A_5822, %mul3A_5823 : vector<16x128xf32>
      %select_n3A_5825 = arith.select %eq3A_5815, %mul3A_5821, %mul3A_5824 : vector<16x128xi1>, vector<16x128xf32>
      %mul3A_5826 = arith.mulf %select_n3A_5825, %div3A_5812 : vector<16x128xf32>
      %add3A_5827 = arith.addf %add3A_5776, %mul3A_5826 : vector<16x128xf32>
      %jit3A_5828 = arith.constant 1.000000e+00 : f32
      %jit3A_5829 = arith.constant 0.000000e+00 : f32
      %broadcast_in_dim3A_5830 = vector.broadcast %jit3A_5828 : f32 to vector<16x128xf32>
      %broadcast_in_dim3A_5831 = vector.broadcast %jit3A_5829 : f32 to vector<16x128xf32>
      %select_n3A_5832 = arith.select %eq3A_5815, %broadcast_in_dim3A_5830, %broadcast_in_dim3A_5831 : vector<16x128xi1>, vector<16x128xf32>
      %add3A_5833 = arith.addf %add3A_5782, %select_n3A_5832 : vector<16x128xf32>
      %scan3A_5834 = arith.constant 114 : i32
      %scan3A_5835 = arith.addi %scan3A_29, %scan3A_5834 : i32
      %mul3A_5836 = arith.constant 16 : i32
      %mul3A_5837 = arith.muli %scan3A_5835, %mul3A_5836 : i32
      %get3A_5838 = arith.index_cast %mul3A_5837 : i32 to index
      %get3A_5839 = arith.constant 0 : index
      %get3A_5840 = vector.load %arg1[%get3A_5838, %get3A_5839] : memref<10240x128xf32, #tpu.memory_space<vmem>>, vector<16x128xf32>
      %mul3A_5841 = arith.constant 16 : i32
      %mul3A_5842 = arith.muli %scan3A_5835, %mul3A_5841 : i32
      %get3A_5843 = arith.index_cast %mul3A_5842 : i32 to index
      %get3A_5844 = arith.constant 0 : index
      %get3A_5845 = vector.load %arg2[%get3A_5843, %get3A_5844] : memref<10240x128xf32, #tpu.memory_space<vmem>>, vector<16x128xf32>
      %max3A_5846 = arith.constant -9.210240e+00 : f32
      %max3A_5847 = vector.broadcast %max3A_5846 : f32 to vector<16x128xf32>
      %max3A_5848 = arith.maximumf %get3A_5840, %max3A_5847 : vector<16x128xf32>
      %min3A_5849 = arith.constant 9.210240e+00 : f32
      %min3A_5850 = vector.broadcast %min3A_5849 : f32 to vector<16x128xf32>
      %min3A_5851 = arith.minimumf %max3A_5848, %min3A_5850 : vector<16x128xf32>
      %neg3A_5852 = arith.constant 0.000000e+00 : f32
      %neg3A_5853 = vector.broadcast %neg3A_5852 : f32 to vector<16x128xf32>
      %neg3A_5854 = arith.subf %neg3A_5853, %min3A_5851 : vector<16x128xf32>
      %exp3A_5855 = math.exp %neg3A_5854 : vector<16x128xf32>
      %add3A_5856 = arith.constant 1.000000e+00 : f32
      %add3A_5857 = vector.broadcast %add3A_5856 : f32 to vector<16x128xf32>
      %add3A_5858 = arith.addf %exp3A_5855, %add3A_5857 : vector<16x128xf32>
      %log3A_5859 = math.log %add3A_5858 : vector<16x128xf32>
      %mul3A_5860 = arith.mulf %add3A_5858, %add3A_5858 : vector<16x128xf32>
      %div3A_5861 = arith.constant 1.000000e+00 : f32
      %div3A_5862 = vector.broadcast %div3A_5861 : f32 to vector<16x128xf32>
      %div3A_5863 = arith.divf %div3A_5862, %mul3A_5860 : vector<16x128xf32>
      %eq3A_5864 = arith.constant 1.000000e+00 : f32
      %eq3A_5865 = vector.broadcast %eq3A_5864 : f32 to vector<16x128xf32>
      %eq3A_5866 = arith.cmpf oeq, %get3A_5845, %eq3A_5865 : vector<16x128xf32>
      %sub3A_5867 = arith.constant 1.000000e+00 : f32
      %sub3A_5868 = vector.broadcast %sub3A_5867 : f32 to vector<16x128xf32>
      %sub3A_5869 = arith.subf %sub3A_5868, %get3A_5845 : vector<16x128xf32>
      %mul3A_5870 = arith.mulf %sub3A_5869, %sub3A_5869 : vector<16x128xf32>
      %mul3A_5871 = arith.mulf %exp3A_5855, %exp3A_5855 : vector<16x128xf32>
      %mul3A_5872 = arith.mulf %log3A_5859, %mul3A_5871 : vector<16x128xf32>
      %add3A_5873 = arith.addf %log3A_5859, %min3A_5851 : vector<16x128xf32>
      %mul3A_5874 = arith.mulf %mul3A_5870, %mul3A_5870 : vector<16x128xf32>
      %mul3A_5875 = arith.mulf %add3A_5873, %mul3A_5874 : vector<16x128xf32>
      %select_n3A_5876 = arith.select %eq3A_5866, %mul3A_5872, %mul3A_5875 : vector<16x128xi1>, vector<16x128xf32>
      %mul3A_5877 = arith.mulf %select_n3A_5876, %div3A_5863 : vector<16x128xf32>
      %add3A_5878 = arith.addf %add3A_5827, %mul3A_5877 : vector<16x128xf32>
      %jit3A_5879 = arith.constant 1.000000e+00 : f32
      %jit3A_5880 = arith.constant 0.000000e+00 : f32
      %broadcast_in_dim3A_5881 = vector.broadcast %jit3A_5879 : f32 to vector<16x128xf32>
      %broadcast_in_dim3A_5882 = vector.broadcast %jit3A_5880 : f32 to vector<16x128xf32>
      %select_n3A_5883 = arith.select %eq3A_5866, %broadcast_in_dim3A_5881, %broadcast_in_dim3A_5882 : vector<16x128xi1>, vector<16x128xf32>
      %add3A_5884 = arith.addf %add3A_5833, %select_n3A_5883 : vector<16x128xf32>
      %scan3A_5885 = arith.constant 115 : i32
      %scan3A_5886 = arith.addi %scan3A_29, %scan3A_5885 : i32
      %mul3A_5887 = arith.constant 16 : i32
      %mul3A_5888 = arith.muli %scan3A_5886, %mul3A_5887 : i32
      %get3A_5889 = arith.index_cast %mul3A_5888 : i32 to index
      %get3A_5890 = arith.constant 0 : index
      %get3A_5891 = vector.load %arg1[%get3A_5889, %get3A_5890] : memref<10240x128xf32, #tpu.memory_space<vmem>>, vector<16x128xf32>
      %mul3A_5892 = arith.constant 16 : i32
      %mul3A_5893 = arith.muli %scan3A_5886, %mul3A_5892 : i32
      %get3A_5894 = arith.index_cast %mul3A_5893 : i32 to index
      %get3A_5895 = arith.constant 0 : index
      %get3A_5896 = vector.load %arg2[%get3A_5894, %get3A_5895] : memref<10240x128xf32, #tpu.memory_space<vmem>>, vector<16x128xf32>
      %max3A_5897 = arith.constant -9.210240e+00 : f32
      %max3A_5898 = vector.broadcast %max3A_5897 : f32 to vector<16x128xf32>
      %max3A_5899 = arith.maximumf %get3A_5891, %max3A_5898 : vector<16x128xf32>
      %min3A_5900 = arith.constant 9.210240e+00 : f32
      %min3A_5901 = vector.broadcast %min3A_5900 : f32 to vector<16x128xf32>
      %min3A_5902 = arith.minimumf %max3A_5899, %min3A_5901 : vector<16x128xf32>
      %neg3A_5903 = arith.constant 0.000000e+00 : f32
      %neg3A_5904 = vector.broadcast %neg3A_5903 : f32 to vector<16x128xf32>
      %neg3A_5905 = arith.subf %neg3A_5904, %min3A_5902 : vector<16x128xf32>
      %exp3A_5906 = math.exp %neg3A_5905 : vector<16x128xf32>
      %add3A_5907 = arith.constant 1.000000e+00 : f32
      %add3A_5908 = vector.broadcast %add3A_5907 : f32 to vector<16x128xf32>
      %add3A_5909 = arith.addf %exp3A_5906, %add3A_5908 : vector<16x128xf32>
      %log3A_5910 = math.log %add3A_5909 : vector<16x128xf32>
      %mul3A_5911 = arith.mulf %add3A_5909, %add3A_5909 : vector<16x128xf32>
      %div3A_5912 = arith.constant 1.000000e+00 : f32
      %div3A_5913 = vector.broadcast %div3A_5912 : f32 to vector<16x128xf32>
      %div3A_5914 = arith.divf %div3A_5913, %mul3A_5911 : vector<16x128xf32>
      %eq3A_5915 = arith.constant 1.000000e+00 : f32
      %eq3A_5916 = vector.broadcast %eq3A_5915 : f32 to vector<16x128xf32>
      %eq3A_5917 = arith.cmpf oeq, %get3A_5896, %eq3A_5916 : vector<16x128xf32>
      %sub3A_5918 = arith.constant 1.000000e+00 : f32
      %sub3A_5919 = vector.broadcast %sub3A_5918 : f32 to vector<16x128xf32>
      %sub3A_5920 = arith.subf %sub3A_5919, %get3A_5896 : vector<16x128xf32>
      %mul3A_5921 = arith.mulf %sub3A_5920, %sub3A_5920 : vector<16x128xf32>
      %mul3A_5922 = arith.mulf %exp3A_5906, %exp3A_5906 : vector<16x128xf32>
      %mul3A_5923 = arith.mulf %log3A_5910, %mul3A_5922 : vector<16x128xf32>
      %add3A_5924 = arith.addf %log3A_5910, %min3A_5902 : vector<16x128xf32>
      %mul3A_5925 = arith.mulf %mul3A_5921, %mul3A_5921 : vector<16x128xf32>
      %mul3A_5926 = arith.mulf %add3A_5924, %mul3A_5925 : vector<16x128xf32>
      %select_n3A_5927 = arith.select %eq3A_5917, %mul3A_5923, %mul3A_5926 : vector<16x128xi1>, vector<16x128xf32>
      %mul3A_5928 = arith.mulf %select_n3A_5927, %div3A_5914 : vector<16x128xf32>
      %add3A_5929 = arith.addf %add3A_5878, %mul3A_5928 : vector<16x128xf32>
      %jit3A_5930 = arith.constant 1.000000e+00 : f32
      %jit3A_5931 = arith.constant 0.000000e+00 : f32
      %broadcast_in_dim3A_5932 = vector.broadcast %jit3A_5930 : f32 to vector<16x128xf32>
      %broadcast_in_dim3A_5933 = vector.broadcast %jit3A_5931 : f32 to vector<16x128xf32>
      %select_n3A_5934 = arith.select %eq3A_5917, %broadcast_in_dim3A_5932, %broadcast_in_dim3A_5933 : vector<16x128xi1>, vector<16x128xf32>
      %add3A_5935 = arith.addf %add3A_5884, %select_n3A_5934 : vector<16x128xf32>
      %scan3A_5936 = arith.constant 116 : i32
      %scan3A_5937 = arith.addi %scan3A_29, %scan3A_5936 : i32
      %mul3A_5938 = arith.constant 16 : i32
      %mul3A_5939 = arith.muli %scan3A_5937, %mul3A_5938 : i32
      %get3A_5940 = arith.index_cast %mul3A_5939 : i32 to index
      %get3A_5941 = arith.constant 0 : index
      %get3A_5942 = vector.load %arg1[%get3A_5940, %get3A_5941] : memref<10240x128xf32, #tpu.memory_space<vmem>>, vector<16x128xf32>
      %mul3A_5943 = arith.constant 16 : i32
      %mul3A_5944 = arith.muli %scan3A_5937, %mul3A_5943 : i32
      %get3A_5945 = arith.index_cast %mul3A_5944 : i32 to index
      %get3A_5946 = arith.constant 0 : index
      %get3A_5947 = vector.load %arg2[%get3A_5945, %get3A_5946] : memref<10240x128xf32, #tpu.memory_space<vmem>>, vector<16x128xf32>
      %max3A_5948 = arith.constant -9.210240e+00 : f32
      %max3A_5949 = vector.broadcast %max3A_5948 : f32 to vector<16x128xf32>
      %max3A_5950 = arith.maximumf %get3A_5942, %max3A_5949 : vector<16x128xf32>
      %min3A_5951 = arith.constant 9.210240e+00 : f32
      %min3A_5952 = vector.broadcast %min3A_5951 : f32 to vector<16x128xf32>
      %min3A_5953 = arith.minimumf %max3A_5950, %min3A_5952 : vector<16x128xf32>
      %neg3A_5954 = arith.constant 0.000000e+00 : f32
      %neg3A_5955 = vector.broadcast %neg3A_5954 : f32 to vector<16x128xf32>
      %neg3A_5956 = arith.subf %neg3A_5955, %min3A_5953 : vector<16x128xf32>
      %exp3A_5957 = math.exp %neg3A_5956 : vector<16x128xf32>
      %add3A_5958 = arith.constant 1.000000e+00 : f32
      %add3A_5959 = vector.broadcast %add3A_5958 : f32 to vector<16x128xf32>
      %add3A_5960 = arith.addf %exp3A_5957, %add3A_5959 : vector<16x128xf32>
      %log3A_5961 = math.log %add3A_5960 : vector<16x128xf32>
      %mul3A_5962 = arith.mulf %add3A_5960, %add3A_5960 : vector<16x128xf32>
      %div3A_5963 = arith.constant 1.000000e+00 : f32
      %div3A_5964 = vector.broadcast %div3A_5963 : f32 to vector<16x128xf32>
      %div3A_5965 = arith.divf %div3A_5964, %mul3A_5962 : vector<16x128xf32>
      %eq3A_5966 = arith.constant 1.000000e+00 : f32
      %eq3A_5967 = vector.broadcast %eq3A_5966 : f32 to vector<16x128xf32>
      %eq3A_5968 = arith.cmpf oeq, %get3A_5947, %eq3A_5967 : vector<16x128xf32>
      %sub3A_5969 = arith.constant 1.000000e+00 : f32
      %sub3A_5970 = vector.broadcast %sub3A_5969 : f32 to vector<16x128xf32>
      %sub3A_5971 = arith.subf %sub3A_5970, %get3A_5947 : vector<16x128xf32>
      %mul3A_5972 = arith.mulf %sub3A_5971, %sub3A_5971 : vector<16x128xf32>
      %mul3A_5973 = arith.mulf %exp3A_5957, %exp3A_5957 : vector<16x128xf32>
      %mul3A_5974 = arith.mulf %log3A_5961, %mul3A_5973 : vector<16x128xf32>
      %add3A_5975 = arith.addf %log3A_5961, %min3A_5953 : vector<16x128xf32>
      %mul3A_5976 = arith.mulf %mul3A_5972, %mul3A_5972 : vector<16x128xf32>
      %mul3A_5977 = arith.mulf %add3A_5975, %mul3A_5976 : vector<16x128xf32>
      %select_n3A_5978 = arith.select %eq3A_5968, %mul3A_5974, %mul3A_5977 : vector<16x128xi1>, vector<16x128xf32>
      %mul3A_5979 = arith.mulf %select_n3A_5978, %div3A_5965 : vector<16x128xf32>
      %add3A_5980 = arith.addf %add3A_5929, %mul3A_5979 : vector<16x128xf32>
      %jit3A_5981 = arith.constant 1.000000e+00 : f32
      %jit3A_5982 = arith.constant 0.000000e+00 : f32
      %broadcast_in_dim3A_5983 = vector.broadcast %jit3A_5981 : f32 to vector<16x128xf32>
      %broadcast_in_dim3A_5984 = vector.broadcast %jit3A_5982 : f32 to vector<16x128xf32>
      %select_n3A_5985 = arith.select %eq3A_5968, %broadcast_in_dim3A_5983, %broadcast_in_dim3A_5984 : vector<16x128xi1>, vector<16x128xf32>
      %add3A_5986 = arith.addf %add3A_5935, %select_n3A_5985 : vector<16x128xf32>
      %scan3A_5987 = arith.constant 117 : i32
      %scan3A_5988 = arith.addi %scan3A_29, %scan3A_5987 : i32
      %mul3A_5989 = arith.constant 16 : i32
      %mul3A_5990 = arith.muli %scan3A_5988, %mul3A_5989 : i32
      %get3A_5991 = arith.index_cast %mul3A_5990 : i32 to index
      %get3A_5992 = arith.constant 0 : index
      %get3A_5993 = vector.load %arg1[%get3A_5991, %get3A_5992] : memref<10240x128xf32, #tpu.memory_space<vmem>>, vector<16x128xf32>
      %mul3A_5994 = arith.constant 16 : i32
      %mul3A_5995 = arith.muli %scan3A_5988, %mul3A_5994 : i32
      %get3A_5996 = arith.index_cast %mul3A_5995 : i32 to index
      %get3A_5997 = arith.constant 0 : index
      %get3A_5998 = vector.load %arg2[%get3A_5996, %get3A_5997] : memref<10240x128xf32, #tpu.memory_space<vmem>>, vector<16x128xf32>
      %max3A_5999 = arith.constant -9.210240e+00 : f32
      %max3A_6000 = vector.broadcast %max3A_5999 : f32 to vector<16x128xf32>
      %max3A_6001 = arith.maximumf %get3A_5993, %max3A_6000 : vector<16x128xf32>
      %min3A_6002 = arith.constant 9.210240e+00 : f32
      %min3A_6003 = vector.broadcast %min3A_6002 : f32 to vector<16x128xf32>
      %min3A_6004 = arith.minimumf %max3A_6001, %min3A_6003 : vector<16x128xf32>
      %neg3A_6005 = arith.constant 0.000000e+00 : f32
      %neg3A_6006 = vector.broadcast %neg3A_6005 : f32 to vector<16x128xf32>
      %neg3A_6007 = arith.subf %neg3A_6006, %min3A_6004 : vector<16x128xf32>
      %exp3A_6008 = math.exp %neg3A_6007 : vector<16x128xf32>
      %add3A_6009 = arith.constant 1.000000e+00 : f32
      %add3A_6010 = vector.broadcast %add3A_6009 : f32 to vector<16x128xf32>
      %add3A_6011 = arith.addf %exp3A_6008, %add3A_6010 : vector<16x128xf32>
      %log3A_6012 = math.log %add3A_6011 : vector<16x128xf32>
      %mul3A_6013 = arith.mulf %add3A_6011, %add3A_6011 : vector<16x128xf32>
      %div3A_6014 = arith.constant 1.000000e+00 : f32
      %div3A_6015 = vector.broadcast %div3A_6014 : f32 to vector<16x128xf32>
      %div3A_6016 = arith.divf %div3A_6015, %mul3A_6013 : vector<16x128xf32>
      %eq3A_6017 = arith.constant 1.000000e+00 : f32
      %eq3A_6018 = vector.broadcast %eq3A_6017 : f32 to vector<16x128xf32>
      %eq3A_6019 = arith.cmpf oeq, %get3A_5998, %eq3A_6018 : vector<16x128xf32>
      %sub3A_6020 = arith.constant 1.000000e+00 : f32
      %sub3A_6021 = vector.broadcast %sub3A_6020 : f32 to vector<16x128xf32>
      %sub3A_6022 = arith.subf %sub3A_6021, %get3A_5998 : vector<16x128xf32>
      %mul3A_6023 = arith.mulf %sub3A_6022, %sub3A_6022 : vector<16x128xf32>
      %mul3A_6024 = arith.mulf %exp3A_6008, %exp3A_6008 : vector<16x128xf32>
      %mul3A_6025 = arith.mulf %log3A_6012, %mul3A_6024 : vector<16x128xf32>
      %add3A_6026 = arith.addf %log3A_6012, %min3A_6004 : vector<16x128xf32>
      %mul3A_6027 = arith.mulf %mul3A_6023, %mul3A_6023 : vector<16x128xf32>
      %mul3A_6028 = arith.mulf %add3A_6026, %mul3A_6027 : vector<16x128xf32>
      %select_n3A_6029 = arith.select %eq3A_6019, %mul3A_6025, %mul3A_6028 : vector<16x128xi1>, vector<16x128xf32>
      %mul3A_6030 = arith.mulf %select_n3A_6029, %div3A_6016 : vector<16x128xf32>
      %add3A_6031 = arith.addf %add3A_5980, %mul3A_6030 : vector<16x128xf32>
      %jit3A_6032 = arith.constant 1.000000e+00 : f32
      %jit3A_6033 = arith.constant 0.000000e+00 : f32
      %broadcast_in_dim3A_6034 = vector.broadcast %jit3A_6032 : f32 to vector<16x128xf32>
      %broadcast_in_dim3A_6035 = vector.broadcast %jit3A_6033 : f32 to vector<16x128xf32>
      %select_n3A_6036 = arith.select %eq3A_6019, %broadcast_in_dim3A_6034, %broadcast_in_dim3A_6035 : vector<16x128xi1>, vector<16x128xf32>
      %add3A_6037 = arith.addf %add3A_5986, %select_n3A_6036 : vector<16x128xf32>
      %scan3A_6038 = arith.constant 118 : i32
      %scan3A_6039 = arith.addi %scan3A_29, %scan3A_6038 : i32
      %mul3A_6040 = arith.constant 16 : i32
      %mul3A_6041 = arith.muli %scan3A_6039, %mul3A_6040 : i32
      %get3A_6042 = arith.index_cast %mul3A_6041 : i32 to index
      %get3A_6043 = arith.constant 0 : index
      %get3A_6044 = vector.load %arg1[%get3A_6042, %get3A_6043] : memref<10240x128xf32, #tpu.memory_space<vmem>>, vector<16x128xf32>
      %mul3A_6045 = arith.constant 16 : i32
      %mul3A_6046 = arith.muli %scan3A_6039, %mul3A_6045 : i32
      %get3A_6047 = arith.index_cast %mul3A_6046 : i32 to index
      %get3A_6048 = arith.constant 0 : index
      %get3A_6049 = vector.load %arg2[%get3A_6047, %get3A_6048] : memref<10240x128xf32, #tpu.memory_space<vmem>>, vector<16x128xf32>
      %max3A_6050 = arith.constant -9.210240e+00 : f32
      %max3A_6051 = vector.broadcast %max3A_6050 : f32 to vector<16x128xf32>
      %max3A_6052 = arith.maximumf %get3A_6044, %max3A_6051 : vector<16x128xf32>
      %min3A_6053 = arith.constant 9.210240e+00 : f32
      %min3A_6054 = vector.broadcast %min3A_6053 : f32 to vector<16x128xf32>
      %min3A_6055 = arith.minimumf %max3A_6052, %min3A_6054 : vector<16x128xf32>
      %neg3A_6056 = arith.constant 0.000000e+00 : f32
      %neg3A_6057 = vector.broadcast %neg3A_6056 : f32 to vector<16x128xf32>
      %neg3A_6058 = arith.subf %neg3A_6057, %min3A_6055 : vector<16x128xf32>
      %exp3A_6059 = math.exp %neg3A_6058 : vector<16x128xf32>
      %add3A_6060 = arith.constant 1.000000e+00 : f32
      %add3A_6061 = vector.broadcast %add3A_6060 : f32 to vector<16x128xf32>
      %add3A_6062 = arith.addf %exp3A_6059, %add3A_6061 : vector<16x128xf32>
      %log3A_6063 = math.log %add3A_6062 : vector<16x128xf32>
      %mul3A_6064 = arith.mulf %add3A_6062, %add3A_6062 : vector<16x128xf32>
      %div3A_6065 = arith.constant 1.000000e+00 : f32
      %div3A_6066 = vector.broadcast %div3A_6065 : f32 to vector<16x128xf32>
      %div3A_6067 = arith.divf %div3A_6066, %mul3A_6064 : vector<16x128xf32>
      %eq3A_6068 = arith.constant 1.000000e+00 : f32
      %eq3A_6069 = vector.broadcast %eq3A_6068 : f32 to vector<16x128xf32>
      %eq3A_6070 = arith.cmpf oeq, %get3A_6049, %eq3A_6069 : vector<16x128xf32>
      %sub3A_6071 = arith.constant 1.000000e+00 : f32
      %sub3A_6072 = vector.broadcast %sub3A_6071 : f32 to vector<16x128xf32>
      %sub3A_6073 = arith.subf %sub3A_6072, %get3A_6049 : vector<16x128xf32>
      %mul3A_6074 = arith.mulf %sub3A_6073, %sub3A_6073 : vector<16x128xf32>
      %mul3A_6075 = arith.mulf %exp3A_6059, %exp3A_6059 : vector<16x128xf32>
      %mul3A_6076 = arith.mulf %log3A_6063, %mul3A_6075 : vector<16x128xf32>
      %add3A_6077 = arith.addf %log3A_6063, %min3A_6055 : vector<16x128xf32>
      %mul3A_6078 = arith.mulf %mul3A_6074, %mul3A_6074 : vector<16x128xf32>
      %mul3A_6079 = arith.mulf %add3A_6077, %mul3A_6078 : vector<16x128xf32>
      %select_n3A_6080 = arith.select %eq3A_6070, %mul3A_6076, %mul3A_6079 : vector<16x128xi1>, vector<16x128xf32>
      %mul3A_6081 = arith.mulf %select_n3A_6080, %div3A_6067 : vector<16x128xf32>
      %add3A_6082 = arith.addf %add3A_6031, %mul3A_6081 : vector<16x128xf32>
      %jit3A_6083 = arith.constant 1.000000e+00 : f32
      %jit3A_6084 = arith.constant 0.000000e+00 : f32
      %broadcast_in_dim3A_6085 = vector.broadcast %jit3A_6083 : f32 to vector<16x128xf32>
      %broadcast_in_dim3A_6086 = vector.broadcast %jit3A_6084 : f32 to vector<16x128xf32>
      %select_n3A_6087 = arith.select %eq3A_6070, %broadcast_in_dim3A_6085, %broadcast_in_dim3A_6086 : vector<16x128xi1>, vector<16x128xf32>
      %add3A_6088 = arith.addf %add3A_6037, %select_n3A_6087 : vector<16x128xf32>
      %scan3A_6089 = arith.constant 119 : i32
      %scan3A_6090 = arith.addi %scan3A_29, %scan3A_6089 : i32
      %mul3A_6091 = arith.constant 16 : i32
      %mul3A_6092 = arith.muli %scan3A_6090, %mul3A_6091 : i32
      %get3A_6093 = arith.index_cast %mul3A_6092 : i32 to index
      %get3A_6094 = arith.constant 0 : index
      %get3A_6095 = vector.load %arg1[%get3A_6093, %get3A_6094] : memref<10240x128xf32, #tpu.memory_space<vmem>>, vector<16x128xf32>
      %mul3A_6096 = arith.constant 16 : i32
      %mul3A_6097 = arith.muli %scan3A_6090, %mul3A_6096 : i32
      %get3A_6098 = arith.index_cast %mul3A_6097 : i32 to index
      %get3A_6099 = arith.constant 0 : index
      %get3A_6100 = vector.load %arg2[%get3A_6098, %get3A_6099] : memref<10240x128xf32, #tpu.memory_space<vmem>>, vector<16x128xf32>
      %max3A_6101 = arith.constant -9.210240e+00 : f32
      %max3A_6102 = vector.broadcast %max3A_6101 : f32 to vector<16x128xf32>
      %max3A_6103 = arith.maximumf %get3A_6095, %max3A_6102 : vector<16x128xf32>
      %min3A_6104 = arith.constant 9.210240e+00 : f32
      %min3A_6105 = vector.broadcast %min3A_6104 : f32 to vector<16x128xf32>
      %min3A_6106 = arith.minimumf %max3A_6103, %min3A_6105 : vector<16x128xf32>
      %neg3A_6107 = arith.constant 0.000000e+00 : f32
      %neg3A_6108 = vector.broadcast %neg3A_6107 : f32 to vector<16x128xf32>
      %neg3A_6109 = arith.subf %neg3A_6108, %min3A_6106 : vector<16x128xf32>
      %exp3A_6110 = math.exp %neg3A_6109 : vector<16x128xf32>
      %add3A_6111 = arith.constant 1.000000e+00 : f32
      %add3A_6112 = vector.broadcast %add3A_6111 : f32 to vector<16x128xf32>
      %add3A_6113 = arith.addf %exp3A_6110, %add3A_6112 : vector<16x128xf32>
      %log3A_6114 = math.log %add3A_6113 : vector<16x128xf32>
      %mul3A_6115 = arith.mulf %add3A_6113, %add3A_6113 : vector<16x128xf32>
      %div3A_6116 = arith.constant 1.000000e+00 : f32
      %div3A_6117 = vector.broadcast %div3A_6116 : f32 to vector<16x128xf32>
      %div3A_6118 = arith.divf %div3A_6117, %mul3A_6115 : vector<16x128xf32>
      %eq3A_6119 = arith.constant 1.000000e+00 : f32
      %eq3A_6120 = vector.broadcast %eq3A_6119 : f32 to vector<16x128xf32>
      %eq3A_6121 = arith.cmpf oeq, %get3A_6100, %eq3A_6120 : vector<16x128xf32>
      %sub3A_6122 = arith.constant 1.000000e+00 : f32
      %sub3A_6123 = vector.broadcast %sub3A_6122 : f32 to vector<16x128xf32>
      %sub3A_6124 = arith.subf %sub3A_6123, %get3A_6100 : vector<16x128xf32>
      %mul3A_6125 = arith.mulf %sub3A_6124, %sub3A_6124 : vector<16x128xf32>
      %mul3A_6126 = arith.mulf %exp3A_6110, %exp3A_6110 : vector<16x128xf32>
      %mul3A_6127 = arith.mulf %log3A_6114, %mul3A_6126 : vector<16x128xf32>
      %add3A_6128 = arith.addf %log3A_6114, %min3A_6106 : vector<16x128xf32>
      %mul3A_6129 = arith.mulf %mul3A_6125, %mul3A_6125 : vector<16x128xf32>
      %mul3A_6130 = arith.mulf %add3A_6128, %mul3A_6129 : vector<16x128xf32>
      %select_n3A_6131 = arith.select %eq3A_6121, %mul3A_6127, %mul3A_6130 : vector<16x128xi1>, vector<16x128xf32>
      %mul3A_6132 = arith.mulf %select_n3A_6131, %div3A_6118 : vector<16x128xf32>
      %add3A_6133 = arith.addf %add3A_6082, %mul3A_6132 : vector<16x128xf32>
      %jit3A_6134 = arith.constant 1.000000e+00 : f32
      %jit3A_6135 = arith.constant 0.000000e+00 : f32
      %broadcast_in_dim3A_6136 = vector.broadcast %jit3A_6134 : f32 to vector<16x128xf32>
      %broadcast_in_dim3A_6137 = vector.broadcast %jit3A_6135 : f32 to vector<16x128xf32>
      %select_n3A_6138 = arith.select %eq3A_6121, %broadcast_in_dim3A_6136, %broadcast_in_dim3A_6137 : vector<16x128xi1>, vector<16x128xf32>
      %add3A_6139 = arith.addf %add3A_6088, %select_n3A_6138 : vector<16x128xf32>
      %scan3A_6140 = arith.constant 120 : i32
      %scan3A_6141 = arith.addi %scan3A_29, %scan3A_6140 : i32
      %mul3A_6142 = arith.constant 16 : i32
      %mul3A_6143 = arith.muli %scan3A_6141, %mul3A_6142 : i32
      %get3A_6144 = arith.index_cast %mul3A_6143 : i32 to index
      %get3A_6145 = arith.constant 0 : index
      %get3A_6146 = vector.load %arg1[%get3A_6144, %get3A_6145] : memref<10240x128xf32, #tpu.memory_space<vmem>>, vector<16x128xf32>
      %mul3A_6147 = arith.constant 16 : i32
      %mul3A_6148 = arith.muli %scan3A_6141, %mul3A_6147 : i32
      %get3A_6149 = arith.index_cast %mul3A_6148 : i32 to index
      %get3A_6150 = arith.constant 0 : index
      %get3A_6151 = vector.load %arg2[%get3A_6149, %get3A_6150] : memref<10240x128xf32, #tpu.memory_space<vmem>>, vector<16x128xf32>
      %max3A_6152 = arith.constant -9.210240e+00 : f32
      %max3A_6153 = vector.broadcast %max3A_6152 : f32 to vector<16x128xf32>
      %max3A_6154 = arith.maximumf %get3A_6146, %max3A_6153 : vector<16x128xf32>
      %min3A_6155 = arith.constant 9.210240e+00 : f32
      %min3A_6156 = vector.broadcast %min3A_6155 : f32 to vector<16x128xf32>
      %min3A_6157 = arith.minimumf %max3A_6154, %min3A_6156 : vector<16x128xf32>
      %neg3A_6158 = arith.constant 0.000000e+00 : f32
      %neg3A_6159 = vector.broadcast %neg3A_6158 : f32 to vector<16x128xf32>
      %neg3A_6160 = arith.subf %neg3A_6159, %min3A_6157 : vector<16x128xf32>
      %exp3A_6161 = math.exp %neg3A_6160 : vector<16x128xf32>
      %add3A_6162 = arith.constant 1.000000e+00 : f32
      %add3A_6163 = vector.broadcast %add3A_6162 : f32 to vector<16x128xf32>
      %add3A_6164 = arith.addf %exp3A_6161, %add3A_6163 : vector<16x128xf32>
      %log3A_6165 = math.log %add3A_6164 : vector<16x128xf32>
      %mul3A_6166 = arith.mulf %add3A_6164, %add3A_6164 : vector<16x128xf32>
      %div3A_6167 = arith.constant 1.000000e+00 : f32
      %div3A_6168 = vector.broadcast %div3A_6167 : f32 to vector<16x128xf32>
      %div3A_6169 = arith.divf %div3A_6168, %mul3A_6166 : vector<16x128xf32>
      %eq3A_6170 = arith.constant 1.000000e+00 : f32
      %eq3A_6171 = vector.broadcast %eq3A_6170 : f32 to vector<16x128xf32>
      %eq3A_6172 = arith.cmpf oeq, %get3A_6151, %eq3A_6171 : vector<16x128xf32>
      %sub3A_6173 = arith.constant 1.000000e+00 : f32
      %sub3A_6174 = vector.broadcast %sub3A_6173 : f32 to vector<16x128xf32>
      %sub3A_6175 = arith.subf %sub3A_6174, %get3A_6151 : vector<16x128xf32>
      %mul3A_6176 = arith.mulf %sub3A_6175, %sub3A_6175 : vector<16x128xf32>
      %mul3A_6177 = arith.mulf %exp3A_6161, %exp3A_6161 : vector<16x128xf32>
      %mul3A_6178 = arith.mulf %log3A_6165, %mul3A_6177 : vector<16x128xf32>
      %add3A_6179 = arith.addf %log3A_6165, %min3A_6157 : vector<16x128xf32>
      %mul3A_6180 = arith.mulf %mul3A_6176, %mul3A_6176 : vector<16x128xf32>
      %mul3A_6181 = arith.mulf %add3A_6179, %mul3A_6180 : vector<16x128xf32>
      %select_n3A_6182 = arith.select %eq3A_6172, %mul3A_6178, %mul3A_6181 : vector<16x128xi1>, vector<16x128xf32>
      %mul3A_6183 = arith.mulf %select_n3A_6182, %div3A_6169 : vector<16x128xf32>
      %add3A_6184 = arith.addf %add3A_6133, %mul3A_6183 : vector<16x128xf32>
      %jit3A_6185 = arith.constant 1.000000e+00 : f32
      %jit3A_6186 = arith.constant 0.000000e+00 : f32
      %broadcast_in_dim3A_6187 = vector.broadcast %jit3A_6185 : f32 to vector<16x128xf32>
      %broadcast_in_dim3A_6188 = vector.broadcast %jit3A_6186 : f32 to vector<16x128xf32>
      %select_n3A_6189 = arith.select %eq3A_6172, %broadcast_in_dim3A_6187, %broadcast_in_dim3A_6188 : vector<16x128xi1>, vector<16x128xf32>
      %add3A_6190 = arith.addf %add3A_6139, %select_n3A_6189 : vector<16x128xf32>
      %scan3A_6191 = arith.constant 121 : i32
      %scan3A_6192 = arith.addi %scan3A_29, %scan3A_6191 : i32
      %mul3A_6193 = arith.constant 16 : i32
      %mul3A_6194 = arith.muli %scan3A_6192, %mul3A_6193 : i32
      %get3A_6195 = arith.index_cast %mul3A_6194 : i32 to index
      %get3A_6196 = arith.constant 0 : index
      %get3A_6197 = vector.load %arg1[%get3A_6195, %get3A_6196] : memref<10240x128xf32, #tpu.memory_space<vmem>>, vector<16x128xf32>
      %mul3A_6198 = arith.constant 16 : i32
      %mul3A_6199 = arith.muli %scan3A_6192, %mul3A_6198 : i32
      %get3A_6200 = arith.index_cast %mul3A_6199 : i32 to index
      %get3A_6201 = arith.constant 0 : index
      %get3A_6202 = vector.load %arg2[%get3A_6200, %get3A_6201] : memref<10240x128xf32, #tpu.memory_space<vmem>>, vector<16x128xf32>
      %max3A_6203 = arith.constant -9.210240e+00 : f32
      %max3A_6204 = vector.broadcast %max3A_6203 : f32 to vector<16x128xf32>
      %max3A_6205 = arith.maximumf %get3A_6197, %max3A_6204 : vector<16x128xf32>
      %min3A_6206 = arith.constant 9.210240e+00 : f32
      %min3A_6207 = vector.broadcast %min3A_6206 : f32 to vector<16x128xf32>
      %min3A_6208 = arith.minimumf %max3A_6205, %min3A_6207 : vector<16x128xf32>
      %neg3A_6209 = arith.constant 0.000000e+00 : f32
      %neg3A_6210 = vector.broadcast %neg3A_6209 : f32 to vector<16x128xf32>
      %neg3A_6211 = arith.subf %neg3A_6210, %min3A_6208 : vector<16x128xf32>
      %exp3A_6212 = math.exp %neg3A_6211 : vector<16x128xf32>
      %add3A_6213 = arith.constant 1.000000e+00 : f32
      %add3A_6214 = vector.broadcast %add3A_6213 : f32 to vector<16x128xf32>
      %add3A_6215 = arith.addf %exp3A_6212, %add3A_6214 : vector<16x128xf32>
      %log3A_6216 = math.log %add3A_6215 : vector<16x128xf32>
      %mul3A_6217 = arith.mulf %add3A_6215, %add3A_6215 : vector<16x128xf32>
      %div3A_6218 = arith.constant 1.000000e+00 : f32
      %div3A_6219 = vector.broadcast %div3A_6218 : f32 to vector<16x128xf32>
      %div3A_6220 = arith.divf %div3A_6219, %mul3A_6217 : vector<16x128xf32>
      %eq3A_6221 = arith.constant 1.000000e+00 : f32
      %eq3A_6222 = vector.broadcast %eq3A_6221 : f32 to vector<16x128xf32>
      %eq3A_6223 = arith.cmpf oeq, %get3A_6202, %eq3A_6222 : vector<16x128xf32>
      %sub3A_6224 = arith.constant 1.000000e+00 : f32
      %sub3A_6225 = vector.broadcast %sub3A_6224 : f32 to vector<16x128xf32>
      %sub3A_6226 = arith.subf %sub3A_6225, %get3A_6202 : vector<16x128xf32>
      %mul3A_6227 = arith.mulf %sub3A_6226, %sub3A_6226 : vector<16x128xf32>
      %mul3A_6228 = arith.mulf %exp3A_6212, %exp3A_6212 : vector<16x128xf32>
      %mul3A_6229 = arith.mulf %log3A_6216, %mul3A_6228 : vector<16x128xf32>
      %add3A_6230 = arith.addf %log3A_6216, %min3A_6208 : vector<16x128xf32>
      %mul3A_6231 = arith.mulf %mul3A_6227, %mul3A_6227 : vector<16x128xf32>
      %mul3A_6232 = arith.mulf %add3A_6230, %mul3A_6231 : vector<16x128xf32>
      %select_n3A_6233 = arith.select %eq3A_6223, %mul3A_6229, %mul3A_6232 : vector<16x128xi1>, vector<16x128xf32>
      %mul3A_6234 = arith.mulf %select_n3A_6233, %div3A_6220 : vector<16x128xf32>
      %add3A_6235 = arith.addf %add3A_6184, %mul3A_6234 : vector<16x128xf32>
      %jit3A_6236 = arith.constant 1.000000e+00 : f32
      %jit3A_6237 = arith.constant 0.000000e+00 : f32
      %broadcast_in_dim3A_6238 = vector.broadcast %jit3A_6236 : f32 to vector<16x128xf32>
      %broadcast_in_dim3A_6239 = vector.broadcast %jit3A_6237 : f32 to vector<16x128xf32>
      %select_n3A_6240 = arith.select %eq3A_6223, %broadcast_in_dim3A_6238, %broadcast_in_dim3A_6239 : vector<16x128xi1>, vector<16x128xf32>
      %add3A_6241 = arith.addf %add3A_6190, %select_n3A_6240 : vector<16x128xf32>
      %scan3A_6242 = arith.constant 122 : i32
      %scan3A_6243 = arith.addi %scan3A_29, %scan3A_6242 : i32
      %mul3A_6244 = arith.constant 16 : i32
      %mul3A_6245 = arith.muli %scan3A_6243, %mul3A_6244 : i32
      %get3A_6246 = arith.index_cast %mul3A_6245 : i32 to index
      %get3A_6247 = arith.constant 0 : index
      %get3A_6248 = vector.load %arg1[%get3A_6246, %get3A_6247] : memref<10240x128xf32, #tpu.memory_space<vmem>>, vector<16x128xf32>
      %mul3A_6249 = arith.constant 16 : i32
      %mul3A_6250 = arith.muli %scan3A_6243, %mul3A_6249 : i32
      %get3A_6251 = arith.index_cast %mul3A_6250 : i32 to index
      %get3A_6252 = arith.constant 0 : index
      %get3A_6253 = vector.load %arg2[%get3A_6251, %get3A_6252] : memref<10240x128xf32, #tpu.memory_space<vmem>>, vector<16x128xf32>
      %max3A_6254 = arith.constant -9.210240e+00 : f32
      %max3A_6255 = vector.broadcast %max3A_6254 : f32 to vector<16x128xf32>
      %max3A_6256 = arith.maximumf %get3A_6248, %max3A_6255 : vector<16x128xf32>
      %min3A_6257 = arith.constant 9.210240e+00 : f32
      %min3A_6258 = vector.broadcast %min3A_6257 : f32 to vector<16x128xf32>
      %min3A_6259 = arith.minimumf %max3A_6256, %min3A_6258 : vector<16x128xf32>
      %neg3A_6260 = arith.constant 0.000000e+00 : f32
      %neg3A_6261 = vector.broadcast %neg3A_6260 : f32 to vector<16x128xf32>
      %neg3A_6262 = arith.subf %neg3A_6261, %min3A_6259 : vector<16x128xf32>
      %exp3A_6263 = math.exp %neg3A_6262 : vector<16x128xf32>
      %add3A_6264 = arith.constant 1.000000e+00 : f32
      %add3A_6265 = vector.broadcast %add3A_6264 : f32 to vector<16x128xf32>
      %add3A_6266 = arith.addf %exp3A_6263, %add3A_6265 : vector<16x128xf32>
      %log3A_6267 = math.log %add3A_6266 : vector<16x128xf32>
      %mul3A_6268 = arith.mulf %add3A_6266, %add3A_6266 : vector<16x128xf32>
      %div3A_6269 = arith.constant 1.000000e+00 : f32
      %div3A_6270 = vector.broadcast %div3A_6269 : f32 to vector<16x128xf32>
      %div3A_6271 = arith.divf %div3A_6270, %mul3A_6268 : vector<16x128xf32>
      %eq3A_6272 = arith.constant 1.000000e+00 : f32
      %eq3A_6273 = vector.broadcast %eq3A_6272 : f32 to vector<16x128xf32>
      %eq3A_6274 = arith.cmpf oeq, %get3A_6253, %eq3A_6273 : vector<16x128xf32>
      %sub3A_6275 = arith.constant 1.000000e+00 : f32
      %sub3A_6276 = vector.broadcast %sub3A_6275 : f32 to vector<16x128xf32>
      %sub3A_6277 = arith.subf %sub3A_6276, %get3A_6253 : vector<16x128xf32>
      %mul3A_6278 = arith.mulf %sub3A_6277, %sub3A_6277 : vector<16x128xf32>
      %mul3A_6279 = arith.mulf %exp3A_6263, %exp3A_6263 : vector<16x128xf32>
      %mul3A_6280 = arith.mulf %log3A_6267, %mul3A_6279 : vector<16x128xf32>
      %add3A_6281 = arith.addf %log3A_6267, %min3A_6259 : vector<16x128xf32>
      %mul3A_6282 = arith.mulf %mul3A_6278, %mul3A_6278 : vector<16x128xf32>
      %mul3A_6283 = arith.mulf %add3A_6281, %mul3A_6282 : vector<16x128xf32>
      %select_n3A_6284 = arith.select %eq3A_6274, %mul3A_6280, %mul3A_6283 : vector<16x128xi1>, vector<16x128xf32>
      %mul3A_6285 = arith.mulf %select_n3A_6284, %div3A_6271 : vector<16x128xf32>
      %add3A_6286 = arith.addf %add3A_6235, %mul3A_6285 : vector<16x128xf32>
      %jit3A_6287 = arith.constant 1.000000e+00 : f32
      %jit3A_6288 = arith.constant 0.000000e+00 : f32
      %broadcast_in_dim3A_6289 = vector.broadcast %jit3A_6287 : f32 to vector<16x128xf32>
      %broadcast_in_dim3A_6290 = vector.broadcast %jit3A_6288 : f32 to vector<16x128xf32>
      %select_n3A_6291 = arith.select %eq3A_6274, %broadcast_in_dim3A_6289, %broadcast_in_dim3A_6290 : vector<16x128xi1>, vector<16x128xf32>
      %add3A_6292 = arith.addf %add3A_6241, %select_n3A_6291 : vector<16x128xf32>
      %scan3A_6293 = arith.constant 123 : i32
      %scan3A_6294 = arith.addi %scan3A_29, %scan3A_6293 : i32
      %mul3A_6295 = arith.constant 16 : i32
      %mul3A_6296 = arith.muli %scan3A_6294, %mul3A_6295 : i32
      %get3A_6297 = arith.index_cast %mul3A_6296 : i32 to index
      %get3A_6298 = arith.constant 0 : index
      %get3A_6299 = vector.load %arg1[%get3A_6297, %get3A_6298] : memref<10240x128xf32, #tpu.memory_space<vmem>>, vector<16x128xf32>
      %mul3A_6300 = arith.constant 16 : i32
      %mul3A_6301 = arith.muli %scan3A_6294, %mul3A_6300 : i32
      %get3A_6302 = arith.index_cast %mul3A_6301 : i32 to index
      %get3A_6303 = arith.constant 0 : index
      %get3A_6304 = vector.load %arg2[%get3A_6302, %get3A_6303] : memref<10240x128xf32, #tpu.memory_space<vmem>>, vector<16x128xf32>
      %max3A_6305 = arith.constant -9.210240e+00 : f32
      %max3A_6306 = vector.broadcast %max3A_6305 : f32 to vector<16x128xf32>
      %max3A_6307 = arith.maximumf %get3A_6299, %max3A_6306 : vector<16x128xf32>
      %min3A_6308 = arith.constant 9.210240e+00 : f32
      %min3A_6309 = vector.broadcast %min3A_6308 : f32 to vector<16x128xf32>
      %min3A_6310 = arith.minimumf %max3A_6307, %min3A_6309 : vector<16x128xf32>
      %neg3A_6311 = arith.constant 0.000000e+00 : f32
      %neg3A_6312 = vector.broadcast %neg3A_6311 : f32 to vector<16x128xf32>
      %neg3A_6313 = arith.subf %neg3A_6312, %min3A_6310 : vector<16x128xf32>
      %exp3A_6314 = math.exp %neg3A_6313 : vector<16x128xf32>
      %add3A_6315 = arith.constant 1.000000e+00 : f32
      %add3A_6316 = vector.broadcast %add3A_6315 : f32 to vector<16x128xf32>
      %add3A_6317 = arith.addf %exp3A_6314, %add3A_6316 : vector<16x128xf32>
      %log3A_6318 = math.log %add3A_6317 : vector<16x128xf32>
      %mul3A_6319 = arith.mulf %add3A_6317, %add3A_6317 : vector<16x128xf32>
      %div3A_6320 = arith.constant 1.000000e+00 : f32
      %div3A_6321 = vector.broadcast %div3A_6320 : f32 to vector<16x128xf32>
      %div3A_6322 = arith.divf %div3A_6321, %mul3A_6319 : vector<16x128xf32>
      %eq3A_6323 = arith.constant 1.000000e+00 : f32
      %eq3A_6324 = vector.broadcast %eq3A_6323 : f32 to vector<16x128xf32>
      %eq3A_6325 = arith.cmpf oeq, %get3A_6304, %eq3A_6324 : vector<16x128xf32>
      %sub3A_6326 = arith.constant 1.000000e+00 : f32
      %sub3A_6327 = vector.broadcast %sub3A_6326 : f32 to vector<16x128xf32>
      %sub3A_6328 = arith.subf %sub3A_6327, %get3A_6304 : vector<16x128xf32>
      %mul3A_6329 = arith.mulf %sub3A_6328, %sub3A_6328 : vector<16x128xf32>
      %mul3A_6330 = arith.mulf %exp3A_6314, %exp3A_6314 : vector<16x128xf32>
      %mul3A_6331 = arith.mulf %log3A_6318, %mul3A_6330 : vector<16x128xf32>
      %add3A_6332 = arith.addf %log3A_6318, %min3A_6310 : vector<16x128xf32>
      %mul3A_6333 = arith.mulf %mul3A_6329, %mul3A_6329 : vector<16x128xf32>
      %mul3A_6334 = arith.mulf %add3A_6332, %mul3A_6333 : vector<16x128xf32>
      %select_n3A_6335 = arith.select %eq3A_6325, %mul3A_6331, %mul3A_6334 : vector<16x128xi1>, vector<16x128xf32>
      %mul3A_6336 = arith.mulf %select_n3A_6335, %div3A_6322 : vector<16x128xf32>
      %add3A_6337 = arith.addf %add3A_6286, %mul3A_6336 : vector<16x128xf32>
      %jit3A_6338 = arith.constant 1.000000e+00 : f32
      %jit3A_6339 = arith.constant 0.000000e+00 : f32
      %broadcast_in_dim3A_6340 = vector.broadcast %jit3A_6338 : f32 to vector<16x128xf32>
      %broadcast_in_dim3A_6341 = vector.broadcast %jit3A_6339 : f32 to vector<16x128xf32>
      %select_n3A_6342 = arith.select %eq3A_6325, %broadcast_in_dim3A_6340, %broadcast_in_dim3A_6341 : vector<16x128xi1>, vector<16x128xf32>
      %add3A_6343 = arith.addf %add3A_6292, %select_n3A_6342 : vector<16x128xf32>
      %scan3A_6344 = arith.constant 124 : i32
      %scan3A_6345 = arith.addi %scan3A_29, %scan3A_6344 : i32
      %mul3A_6346 = arith.constant 16 : i32
      %mul3A_6347 = arith.muli %scan3A_6345, %mul3A_6346 : i32
      %get3A_6348 = arith.index_cast %mul3A_6347 : i32 to index
      %get3A_6349 = arith.constant 0 : index
      %get3A_6350 = vector.load %arg1[%get3A_6348, %get3A_6349] : memref<10240x128xf32, #tpu.memory_space<vmem>>, vector<16x128xf32>
      %mul3A_6351 = arith.constant 16 : i32
      %mul3A_6352 = arith.muli %scan3A_6345, %mul3A_6351 : i32
      %get3A_6353 = arith.index_cast %mul3A_6352 : i32 to index
      %get3A_6354 = arith.constant 0 : index
      %get3A_6355 = vector.load %arg2[%get3A_6353, %get3A_6354] : memref<10240x128xf32, #tpu.memory_space<vmem>>, vector<16x128xf32>
      %max3A_6356 = arith.constant -9.210240e+00 : f32
      %max3A_6357 = vector.broadcast %max3A_6356 : f32 to vector<16x128xf32>
      %max3A_6358 = arith.maximumf %get3A_6350, %max3A_6357 : vector<16x128xf32>
      %min3A_6359 = arith.constant 9.210240e+00 : f32
      %min3A_6360 = vector.broadcast %min3A_6359 : f32 to vector<16x128xf32>
      %min3A_6361 = arith.minimumf %max3A_6358, %min3A_6360 : vector<16x128xf32>
      %neg3A_6362 = arith.constant 0.000000e+00 : f32
      %neg3A_6363 = vector.broadcast %neg3A_6362 : f32 to vector<16x128xf32>
      %neg3A_6364 = arith.subf %neg3A_6363, %min3A_6361 : vector<16x128xf32>
      %exp3A_6365 = math.exp %neg3A_6364 : vector<16x128xf32>
      %add3A_6366 = arith.constant 1.000000e+00 : f32
      %add3A_6367 = vector.broadcast %add3A_6366 : f32 to vector<16x128xf32>
      %add3A_6368 = arith.addf %exp3A_6365, %add3A_6367 : vector<16x128xf32>
      %log3A_6369 = math.log %add3A_6368 : vector<16x128xf32>
      %mul3A_6370 = arith.mulf %add3A_6368, %add3A_6368 : vector<16x128xf32>
      %div3A_6371 = arith.constant 1.000000e+00 : f32
      %div3A_6372 = vector.broadcast %div3A_6371 : f32 to vector<16x128xf32>
      %div3A_6373 = arith.divf %div3A_6372, %mul3A_6370 : vector<16x128xf32>
      %eq3A_6374 = arith.constant 1.000000e+00 : f32
      %eq3A_6375 = vector.broadcast %eq3A_6374 : f32 to vector<16x128xf32>
      %eq3A_6376 = arith.cmpf oeq, %get3A_6355, %eq3A_6375 : vector<16x128xf32>
      %sub3A_6377 = arith.constant 1.000000e+00 : f32
      %sub3A_6378 = vector.broadcast %sub3A_6377 : f32 to vector<16x128xf32>
      %sub3A_6379 = arith.subf %sub3A_6378, %get3A_6355 : vector<16x128xf32>
      %mul3A_6380 = arith.mulf %sub3A_6379, %sub3A_6379 : vector<16x128xf32>
      %mul3A_6381 = arith.mulf %exp3A_6365, %exp3A_6365 : vector<16x128xf32>
      %mul3A_6382 = arith.mulf %log3A_6369, %mul3A_6381 : vector<16x128xf32>
      %add3A_6383 = arith.addf %log3A_6369, %min3A_6361 : vector<16x128xf32>
      %mul3A_6384 = arith.mulf %mul3A_6380, %mul3A_6380 : vector<16x128xf32>
      %mul3A_6385 = arith.mulf %add3A_6383, %mul3A_6384 : vector<16x128xf32>
      %select_n3A_6386 = arith.select %eq3A_6376, %mul3A_6382, %mul3A_6385 : vector<16x128xi1>, vector<16x128xf32>
      %mul3A_6387 = arith.mulf %select_n3A_6386, %div3A_6373 : vector<16x128xf32>
      %add3A_6388 = arith.addf %add3A_6337, %mul3A_6387 : vector<16x128xf32>
      %jit3A_6389 = arith.constant 1.000000e+00 : f32
      %jit3A_6390 = arith.constant 0.000000e+00 : f32
      %broadcast_in_dim3A_6391 = vector.broadcast %jit3A_6389 : f32 to vector<16x128xf32>
      %broadcast_in_dim3A_6392 = vector.broadcast %jit3A_6390 : f32 to vector<16x128xf32>
      %select_n3A_6393 = arith.select %eq3A_6376, %broadcast_in_dim3A_6391, %broadcast_in_dim3A_6392 : vector<16x128xi1>, vector<16x128xf32>
      %add3A_6394 = arith.addf %add3A_6343, %select_n3A_6393 : vector<16x128xf32>
      %scan3A_6395 = arith.constant 125 : i32
      %scan3A_6396 = arith.addi %scan3A_29, %scan3A_6395 : i32
      %mul3A_6397 = arith.constant 16 : i32
      %mul3A_6398 = arith.muli %scan3A_6396, %mul3A_6397 : i32
      %get3A_6399 = arith.index_cast %mul3A_6398 : i32 to index
      %get3A_6400 = arith.constant 0 : index
      %get3A_6401 = vector.load %arg1[%get3A_6399, %get3A_6400] : memref<10240x128xf32, #tpu.memory_space<vmem>>, vector<16x128xf32>
      %mul3A_6402 = arith.constant 16 : i32
      %mul3A_6403 = arith.muli %scan3A_6396, %mul3A_6402 : i32
      %get3A_6404 = arith.index_cast %mul3A_6403 : i32 to index
      %get3A_6405 = arith.constant 0 : index
      %get3A_6406 = vector.load %arg2[%get3A_6404, %get3A_6405] : memref<10240x128xf32, #tpu.memory_space<vmem>>, vector<16x128xf32>
      %max3A_6407 = arith.constant -9.210240e+00 : f32
      %max3A_6408 = vector.broadcast %max3A_6407 : f32 to vector<16x128xf32>
      %max3A_6409 = arith.maximumf %get3A_6401, %max3A_6408 : vector<16x128xf32>
      %min3A_6410 = arith.constant 9.210240e+00 : f32
      %min3A_6411 = vector.broadcast %min3A_6410 : f32 to vector<16x128xf32>
      %min3A_6412 = arith.minimumf %max3A_6409, %min3A_6411 : vector<16x128xf32>
      %neg3A_6413 = arith.constant 0.000000e+00 : f32
      %neg3A_6414 = vector.broadcast %neg3A_6413 : f32 to vector<16x128xf32>
      %neg3A_6415 = arith.subf %neg3A_6414, %min3A_6412 : vector<16x128xf32>
      %exp3A_6416 = math.exp %neg3A_6415 : vector<16x128xf32>
      %add3A_6417 = arith.constant 1.000000e+00 : f32
      %add3A_6418 = vector.broadcast %add3A_6417 : f32 to vector<16x128xf32>
      %add3A_6419 = arith.addf %exp3A_6416, %add3A_6418 : vector<16x128xf32>
      %log3A_6420 = math.log %add3A_6419 : vector<16x128xf32>
      %mul3A_6421 = arith.mulf %add3A_6419, %add3A_6419 : vector<16x128xf32>
      %div3A_6422 = arith.constant 1.000000e+00 : f32
      %div3A_6423 = vector.broadcast %div3A_6422 : f32 to vector<16x128xf32>
      %div3A_6424 = arith.divf %div3A_6423, %mul3A_6421 : vector<16x128xf32>
      %eq3A_6425 = arith.constant 1.000000e+00 : f32
      %eq3A_6426 = vector.broadcast %eq3A_6425 : f32 to vector<16x128xf32>
      %eq3A_6427 = arith.cmpf oeq, %get3A_6406, %eq3A_6426 : vector<16x128xf32>
      %sub3A_6428 = arith.constant 1.000000e+00 : f32
      %sub3A_6429 = vector.broadcast %sub3A_6428 : f32 to vector<16x128xf32>
      %sub3A_6430 = arith.subf %sub3A_6429, %get3A_6406 : vector<16x128xf32>
      %mul3A_6431 = arith.mulf %sub3A_6430, %sub3A_6430 : vector<16x128xf32>
      %mul3A_6432 = arith.mulf %exp3A_6416, %exp3A_6416 : vector<16x128xf32>
      %mul3A_6433 = arith.mulf %log3A_6420, %mul3A_6432 : vector<16x128xf32>
      %add3A_6434 = arith.addf %log3A_6420, %min3A_6412 : vector<16x128xf32>
      %mul3A_6435 = arith.mulf %mul3A_6431, %mul3A_6431 : vector<16x128xf32>
      %mul3A_6436 = arith.mulf %add3A_6434, %mul3A_6435 : vector<16x128xf32>
      %select_n3A_6437 = arith.select %eq3A_6427, %mul3A_6433, %mul3A_6436 : vector<16x128xi1>, vector<16x128xf32>
      %mul3A_6438 = arith.mulf %select_n3A_6437, %div3A_6424 : vector<16x128xf32>
      %add3A_6439 = arith.addf %add3A_6388, %mul3A_6438 : vector<16x128xf32>
      %jit3A_6440 = arith.constant 1.000000e+00 : f32
      %jit3A_6441 = arith.constant 0.000000e+00 : f32
      %broadcast_in_dim3A_6442 = vector.broadcast %jit3A_6440 : f32 to vector<16x128xf32>
      %broadcast_in_dim3A_6443 = vector.broadcast %jit3A_6441 : f32 to vector<16x128xf32>
      %select_n3A_6444 = arith.select %eq3A_6427, %broadcast_in_dim3A_6442, %broadcast_in_dim3A_6443 : vector<16x128xi1>, vector<16x128xf32>
      %add3A_6445 = arith.addf %add3A_6394, %select_n3A_6444 : vector<16x128xf32>
      %scan3A_6446 = arith.constant 126 : i32
      %scan3A_6447 = arith.addi %scan3A_29, %scan3A_6446 : i32
      %mul3A_6448 = arith.constant 16 : i32
      %mul3A_6449 = arith.muli %scan3A_6447, %mul3A_6448 : i32
      %get3A_6450 = arith.index_cast %mul3A_6449 : i32 to index
      %get3A_6451 = arith.constant 0 : index
      %get3A_6452 = vector.load %arg1[%get3A_6450, %get3A_6451] : memref<10240x128xf32, #tpu.memory_space<vmem>>, vector<16x128xf32>
      %mul3A_6453 = arith.constant 16 : i32
      %mul3A_6454 = arith.muli %scan3A_6447, %mul3A_6453 : i32
      %get3A_6455 = arith.index_cast %mul3A_6454 : i32 to index
      %get3A_6456 = arith.constant 0 : index
      %get3A_6457 = vector.load %arg2[%get3A_6455, %get3A_6456] : memref<10240x128xf32, #tpu.memory_space<vmem>>, vector<16x128xf32>
      %max3A_6458 = arith.constant -9.210240e+00 : f32
      %max3A_6459 = vector.broadcast %max3A_6458 : f32 to vector<16x128xf32>
      %max3A_6460 = arith.maximumf %get3A_6452, %max3A_6459 : vector<16x128xf32>
      %min3A_6461 = arith.constant 9.210240e+00 : f32
      %min3A_6462 = vector.broadcast %min3A_6461 : f32 to vector<16x128xf32>
      %min3A_6463 = arith.minimumf %max3A_6460, %min3A_6462 : vector<16x128xf32>
      %neg3A_6464 = arith.constant 0.000000e+00 : f32
      %neg3A_6465 = vector.broadcast %neg3A_6464 : f32 to vector<16x128xf32>
      %neg3A_6466 = arith.subf %neg3A_6465, %min3A_6463 : vector<16x128xf32>
      %exp3A_6467 = math.exp %neg3A_6466 : vector<16x128xf32>
      %add3A_6468 = arith.constant 1.000000e+00 : f32
      %add3A_6469 = vector.broadcast %add3A_6468 : f32 to vector<16x128xf32>
      %add3A_6470 = arith.addf %exp3A_6467, %add3A_6469 : vector<16x128xf32>
      %log3A_6471 = math.log %add3A_6470 : vector<16x128xf32>
      %mul3A_6472 = arith.mulf %add3A_6470, %add3A_6470 : vector<16x128xf32>
      %div3A_6473 = arith.constant 1.000000e+00 : f32
      %div3A_6474 = vector.broadcast %div3A_6473 : f32 to vector<16x128xf32>
      %div3A_6475 = arith.divf %div3A_6474, %mul3A_6472 : vector<16x128xf32>
      %eq3A_6476 = arith.constant 1.000000e+00 : f32
      %eq3A_6477 = vector.broadcast %eq3A_6476 : f32 to vector<16x128xf32>
      %eq3A_6478 = arith.cmpf oeq, %get3A_6457, %eq3A_6477 : vector<16x128xf32>
      %sub3A_6479 = arith.constant 1.000000e+00 : f32
      %sub3A_6480 = vector.broadcast %sub3A_6479 : f32 to vector<16x128xf32>
      %sub3A_6481 = arith.subf %sub3A_6480, %get3A_6457 : vector<16x128xf32>
      %mul3A_6482 = arith.mulf %sub3A_6481, %sub3A_6481 : vector<16x128xf32>
      %mul3A_6483 = arith.mulf %exp3A_6467, %exp3A_6467 : vector<16x128xf32>
      %mul3A_6484 = arith.mulf %log3A_6471, %mul3A_6483 : vector<16x128xf32>
      %add3A_6485 = arith.addf %log3A_6471, %min3A_6463 : vector<16x128xf32>
      %mul3A_6486 = arith.mulf %mul3A_6482, %mul3A_6482 : vector<16x128xf32>
      %mul3A_6487 = arith.mulf %add3A_6485, %mul3A_6486 : vector<16x128xf32>
      %select_n3A_6488 = arith.select %eq3A_6478, %mul3A_6484, %mul3A_6487 : vector<16x128xi1>, vector<16x128xf32>
      %mul3A_6489 = arith.mulf %select_n3A_6488, %div3A_6475 : vector<16x128xf32>
      %add3A_6490 = arith.addf %add3A_6439, %mul3A_6489 : vector<16x128xf32>
      %jit3A_6491 = arith.constant 1.000000e+00 : f32
      %jit3A_6492 = arith.constant 0.000000e+00 : f32
      %broadcast_in_dim3A_6493 = vector.broadcast %jit3A_6491 : f32 to vector<16x128xf32>
      %broadcast_in_dim3A_6494 = vector.broadcast %jit3A_6492 : f32 to vector<16x128xf32>
      %select_n3A_6495 = arith.select %eq3A_6478, %broadcast_in_dim3A_6493, %broadcast_in_dim3A_6494 : vector<16x128xi1>, vector<16x128xf32>
      %add3A_6496 = arith.addf %add3A_6445, %select_n3A_6495 : vector<16x128xf32>
      %scan3A_6497 = arith.constant 127 : i32
      %scan3A_6498 = arith.addi %scan3A_29, %scan3A_6497 : i32
      %mul3A_6499 = arith.constant 16 : i32
      %mul3A_6500 = arith.muli %scan3A_6498, %mul3A_6499 : i32
      %get3A_6501 = arith.index_cast %mul3A_6500 : i32 to index
      %get3A_6502 = arith.constant 0 : index
      %get3A_6503 = vector.load %arg1[%get3A_6501, %get3A_6502] : memref<10240x128xf32, #tpu.memory_space<vmem>>, vector<16x128xf32>
      %mul3A_6504 = arith.constant 16 : i32
      %mul3A_6505 = arith.muli %scan3A_6498, %mul3A_6504 : i32
      %get3A_6506 = arith.index_cast %mul3A_6505 : i32 to index
      %get3A_6507 = arith.constant 0 : index
      %get3A_6508 = vector.load %arg2[%get3A_6506, %get3A_6507] : memref<10240x128xf32, #tpu.memory_space<vmem>>, vector<16x128xf32>
      %max3A_6509 = arith.constant -9.210240e+00 : f32
      %max3A_6510 = vector.broadcast %max3A_6509 : f32 to vector<16x128xf32>
      %max3A_6511 = arith.maximumf %get3A_6503, %max3A_6510 : vector<16x128xf32>
      %min3A_6512 = arith.constant 9.210240e+00 : f32
      %min3A_6513 = vector.broadcast %min3A_6512 : f32 to vector<16x128xf32>
      %min3A_6514 = arith.minimumf %max3A_6511, %min3A_6513 : vector<16x128xf32>
      %neg3A_6515 = arith.constant 0.000000e+00 : f32
      %neg3A_6516 = vector.broadcast %neg3A_6515 : f32 to vector<16x128xf32>
      %neg3A_6517 = arith.subf %neg3A_6516, %min3A_6514 : vector<16x128xf32>
      %exp3A_6518 = math.exp %neg3A_6517 : vector<16x128xf32>
      %add3A_6519 = arith.constant 1.000000e+00 : f32
      %add3A_6520 = vector.broadcast %add3A_6519 : f32 to vector<16x128xf32>
      %add3A_6521 = arith.addf %exp3A_6518, %add3A_6520 : vector<16x128xf32>
      %log3A_6522 = math.log %add3A_6521 : vector<16x128xf32>
      %mul3A_6523 = arith.mulf %add3A_6521, %add3A_6521 : vector<16x128xf32>
      %div3A_6524 = arith.constant 1.000000e+00 : f32
      %div3A_6525 = vector.broadcast %div3A_6524 : f32 to vector<16x128xf32>
      %div3A_6526 = arith.divf %div3A_6525, %mul3A_6523 : vector<16x128xf32>
      %eq3A_6527 = arith.constant 1.000000e+00 : f32
      %eq3A_6528 = vector.broadcast %eq3A_6527 : f32 to vector<16x128xf32>
      %eq3A_6529 = arith.cmpf oeq, %get3A_6508, %eq3A_6528 : vector<16x128xf32>
      %sub3A_6530 = arith.constant 1.000000e+00 : f32
      %sub3A_6531 = vector.broadcast %sub3A_6530 : f32 to vector<16x128xf32>
      %sub3A_6532 = arith.subf %sub3A_6531, %get3A_6508 : vector<16x128xf32>
      %mul3A_6533 = arith.mulf %sub3A_6532, %sub3A_6532 : vector<16x128xf32>
      %mul3A_6534 = arith.mulf %exp3A_6518, %exp3A_6518 : vector<16x128xf32>
      %mul3A_6535 = arith.mulf %log3A_6522, %mul3A_6534 : vector<16x128xf32>
      %add3A_6536 = arith.addf %log3A_6522, %min3A_6514 : vector<16x128xf32>
      %mul3A_6537 = arith.mulf %mul3A_6533, %mul3A_6533 : vector<16x128xf32>
      %mul3A_6538 = arith.mulf %add3A_6536, %mul3A_6537 : vector<16x128xf32>
      %select_n3A_6539 = arith.select %eq3A_6529, %mul3A_6535, %mul3A_6538 : vector<16x128xi1>, vector<16x128xf32>
      %mul3A_6540 = arith.mulf %select_n3A_6539, %div3A_6526 : vector<16x128xf32>
      %add3A_6541 = arith.addf %add3A_6490, %mul3A_6540 : vector<16x128xf32>
      %jit3A_6542 = arith.constant 1.000000e+00 : f32
      %jit3A_6543 = arith.constant 0.000000e+00 : f32
      %broadcast_in_dim3A_6544 = vector.broadcast %jit3A_6542 : f32 to vector<16x128xf32>
      %broadcast_in_dim3A_6545 = vector.broadcast %jit3A_6543 : f32 to vector<16x128xf32>
      %select_n3A_6546 = arith.select %eq3A_6529, %broadcast_in_dim3A_6544, %broadcast_in_dim3A_6545 : vector<16x128xi1>, vector<16x128xf32>
      %add3A_6547 = arith.addf %add3A_6496, %select_n3A_6546 : vector<16x128xf32>
      scf.yield %add3A_6541, %add3A_6547 : vector<16x128xf32>, vector<16x128xf32>
    }
    %scan3A_7 = arith.constant 640 : i32
    %get3A = arith.constant 0 : index
    %get3A_8 = memref.load %arg4[%get3A] : memref<2xf32, #tpu.memory_space<smem>>
    %reduce_sum3A = vector.shape_cast %scan3A_6#0 : vector<16x128xf32> to vector<1x16x128xf32>
    %reduce_sum3A_9 = arith.constant dense<0.000000e+00> : vector<1xf32>
    %reduce_sum3A_10 = vector.multi_reduction <add>, %reduce_sum3A, %reduce_sum3A_9 [1, 2] : vector<1x16x128xf32> to vector<1xf32>
    %reduce_sum3A_11 = vector.shape_cast %reduce_sum3A_10 : vector<1xf32> to vector<1x1x1xf32>
    %reduce_sum3A_12 = vector.extract %reduce_sum3A_11[0, 0, 0] : f32 from vector<1x1x1xf32>
    %add3A = arith.addf %get3A_8, %reduce_sum3A_12 : f32
    %swap3A = arith.constant 0 : index
    %swap3A_13 = memref.load %arg4[%swap3A] : memref<2xf32, #tpu.memory_space<smem>>
    memref.store %add3A, %arg4[%swap3A] : memref<2xf32, #tpu.memory_space<smem>>
    %get3A_14 = arith.constant 1 : index
    %get3A_15 = memref.load %arg4[%get3A_14] : memref<2xf32, #tpu.memory_space<smem>>
    %reduce_sum3A_16 = vector.shape_cast %scan3A_6#1 : vector<16x128xf32> to vector<1x16x128xf32>
    %reduce_sum3A_17 = arith.constant dense<0.000000e+00> : vector<1xf32>
    %reduce_sum3A_18 = vector.multi_reduction <add>, %reduce_sum3A_16, %reduce_sum3A_17 [1, 2] : vector<1x16x128xf32> to vector<1xf32>
    %reduce_sum3A_19 = vector.shape_cast %reduce_sum3A_18 : vector<1xf32> to vector<1x1x1xf32>
    %reduce_sum3A_20 = vector.extract %reduce_sum3A_19[0, 0, 0] : f32 from vector<1x1x1xf32>
    %add3A_21 = arith.addf %get3A_15, %reduce_sum3A_20 : f32
    %swap3A_22 = arith.constant 1 : index
    %swap3A_23 = memref.load %arg4[%swap3A_22] : memref<2xf32, #tpu.memory_space<smem>>
    memref.store %add3A_21, %arg4[%swap3A_22] : memref<2xf32, #tpu.memory_space<smem>>
    %eq3A_24 = arith.constant 15 : i32
    %eq3A_25 = arith.cmpi eq, %arg0, %eq3A_24 : i32
    %convert_element_type3A_26 = arith.extui %eq3A_25 : i1 to i32
    %cond3A_27 = arith.constant 0 : i32
    %cond3A_28 = arith.cmpi ne, %convert_element_type3A_26, %cond3A_27 : i32
    scf.if %cond3A_28 {
      %get3A_29 = arith.constant 0 : index
      %get3A_30 = memref.load %arg4[%get3A_29] : memref<2xf32, #tpu.memory_space<smem>>
      %swap3A_31 = arith.constant 0 : index
      %swap3A_32 = memref.load %arg3[%swap3A_31] : memref<2xf32, #tpu.memory_space<smem>>
      memref.store %get3A_30, %arg3[%swap3A_31] : memref<2xf32, #tpu.memory_space<smem>>
      %get3A_33 = arith.constant 1 : index
      %get3A_34 = memref.load %arg4[%get3A_33] : memref<2xf32, #tpu.memory_space<smem>>
      %swap3A_35 = arith.constant 1 : index
      %swap3A_36 = memref.load %arg3[%swap3A_35] : memref<2xf32, #tpu.memory_space<smem>>
      memref.store %get3A_34, %arg3[%swap3A_35] : memref<2xf32, #tpu.memory_space<smem>>
    } else {
    }
    return
  }
  func.func @transform_0(%arg0: i32) -> (i32, i32) {
    %c0_i32 = arith.constant 0 : i32
    %c0_i32_0 = arith.constant 0 : i32
    return %arg0, %c0_i32 : i32, i32
  }
  func.func @transform_1(%arg0: i32) -> (i32, i32) {
    %c0_i32 = arith.constant 0 : i32
    %c0_i32_0 = arith.constant 0 : i32
    return %arg0, %c0_i32 : i32, i32
  }
  func.func @transform_2(%arg0: i32) -> i32 {
    %c0_i32 = arith.constant 0 : i32
    %c0_i32_0 = arith.constant 0 : i32
    return %c0_i32 : i32
  }
}

</mosaic_0001>

<sc_bundles>
// kernel: kernel.5.cloned.1.call-start
scs
__scs_entry_jumppad:
0x0: {  	(pc) =	sbr.rel $0x88, $3  }
0x1: {  	(tag) =	ssettag $0x0;
	lr =	simm.s32 $0x1  }
0x2: {  	[smem:$0x3F99] =	sst lr;
	_ =	strace $0xD0000000  }
0x3: {  	_ = 	snop  }
0x4: {  	_ = 	snop  }
0x5: {  	_ = 	snop  }
0x6: {  	_ = 	snop  }
0x7: {  	_ = 	snop  }
__scs_overlays_trampoline_lowered:
0x8: {  	[smem:$0x3FA8] =	sst s0  }
0x9: {  	[smem:$0x3FA9] =	sst s1  }
0xa: {  	[smem:$0x3FAA] =	sst s2  }
0xb: {  	[smem:$0x3FAB] =	sst s3  }
0xc: {  	[smem:$0x3FAC] =	sst s4  }
0xd: {  	[smem:$0x3FAD] =	sst s5  }
0xe: {  	[smem:$0x3FAE] =	sst s6  }
0xf: {  	[smem:$0x3FAF] =	sst s7  }
0x10: {  	[smem:$0x3FB0] =	sst s8  }
0x11: {  	[smem:$0x3FB1] =	sst s9;
	s0 =	simm.s32 @!p0 $0x0  }
0x12: {  	s1 =	sld [smem:$0x3F97];
	s0 =	simm.s32 @p0 $0x1  }
0x13: {  	[smem:$0x3FB2] =	sst s0;
	s0 =	simm.s32 @!p1 $0x0  }
0x14: {  	s2 =	sld [smem:$0x3F96];
	s0 =	simm.s32 @p1 $0x1  }
0x15: {  	[smem:$0x3FB3] =	sst s0;
	s0 =	simm.s32 @!p2 $0x0  }
0x16: {  	s3 =	sld [smem:$0x3FDB];
	s0 =	simm.s32 @p2 $0x1  }
0x17: {  	s4 =	simm.s32 $0x1BF5;
	[smem:$0x3FB5] =	sst s0  }
0x18: {  	s0 =	sld [smem:$0x3F98];
	_ =	swait.ge [sflag:s4], $0x0  }
0x19: {  	s7 =	sld [smem:$0x3F99]  }
0x1a: {  	s8 =	sadd.s32 $0xFFFFE003, lr  }
0x1b: {  	s9 =	sadd.s32 $0xFFFFFEF7, lr;
	s5 =	simm.s32 $0xFFFFFFFF;
	p2 =	slt.u32 s8, $0xFFFFF086  }
0x1c: {  	p1 =	slt.u32 s9, $0xF7A;
	s5 =	simm.s32 @!p2 $0x0  }
0x1d: {  	s5 =	simm.s32 @p1 $0x1;
	p0 =	seq.s32 s7, s2  }
0x1e: {  	s7 =	smul.u32 @!p0 $0xF7A, s2;
	p2 =	seq.s32 @!p0 s5, $0x0  }
0x1f: {  	s9 =	smul.u32 $0xF7A, s1;
	s8 =	simm.s32 @!p0 $0x1BF5;
	p2 =	por !p2, p0  }
0x20: {  	[sflag:s8] =	ssyncset.s32 @!p0 $0xFFFFF086;
	s6 =	sadd.s32 @!p0 s3, s7;
	s7 =	simm.s32 @!p0 $0x108  }
0x21: {  	s3 =	sadd.s32 s3, s9;
	s6 =	sadd.s32 @!p0 $0x88, s6;
	s7 =	simm.s32 @p2 $0x1082  }
0x22: {  	[simem:s7], [sflag:s8] =	dma.local @!p0 [hbm:s6], $0xF7A  }
0x23: {  	s9 =	sor.u32 $0xD0000000, s2;
	s6 =	simm.s32 $0x108;
	_ =	swait.ge @!p0 [sflag:s8], $0x0  }
0x24: {  	s3 =	sadd.s32 $0x88, s3;
	s6 =	simm.s32 @!p1 $0x1082;
	[sflag:s4] =	ssyncset.s32 $0xFFFFF086  }
0x25: {  	[simem:s6], [sflag:s4] =	dma.local [hbm:s3], $0xF7A  }
0x26: {  	[smem:$0x3F99] =	sst s1;
	(tag) =	ssettag s2;
	_ =	strace s9  }
0x27: {  	s1 =	sld [smem:$0x3FA9]  }
0x28: {  	s2 =	sld [smem:$0x3FAA]  }
0x29: {  	s4 =	sld [smem:$0x3FAC]  }
0x2a: {  	p0 =	seq.s32 s5, $0x0;
	s5 =	sld [smem:$0x3FAD]  }
0x2b: {  	s6 =	sld [smem:$0x3FAE]  }
0x2c: {  	s7 =	sld [smem:$0x3FAF]  }
0x2d: {  	s3 =	simm.s32 $0x108;
	s8 =	sld [smem:$0x3FB0]  }
0x2e: {  	s3 =	simm.s32 @!p0 $0x1082;
	s9 =	sld [smem:$0x3FB1]  }
0x2f: {  	lr =	sadd.s32 s0, s3;
	s0 =	sld [smem:$0x3FA8]  }
0x30: {  	s3 =	sld [smem:$0x3FAB]  }
0x31: {  	[smem:$0x3FB4] =	sst s10  }
0x32: {  	s10 =	sld [smem:$0x3FB2];
	_ =	sdelay $0x3  }
0x33: {  	p0 =	seq.s32 s10, $0x1;
	s10 =	sld [smem:$0x3FB4];
	_ =	sdelay $0x3  }
0x34: {  	[smem:$0x3FB4] =	sst s10  }
0x35: {  	s10 =	sld [smem:$0x3FB3];
	_ =	sdelay $0x3  }
0x36: {  	p1 =	seq.s32 s10, $0x1;
	s10 =	sld [smem:$0x3FB4];
	_ =	sdelay $0x3  }
0x37: {  	[smem:$0x3FB4] =	sst s10  }
0x38: {  	s10 =	sld [smem:$0x3FB5]  }
0x39: {  	_ = 	snop;
	(pc) =	sbr.ind lr, $3  }
0x3a: {  	_ = 	snop  }
0x3b: {  	_ = 	snop  }
0x3c: {  	p2 =	seq.s32 s10, $0x1;
	s10 =	sld [smem:$0x3FB4]  }
0x3d: {  	_ =	shalt  }
0x3e: {  	_ =	shalt  }
0x3f: {  	_ =	shalt  }
0x40: {  	_ =	shalt  }
0x41: {  	_ =	shalt  }
0x42: {  	_ =	shalt  }
0x43: {  	_ =	shalt  }
0x44: {  	_ =	shalt  }
0x45: {  	_ =	shalt  }
0x46: {  	_ =	shalt  }
0x47: {  	_ =	shalt  }
0x48: {  	_ =	shalt  }
0x49: {  	_ =	shalt  }
0x4a: {  	_ =	shalt  }
0x4b: {  	_ =	shalt  }
0x4c: {  	_ =	shalt  }
0x4d: {  	_ =	shalt  }
0x4e: {  	_ =	shalt  }
0x4f: {  	_ =	shalt  }
0x50: {  	_ =	shalt  }
0x51: {  	_ =	shalt  }
0x52: {  	_ =	shalt  }
0x53: {  	_ =	shalt  }
0x54: {  	_ =	shalt  }
0x55: {  	_ =	shalt  }
0x56: {  	_ =	shalt  }
0x57: {  	_ =	shalt  }
0x58: {  	_ =	shalt  }
0x59: {  	_ =	shalt  }
0x5a: {  	_ =	shalt  }
0x5b: {  	_ =	shalt  }
0x5c: {  	_ =	shalt  }
0x5d: {  	_ =	shalt  }
0x5e: {  	_ =	shalt  }
0x5f: {  	_ =	shalt  }
0x60: {  	_ =	shalt  }
0x61: {  	_ =	shalt  }
0x62: {  	_ =	shalt  }
0x63: {  	_ =	shalt  }
0x64: {  	_ =	shalt  }
0x65: {  	_ =	shalt  }
0x66: {  	_ =	shalt  }
0x67: {  	_ =	shalt  }
0x68: {  	_ =	shalt  }
0x69: {  	_ =	shalt  }
0x6a: {  	_ =	shalt  }
0x6b: {  	_ =	shalt  }
0x6c: {  	_ =	shalt  }
0x6d: {  	_ =	shalt  }
0x6e: {  	_ =	shalt  }
0x6f: {  	_ =	shalt  }
0x70: {  	_ =	shalt  }
0x71: {  	_ =	shalt  }
0x72: {  	_ =	shalt  }
0x73: {  	_ =	shalt  }
0x74: {  	_ =	shalt  }
0x75: {  	_ =	shalt  }
0x76: {  	_ =	shalt  }
0x77: {  	_ =	shalt  }
0x78: {  	_ =	shalt  }
0x79: {  	_ =	shalt  }
0x7a: {  	_ =	shalt  }
0x7b: {  	_ =	shalt  }
0x7c: {  	_ =	shalt  }
0x7d: {  	_ =	shalt  }
0x7e: {  	_ =	shalt  }
0x7f: {  	_ =	shalt  }
0x80: {  	_ =	shalt  }
0x81: {  	_ =	shalt  }
0x82: {  	_ =	shalt  }
0x83: {  	_ =	shalt  }
0x84: {  	_ =	shalt  }
0x85: {  	_ =	shalt  }
0x86: {  	_ =	shalt  }
0x87: {  	_ =	shalt  }
.Lfunc_end0:
.L_simem_size_0:
called_computation_lowered:
.L_overlay_start_0:
0x88: {  	s2 =	sld [smem:$0x3FD9]  }
0x89: {  	s3 =	sld [smem:$0x3FFE];
	_ =	sdelay $0x1  }
0x8a: {  	s1 =	srdreg.scid  }
0x8b: {  	s0 =	sand.u32 $0x1, s1  }
0x8c: {  	s17 =	sshll.u32 s0, $0xA;
	s2 =	sadd.s32 s3, s2  }
0x8d: {  	s2 =	sadd.s32 s2, s17  }
0x8e: {  	[smem:$0x3FC0] =	sst s2  }
0x8f: {  	_ = 	snop  }
0x90: {  	s2 =	sld [smem:$0x3FC8]  }
0x91: {  	s18 =	sld [smem:$0x3FC7];
	(tm) =	ssettm $0x1  }
0x92: {  	s4 =	sld [smem:$0x3FFB];
	_ =	sdelay $0x3  }
0x93: {  	_ =	strace s4  }
0x94: {  	s4 =	sld [smem:$0x3FFC];
	_ =	sdelay $0x3  }
0x95: {  	_ =	strace s4  }
0x96: {  	s4 =	sld [smem:$0x3FFD];
	_ =	sdelay $0x3  }
0x97: {  	_ =	strace s4  }
0x98: {  	_ =	strace $0x8FFFFFFF  }
0x99: {  	s19 =	sld [smem:$0x3FDB];
	_ =	sdelay $0x1  }
0x9a: {  	s5 =	simm.s32 $_scs_section_size  }
0x9b: {  	s6 =	simm.s32 $_size__tile_overlayer_lowered;
	s7 =	simm.s32 $_tile_overlayer_lowered  }
0x9c: {  	s22 =	simm.s32 $0x1BFF;
	s21 =	sshll.u32 s7, $0x1;
	s4 =	sadd.s32 s5, s19  }
0x9d: {  	s8 =	simm.s32 $0x0;
	s20 =	sshll.u32 s6, $0x1;
	s6 =	sadd.s32 s21, s4  }
0x9e: {  	[timem:s8], [sflag:s22] =	dma.local [hbm:s6], s20  }
0x9f: {  	_ =	swait.ge [sflag:s22], s20  }
0xa0: {  	s5 =	ssub.s32 $0x0, s20;
	[sflag:s22] =	ssyncset.done $0x0  }
0xa1: {  	[sflag:s22] =	ssyncadd.s32 s5;
	_ =	sdelay $0x1  }
0xa2: {  	s23 =	simm.s32 $0x1B8B  }
0xa3: {  	_ =	swait.ge [sflag:s23], $0x1  }
0xa4: {  	[sflag:s23] =	ssyncset.done $0x0  }
0xa5: {  	s25 =	simm.s32 $0x1B8E;
	s24 =	sld [smem:$0x3FFE];
	[sflag:s23] =	ssyncadd.s32 $0xFFFFFFFF  }
0xa6: {  	s26 =	simm.s32 $execute0_lowered;
	[smem:$0x3FD2] =	sst s25  }
0xa7: {  	s6 =	sshll.u32 s26, $0x1;
	_ =	strace $0x80000046;
	[dreg:$0x1] =	wrdreg $0xFFFFFFFF  }
0xa8: {  	s28 =	simm.s32 $_size_execute0_lowered;
	s4 =	sadd.s32 s4, s6;
	[dreg:$0x0] =	wrdreg $0x0  }
0xa9: {  	s6 =	sshll.u32 s28, $0x1;
	[dreg:$0x2] =	wrdreg s4  }
0xaa: {  	[dreg:$0x3] =	wrdreg s6  }
0xab: {  	[dreg:$0x4] =	wrdreg $0xC0  }
0xac: {  	_ =	task [dreg:s8], $0x5FFFF  }
0xad: {  	[dreg:$0x1] =	wrdreg $0xFFFFFFFF  }
0xae: {  	[dreg:$0x0] =	wrdreg $0x60  }
0xaf: {  	[dreg:$0x2] =	wrdreg s2  }
0xb0: {  	[dreg:$0x3] =	wrdreg s18  }
0xb1: {  	[dreg:$0x4] =	wrdreg s24  }
0xb2: {  	[dreg:$0x5] =	wrdreg $0x9  }
0xb3: {  	_ =	task.clear_ibuf [dreg:s8], $0x6FFFF;
	_ =	strace $0x90000046  }
0xb4: {  	s29 =	simm.s32 $0x9;
	_ =	strace $0x80000048  }
0xb5: {  	_ =	swait.ge [sflag:s29], $0x1  }
0xb6: {  	[sflag:s29] =	ssyncadd.s32 $0xFFFFFFFF  }
0xb7: {  	_ =	strace $0x90000048  }
0xb8: {  	_ =	sfence  }
0xb9: {  	s30 =	sld [smem:$0x0];
	_ =	sdelay $0x2  }
0xba: {  	s31 =	sshll.u32 s1, $0xD;
	s1 =	sshrl.u32 s1, $0x2  }
0xbb: {  	s3 =	sand.u32 $0x4000, s31;
	s1 =	sadd.s32 s1, s30  }
0xbc: {  	s0 =	sor.u32 s3, s0;
	s1 =	sshll.u32 s1, $0x11  }
0xbd: {  	s0 =	sor.u32 s1, s0  }
0xbe: {  	s0 =	sadd.s32 $0x8F2B, s0  }
0xbf: {  	[sflag:s0] =	ssyncadd.remote.s32 $0x1  }
0xc0: {  	_ =	sfence.sel $0xFFFF  }
0xc1: {  	[dreg:$0x0] =	wrdreg $0xFFFFFFFF;
	(pc) =	sbr.abs _section_cstart, $3  }
0xc2: {  	[dreg:$0x1] =	wrdreg $0xFFFFFFFF  }
0xc3: {  	_ =	task.clear_ibuf [dreg:s8], $0x2FFFF;
	_ =	strace $0x9FFFFFFF  }
0xc4: {  	(tm) =	ssettm $0x7FFFFFFF  }
0xc5: {  	_ =	shalt  }
tec
execute0_lowered:
.L_overlay_start_1:
0x0: {  	(tag) =	ssettag $0x1  }
0x1: {  	s2 =	srdreg.scid  }
0x2: {  	s1 =	rddreg [dreg:$0x0];
	s0 =	stileid.u32;
	s11 =	sand.u32 $0x1, s2  }
0x3: {  	s3 =	rddreg [dreg:$0x1];
	s31 =	sshll.u32 s0, $0x8;
	s4 =	sshll.u32 s11, $0x7  }
0x4: {  	s10 =	rddreg [dreg:$0x2];
	s12 =	sor.u32 s4, s31  }
0x5: {  	s2 =	rddreg [dreg:$0x3];
	s4 =	simm.s32 $0x0;
	s5 =	sshrl.u32 s12, $0x3  }
0x6: {  	[smem:$0x7FF] =	sst s4;
	s5 =	sadd.s32 s5, s10  }
0x7: {  	_ =	strace $0x80000047;
	s6 =	sadd.s32 $0x1400, s5;
	s5 =	simm.s32 $0x3  }
0x8: {  	[tilespmem:s4], [sflag:$0x3] =	stream.linear.gather [hbm4b:s6+s4], $0x80, $0x38;
	[tilespmem:$0x8080] =	vst v63  }
0x9: {  	_ =	swait.ge [sflag:s5], $0x80  }
0xa: {  	[sflag:s5] =	ssyncset.done $0x0  }
0xb: {  	s7 =	simm.s32 $0x80;
	[sflag:s5] =	ssyncadd.s32 $0xFFFFFF80  }
0xc: {  	[tilespmem:s7], [sflag:$0x1] =	stream.indirect.gather [hbm4b:s1+s7], $0x80, s4, s7, $0xb8;
	[tilespmem:$0x8080] =	vst v63  }
0xd: {  	s8 =	simm.s32 $0x4080;
	s9 =	simm.s32 $0x1  }
0xe: {  	[tilespmem:s8], [sflag:$0x2] =	stream.indirect.gather [hbm4b:s3+s7], $0x80, s4, s7, $0xb8;
	[tilespmem:$0x8080] =	vst v63  }
0xf: {  	s12 =	sshll.u32 s12, $0x4;
	_ =	swait.ge [sflag:s9], $0x4000  }
0x10: {  	s12 =	sadd.s32 s12, s10;
	[sflag:s9] =	ssyncset.done $0x0  }
0x11: {  	s13 =	ssub.s32 $0x2, s11;
	s10 =	sadd.s32 $0x1600, s12;
	[sflag:s9] =	ssyncadd.s32 $0xFFFFC000  }
0x12: {  	[hbm4b:s10+s4] =	stream.linear.scatter [tilespmem:s7], [sflag:$0x3], $0x4000, $0x38;
	[tilespmem:$0x8080] =	vst v63  }
0x13: {  	s14 =	sshrl.u32 s13, $0x1;
	_ =	swait.ge [sflag:s5], $0x4000  }
0x14: {  	s13 =	ssub.s32 s13, s14;
	[sflag:s5] =	ssyncset.done $0x0  }
0x15: {  	s11 =	simm.s32 $0x2;
	s13 =	smax.u32 s13, $0x1;
	[sflag:s5] =	ssyncadd.s32 $0xFFFFC000  }
0x16: {  	p0 =	sne.s32 s13, $0x1;
	_ =	swait.ge [sflag:s11], $0x4000  }
.Ltmp0:
0x17: {  	[sflag:s11] =	ssyncset.done $0x0;
	(pc) =	sbr.rel @!p0 .LBB2_2-.Ltmp0, $4  }
0x18: {  	s12 =	sadd.s32 $0x11600, s12;
	[sflag:s11] =	ssyncadd.s32 $0xFFFFC000  }
0x19: {  	[hbm4b:s12+s4] =	stream.linear.scatter [tilespmem:s8], [sflag:$0x3], $0x4000, $0x38;
	[tilespmem:$0x8080] =	vst v63  }
0x1a: {  	_ =	swait.ge [sflag:s5], $0x4000  }
0x1b: {  	s13 =	sadd.s32 $0xFFFFFFFF, s13;
	[sflag:s5] =	ssyncset.done $0x0  }
.LBB2_1:
0x1c: {  	p0 =	sne.s32 s13, $0x1;
	s13 =	sadd.s32 $0xFFFFFFFF, s13;
	[sflag:s5] =	ssyncadd.s32 $0xFFFFC000  }
0x1d: {  	[tilespmem:s4], [sflag:$0x3] =	stream.linear.gather [hbm4b:s6+s4], $0x80, $0x38;
	[tilespmem:$0x8080] =	vst v63  }
0x1e: {  	_ =	swait.ge [sflag:s5], $0x80  }
0x1f: {  	[sflag:s5] =	ssyncset.done $0x0  }
0x20: {  	[sflag:s5] =	ssyncadd.s32 $0xFFFFFF80  }
0x21: {  	[tilespmem:s7], [sflag:$0x1] =	stream.indirect.gather [hbm4b:s1+s7], $0x80, s4, s7, $0xb8;
	[tilespmem:$0x8080] =	vst v63  }
0x22: {  	_ = 	snop  }
0x23: {  	[tilespmem:s8], [sflag:$0x2] =	stream.indirect.gather [hbm4b:s3+s7], $0x80, s4, s7, $0xb8;
	[tilespmem:$0x8080] =	vst v63  }
0x24: {  	_ =	swait.ge [sflag:s9], $0x4000  }
0x25: {  	[sflag:s9] =	ssyncset.done $0x0  }
0x26: {  	[sflag:s9] =	ssyncadd.s32 $0xFFFFC000  }
0x27: {  	[hbm4b:s10+s4] =	stream.linear.scatter [tilespmem:s7], [sflag:$0x3], $0x4000, $0x38;
	[tilespmem:$0x8080] =	vst v63  }
0x28: {  	_ =	swait.ge [sflag:s5], $0x4000  }
0x29: {  	[sflag:s5] =	ssyncset.done $0x0  }
0x2a: {  	[sflag:s5] =	ssyncadd.s32 $0xFFFFC000  }
0x2b: {  	_ =	swait.ge [sflag:s11], $0x4000  }
.Ltmp1:
0x2c: {  	[sflag:s11] =	ssyncset.done $0x0;
	(pc) =	sbr.rel @p0 .LBB2_1-.Ltmp1, $4  }
0x2d: {  	[sflag:s11] =	ssyncadd.s32 $0xFFFFC000  }
0x2e: {  	[hbm4b:s12+s4] =	stream.linear.scatter [tilespmem:s8], [sflag:$0x3], $0x4000, $0x38;
	[tilespmem:$0x8080] =	vst v63  }
0x2f: {  	_ =	swait.ge [sflag:s5], $0x4000  }
0x30: {  	[sflag:s5] =	ssyncset.done $0x0  }
.LBB2_2:
0x31: {  	[sflag:s5] =	ssyncadd.s32 $0xFFFFC000  }
0x32: {  	_ =	sfence.sel $0x180000  }
0x33: {  	[bflag:$0x0] =	sbarrier.arrive $0xFFFF  }
0x34: {  	p0 =	sne.s32 s0, $0x0;
	_ =	strace $0x90000047  }
0x35: {  	s0 =	sadd.s32 @!p0 $0x100000, s2;
	[bflag:$0x2] =	sbarrier.arrive $0xFFFF  }
0x36: {  	[sflag:s0] =	ssyncadd.tile.s32 @!p0 $0x1;
	_ =	shalt  }
.Lfunc_end2:
_tile_overlayer_lowered:
.L_overlay_start_2:
0x37: {  	(tag) =	ssettag $0x2  }
0x38: {  	s0 =	rddreg [dreg:$0x0];
	s2 =	stileid.u32  }
0x39: {  	s1 =	rddreg [dreg:$0x1];
	p0 =	sne.s32 s2, $0x0  }
0x3a: {  	s3 =	rddreg [dreg:$0x2];
	[bflag:$0x3] =	sbarrier.arrive $0xFFFF;
	s2 =	simm.s32 @!p0 $0x1C03  }
0x3b: {  	[timem:s3], [sflag:s2] =	dma.local @!p0 [hbm:s0], s1  }
0x3c: {  	s0 =	simm.s32 @!p0 $0x3  }
0x3d: {  	_ =	swait.ge @!p0 [sflag:s0], s1  }
0x3e: {  	s1 =	ssub.s32 @!p0 $0x0, s1;
	[sflag:s0] =	ssyncset.done @!p0 $0x0  }
0x3f: {  	[sflag:s0] =	ssyncadd.s32 @!p0 s1  }
0x40: {  	[bflag:$0x3] =	sbarrier.arrive $0xFFFF  }
0x41: {  	_ =	shalt  }

</sc_bundles>
